<compile_context>
chip_gen: v7x
topology: tpu7x:2x2x1
jax: 0.10.2.dev20260603
libtpu: 0.0.44.dev20260713+nightly
codegen_flags: <defaults>
</compile_context>

<pallas_src>
import functools

import jax
import jax.numpy as jnp
from jax import lax
from jax.experimental import pallas as pl
from jax.experimental.pallas import tpu as pltpu
from jax.experimental.pallas import tpu_sc as plsc

VOCAB = 1000000
EMBED = 64
BATCH = 16384
CTX = 5

NC = 2
NS = 16
L = 16
NW = NC * NS
BPW = BATCH // NW
CHUNK = 128
NCHUNK = BPW // CHUNK
EV = EMBED // L

TBLK = 8192


def _transpose_body(tt_ref, out_ref):
    out_ref[...] = tt_ref[...].T


def _retile(table_t):
    grid = (VOCAB + TBLK - 1) // TBLK
    return pl.pallas_call(
        _transpose_body,
        grid=(grid,),
        in_specs=[pl.BlockSpec((EMBED, TBLK), lambda j: (0, j))],
        out_specs=pl.BlockSpec((TBLK, EMBED), lambda j: (j, 0)),
        out_shape=jax.ShapeDtypeStruct((VOCAB, EMBED), jnp.float32),
    )(table_t)


def _body(tgt_hbm, ctx_hbm, ttab_hbm, ctab_hbm, out_hbm,
          idx_t, idx_c, wbuf, cbuf, obuf, sem0, sem1, sem_out):
    wid = lax.axis_index("s") * NC + lax.axis_index("c")
    base = wid * BPW
    sems = (sem0, sem1)

    def fire(k, s):
        cb = base + k * CHUNK
        pltpu.sync_copy(tgt_hbm.at[pl.ds(cb, CHUNK)], idx_t.at[s])
        pltpu.sync_copy(ctx_hbm.at[pl.ds(cb * CTX, CHUNK * CTX)], idx_c.at[s])
        copies = [pltpu.async_copy(ttab_hbm.at[idx_t.at[s]], wbuf.at[s],
                                   sems[s])]
        for g in range(CTX):
            copies.append(pltpu.async_copy(
                ctab_hbm.at[idx_c.at[s].at[pl.ds(g * CHUNK, CHUNK)]],
                cbuf.at[s].at[pl.ds(g * CHUNK, CHUNK)], sems[s]))
        return copies

    zero = jnp.zeros((L,), jnp.float32)
    out_copies = [None, None]
    pending = fire(0, 0)
    for k in range(NCHUNK):
        s = k % 2
        next_pending = fire(k + 1, 1 - s) if k + 1 < NCHUNK else None
        if out_copies[s] is not None:
            out_copies[s].wait()
        oslot = obuf.at[s]
        for i in range(CHUNK * CTX // L):
            oslot[pl.ds(i * L, L)] = zero
        for c in pending:
            c.wait()

        wslot = wbuf.at[s]
        cslot = cbuf.at[s]

        @plsc.parallel_loop(0, CHUNK)
        def b_body(b):
            w = [wslot[b, pl.ds(j * L, L)] for j in range(EV)]
            for c in range(CTX):
                r = b * CTX + c
                acc = w[0] * cslot[r, pl.ds(0, L)]
                for j in range(1, EV):
                    acc = acc + w[j] * cslot[r, pl.ds(j * L, L)]
                plsc.addupdate_scatter(oslot, [jnp.full((L,), r, jnp.int32)],
                                       acc)

        cb = base + k * CHUNK
        out_copies[s] = pltpu.async_copy(
            oslot, out_hbm.at[pl.ds(cb * CTX, CHUNK * CTX)], sem_out)
        pending = next_pending
    for oc in out_copies:
        if oc is not None:
            oc.wait()


@jax.jit
def kernel(target, context, target_table, context_table):
    mesh = plsc.VectorSubcoreMesh(core_axis_name="c", subcore_axis_name="s",
                                  num_cores=NC, num_subcores=NS)
    ctx_flat = context.reshape(BATCH * CTX)
    target_table = _retile(target_table.T)
    context_table = _retile(context_table.T)
    run = functools.partial(
        pl.kernel,
        out_type=jax.ShapeDtypeStruct((BATCH * CTX,), jnp.float32),
        mesh=mesh,
        scratch_types=[
            pltpu.VMEM((2, CHUNK), jnp.int32),
            pltpu.VMEM((2, CHUNK * CTX), jnp.int32),
            pltpu.VMEM((2, CHUNK, EMBED), jnp.float32),
            pltpu.VMEM((2, CHUNK * CTX, EMBED), jnp.float32),
            pltpu.VMEM((2, CHUNK * CTX), jnp.float32),
            pltpu.SemaphoreType.DMA,
            pltpu.SemaphoreType.DMA,
            pltpu.SemaphoreType.DMA,
        ],
        compiler_params=pltpu.CompilerParams(needs_layout_passes=False,
                                             use_tc_tiling_on_sc=False),
    )(_body)
    out = run(target, ctx_flat, target_table, context_table)
    return out.reshape(BATCH, CTX)

# --- scband reference (transcript-rebuilt; emitter-appended) ---
"""Pipeline reference for scband-word2-vec-64527588655413 (READ-ONLY COPY).

The authoritative reference and input builder live on the scoring server;
editing this copy changes nothing except your own understanding.
"""

import jax, jax.numpy as jnp
import numpy as np

VOCAB = 1000000
EMBED = 64
BATCH = 16384
CTX = 5

def setup_inputs(seed: int = 0) -> dict:
    key = jax.random.key(seed)
    k1, k2, k3, k4 = jax.random.split(key, 4)
    target = jax.random.randint(k1, (BATCH,), 0, VOCAB, dtype=jnp.int64 if jax.config.jax_enable_x64 else jnp.int32).astype(jnp.int32)
    context = jax.random.randint(k2, (BATCH, CTX), 0, VOCAB, dtype=jnp.int64 if jax.config.jax_enable_x64 else jnp.int32).astype(jnp.int32)
    # Embedding tables (keras Embedding default: uniform init)
    target_table = jax.random.uniform(k3, (VOCAB, EMBED), dtype=jnp.float32, minval=-0.05, maxval=0.05)
    context_table = jax.random.uniform(k4, (VOCAB, EMBED), dtype=jnp.float32, minval=-0.05, maxval=0.05)
    return {"target": target, "context": context, "target_table": target_table, "context_table": context_table}

def reference(target, context, target_table, context_table):
    # word_emb: [B, E]
    word_emb = jnp.take(target_table, target, axis=0)
    # context_emb: [B, C, E]
    context_emb = jnp.take(context_table, context, axis=0)
    # dots: [B, C]
    dots = jnp.einsum('be,bce->bc', word_emb, context_emb)
    return dots

if __name__ == "__main__":
    import jax
    _d = setup_inputs()
    print(jax.jit(kernel)(*tuple(_d.values())))

</pallas_src>

<mosaic_0001>
#map = affine_map<(d0, d1) -> (0)>
#map1 = affine_map<(d0, d1) -> (0, 0)>
module attributes {stable_mosaic.version = 14 : i64} {
  func.func @_body(%arg0: i32, %arg1: i32, %arg2: memref<16384xi32, #tpu.memory_space<hbm>>, %arg3: memref<81920xi32, #tpu.memory_space<hbm>>, %arg4: memref<1000000x64xf32, #tpu.memory_space<hbm>>, %arg5: memref<1000000x64xf32, #tpu.memory_space<hbm>>, %arg6: memref<81920xf32, #tpu.memory_space<hbm>>, %arg7: memref<2x128xi32, #tpu.memory_space<vmem>>, %arg8: memref<2x640xi32, #tpu.memory_space<vmem>>, %arg9: memref<2x128x64xf32, #tpu.memory_space<vmem>>, %arg10: memref<2x640x64xf32, #tpu.memory_space<vmem>>, %arg11: memref<2x640xf32, #tpu.memory_space<vmem>>, %arg12: memref<!tpu.dma_semaphore, #tpu.memory_space<semaphore_mem>>, %arg13: memref<!tpu.dma_semaphore, #tpu.memory_space<semaphore_mem>>, %arg14: memref<!tpu.dma_semaphore, #tpu.memory_space<semaphore_mem>>) attributes {dimension_semantics = [#tpu.dimension_semantics<core_parallel>, #tpu.dimension_semantics<subcore_parallel>], iteration_bounds = array<i64: 2, 16>, scalar_prefetch = 0 : i64, scratch_operands = 8 : i64, tpu.core_type = #tpu.core_type<sc_vector_subcore>, window_params = [{transform_indices = #map}, {transform_indices = #map}, {transform_indices = #map1}, {transform_indices = #map1}, {transform_indices = #map}]} {
    %mul3A = arith.constant 2 : i32
    %mul3A_0 = arith.muli %arg1, %mul3A : i32
    %add3A = arith.addi %mul3A_0, %arg0 : i32
    %mul3A_1 = arith.constant 512 : i32
    %mul3A_2 = arith.muli %add3A, %mul3A_1 : i32
    %broadcast_in_dim3A = arith.constant 0.000000e+00 : f32
    %broadcast_in_dim3A_3 = vector.broadcast %broadcast_in_dim3A : f32 to vector<16xf32>
    %add3A_4 = arith.constant 0 : i32
    %add3A_5 = arith.addi %mul3A_2, %add3A_4 : i32
    %run_scoped3A = arith.constant 0 : i32
    "tpu.region"() ({
      %run_scoped3A_1871 = tpu.sem_alloc : memref<!tpu.dma_semaphore, #tpu.memory_space<semaphore_mem>>
      %dma_start3A_1872 = arith.constant 0 : i32
      %dma_start3A_1873 = tpu.memref_slice %arg7[%run_scoped3A, %dma_start3A_1872] : memref<2x128xi32, #tpu.memory_space<vmem>> -> memref<1x128xi32, #tpu.memory_space<vmem>>
      %dma_start3A_1874 = tpu.memref_squeeze %dma_start3A_1873 : memref<1x128xi32, #tpu.memory_space<vmem>> -> memref<128xi32, #tpu.memory_space<vmem>>
      %dma_start3A_1875 = tpu.memref_slice %arg2[%add3A_5] : memref<16384xi32, #tpu.memory_space<hbm>> -> memref<128xi32, #tpu.memory_space<hbm>>
      %dma_start3A_1876 = arith.constant 0 : i32
      %dma_start3A_1877 = tpu.memref_slice %arg7[%run_scoped3A, %dma_start3A_1876] : memref<2x128xi32, #tpu.memory_space<vmem>> -> memref<1x128xi32, #tpu.memory_space<vmem>>
      %dma_start3A_1878 = tpu.memref_squeeze %dma_start3A_1877 : memref<1x128xi32, #tpu.memory_space<vmem>> -> memref<128xi32, #tpu.memory_space<vmem>>
      %dma_start3A_1879 = tpu.memref_slice %arg2[%add3A_5] : memref<16384xi32, #tpu.memory_space<hbm>> -> memref<128xi32, #tpu.memory_space<hbm>>
      tpu.enqueue_dma source(%dma_start3A_1879 : memref<128xi32, #tpu.memory_space<hbm>>) target(%dma_start3A_1878 : memref<128xi32, #tpu.memory_space<vmem>>) target_semaphore(%run_scoped3A_1871 : memref<!tpu.dma_semaphore, #tpu.memory_space<semaphore_mem>>)
      %dma_wait3A_1880 = arith.constant 0 : i32
      %dma_wait3A_1881 = tpu.memref_slice %arg7[%run_scoped3A, %dma_wait3A_1880] : memref<2x128xi32, #tpu.memory_space<vmem>> -> memref<1x128xi32, #tpu.memory_space<vmem>>
      %dma_wait3A_1882 = tpu.memref_squeeze %dma_wait3A_1881 : memref<1x128xi32, #tpu.memory_space<vmem>> -> memref<128xi32, #tpu.memory_space<vmem>>
      %dma_wait3A_1883 = tpu.memref_slice %arg2[%add3A_5] : memref<16384xi32, #tpu.memory_space<hbm>> -> memref<128xi32, #tpu.memory_space<hbm>>
      %dma_wait3A_1884 = arith.constant 0 : i32
      %dma_wait3A_1885 = tpu.memref_slice %arg7[%run_scoped3A, %dma_wait3A_1884] : memref<2x128xi32, #tpu.memory_space<vmem>> -> memref<1x128xi32, #tpu.memory_space<vmem>>
      %dma_wait3A_1886 = tpu.memref_squeeze %dma_wait3A_1885 : memref<1x128xi32, #tpu.memory_space<vmem>> -> memref<128xi32, #tpu.memory_space<vmem>>
      %dma_wait3A_1887 = tpu.memref_slice %arg2[%add3A_5] : memref<16384xi32, #tpu.memory_space<hbm>> -> memref<128xi32, #tpu.memory_space<hbm>>
      tpu.wait_dma2 semaphore(%run_scoped3A_1871 : memref<!tpu.dma_semaphore, #tpu.memory_space<semaphore_mem>>) src(%dma_wait3A_1887 : memref<128xi32, #tpu.memory_space<hbm>>) dst(%dma_wait3A_1886 : memref<128xi32, #tpu.memory_space<vmem>>)
      tpu.yield
    }) : () -> ()
    %mul3A_6 = arith.constant 5 : i32
    %mul3A_7 = arith.muli %add3A_5, %mul3A_6 : i32
    %run_scoped3A_8 = arith.constant 0 : i32
    "tpu.region"() ({
      %run_scoped3A_1871 = tpu.sem_alloc : memref<!tpu.dma_semaphore, #tpu.memory_space<semaphore_mem>>
      %dma_start3A_1872 = arith.constant 0 : i32
      %dma_start3A_1873 = tpu.memref_slice %arg8[%run_scoped3A_8, %dma_start3A_1872] : memref<2x640xi32, #tpu.memory_space<vmem>> -> memref<1x640xi32, #tpu.memory_space<vmem>>
      %dma_start3A_1874 = tpu.memref_squeeze %dma_start3A_1873 : memref<1x640xi32, #tpu.memory_space<vmem>> -> memref<640xi32, #tpu.memory_space<vmem>>
      %dma_start3A_1875 = tpu.memref_slice %arg3[%mul3A_7] : memref<81920xi32, #tpu.memory_space<hbm>> -> memref<640xi32, #tpu.memory_space<hbm>>
      %dma_start3A_1876 = arith.constant 0 : i32
      %dma_start3A_1877 = tpu.memref_slice %arg8[%run_scoped3A_8, %dma_start3A_1876] : memref<2x640xi32, #tpu.memory_space<vmem>> -> memref<1x640xi32, #tpu.memory_space<vmem>>
      %dma_start3A_1878 = tpu.memref_squeeze %dma_start3A_1877 : memref<1x640xi32, #tpu.memory_space<vmem>> -> memref<640xi32, #tpu.memory_space<vmem>>
      %dma_start3A_1879 = tpu.memref_slice %arg3[%mul3A_7] : memref<81920xi32, #tpu.memory_space<hbm>> -> memref<640xi32, #tpu.memory_space<hbm>>
      tpu.enqueue_dma source(%dma_start3A_1879 : memref<640xi32, #tpu.memory_space<hbm>>) target(%dma_start3A_1878 : memref<640xi32, #tpu.memory_space<vmem>>) target_semaphore(%run_scoped3A_1871 : memref<!tpu.dma_semaphore, #tpu.memory_space<semaphore_mem>>)
      %dma_wait3A_1880 = arith.constant 0 : i32
      %dma_wait3A_1881 = tpu.memref_slice %arg8[%run_scoped3A_8, %dma_wait3A_1880] : memref<2x640xi32, #tpu.memory_space<vmem>> -> memref<1x640xi32, #tpu.memory_space<vmem>>
      %dma_wait3A_1882 = tpu.memref_squeeze %dma_wait3A_1881 : memref<1x640xi32, #tpu.memory_space<vmem>> -> memref<640xi32, #tpu.memory_space<vmem>>
      %dma_wait3A_1883 = tpu.memref_slice %arg3[%mul3A_7] : memref<81920xi32, #tpu.memory_space<hbm>> -> memref<640xi32, #tpu.memory_space<hbm>>
      %dma_wait3A_1884 = arith.constant 0 : i32
      %dma_wait3A_1885 = tpu.memref_slice %arg8[%run_scoped3A_8, %dma_wait3A_1884] : memref<2x640xi32, #tpu.memory_space<vmem>> -> memref<1x640xi32, #tpu.memory_space<vmem>>
      %dma_wait3A_1886 = tpu.memref_squeeze %dma_wait3A_1885 : memref<1x640xi32, #tpu.memory_space<vmem>> -> memref<640xi32, #tpu.memory_space<vmem>>
      %dma_wait3A_1887 = tpu.memref_slice %arg3[%mul3A_7] : memref<81920xi32, #tpu.memory_space<hbm>> -> memref<640xi32, #tpu.memory_space<hbm>>
      tpu.wait_dma2 semaphore(%run_scoped3A_1871 : memref<!tpu.dma_semaphore, #tpu.memory_space<semaphore_mem>>) src(%dma_wait3A_1887 : memref<640xi32, #tpu.memory_space<hbm>>) dst(%dma_wait3A_1886 : memref<640xi32, #tpu.memory_space<vmem>>)
      tpu.yield
    }) : () -> ()
    %dma_start3A = arith.constant 0 : i32
    %dma_start3A_9 = arith.constant 0 : i32
    %dma_start3A_10 = arith.constant 0 : i32
    %dma_start3A_11 = arith.constant 0 : i32
    %dma_start3A_12 = tpu.memref_slice %arg9[%dma_start3A_9, %dma_start3A_10, %dma_start3A_11] : memref<2x128x64xf32, #tpu.memory_space<vmem>> -> memref<1x128x64xf32, #tpu.memory_space<vmem>>
    %dma_start3A_13 = tpu.memref_squeeze %dma_start3A_12 : memref<1x128x64xf32, #tpu.memory_space<vmem>> -> memref<128x64xf32, #tpu.memory_space<vmem>>
    %dma_start3A_14 = arith.constant 0 : i32
    %dma_start3A_15 = tpu.memref_slice %arg7[%dma_start3A, %dma_start3A_14] : memref<2x128xi32, #tpu.memory_space<vmem>> -> memref<1x128xi32, #tpu.memory_space<vmem>>
    %dma_start3A_16 = tpu.memref_squeeze %dma_start3A_15 : memref<1x128xi32, #tpu.memory_space<vmem>> -> memref<128xi32, #tpu.memory_space<vmem>>
    %dma_start3A_17 = arith.constant 0 : i32
    %dma_start3A_18 = arith.constant 0 : i32
    %dma_start3A_19 = tpu.memref_slice %arg4[%dma_start3A_17, %dma_start3A_18] : memref<1000000x64xf32, #tpu.memory_space<hbm>> -> memref<1000000x64xf32, #tpu.memory_space<hbm>>
    tpu.enqueue_indirect_dma source(%dma_start3A_19 : memref<1000000x64xf32, #tpu.memory_space<hbm>>) target(%dma_start3A_13 : memref<128x64xf32, #tpu.memory_space<vmem>>) offsets(%dma_start3A_16 : memref<128xi32, #tpu.memory_space<vmem>>) semaphore(%arg12 : memref<!tpu.dma_semaphore, #tpu.memory_space<semaphore_mem>>)
    %dma_start3A_20 = arith.constant 0 : i32
    %dma_start3A_21 = arith.constant 0 : i32
    %dma_start3A_22 = arith.constant 0 : i32
    %dma_start3A_23 = arith.constant 0 : i32
    %dma_start3A_24 = tpu.memref_slice %arg10[%dma_start3A_21, %dma_start3A_22, %dma_start3A_23] : memref<2x640x64xf32, #tpu.memory_space<vmem>> -> memref<1x640x64xf32, #tpu.memory_space<vmem>>
    %dma_start3A_25 = tpu.memref_squeeze %dma_start3A_24 : memref<1x640x64xf32, #tpu.memory_space<vmem>> -> memref<640x64xf32, #tpu.memory_space<vmem>>
    %dma_start3A_26 = arith.constant 0 : i32
    %dma_start3A_27 = arith.constant 0 : i32
    %dma_start3A_28 = tpu.memref_slice %dma_start3A_25[%dma_start3A_26, %dma_start3A_27] : memref<640x64xf32, #tpu.memory_space<vmem>> -> memref<128x64xf32, #tpu.memory_space<vmem>>
    %dma_start3A_29 = arith.constant 0 : i32
    %dma_start3A_30 = tpu.memref_slice %arg8[%dma_start3A_20, %dma_start3A_29] : memref<2x640xi32, #tpu.memory_space<vmem>> -> memref<1x640xi32, #tpu.memory_space<vmem>>
    %dma_start3A_31 = tpu.memref_squeeze %dma_start3A_30 : memref<1x640xi32, #tpu.memory_space<vmem>> -> memref<640xi32, #tpu.memory_space<vmem>>
    %dma_start3A_32 = arith.constant 0 : i32
    %dma_start3A_33 = tpu.memref_slice %dma_start3A_31[%dma_start3A_32] : memref<640xi32, #tpu.memory_space<vmem>> -> memref<128xi32, #tpu.memory_space<vmem>>
    %dma_start3A_34 = arith.constant 0 : i32
    %dma_start3A_35 = arith.constant 0 : i32
    %dma_start3A_36 = tpu.memref_slice %arg5[%dma_start3A_34, %dma_start3A_35] : memref<1000000x64xf32, #tpu.memory_space<hbm>> -> memref<1000000x64xf32, #tpu.memory_space<hbm>>
    tpu.enqueue_indirect_dma source(%dma_start3A_36 : memref<1000000x64xf32, #tpu.memory_space<hbm>>) target(%dma_start3A_28 : memref<128x64xf32, #tpu.memory_space<vmem>>) offsets(%dma_start3A_33 : memref<128xi32, #tpu.memory_space<vmem>>) semaphore(%arg12 : memref<!tpu.dma_semaphore, #tpu.memory_space<semaphore_mem>>)
    %dma_start3A_37 = arith.constant 0 : i32
    %dma_start3A_38 = arith.constant 0 : i32
    %dma_start3A_39 = arith.constant 0 : i32
    %dma_start3A_40 = arith.constant 0 : i32
    %dma_start3A_41 = tpu.memref_slice %arg10[%dma_start3A_38, %dma_start3A_39, %dma_start3A_40] : memref<2x640x64xf32, #tpu.memory_space<vmem>> -> memref<1x640x64xf32, #tpu.memory_space<vmem>>
    %dma_start3A_42 = tpu.memref_squeeze %dma_start3A_41 : memref<1x640x64xf32, #tpu.memory_space<vmem>> -> memref<640x64xf32, #tpu.memory_space<vmem>>
    %dma_start3A_43 = arith.constant 128 : i32
    %dma_start3A_44 = arith.constant 0 : i32
    %dma_start3A_45 = tpu.memref_slice %dma_start3A_42[%dma_start3A_43, %dma_start3A_44] : memref<640x64xf32, #tpu.memory_space<vmem>> -> memref<128x64xf32, #tpu.memory_space<vmem>>
    %dma_start3A_46 = arith.constant 0 : i32
    %dma_start3A_47 = tpu.memref_slice %arg8[%dma_start3A_37, %dma_start3A_46] : memref<2x640xi32, #tpu.memory_space<vmem>> -> memref<1x640xi32, #tpu.memory_space<vmem>>
    %dma_start3A_48 = tpu.memref_squeeze %dma_start3A_47 : memref<1x640xi32, #tpu.memory_space<vmem>> -> memref<640xi32, #tpu.memory_space<vmem>>
    %dma_start3A_49 = arith.constant 128 : i32
    %dma_start3A_50 = tpu.memref_slice %dma_start3A_48[%dma_start3A_49] : memref<640xi32, #tpu.memory_space<vmem>> -> memref<128xi32, #tpu.memory_space<vmem>>
    %dma_start3A_51 = arith.constant 0 : i32
    %dma_start3A_52 = arith.constant 0 : i32
    %dma_start3A_53 = tpu.memref_slice %arg5[%dma_start3A_51, %dma_start3A_52] : memref<1000000x64xf32, #tpu.memory_space<hbm>> -> memref<1000000x64xf32, #tpu.memory_space<hbm>>
    tpu.enqueue_indirect_dma source(%dma_start3A_53 : memref<1000000x64xf32, #tpu.memory_space<hbm>>) target(%dma_start3A_45 : memref<128x64xf32, #tpu.memory_space<vmem>>) offsets(%dma_start3A_50 : memref<128xi32, #tpu.memory_space<vmem>>) semaphore(%arg12 : memref<!tpu.dma_semaphore, #tpu.memory_space<semaphore_mem>>)
    %dma_start3A_54 = arith.constant 0 : i32
    %dma_start3A_55 = arith.constant 0 : i32
    %dma_start3A_56 = arith.constant 0 : i32
    %dma_start3A_57 = arith.constant 0 : i32
    %dma_start3A_58 = tpu.memref_slice %arg10[%dma_start3A_55, %dma_start3A_56, %dma_start3A_57] : memref<2x640x64xf32, #tpu.memory_space<vmem>> -> memref<1x640x64xf32, #tpu.memory_space<vmem>>
    %dma_start3A_59 = tpu.memref_squeeze %dma_start3A_58 : memref<1x640x64xf32, #tpu.memory_space<vmem>> -> memref<640x64xf32, #tpu.memory_space<vmem>>
    %dma_start3A_60 = arith.constant 256 : i32
    %dma_start3A_61 = arith.constant 0 : i32
    %dma_start3A_62 = tpu.memref_slice %dma_start3A_59[%dma_start3A_60, %dma_start3A_61] : memref<640x64xf32, #tpu.memory_space<vmem>> -> memref<128x64xf32, #tpu.memory_space<vmem>>
    %dma_start3A_63 = arith.constant 0 : i32
    %dma_start3A_64 = tpu.memref_slice %arg8[%dma_start3A_54, %dma_start3A_63] : memref<2x640xi32, #tpu.memory_space<vmem>> -> memref<1x640xi32, #tpu.memory_space<vmem>>
    %dma_start3A_65 = tpu.memref_squeeze %dma_start3A_64 : memref<1x640xi32, #tpu.memory_space<vmem>> -> memref<640xi32, #tpu.memory_space<vmem>>
    %dma_start3A_66 = arith.constant 256 : i32
    %dma_start3A_67 = tpu.memref_slice %dma_start3A_65[%dma_start3A_66] : memref<640xi32, #tpu.memory_space<vmem>> -> memref<128xi32, #tpu.memory_space<vmem>>
    %dma_start3A_68 = arith.constant 0 : i32
    %dma_start3A_69 = arith.constant 0 : i32
    %dma_start3A_70 = tpu.memref_slice %arg5[%dma_start3A_68, %dma_start3A_69] : memref<1000000x64xf32, #tpu.memory_space<hbm>> -> memref<1000000x64xf32, #tpu.memory_space<hbm>>
    tpu.enqueue_indirect_dma source(%dma_start3A_70 : memref<1000000x64xf32, #tpu.memory_space<hbm>>) target(%dma_start3A_62 : memref<128x64xf32, #tpu.memory_space<vmem>>) offsets(%dma_start3A_67 : memref<128xi32, #tpu.memory_space<vmem>>) semaphore(%arg12 : memref<!tpu.dma_semaphore, #tpu.memory_space<semaphore_mem>>)
    %dma_start3A_71 = arith.constant 0 : i32
    %dma_start3A_72 = arith.constant 0 : i32
    %dma_start3A_73 = arith.constant 0 : i32
    %dma_start3A_74 = arith.constant 0 : i32
    %dma_start3A_75 = tpu.memref_slice %arg10[%dma_start3A_72, %dma_start3A_73, %dma_start3A_74] : memref<2x640x64xf32, #tpu.memory_space<vmem>> -> memref<1x640x64xf32, #tpu.memory_space<vmem>>
    %dma_start3A_76 = tpu.memref_squeeze %dma_start3A_75 : memref<1x640x64xf32, #tpu.memory_space<vmem>> -> memref<640x64xf32, #tpu.memory_space<vmem>>
    %dma_start3A_77 = arith.constant 384 : i32
    %dma_start3A_78 = arith.constant 0 : i32
    %dma_start3A_79 = tpu.memref_slice %dma_start3A_76[%dma_start3A_77, %dma_start3A_78] : memref<640x64xf32, #tpu.memory_space<vmem>> -> memref<128x64xf32, #tpu.memory_space<vmem>>
    %dma_start3A_80 = arith.constant 0 : i32
    %dma_start3A_81 = tpu.memref_slice %arg8[%dma_start3A_71, %dma_start3A_80] : memref<2x640xi32, #tpu.memory_space<vmem>> -> memref<1x640xi32, #tpu.memory_space<vmem>>
    %dma_start3A_82 = tpu.memref_squeeze %dma_start3A_81 : memref<1x640xi32, #tpu.memory_space<vmem>> -> memref<640xi32, #tpu.memory_space<vmem>>
    %dma_start3A_83 = arith.constant 384 : i32
    %dma_start3A_84 = tpu.memref_slice %dma_start3A_82[%dma_start3A_83] : memref<640xi32, #tpu.memory_space<vmem>> -> memref<128xi32, #tpu.memory_space<vmem>>
    %dma_start3A_85 = arith.constant 0 : i32
    %dma_start3A_86 = arith.constant 0 : i32
    %dma_start3A_87 = tpu.memref_slice %arg5[%dma_start3A_85, %dma_start3A_86] : memref<1000000x64xf32, #tpu.memory_space<hbm>> -> memref<1000000x64xf32, #tpu.memory_space<hbm>>
    tpu.enqueue_indirect_dma source(%dma_start3A_87 : memref<1000000x64xf32, #tpu.memory_space<hbm>>) target(%dma_start3A_79 : memref<128x64xf32, #tpu.memory_space<vmem>>) offsets(%dma_start3A_84 : memref<128xi32, #tpu.memory_space<vmem>>) semaphore(%arg12 : memref<!tpu.dma_semaphore, #tpu.memory_space<semaphore_mem>>)
    %dma_start3A_88 = arith.constant 0 : i32
    %dma_start3A_89 = arith.constant 0 : i32
    %dma_start3A_90 = arith.constant 0 : i32
    %dma_start3A_91 = arith.constant 0 : i32
    %dma_start3A_92 = tpu.memref_slice %arg10[%dma_start3A_89, %dma_start3A_90, %dma_start3A_91] : memref<2x640x64xf32, #tpu.memory_space<vmem>> -> memref<1x640x64xf32, #tpu.memory_space<vmem>>
    %dma_start3A_93 = tpu.memref_squeeze %dma_start3A_92 : memref<1x640x64xf32, #tpu.memory_space<vmem>> -> memref<640x64xf32, #tpu.memory_space<vmem>>
    %dma_start3A_94 = arith.constant 512 : i32
    %dma_start3A_95 = arith.constant 0 : i32
    %dma_start3A_96 = tpu.memref_slice %dma_start3A_93[%dma_start3A_94, %dma_start3A_95] : memref<640x64xf32, #tpu.memory_space<vmem>> -> memref<128x64xf32, #tpu.memory_space<vmem>>
    %dma_start3A_97 = arith.constant 0 : i32
    %dma_start3A_98 = tpu.memref_slice %arg8[%dma_start3A_88, %dma_start3A_97] : memref<2x640xi32, #tpu.memory_space<vmem>> -> memref<1x640xi32, #tpu.memory_space<vmem>>
    %dma_start3A_99 = tpu.memref_squeeze %dma_start3A_98 : memref<1x640xi32, #tpu.memory_space<vmem>> -> memref<640xi32, #tpu.memory_space<vmem>>
    %dma_start3A_100 = arith.constant 512 : i32
    %dma_start3A_101 = tpu.memref_slice %dma_start3A_99[%dma_start3A_100] : memref<640xi32, #tpu.memory_space<vmem>> -> memref<128xi32, #tpu.memory_space<vmem>>
    %dma_start3A_102 = arith.constant 0 : i32
    %dma_start3A_103 = arith.constant 0 : i32
    %dma_start3A_104 = tpu.memref_slice %arg5[%dma_start3A_102, %dma_start3A_103] : memref<1000000x64xf32, #tpu.memory_space<hbm>> -> memref<1000000x64xf32, #tpu.memory_space<hbm>>
    tpu.enqueue_indirect_dma source(%dma_start3A_104 : memref<1000000x64xf32, #tpu.memory_space<hbm>>) target(%dma_start3A_96 : memref<128x64xf32, #tpu.memory_space<vmem>>) offsets(%dma_start3A_101 : memref<128xi32, #tpu.memory_space<vmem>>) semaphore(%arg12 : memref<!tpu.dma_semaphore, #tpu.memory_space<semaphore_mem>>)
    %add3A_105 = arith.constant 128 : i32
    %add3A_106 = arith.addi %mul3A_2, %add3A_105 : i32
    %run_scoped3A_107 = arith.constant 1 : i32
    "tpu.region"() ({
      %run_scoped3A_1871 = tpu.sem_alloc : memref<!tpu.dma_semaphore, #tpu.memory_space<semaphore_mem>>
      %dma_start3A_1872 = arith.constant 0 : i32
      %dma_start3A_1873 = tpu.memref_slice %arg7[%run_scoped3A_107, %dma_start3A_1872] : memref<2x128xi32, #tpu.memory_space<vmem>> -> memref<1x128xi32, #tpu.memory_space<vmem>>
      %dma_start3A_1874 = tpu.memref_squeeze %dma_start3A_1873 : memref<1x128xi32, #tpu.memory_space<vmem>> -> memref<128xi32, #tpu.memory_space<vmem>>
      %dma_start3A_1875 = tpu.memref_slice %arg2[%add3A_106] : memref<16384xi32, #tpu.memory_space<hbm>> -> memref<128xi32, #tpu.memory_space<hbm>>
      %dma_start3A_1876 = arith.constant 0 : i32
      %dma_start3A_1877 = tpu.memref_slice %arg7[%run_scoped3A_107, %dma_start3A_1876] : memref<2x128xi32, #tpu.memory_space<vmem>> -> memref<1x128xi32, #tpu.memory_space<vmem>>
      %dma_start3A_1878 = tpu.memref_squeeze %dma_start3A_1877 : memref<1x128xi32, #tpu.memory_space<vmem>> -> memref<128xi32, #tpu.memory_space<vmem>>
      %dma_start3A_1879 = tpu.memref_slice %arg2[%add3A_106] : memref<16384xi32, #tpu.memory_space<hbm>> -> memref<128xi32, #tpu.memory_space<hbm>>
      tpu.enqueue_dma source(%dma_start3A_1879 : memref<128xi32, #tpu.memory_space<hbm>>) target(%dma_start3A_1878 : memref<128xi32, #tpu.memory_space<vmem>>) target_semaphore(%run_scoped3A_1871 : memref<!tpu.dma_semaphore, #tpu.memory_space<semaphore_mem>>)
      %dma_wait3A_1880 = arith.constant 0 : i32
      %dma_wait3A_1881 = tpu.memref_slice %arg7[%run_scoped3A_107, %dma_wait3A_1880] : memref<2x128xi32, #tpu.memory_space<vmem>> -> memref<1x128xi32, #tpu.memory_space<vmem>>
      %dma_wait3A_1882 = tpu.memref_squeeze %dma_wait3A_1881 : memref<1x128xi32, #tpu.memory_space<vmem>> -> memref<128xi32, #tpu.memory_space<vmem>>
      %dma_wait3A_1883 = tpu.memref_slice %arg2[%add3A_106] : memref<16384xi32, #tpu.memory_space<hbm>> -> memref<128xi32, #tpu.memory_space<hbm>>
      %dma_wait3A_1884 = arith.constant 0 : i32
      %dma_wait3A_1885 = tpu.memref_slice %arg7[%run_scoped3A_107, %dma_wait3A_1884] : memref<2x128xi32, #tpu.memory_space<vmem>> -> memref<1x128xi32, #tpu.memory_space<vmem>>
      %dma_wait3A_1886 = tpu.memref_squeeze %dma_wait3A_1885 : memref<1x128xi32, #tpu.memory_space<vmem>> -> memref<128xi32, #tpu.memory_space<vmem>>
      %dma_wait3A_1887 = tpu.memref_slice %arg2[%add3A_106] : memref<16384xi32, #tpu.memory_space<hbm>> -> memref<128xi32, #tpu.memory_space<hbm>>
      tpu.wait_dma2 semaphore(%run_scoped3A_1871 : memref<!tpu.dma_semaphore, #tpu.memory_space<semaphore_mem>>) src(%dma_wait3A_1887 : memref<128xi32, #tpu.memory_space<hbm>>) dst(%dma_wait3A_1886 : memref<128xi32, #tpu.memory_space<vmem>>)
      tpu.yield
    }) : () -> ()
    %mul3A_108 = arith.constant 5 : i32
    %mul3A_109 = arith.muli %add3A_106, %mul3A_108 : i32
    %run_scoped3A_110 = arith.constant 1 : i32
    "tpu.region"() ({
      %run_scoped3A_1871 = tpu.sem_alloc : memref<!tpu.dma_semaphore, #tpu.memory_space<semaphore_mem>>
      %dma_start3A_1872 = arith.constant 0 : i32
      %dma_start3A_1873 = tpu.memref_slice %arg8[%run_scoped3A_110, %dma_start3A_1872] : memref<2x640xi32, #tpu.memory_space<vmem>> -> memref<1x640xi32, #tpu.memory_space<vmem>>
      %dma_start3A_1874 = tpu.memref_squeeze %dma_start3A_1873 : memref<1x640xi32, #tpu.memory_space<vmem>> -> memref<640xi32, #tpu.memory_space<vmem>>
      %dma_start3A_1875 = tpu.memref_slice %arg3[%mul3A_109] : memref<81920xi32, #tpu.memory_space<hbm>> -> memref<640xi32, #tpu.memory_space<hbm>>
      %dma_start3A_1876 = arith.constant 0 : i32
      %dma_start3A_1877 = tpu.memref_slice %arg8[%run_scoped3A_110, %dma_start3A_1876] : memref<2x640xi32, #tpu.memory_space<vmem>> -> memref<1x640xi32, #tpu.memory_space<vmem>>
      %dma_start3A_1878 = tpu.memref_squeeze %dma_start3A_1877 : memref<1x640xi32, #tpu.memory_space<vmem>> -> memref<640xi32, #tpu.memory_space<vmem>>
      %dma_start3A_1879 = tpu.memref_slice %arg3[%mul3A_109] : memref<81920xi32, #tpu.memory_space<hbm>> -> memref<640xi32, #tpu.memory_space<hbm>>
      tpu.enqueue_dma source(%dma_start3A_1879 : memref<640xi32, #tpu.memory_space<hbm>>) target(%dma_start3A_1878 : memref<640xi32, #tpu.memory_space<vmem>>) target_semaphore(%run_scoped3A_1871 : memref<!tpu.dma_semaphore, #tpu.memory_space<semaphore_mem>>)
      %dma_wait3A_1880 = arith.constant 0 : i32
      %dma_wait3A_1881 = tpu.memref_slice %arg8[%run_scoped3A_110, %dma_wait3A_1880] : memref<2x640xi32, #tpu.memory_space<vmem>> -> memref<1x640xi32, #tpu.memory_space<vmem>>
      %dma_wait3A_1882 = tpu.memref_squeeze %dma_wait3A_1881 : memref<1x640xi32, #tpu.memory_space<vmem>> -> memref<640xi32, #tpu.memory_space<vmem>>
      %dma_wait3A_1883 = tpu.memref_slice %arg3[%mul3A_109] : memref<81920xi32, #tpu.memory_space<hbm>> -> memref<640xi32, #tpu.memory_space<hbm>>
      %dma_wait3A_1884 = arith.constant 0 : i32
      %dma_wait3A_1885 = tpu.memref_slice %arg8[%run_scoped3A_110, %dma_wait3A_1884] : memref<2x640xi32, #tpu.memory_space<vmem>> -> memref<1x640xi32, #tpu.memory_space<vmem>>
      %dma_wait3A_1886 = tpu.memref_squeeze %dma_wait3A_1885 : memref<1x640xi32, #tpu.memory_space<vmem>> -> memref<640xi32, #tpu.memory_space<vmem>>
      %dma_wait3A_1887 = tpu.memref_slice %arg3[%mul3A_109] : memref<81920xi32, #tpu.memory_space<hbm>> -> memref<640xi32, #tpu.memory_space<hbm>>
      tpu.wait_dma2 semaphore(%run_scoped3A_1871 : memref<!tpu.dma_semaphore, #tpu.memory_space<semaphore_mem>>) src(%dma_wait3A_1887 : memref<640xi32, #tpu.memory_space<hbm>>) dst(%dma_wait3A_1886 : memref<640xi32, #tpu.memory_space<vmem>>)
      tpu.yield
    }) : () -> ()
    %dma_start3A_111 = arith.constant 1 : i32
    %dma_start3A_112 = arith.constant 1 : i32
    %dma_start3A_113 = arith.constant 0 : i32
    %dma_start3A_114 = arith.constant 0 : i32
    %dma_start3A_115 = tpu.memref_slice %arg9[%dma_start3A_112, %dma_start3A_113, %dma_start3A_114] : memref<2x128x64xf32, #tpu.memory_space<vmem>> -> memref<1x128x64xf32, #tpu.memory_space<vmem>>
    %dma_start3A_116 = tpu.memref_squeeze %dma_start3A_115 : memref<1x128x64xf32, #tpu.memory_space<vmem>> -> memref<128x64xf32, #tpu.memory_space<vmem>>
    %dma_start3A_117 = arith.constant 0 : i32
    %dma_start3A_118 = tpu.memref_slice %arg7[%dma_start3A_111, %dma_start3A_117] : memref<2x128xi32, #tpu.memory_space<vmem>> -> memref<1x128xi32, #tpu.memory_space<vmem>>
    %dma_start3A_119 = tpu.memref_squeeze %dma_start3A_118 : memref<1x128xi32, #tpu.memory_space<vmem>> -> memref<128xi32, #tpu.memory_space<vmem>>
    %dma_start3A_120 = arith.constant 0 : i32
    %dma_start3A_121 = arith.constant 0 : i32
    %dma_start3A_122 = tpu.memref_slice %arg4[%dma_start3A_120, %dma_start3A_121] : memref<1000000x64xf32, #tpu.memory_space<hbm>> -> memref<1000000x64xf32, #tpu.memory_space<hbm>>
    tpu.enqueue_indirect_dma source(%dma_start3A_122 : memref<1000000x64xf32, #tpu.memory_space<hbm>>) target(%dma_start3A_116 : memref<128x64xf32, #tpu.memory_space<vmem>>) offsets(%dma_start3A_119 : memref<128xi32, #tpu.memory_space<vmem>>) semaphore(%arg13 : memref<!tpu.dma_semaphore, #tpu.memory_space<semaphore_mem>>)
    %dma_start3A_123 = arith.constant 1 : i32
    %dma_start3A_124 = arith.constant 1 : i32
    %dma_start3A_125 = arith.constant 0 : i32
    %dma_start3A_126 = arith.constant 0 : i32
    %dma_start3A_127 = tpu.memref_slice %arg10[%dma_start3A_124, %dma_start3A_125, %dma_start3A_126] : memref<2x640x64xf32, #tpu.memory_space<vmem>> -> memref<1x640x64xf32, #tpu.memory_space<vmem>>
    %dma_start3A_128 = tpu.memref_squeeze %dma_start3A_127 : memref<1x640x64xf32, #tpu.memory_space<vmem>> -> memref<640x64xf32, #tpu.memory_space<vmem>>
    %dma_start3A_129 = arith.constant 0 : i32
    %dma_start3A_130 = arith.constant 0 : i32
    %dma_start3A_131 = tpu.memref_slice %dma_start3A_128[%dma_start3A_129, %dma_start3A_130] : memref<640x64xf32, #tpu.memory_space<vmem>> -> memref<128x64xf32, #tpu.memory_space<vmem>>
    %dma_start3A_132 = arith.constant 0 : i32
    %dma_start3A_133 = tpu.memref_slice %arg8[%dma_start3A_123, %dma_start3A_132] : memref<2x640xi32, #tpu.memory_space<vmem>> -> memref<1x640xi32, #tpu.memory_space<vmem>>
    %dma_start3A_134 = tpu.memref_squeeze %dma_start3A_133 : memref<1x640xi32, #tpu.memory_space<vmem>> -> memref<640xi32, #tpu.memory_space<vmem>>
    %dma_start3A_135 = arith.constant 0 : i32
    %dma_start3A_136 = tpu.memref_slice %dma_start3A_134[%dma_start3A_135] : memref<640xi32, #tpu.memory_space<vmem>> -> memref<128xi32, #tpu.memory_space<vmem>>
    %dma_start3A_137 = arith.constant 0 : i32
    %dma_start3A_138 = arith.constant 0 : i32
    %dma_start3A_139 = tpu.memref_slice %arg5[%dma_start3A_137, %dma_start3A_138] : memref<1000000x64xf32, #tpu.memory_space<hbm>> -> memref<1000000x64xf32, #tpu.memory_space<hbm>>
    tpu.enqueue_indirect_dma source(%dma_start3A_139 : memref<1000000x64xf32, #tpu.memory_space<hbm>>) target(%dma_start3A_131 : memref<128x64xf32, #tpu.memory_space<vmem>>) offsets(%dma_start3A_136 : memref<128xi32, #tpu.memory_space<vmem>>) semaphore(%arg13 : memref<!tpu.dma_semaphore, #tpu.memory_space<semaphore_mem>>)
    %dma_start3A_140 = arith.constant 1 : i32
    %dma_start3A_141 = arith.constant 1 : i32
    %dma_start3A_142 = arith.constant 0 : i32
    %dma_start3A_143 = arith.constant 0 : i32
    %dma_start3A_144 = tpu.memref_slice %arg10[%dma_start3A_141, %dma_start3A_142, %dma_start3A_143] : memref<2x640x64xf32, #tpu.memory_space<vmem>> -> memref<1x640x64xf32, #tpu.memory_space<vmem>>
    %dma_start3A_145 = tpu.memref_squeeze %dma_start3A_144 : memref<1x640x64xf32, #tpu.memory_space<vmem>> -> memref<640x64xf32, #tpu.memory_space<vmem>>
    %dma_start3A_146 = arith.constant 128 : i32
    %dma_start3A_147 = arith.constant 0 : i32
    %dma_start3A_148 = tpu.memref_slice %dma_start3A_145[%dma_start3A_146, %dma_start3A_147] : memref<640x64xf32, #tpu.memory_space<vmem>> -> memref<128x64xf32, #tpu.memory_space<vmem>>
    %dma_start3A_149 = arith.constant 0 : i32
    %dma_start3A_150 = tpu.memref_slice %arg8[%dma_start3A_140, %dma_start3A_149] : memref<2x640xi32, #tpu.memory_space<vmem>> -> memref<1x640xi32, #tpu.memory_space<vmem>>
    %dma_start3A_151 = tpu.memref_squeeze %dma_start3A_150 : memref<1x640xi32, #tpu.memory_space<vmem>> -> memref<640xi32, #tpu.memory_space<vmem>>
    %dma_start3A_152 = arith.constant 128 : i32
    %dma_start3A_153 = tpu.memref_slice %dma_start3A_151[%dma_start3A_152] : memref<640xi32, #tpu.memory_space<vmem>> -> memref<128xi32, #tpu.memory_space<vmem>>
    %dma_start3A_154 = arith.constant 0 : i32
    %dma_start3A_155 = arith.constant 0 : i32
    %dma_start3A_156 = tpu.memref_slice %arg5[%dma_start3A_154, %dma_start3A_155] : memref<1000000x64xf32, #tpu.memory_space<hbm>> -> memref<1000000x64xf32, #tpu.memory_space<hbm>>
    tpu.enqueue_indirect_dma source(%dma_start3A_156 : memref<1000000x64xf32, #tpu.memory_space<hbm>>) target(%dma_start3A_148 : memref<128x64xf32, #tpu.memory_space<vmem>>) offsets(%dma_start3A_153 : memref<128xi32, #tpu.memory_space<vmem>>) semaphore(%arg13 : memref<!tpu.dma_semaphore, #tpu.memory_space<semaphore_mem>>)
    %dma_start3A_157 = arith.constant 1 : i32
    %dma_start3A_158 = arith.constant 1 : i32
    %dma_start3A_159 = arith.constant 0 : i32
    %dma_start3A_160 = arith.constant 0 : i32
    %dma_start3A_161 = tpu.memref_slice %arg10[%dma_start3A_158, %dma_start3A_159, %dma_start3A_160] : memref<2x640x64xf32, #tpu.memory_space<vmem>> -> memref<1x640x64xf32, #tpu.memory_space<vmem>>
    %dma_start3A_162 = tpu.memref_squeeze %dma_start3A_161 : memref<1x640x64xf32, #tpu.memory_space<vmem>> -> memref<640x64xf32, #tpu.memory_space<vmem>>
    %dma_start3A_163 = arith.constant 256 : i32
    %dma_start3A_164 = arith.constant 0 : i32
    %dma_start3A_165 = tpu.memref_slice %dma_start3A_162[%dma_start3A_163, %dma_start3A_164] : memref<640x64xf32, #tpu.memory_space<vmem>> -> memref<128x64xf32, #tpu.memory_space<vmem>>
    %dma_start3A_166 = arith.constant 0 : i32
    %dma_start3A_167 = tpu.memref_slice %arg8[%dma_start3A_157, %dma_start3A_166] : memref<2x640xi32, #tpu.memory_space<vmem>> -> memref<1x640xi32, #tpu.memory_space<vmem>>
    %dma_start3A_168 = tpu.memref_squeeze %dma_start3A_167 : memref<1x640xi32, #tpu.memory_space<vmem>> -> memref<640xi32, #tpu.memory_space<vmem>>
    %dma_start3A_169 = arith.constant 256 : i32
    %dma_start3A_170 = tpu.memref_slice %dma_start3A_168[%dma_start3A_169] : memref<640xi32, #tpu.memory_space<vmem>> -> memref<128xi32, #tpu.memory_space<vmem>>
    %dma_start3A_171 = arith.constant 0 : i32
    %dma_start3A_172 = arith.constant 0 : i32
    %dma_start3A_173 = tpu.memref_slice %arg5[%dma_start3A_171, %dma_start3A_172] : memref<1000000x64xf32, #tpu.memory_space<hbm>> -> memref<1000000x64xf32, #tpu.memory_space<hbm>>
    tpu.enqueue_indirect_dma source(%dma_start3A_173 : memref<1000000x64xf32, #tpu.memory_space<hbm>>) target(%dma_start3A_165 : memref<128x64xf32, #tpu.memory_space<vmem>>) offsets(%dma_start3A_170 : memref<128xi32, #tpu.memory_space<vmem>>) semaphore(%arg13 : memref<!tpu.dma_semaphore, #tpu.memory_space<semaphore_mem>>)
    %dma_start3A_174 = arith.constant 1 : i32
    %dma_start3A_175 = arith.constant 1 : i32
    %dma_start3A_176 = arith.constant 0 : i32
    %dma_start3A_177 = arith.constant 0 : i32
    %dma_start3A_178 = tpu.memref_slice %arg10[%dma_start3A_175, %dma_start3A_176, %dma_start3A_177] : memref<2x640x64xf32, #tpu.memory_space<vmem>> -> memref<1x640x64xf32, #tpu.memory_space<vmem>>
    %dma_start3A_179 = tpu.memref_squeeze %dma_start3A_178 : memref<1x640x64xf32, #tpu.memory_space<vmem>> -> memref<640x64xf32, #tpu.memory_space<vmem>>
    %dma_start3A_180 = arith.constant 384 : i32
    %dma_start3A_181 = arith.constant 0 : i32
    %dma_start3A_182 = tpu.memref_slice %dma_start3A_179[%dma_start3A_180, %dma_start3A_181] : memref<640x64xf32, #tpu.memory_space<vmem>> -> memref<128x64xf32, #tpu.memory_space<vmem>>
    %dma_start3A_183 = arith.constant 0 : i32
    %dma_start3A_184 = tpu.memref_slice %arg8[%dma_start3A_174, %dma_start3A_183] : memref<2x640xi32, #tpu.memory_space<vmem>> -> memref<1x640xi32, #tpu.memory_space<vmem>>
    %dma_start3A_185 = tpu.memref_squeeze %dma_start3A_184 : memref<1x640xi32, #tpu.memory_space<vmem>> -> memref<640xi32, #tpu.memory_space<vmem>>
    %dma_start3A_186 = arith.constant 384 : i32
    %dma_start3A_187 = tpu.memref_slice %dma_start3A_185[%dma_start3A_186] : memref<640xi32, #tpu.memory_space<vmem>> -> memref<128xi32, #tpu.memory_space<vmem>>
    %dma_start3A_188 = arith.constant 0 : i32
    %dma_start3A_189 = arith.constant 0 : i32
    %dma_start3A_190 = tpu.memref_slice %arg5[%dma_start3A_188, %dma_start3A_189] : memref<1000000x64xf32, #tpu.memory_space<hbm>> -> memref<1000000x64xf32, #tpu.memory_space<hbm>>
    tpu.enqueue_indirect_dma source(%dma_start3A_190 : memref<1000000x64xf32, #tpu.memory_space<hbm>>) target(%dma_start3A_182 : memref<128x64xf32, #tpu.memory_space<vmem>>) offsets(%dma_start3A_187 : memref<128xi32, #tpu.memory_space<vmem>>) semaphore(%arg13 : memref<!tpu.dma_semaphore, #tpu.memory_space<semaphore_mem>>)
    %dma_start3A_191 = arith.constant 1 : i32
    %dma_start3A_192 = arith.constant 1 : i32
    %dma_start3A_193 = arith.constant 0 : i32
    %dma_start3A_194 = arith.constant 0 : i32
    %dma_start3A_195 = tpu.memref_slice %arg10[%dma_start3A_192, %dma_start3A_193, %dma_start3A_194] : memref<2x640x64xf32, #tpu.memory_space<vmem>> -> memref<1x640x64xf32, #tpu.memory_space<vmem>>
    %dma_start3A_196 = tpu.memref_squeeze %dma_start3A_195 : memref<1x640x64xf32, #tpu.memory_space<vmem>> -> memref<640x64xf32, #tpu.memory_space<vmem>>
    %dma_start3A_197 = arith.constant 512 : i32
    %dma_start3A_198 = arith.constant 0 : i32
    %dma_start3A_199 = tpu.memref_slice %dma_start3A_196[%dma_start3A_197, %dma_start3A_198] : memref<640x64xf32, #tpu.memory_space<vmem>> -> memref<128x64xf32, #tpu.memory_space<vmem>>
    %dma_start3A_200 = arith.constant 0 : i32
    %dma_start3A_201 = tpu.memref_slice %arg8[%dma_start3A_191, %dma_start3A_200] : memref<2x640xi32, #tpu.memory_space<vmem>> -> memref<1x640xi32, #tpu.memory_space<vmem>>
    %dma_start3A_202 = tpu.memref_squeeze %dma_start3A_201 : memref<1x640xi32, #tpu.memory_space<vmem>> -> memref<640xi32, #tpu.memory_space<vmem>>
    %dma_start3A_203 = arith.constant 512 : i32
    %dma_start3A_204 = tpu.memref_slice %dma_start3A_202[%dma_start3A_203] : memref<640xi32, #tpu.memory_space<vmem>> -> memref<128xi32, #tpu.memory_space<vmem>>
    %dma_start3A_205 = arith.constant 0 : i32
    %dma_start3A_206 = arith.constant 0 : i32
    %dma_start3A_207 = tpu.memref_slice %arg5[%dma_start3A_205, %dma_start3A_206] : memref<1000000x64xf32, #tpu.memory_space<hbm>> -> memref<1000000x64xf32, #tpu.memory_space<hbm>>
    tpu.enqueue_indirect_dma source(%dma_start3A_207 : memref<1000000x64xf32, #tpu.memory_space<hbm>>) target(%dma_start3A_199 : memref<128x64xf32, #tpu.memory_space<vmem>>) offsets(%dma_start3A_204 : memref<128xi32, #tpu.memory_space<vmem>>) semaphore(%arg13 : memref<!tpu.dma_semaphore, #tpu.memory_space<semaphore_mem>>)
    %swap3A = arith.constant 0 : i32
    %swap3A_208 = arith.constant 0 : i32
    %swap3A_209 = tpu.memref_slice %arg11[%swap3A, %swap3A_208] : memref<2x640xf32, #tpu.memory_space<vmem>> -> memref<1x640xf32, #tpu.memory_space<vmem>>
    %swap3A_210 = tpu.memref_squeeze %swap3A_209 : memref<1x640xf32, #tpu.memory_space<vmem>> -> memref<640xf32, #tpu.memory_space<vmem>>
    %swap3A_211 = arith.constant 0 : index
    %swap3A_212 = tpu.vector_load %swap3A_210[%swap3A_211] {strides = array<i32>} : memref<640xf32, #tpu.memory_space<vmem>>, vector<16xf32>,
    tpu.vector_store %swap3A_210[%swap3A_211], %broadcast_in_dim3A_3 {strides = array<i32>} : memref<640xf32, #tpu.memory_space<vmem>>, vector<16xf32>,
    %swap3A_213 = arith.constant 0 : i32
    %swap3A_214 = arith.constant 0 : i32
    %swap3A_215 = tpu.memref_slice %arg11[%swap3A_213, %swap3A_214] : memref<2x640xf32, #tpu.memory_space<vmem>> -> memref<1x640xf32, #tpu.memory_space<vmem>>
    %swap3A_216 = tpu.memref_squeeze %swap3A_215 : memref<1x640xf32, #tpu.memory_space<vmem>> -> memref<640xf32, #tpu.memory_space<vmem>>
    %swap3A_217 = arith.constant 16 : index
    %swap3A_218 = tpu.vector_load %swap3A_216[%swap3A_217] {strides = array<i32>} : memref<640xf32, #tpu.memory_space<vmem>>, vector<16xf32>,
    tpu.vector_store %swap3A_216[%swap3A_217], %broadcast_in_dim3A_3 {strides = array<i32>} : memref<640xf32, #tpu.memory_space<vmem>>, vector<16xf32>,
    %swap3A_219 = arith.constant 0 : i32
    %swap3A_220 = arith.constant 0 : i32
    %swap3A_221 = tpu.memref_slice %arg11[%swap3A_219, %swap3A_220] : memref<2x640xf32, #tpu.memory_space<vmem>> -> memref<1x640xf32, #tpu.memory_space<vmem>>
    %swap3A_222 = tpu.memref_squeeze %swap3A_221 : memref<1x640xf32, #tpu.memory_space<vmem>> -> memref<640xf32, #tpu.memory_space<vmem>>
    %swap3A_223 = arith.constant 32 : index
    %swap3A_224 = tpu.vector_load %swap3A_222[%swap3A_223] {strides = array<i32>} : memref<640xf32, #tpu.memory_space<vmem>>, vector<16xf32>,
    tpu.vector_store %swap3A_222[%swap3A_223], %broadcast_in_dim3A_3 {strides = array<i32>} : memref<640xf32, #tpu.memory_space<vmem>>, vector<16xf32>,
    %swap3A_225 = arith.constant 0 : i32
    %swap3A_226 = arith.constant 0 : i32
    %swap3A_227 = tpu.memref_slice %arg11[%swap3A_225, %swap3A_226] : memref<2x640xf32, #tpu.memory_space<vmem>> -> memref<1x640xf32, #tpu.memory_space<vmem>>
    %swap3A_228 = tpu.memref_squeeze %swap3A_227 : memref<1x640xf32, #tpu.memory_space<vmem>> -> memref<640xf32, #tpu.memory_space<vmem>>
    %swap3A_229 = arith.constant 48 : index
    %swap3A_230 = tpu.vector_load %swap3A_228[%swap3A_229] {strides = array<i32>} : memref<640xf32, #tpu.memory_space<vmem>>, vector<16xf32>,
    tpu.vector_store %swap3A_228[%swap3A_229], %broadcast_in_dim3A_3 {strides = array<i32>} : memref<640xf32, #tpu.memory_space<vmem>>, vector<16xf32>,
    %swap3A_231 = arith.constant 0 : i32
    %swap3A_232 = arith.constant 0 : i32
    %swap3A_233 = tpu.memref_slice %arg11[%swap3A_231, %swap3A_232] : memref<2x640xf32, #tpu.memory_space<vmem>> -> memref<1x640xf32, #tpu.memory_space<vmem>>
    %swap3A_234 = tpu.memref_squeeze %swap3A_233 : memref<1x640xf32, #tpu.memory_space<vmem>> -> memref<640xf32, #tpu.memory_space<vmem>>
    %swap3A_235 = arith.constant 64 : index
    %swap3A_236 = tpu.vector_load %swap3A_234[%swap3A_235] {strides = array<i32>} : memref<640xf32, #tpu.memory_space<vmem>>, vector<16xf32>,
    tpu.vector_store %swap3A_234[%swap3A_235], %broadcast_in_dim3A_3 {strides = array<i32>} : memref<640xf32, #tpu.memory_space<vmem>>, vector<16xf32>,
    %swap3A_237 = arith.constant 0 : i32
    %swap3A_238 = arith.constant 0 : i32
    %swap3A_239 = tpu.memref_slice %arg11[%swap3A_237, %swap3A_238] : memref<2x640xf32, #tpu.memory_space<vmem>> -> memref<1x640xf32, #tpu.memory_space<vmem>>
    %swap3A_240 = tpu.memref_squeeze %swap3A_239 : memref<1x640xf32, #tpu.memory_space<vmem>> -> memref<640xf32, #tpu.memory_space<vmem>>
    %swap3A_241 = arith.constant 80 : index
    %swap3A_242 = tpu.vector_load %swap3A_240[%swap3A_241] {strides = array<i32>} : memref<640xf32, #tpu.memory_space<vmem>>, vector<16xf32>,
    tpu.vector_store %swap3A_240[%swap3A_241], %broadcast_in_dim3A_3 {strides = array<i32>} : memref<640xf32, #tpu.memory_space<vmem>>, vector<16xf32>,
    %swap3A_243 = arith.constant 0 : i32
    %swap3A_244 = arith.constant 0 : i32
    %swap3A_245 = tpu.memref_slice %arg11[%swap3A_243, %swap3A_244] : memref<2x640xf32, #tpu.memory_space<vmem>> -> memref<1x640xf32, #tpu.memory_space<vmem>>
    %swap3A_246 = tpu.memref_squeeze %swap3A_245 : memref<1x640xf32, #tpu.memory_space<vmem>> -> memref<640xf32, #tpu.memory_space<vmem>>
    %swap3A_247 = arith.constant 96 : index
    %swap3A_248 = tpu.vector_load %swap3A_246[%swap3A_247] {strides = array<i32>} : memref<640xf32, #tpu.memory_space<vmem>>, vector<16xf32>,
    tpu.vector_store %swap3A_246[%swap3A_247], %broadcast_in_dim3A_3 {strides = array<i32>} : memref<640xf32, #tpu.memory_space<vmem>>, vector<16xf32>,
    %swap3A_249 = arith.constant 0 : i32
    %swap3A_250 = arith.constant 0 : i32
    %swap3A_251 = tpu.memref_slice %arg11[%swap3A_249, %swap3A_250] : memref<2x640xf32, #tpu.memory_space<vmem>> -> memref<1x640xf32, #tpu.memory_space<vmem>>
    %swap3A_252 = tpu.memref_squeeze %swap3A_251 : memref<1x640xf32, #tpu.memory_space<vmem>> -> memref<640xf32, #tpu.memory_space<vmem>>
    %swap3A_253 = arith.constant 112 : index
    %swap3A_254 = tpu.vector_load %swap3A_252[%swap3A_253] {strides = array<i32>} : memref<640xf32, #tpu.memory_space<vmem>>, vector<16xf32>,
    tpu.vector_store %swap3A_252[%swap3A_253], %broadcast_in_dim3A_3 {strides = array<i32>} : memref<640xf32, #tpu.memory_space<vmem>>, vector<16xf32>,
    %swap3A_255 = arith.constant 0 : i32
    %swap3A_256 = arith.constant 0 : i32
    %swap3A_257 = tpu.memref_slice %arg11[%swap3A_255, %swap3A_256] : memref<2x640xf32, #tpu.memory_space<vmem>> -> memref<1x640xf32, #tpu.memory_space<vmem>>
    %swap3A_258 = tpu.memref_squeeze %swap3A_257 : memref<1x640xf32, #tpu.memory_space<vmem>> -> memref<640xf32, #tpu.memory_space<vmem>>
    %swap3A_259 = arith.constant 128 : index
    %swap3A_260 = tpu.vector_load %swap3A_258[%swap3A_259] {strides = array<i32>} : memref<640xf32, #tpu.memory_space<vmem>>, vector<16xf32>,
    tpu.vector_store %swap3A_258[%swap3A_259], %broadcast_in_dim3A_3 {strides = array<i32>} : memref<640xf32, #tpu.memory_space<vmem>>, vector<16xf32>,
    %swap3A_261 = arith.constant 0 : i32
    %swap3A_262 = arith.constant 0 : i32
    %swap3A_263 = tpu.memref_slice %arg11[%swap3A_261, %swap3A_262] : memref<2x640xf32, #tpu.memory_space<vmem>> -> memref<1x640xf32, #tpu.memory_space<vmem>>
    %swap3A_264 = tpu.memref_squeeze %swap3A_263 : memref<1x640xf32, #tpu.memory_space<vmem>> -> memref<640xf32, #tpu.memory_space<vmem>>
    %swap3A_265 = arith.constant 144 : index
    %swap3A_266 = tpu.vector_load %swap3A_264[%swap3A_265] {strides = array<i32>} : memref<640xf32, #tpu.memory_space<vmem>>, vector<16xf32>,
    tpu.vector_store %swap3A_264[%swap3A_265], %broadcast_in_dim3A_3 {strides = array<i32>} : memref<640xf32, #tpu.memory_space<vmem>>, vector<16xf32>,
    %swap3A_267 = arith.constant 0 : i32
    %swap3A_268 = arith.constant 0 : i32
    %swap3A_269 = tpu.memref_slice %arg11[%swap3A_267, %swap3A_268] : memref<2x640xf32, #tpu.memory_space<vmem>> -> memref<1x640xf32, #tpu.memory_space<vmem>>
    %swap3A_270 = tpu.memref_squeeze %swap3A_269 : memref<1x640xf32, #tpu.memory_space<vmem>> -> memref<640xf32, #tpu.memory_space<vmem>>
    %swap3A_271 = arith.constant 160 : index
    %swap3A_272 = tpu.vector_load %swap3A_270[%swap3A_271] {strides = array<i32>} : memref<640xf32, #tpu.memory_space<vmem>>, vector<16xf32>,
    tpu.vector_store %swap3A_270[%swap3A_271], %broadcast_in_dim3A_3 {strides = array<i32>} : memref<640xf32, #tpu.memory_space<vmem>>, vector<16xf32>,
    %swap3A_273 = arith.constant 0 : i32
    %swap3A_274 = arith.constant 0 : i32
    %swap3A_275 = tpu.memref_slice %arg11[%swap3A_273, %swap3A_274] : memref<2x640xf32, #tpu.memory_space<vmem>> -> memref<1x640xf32, #tpu.memory_space<vmem>>
    %swap3A_276 = tpu.memref_squeeze %swap3A_275 : memref<1x640xf32, #tpu.memory_space<vmem>> -> memref<640xf32, #tpu.memory_space<vmem>>
    %swap3A_277 = arith.constant 176 : index
    %swap3A_278 = tpu.vector_load %swap3A_276[%swap3A_277] {strides = array<i32>} : memref<640xf32, #tpu.memory_space<vmem>>, vector<16xf32>,
    tpu.vector_store %swap3A_276[%swap3A_277], %broadcast_in_dim3A_3 {strides = array<i32>} : memref<640xf32, #tpu.memory_space<vmem>>, vector<16xf32>,
    %swap3A_279 = arith.constant 0 : i32
    %swap3A_280 = arith.constant 0 : i32
    %swap3A_281 = tpu.memref_slice %arg11[%swap3A_279, %swap3A_280] : memref<2x640xf32, #tpu.memory_space<vmem>> -> memref<1x640xf32, #tpu.memory_space<vmem>>
    %swap3A_282 = tpu.memref_squeeze %swap3A_281 : memref<1x640xf32, #tpu.memory_space<vmem>> -> memref<640xf32, #tpu.memory_space<vmem>>
    %swap3A_283 = arith.constant 192 : index
    %swap3A_284 = tpu.vector_load %swap3A_282[%swap3A_283] {strides = array<i32>} : memref<640xf32, #tpu.memory_space<vmem>>, vector<16xf32>,
    tpu.vector_store %swap3A_282[%swap3A_283], %broadcast_in_dim3A_3 {strides = array<i32>} : memref<640xf32, #tpu.memory_space<vmem>>, vector<16xf32>,
    %swap3A_285 = arith.constant 0 : i32
    %swap3A_286 = arith.constant 0 : i32
    %swap3A_287 = tpu.memref_slice %arg11[%swap3A_285, %swap3A_286] : memref<2x640xf32, #tpu.memory_space<vmem>> -> memref<1x640xf32, #tpu.memory_space<vmem>>
    %swap3A_288 = tpu.memref_squeeze %swap3A_287 : memref<1x640xf32, #tpu.memory_space<vmem>> -> memref<640xf32, #tpu.memory_space<vmem>>
    %swap3A_289 = arith.constant 208 : index
    %swap3A_290 = tpu.vector_load %swap3A_288[%swap3A_289] {strides = array<i32>} : memref<640xf32, #tpu.memory_space<vmem>>, vector<16xf32>,
    tpu.vector_store %swap3A_288[%swap3A_289], %broadcast_in_dim3A_3 {strides = array<i32>} : memref<640xf32, #tpu.memory_space<vmem>>, vector<16xf32>,
    %swap3A_291 = arith.constant 0 : i32
    %swap3A_292 = arith.constant 0 : i32
    %swap3A_293 = tpu.memref_slice %arg11[%swap3A_291, %swap3A_292] : memref<2x640xf32, #tpu.memory_space<vmem>> -> memref<1x640xf32, #tpu.memory_space<vmem>>
    %swap3A_294 = tpu.memref_squeeze %swap3A_293 : memref<1x640xf32, #tpu.memory_space<vmem>> -> memref<640xf32, #tpu.memory_space<vmem>>
    %swap3A_295 = arith.constant 224 : index
    %swap3A_296 = tpu.vector_load %swap3A_294[%swap3A_295] {strides = array<i32>} : memref<640xf32, #tpu.memory_space<vmem>>, vector<16xf32>,
    tpu.vector_store %swap3A_294[%swap3A_295], %broadcast_in_dim3A_3 {strides = array<i32>} : memref<640xf32, #tpu.memory_space<vmem>>, vector<16xf32>,
    %swap3A_297 = arith.constant 0 : i32
    %swap3A_298 = arith.constant 0 : i32
    %swap3A_299 = tpu.memref_slice %arg11[%swap3A_297, %swap3A_298] : memref<2x640xf32, #tpu.memory_space<vmem>> -> memref<1x640xf32, #tpu.memory_space<vmem>>
    %swap3A_300 = tpu.memref_squeeze %swap3A_299 : memref<1x640xf32, #tpu.memory_space<vmem>> -> memref<640xf32, #tpu.memory_space<vmem>>
    %swap3A_301 = arith.constant 240 : index
    %swap3A_302 = tpu.vector_load %swap3A_300[%swap3A_301] {strides = array<i32>} : memref<640xf32, #tpu.memory_space<vmem>>, vector<16xf32>,
    tpu.vector_store %swap3A_300[%swap3A_301], %broadcast_in_dim3A_3 {strides = array<i32>} : memref<640xf32, #tpu.memory_space<vmem>>, vector<16xf32>,
    %swap3A_303 = arith.constant 0 : i32
    %swap3A_304 = arith.constant 0 : i32
    %swap3A_305 = tpu.memref_slice %arg11[%swap3A_303, %swap3A_304] : memref<2x640xf32, #tpu.memory_space<vmem>> -> memref<1x640xf32, #tpu.memory_space<vmem>>
    %swap3A_306 = tpu.memref_squeeze %swap3A_305 : memref<1x640xf32, #tpu.memory_space<vmem>> -> memref<640xf32, #tpu.memory_space<vmem>>
    %swap3A_307 = arith.constant 256 : index
    %swap3A_308 = tpu.vector_load %swap3A_306[%swap3A_307] {strides = array<i32>} : memref<640xf32, #tpu.memory_space<vmem>>, vector<16xf32>,
    tpu.vector_store %swap3A_306[%swap3A_307], %broadcast_in_dim3A_3 {strides = array<i32>} : memref<640xf32, #tpu.memory_space<vmem>>, vector<16xf32>,
    %swap3A_309 = arith.constant 0 : i32
    %swap3A_310 = arith.constant 0 : i32
    %swap3A_311 = tpu.memref_slice %arg11[%swap3A_309, %swap3A_310] : memref<2x640xf32, #tpu.memory_space<vmem>> -> memref<1x640xf32, #tpu.memory_space<vmem>>
    %swap3A_312 = tpu.memref_squeeze %swap3A_311 : memref<1x640xf32, #tpu.memory_space<vmem>> -> memref<640xf32, #tpu.memory_space<vmem>>
    %swap3A_313 = arith.constant 272 : index
    %swap3A_314 = tpu.vector_load %swap3A_312[%swap3A_313] {strides = array<i32>} : memref<640xf32, #tpu.memory_space<vmem>>, vector<16xf32>,
    tpu.vector_store %swap3A_312[%swap3A_313], %broadcast_in_dim3A_3 {strides = array<i32>} : memref<640xf32, #tpu.memory_space<vmem>>, vector<16xf32>,
    %swap3A_315 = arith.constant 0 : i32
    %swap3A_316 = arith.constant 0 : i32
    %swap3A_317 = tpu.memref_slice %arg11[%swap3A_315, %swap3A_316] : memref<2x640xf32, #tpu.memory_space<vmem>> -> memref<1x640xf32, #tpu.memory_space<vmem>>
    %swap3A_318 = tpu.memref_squeeze %swap3A_317 : memref<1x640xf32, #tpu.memory_space<vmem>> -> memref<640xf32, #tpu.memory_space<vmem>>
    %swap3A_319 = arith.constant 288 : index
    %swap3A_320 = tpu.vector_load %swap3A_318[%swap3A_319] {strides = array<i32>} : memref<640xf32, #tpu.memory_space<vmem>>, vector<16xf32>,
    tpu.vector_store %swap3A_318[%swap3A_319], %broadcast_in_dim3A_3 {strides = array<i32>} : memref<640xf32, #tpu.memory_space<vmem>>, vector<16xf32>,
    %swap3A_321 = arith.constant 0 : i32
    %swap3A_322 = arith.constant 0 : i32
    %swap3A_323 = tpu.memref_slice %arg11[%swap3A_321, %swap3A_322] : memref<2x640xf32, #tpu.memory_space<vmem>> -> memref<1x640xf32, #tpu.memory_space<vmem>>
    %swap3A_324 = tpu.memref_squeeze %swap3A_323 : memref<1x640xf32, #tpu.memory_space<vmem>> -> memref<640xf32, #tpu.memory_space<vmem>>
    %swap3A_325 = arith.constant 304 : index
    %swap3A_326 = tpu.vector_load %swap3A_324[%swap3A_325] {strides = array<i32>} : memref<640xf32, #tpu.memory_space<vmem>>, vector<16xf32>,
    tpu.vector_store %swap3A_324[%swap3A_325], %broadcast_in_dim3A_3 {strides = array<i32>} : memref<640xf32, #tpu.memory_space<vmem>>, vector<16xf32>,
    %swap3A_327 = arith.constant 0 : i32
    %swap3A_328 = arith.constant 0 : i32
    %swap3A_329 = tpu.memref_slice %arg11[%swap3A_327, %swap3A_328] : memref<2x640xf32, #tpu.memory_space<vmem>> -> memref<1x640xf32, #tpu.memory_space<vmem>>
    %swap3A_330 = tpu.memref_squeeze %swap3A_329 : memref<1x640xf32, #tpu.memory_space<vmem>> -> memref<640xf32, #tpu.memory_space<vmem>>
    %swap3A_331 = arith.constant 320 : index
    %swap3A_332 = tpu.vector_load %swap3A_330[%swap3A_331] {strides = array<i32>} : memref<640xf32, #tpu.memory_space<vmem>>, vector<16xf32>,
    tpu.vector_store %swap3A_330[%swap3A_331], %broadcast_in_dim3A_3 {strides = array<i32>} : memref<640xf32, #tpu.memory_space<vmem>>, vector<16xf32>,
    %swap3A_333 = arith.constant 0 : i32
    %swap3A_334 = arith.constant 0 : i32
    %swap3A_335 = tpu.memref_slice %arg11[%swap3A_333, %swap3A_334] : memref<2x640xf32, #tpu.memory_space<vmem>> -> memref<1x640xf32, #tpu.memory_space<vmem>>
    %swap3A_336 = tpu.memref_squeeze %swap3A_335 : memref<1x640xf32, #tpu.memory_space<vmem>> -> memref<640xf32, #tpu.memory_space<vmem>>
    %swap3A_337 = arith.constant 336 : index
    %swap3A_338 = tpu.vector_load %swap3A_336[%swap3A_337] {strides = array<i32>} : memref<640xf32, #tpu.memory_space<vmem>>, vector<16xf32>,
    tpu.vector_store %swap3A_336[%swap3A_337], %broadcast_in_dim3A_3 {strides = array<i32>} : memref<640xf32, #tpu.memory_space<vmem>>, vector<16xf32>,
    %swap3A_339 = arith.constant 0 : i32
    %swap3A_340 = arith.constant 0 : i32
    %swap3A_341 = tpu.memref_slice %arg11[%swap3A_339, %swap3A_340] : memref<2x640xf32, #tpu.memory_space<vmem>> -> memref<1x640xf32, #tpu.memory_space<vmem>>
    %swap3A_342 = tpu.memref_squeeze %swap3A_341 : memref<1x640xf32, #tpu.memory_space<vmem>> -> memref<640xf32, #tpu.memory_space<vmem>>
    %swap3A_343 = arith.constant 352 : index
    %swap3A_344 = tpu.vector_load %swap3A_342[%swap3A_343] {strides = array<i32>} : memref<640xf32, #tpu.memory_space<vmem>>, vector<16xf32>,
    tpu.vector_store %swap3A_342[%swap3A_343], %broadcast_in_dim3A_3 {strides = array<i32>} : memref<640xf32, #tpu.memory_space<vmem>>, vector<16xf32>,
    %swap3A_345 = arith.constant 0 : i32
    %swap3A_346 = arith.constant 0 : i32
    %swap3A_347 = tpu.memref_slice %arg11[%swap3A_345, %swap3A_346] : memref<2x640xf32, #tpu.memory_space<vmem>> -> memref<1x640xf32, #tpu.memory_space<vmem>>
    %swap3A_348 = tpu.memref_squeeze %swap3A_347 : memref<1x640xf32, #tpu.memory_space<vmem>> -> memref<640xf32, #tpu.memory_space<vmem>>
    %swap3A_349 = arith.constant 368 : index
    %swap3A_350 = tpu.vector_load %swap3A_348[%swap3A_349] {strides = array<i32>} : memref<640xf32, #tpu.memory_space<vmem>>, vector<16xf32>,
    tpu.vector_store %swap3A_348[%swap3A_349], %broadcast_in_dim3A_3 {strides = array<i32>} : memref<640xf32, #tpu.memory_space<vmem>>, vector<16xf32>,
    %swap3A_351 = arith.constant 0 : i32
    %swap3A_352 = arith.constant 0 : i32
    %swap3A_353 = tpu.memref_slice %arg11[%swap3A_351, %swap3A_352] : memref<2x640xf32, #tpu.memory_space<vmem>> -> memref<1x640xf32, #tpu.memory_space<vmem>>
    %swap3A_354 = tpu.memref_squeeze %swap3A_353 : memref<1x640xf32, #tpu.memory_space<vmem>> -> memref<640xf32, #tpu.memory_space<vmem>>
    %swap3A_355 = arith.constant 384 : index
    %swap3A_356 = tpu.vector_load %swap3A_354[%swap3A_355] {strides = array<i32>} : memref<640xf32, #tpu.memory_space<vmem>>, vector<16xf32>,
    tpu.vector_store %swap3A_354[%swap3A_355], %broadcast_in_dim3A_3 {strides = array<i32>} : memref<640xf32, #tpu.memory_space<vmem>>, vector<16xf32>,
    %swap3A_357 = arith.constant 0 : i32
    %swap3A_358 = arith.constant 0 : i32
    %swap3A_359 = tpu.memref_slice %arg11[%swap3A_357, %swap3A_358] : memref<2x640xf32, #tpu.memory_space<vmem>> -> memref<1x640xf32, #tpu.memory_space<vmem>>
    %swap3A_360 = tpu.memref_squeeze %swap3A_359 : memref<1x640xf32, #tpu.memory_space<vmem>> -> memref<640xf32, #tpu.memory_space<vmem>>
    %swap3A_361 = arith.constant 400 : index
    %swap3A_362 = tpu.vector_load %swap3A_360[%swap3A_361] {strides = array<i32>} : memref<640xf32, #tpu.memory_space<vmem>>, vector<16xf32>,
    tpu.vector_store %swap3A_360[%swap3A_361], %broadcast_in_dim3A_3 {strides = array<i32>} : memref<640xf32, #tpu.memory_space<vmem>>, vector<16xf32>,
    %swap3A_363 = arith.constant 0 : i32
    %swap3A_364 = arith.constant 0 : i32
    %swap3A_365 = tpu.memref_slice %arg11[%swap3A_363, %swap3A_364] : memref<2x640xf32, #tpu.memory_space<vmem>> -> memref<1x640xf32, #tpu.memory_space<vmem>>
    %swap3A_366 = tpu.memref_squeeze %swap3A_365 : memref<1x640xf32, #tpu.memory_space<vmem>> -> memref<640xf32, #tpu.memory_space<vmem>>
    %swap3A_367 = arith.constant 416 : index
    %swap3A_368 = tpu.vector_load %swap3A_366[%swap3A_367] {strides = array<i32>} : memref<640xf32, #tpu.memory_space<vmem>>, vector<16xf32>,
    tpu.vector_store %swap3A_366[%swap3A_367], %broadcast_in_dim3A_3 {strides = array<i32>} : memref<640xf32, #tpu.memory_space<vmem>>, vector<16xf32>,
    %swap3A_369 = arith.constant 0 : i32
    %swap3A_370 = arith.constant 0 : i32
    %swap3A_371 = tpu.memref_slice %arg11[%swap3A_369, %swap3A_370] : memref<2x640xf32, #tpu.memory_space<vmem>> -> memref<1x640xf32, #tpu.memory_space<vmem>>
    %swap3A_372 = tpu.memref_squeeze %swap3A_371 : memref<1x640xf32, #tpu.memory_space<vmem>> -> memref<640xf32, #tpu.memory_space<vmem>>
    %swap3A_373 = arith.constant 432 : index
    %swap3A_374 = tpu.vector_load %swap3A_372[%swap3A_373] {strides = array<i32>} : memref<640xf32, #tpu.memory_space<vmem>>, vector<16xf32>,
    tpu.vector_store %swap3A_372[%swap3A_373], %broadcast_in_dim3A_3 {strides = array<i32>} : memref<640xf32, #tpu.memory_space<vmem>>, vector<16xf32>,
    %swap3A_375 = arith.constant 0 : i32
    %swap3A_376 = arith.constant 0 : i32
    %swap3A_377 = tpu.memref_slice %arg11[%swap3A_375, %swap3A_376] : memref<2x640xf32, #tpu.memory_space<vmem>> -> memref<1x640xf32, #tpu.memory_space<vmem>>
    %swap3A_378 = tpu.memref_squeeze %swap3A_377 : memref<1x640xf32, #tpu.memory_space<vmem>> -> memref<640xf32, #tpu.memory_space<vmem>>
    %swap3A_379 = arith.constant 448 : index
    %swap3A_380 = tpu.vector_load %swap3A_378[%swap3A_379] {strides = array<i32>} : memref<640xf32, #tpu.memory_space<vmem>>, vector<16xf32>,
    tpu.vector_store %swap3A_378[%swap3A_379], %broadcast_in_dim3A_3 {strides = array<i32>} : memref<640xf32, #tpu.memory_space<vmem>>, vector<16xf32>,
    %swap3A_381 = arith.constant 0 : i32
    %swap3A_382 = arith.constant 0 : i32
    %swap3A_383 = tpu.memref_slice %arg11[%swap3A_381, %swap3A_382] : memref<2x640xf32, #tpu.memory_space<vmem>> -> memref<1x640xf32, #tpu.memory_space<vmem>>
    %swap3A_384 = tpu.memref_squeeze %swap3A_383 : memref<1x640xf32, #tpu.memory_space<vmem>> -> memref<640xf32, #tpu.memory_space<vmem>>
    %swap3A_385 = arith.constant 464 : index
    %swap3A_386 = tpu.vector_load %swap3A_384[%swap3A_385] {strides = array<i32>} : memref<640xf32, #tpu.memory_space<vmem>>, vector<16xf32>,
    tpu.vector_store %swap3A_384[%swap3A_385], %broadcast_in_dim3A_3 {strides = array<i32>} : memref<640xf32, #tpu.memory_space<vmem>>, vector<16xf32>,
    %swap3A_387 = arith.constant 0 : i32
    %swap3A_388 = arith.constant 0 : i32
    %swap3A_389 = tpu.memref_slice %arg11[%swap3A_387, %swap3A_388] : memref<2x640xf32, #tpu.memory_space<vmem>> -> memref<1x640xf32, #tpu.memory_space<vmem>>
    %swap3A_390 = tpu.memref_squeeze %swap3A_389 : memref<1x640xf32, #tpu.memory_space<vmem>> -> memref<640xf32, #tpu.memory_space<vmem>>
    %swap3A_391 = arith.constant 480 : index
    %swap3A_392 = tpu.vector_load %swap3A_390[%swap3A_391] {strides = array<i32>} : memref<640xf32, #tpu.memory_space<vmem>>, vector<16xf32>,
    tpu.vector_store %swap3A_390[%swap3A_391], %broadcast_in_dim3A_3 {strides = array<i32>} : memref<640xf32, #tpu.memory_space<vmem>>, vector<16xf32>,
    %swap3A_393 = arith.constant 0 : i32
    %swap3A_394 = arith.constant 0 : i32
    %swap3A_395 = tpu.memref_slice %arg11[%swap3A_393, %swap3A_394] : memref<2x640xf32, #tpu.memory_space<vmem>> -> memref<1x640xf32, #tpu.memory_space<vmem>>
    %swap3A_396 = tpu.memref_squeeze %swap3A_395 : memref<1x640xf32, #tpu.memory_space<vmem>> -> memref<640xf32, #tpu.memory_space<vmem>>
    %swap3A_397 = arith.constant 496 : index
    %swap3A_398 = tpu.vector_load %swap3A_396[%swap3A_397] {strides = array<i32>} : memref<640xf32, #tpu.memory_space<vmem>>, vector<16xf32>,
    tpu.vector_store %swap3A_396[%swap3A_397], %broadcast_in_dim3A_3 {strides = array<i32>} : memref<640xf32, #tpu.memory_space<vmem>>, vector<16xf32>,
    %swap3A_399 = arith.constant 0 : i32
    %swap3A_400 = arith.constant 0 : i32
    %swap3A_401 = tpu.memref_slice %arg11[%swap3A_399, %swap3A_400] : memref<2x640xf32, #tpu.memory_space<vmem>> -> memref<1x640xf32, #tpu.memory_space<vmem>>
    %swap3A_402 = tpu.memref_squeeze %swap3A_401 : memref<1x640xf32, #tpu.memory_space<vmem>> -> memref<640xf32, #tpu.memory_space<vmem>>
    %swap3A_403 = arith.constant 512 : index
    %swap3A_404 = tpu.vector_load %swap3A_402[%swap3A_403] {strides = array<i32>} : memref<640xf32, #tpu.memory_space<vmem>>, vector<16xf32>,
    tpu.vector_store %swap3A_402[%swap3A_403], %broadcast_in_dim3A_3 {strides = array<i32>} : memref<640xf32, #tpu.memory_space<vmem>>, vector<16xf32>,
    %swap3A_405 = arith.constant 0 : i32
    %swap3A_406 = arith.constant 0 : i32
    %swap3A_407 = tpu.memref_slice %arg11[%swap3A_405, %swap3A_406] : memref<2x640xf32, #tpu.memory_space<vmem>> -> memref<1x640xf32, #tpu.memory_space<vmem>>
    %swap3A_408 = tpu.memref_squeeze %swap3A_407 : memref<1x640xf32, #tpu.memory_space<vmem>> -> memref<640xf32, #tpu.memory_space<vmem>>
    %swap3A_409 = arith.constant 528 : index
    %swap3A_410 = tpu.vector_load %swap3A_408[%swap3A_409] {strides = array<i32>} : memref<640xf32, #tpu.memory_space<vmem>>, vector<16xf32>,
    tpu.vector_store %swap3A_408[%swap3A_409], %broadcast_in_dim3A_3 {strides = array<i32>} : memref<640xf32, #tpu.memory_space<vmem>>, vector<16xf32>,
    %swap3A_411 = arith.constant 0 : i32
    %swap3A_412 = arith.constant 0 : i32
    %swap3A_413 = tpu.memref_slice %arg11[%swap3A_411, %swap3A_412] : memref<2x640xf32, #tpu.memory_space<vmem>> -> memref<1x640xf32, #tpu.memory_space<vmem>>
    %swap3A_414 = tpu.memref_squeeze %swap3A_413 : memref<1x640xf32, #tpu.memory_space<vmem>> -> memref<640xf32, #tpu.memory_space<vmem>>
    %swap3A_415 = arith.constant 544 : index
    %swap3A_416 = tpu.vector_load %swap3A_414[%swap3A_415] {strides = array<i32>} : memref<640xf32, #tpu.memory_space<vmem>>, vector<16xf32>,
    tpu.vector_store %swap3A_414[%swap3A_415], %broadcast_in_dim3A_3 {strides = array<i32>} : memref<640xf32, #tpu.memory_space<vmem>>, vector<16xf32>,
    %swap3A_417 = arith.constant 0 : i32
    %swap3A_418 = arith.constant 0 : i32
    %swap3A_419 = tpu.memref_slice %arg11[%swap3A_417, %swap3A_418] : memref<2x640xf32, #tpu.memory_space<vmem>> -> memref<1x640xf32, #tpu.memory_space<vmem>>
    %swap3A_420 = tpu.memref_squeeze %swap3A_419 : memref<1x640xf32, #tpu.memory_space<vmem>> -> memref<640xf32, #tpu.memory_space<vmem>>
    %swap3A_421 = arith.constant 560 : index
    %swap3A_422 = tpu.vector_load %swap3A_420[%swap3A_421] {strides = array<i32>} : memref<640xf32, #tpu.memory_space<vmem>>, vector<16xf32>,
    tpu.vector_store %swap3A_420[%swap3A_421], %broadcast_in_dim3A_3 {strides = array<i32>} : memref<640xf32, #tpu.memory_space<vmem>>, vector<16xf32>,
    %swap3A_423 = arith.constant 0 : i32
    %swap3A_424 = arith.constant 0 : i32
    %swap3A_425 = tpu.memref_slice %arg11[%swap3A_423, %swap3A_424] : memref<2x640xf32, #tpu.memory_space<vmem>> -> memref<1x640xf32, #tpu.memory_space<vmem>>
    %swap3A_426 = tpu.memref_squeeze %swap3A_425 : memref<1x640xf32, #tpu.memory_space<vmem>> -> memref<640xf32, #tpu.memory_space<vmem>>
    %swap3A_427 = arith.constant 576 : index
    %swap3A_428 = tpu.vector_load %swap3A_426[%swap3A_427] {strides = array<i32>} : memref<640xf32, #tpu.memory_space<vmem>>, vector<16xf32>,
    tpu.vector_store %swap3A_426[%swap3A_427], %broadcast_in_dim3A_3 {strides = array<i32>} : memref<640xf32, #tpu.memory_space<vmem>>, vector<16xf32>,
    %swap3A_429 = arith.constant 0 : i32
    %swap3A_430 = arith.constant 0 : i32
    %swap3A_431 = tpu.memref_slice %arg11[%swap3A_429, %swap3A_430] : memref<2x640xf32, #tpu.memory_space<vmem>> -> memref<1x640xf32, #tpu.memory_space<vmem>>
    %swap3A_432 = tpu.memref_squeeze %swap3A_431 : memref<1x640xf32, #tpu.memory_space<vmem>> -> memref<640xf32, #tpu.memory_space<vmem>>
    %swap3A_433 = arith.constant 592 : index
    %swap3A_434 = tpu.vector_load %swap3A_432[%swap3A_433] {strides = array<i32>} : memref<640xf32, #tpu.memory_space<vmem>>, vector<16xf32>,
    tpu.vector_store %swap3A_432[%swap3A_433], %broadcast_in_dim3A_3 {strides = array<i32>} : memref<640xf32, #tpu.memory_space<vmem>>, vector<16xf32>,
    %swap3A_435 = arith.constant 0 : i32
    %swap3A_436 = arith.constant 0 : i32
    %swap3A_437 = tpu.memref_slice %arg11[%swap3A_435, %swap3A_436] : memref<2x640xf32, #tpu.memory_space<vmem>> -> memref<1x640xf32, #tpu.memory_space<vmem>>
    %swap3A_438 = tpu.memref_squeeze %swap3A_437 : memref<1x640xf32, #tpu.memory_space<vmem>> -> memref<640xf32, #tpu.memory_space<vmem>>
    %swap3A_439 = arith.constant 608 : index
    %swap3A_440 = tpu.vector_load %swap3A_438[%swap3A_439] {strides = array<i32>} : memref<640xf32, #tpu.memory_space<vmem>>, vector<16xf32>,
    tpu.vector_store %swap3A_438[%swap3A_439], %broadcast_in_dim3A_3 {strides = array<i32>} : memref<640xf32, #tpu.memory_space<vmem>>, vector<16xf32>,
    %swap3A_441 = arith.constant 0 : i32
    %swap3A_442 = arith.constant 0 : i32
    %swap3A_443 = tpu.memref_slice %arg11[%swap3A_441, %swap3A_442] : memref<2x640xf32, #tpu.memory_space<vmem>> -> memref<1x640xf32, #tpu.memory_space<vmem>>
    %swap3A_444 = tpu.memref_squeeze %swap3A_443 : memref<1x640xf32, #tpu.memory_space<vmem>> -> memref<640xf32, #tpu.memory_space<vmem>>
    %swap3A_445 = arith.constant 624 : index
    %swap3A_446 = tpu.vector_load %swap3A_444[%swap3A_445] {strides = array<i32>} : memref<640xf32, #tpu.memory_space<vmem>>, vector<16xf32>,
    tpu.vector_store %swap3A_444[%swap3A_445], %broadcast_in_dim3A_3 {strides = array<i32>} : memref<640xf32, #tpu.memory_space<vmem>>, vector<16xf32>,
    %dma_wait3A = arith.constant 0 : i32
    %dma_wait3A_447 = arith.constant 0 : i32
    %dma_wait3A_448 = arith.constant 0 : i32
    %dma_wait3A_449 = arith.constant 0 : i32
    %dma_wait3A_450 = tpu.memref_slice %arg9[%dma_wait3A_447, %dma_wait3A_448, %dma_wait3A_449] : memref<2x128x64xf32, #tpu.memory_space<vmem>> -> memref<1x128x64xf32, #tpu.memory_space<vmem>>
    %dma_wait3A_451 = tpu.memref_squeeze %dma_wait3A_450 : memref<1x128x64xf32, #tpu.memory_space<vmem>> -> memref<128x64xf32, #tpu.memory_space<vmem>>
    %dma_wait3A_452 = arith.constant 0 : i32
    %dma_wait3A_453 = tpu.memref_slice %arg7[%dma_wait3A, %dma_wait3A_452] : memref<2x128xi32, #tpu.memory_space<vmem>> -> memref<1x128xi32, #tpu.memory_space<vmem>>
    %dma_wait3A_454 = tpu.memref_squeeze %dma_wait3A_453 : memref<1x128xi32, #tpu.memory_space<vmem>> -> memref<128xi32, #tpu.memory_space<vmem>>
    %dma_wait3A_455 = arith.constant 0 : i32
    %dma_wait3A_456 = arith.constant 0 : i32
    %dma_wait3A_457 = tpu.memref_slice %arg4[%dma_wait3A_455, %dma_wait3A_456] : memref<1000000x64xf32, #tpu.memory_space<hbm>> -> memref<1000000x64xf32, #tpu.memory_space<hbm>>
    tpu.wait_indirect_dma semaphore(%arg12 : memref<!tpu.dma_semaphore, #tpu.memory_space<semaphore_mem>>) src(%dma_wait3A_457 : memref<1000000x64xf32, #tpu.memory_space<hbm>>) dst(%dma_wait3A_451 : memref<128x64xf32, #tpu.memory_space<vmem>>)
    %dma_wait3A_458 = arith.constant 0 : i32
    %dma_wait3A_459 = arith.constant 0 : i32
    %dma_wait3A_460 = arith.constant 0 : i32
    %dma_wait3A_461 = arith.constant 0 : i32
    %dma_wait3A_462 = tpu.memref_slice %arg10[%dma_wait3A_459, %dma_wait3A_460, %dma_wait3A_461] : memref<2x640x64xf32, #tpu.memory_space<vmem>> -> memref<1x640x64xf32, #tpu.memory_space<vmem>>
    %dma_wait3A_463 = tpu.memref_squeeze %dma_wait3A_462 : memref<1x640x64xf32, #tpu.memory_space<vmem>> -> memref<640x64xf32, #tpu.memory_space<vmem>>
    %dma_wait3A_464 = arith.constant 0 : i32
    %dma_wait3A_465 = arith.constant 0 : i32
    %dma_wait3A_466 = tpu.memref_slice %dma_wait3A_463[%dma_wait3A_464, %dma_wait3A_465] : memref<640x64xf32, #tpu.memory_space<vmem>> -> memref<128x64xf32, #tpu.memory_space<vmem>>
    %dma_wait3A_467 = arith.constant 0 : i32
    %dma_wait3A_468 = tpu.memref_slice %arg8[%dma_wait3A_458, %dma_wait3A_467] : memref<2x640xi32, #tpu.memory_space<vmem>> -> memref<1x640xi32, #tpu.memory_space<vmem>>
    %dma_wait3A_469 = tpu.memref_squeeze %dma_wait3A_468 : memref<1x640xi32, #tpu.memory_space<vmem>> -> memref<640xi32, #tpu.memory_space<vmem>>
    %dma_wait3A_470 = arith.constant 0 : i32
    %dma_wait3A_471 = tpu.memref_slice %dma_wait3A_469[%dma_wait3A_470] : memref<640xi32, #tpu.memory_space<vmem>> -> memref<128xi32, #tpu.memory_space<vmem>>
    %dma_wait3A_472 = arith.constant 0 : i32
    %dma_wait3A_473 = arith.constant 0 : i32
    %dma_wait3A_474 = tpu.memref_slice %arg5[%dma_wait3A_472, %dma_wait3A_473] : memref<1000000x64xf32, #tpu.memory_space<hbm>> -> memref<1000000x64xf32, #tpu.memory_space<hbm>>
    tpu.wait_indirect_dma semaphore(%arg12 : memref<!tpu.dma_semaphore, #tpu.memory_space<semaphore_mem>>) src(%dma_wait3A_474 : memref<1000000x64xf32, #tpu.memory_space<hbm>>) dst(%dma_wait3A_466 : memref<128x64xf32, #tpu.memory_space<vmem>>)
    %dma_wait3A_475 = arith.constant 0 : i32
    %dma_wait3A_476 = arith.constant 0 : i32
    %dma_wait3A_477 = arith.constant 0 : i32
    %dma_wait3A_478 = arith.constant 0 : i32
    %dma_wait3A_479 = tpu.memref_slice %arg10[%dma_wait3A_476, %dma_wait3A_477, %dma_wait3A_478] : memref<2x640x64xf32, #tpu.memory_space<vmem>> -> memref<1x640x64xf32, #tpu.memory_space<vmem>>
    %dma_wait3A_480 = tpu.memref_squeeze %dma_wait3A_479 : memref<1x640x64xf32, #tpu.memory_space<vmem>> -> memref<640x64xf32, #tpu.memory_space<vmem>>
    %dma_wait3A_481 = arith.constant 128 : i32
    %dma_wait3A_482 = arith.constant 0 : i32
    %dma_wait3A_483 = tpu.memref_slice %dma_wait3A_480[%dma_wait3A_481, %dma_wait3A_482] : memref<640x64xf32, #tpu.memory_space<vmem>> -> memref<128x64xf32, #tpu.memory_space<vmem>>
    %dma_wait3A_484 = arith.constant 0 : i32
    %dma_wait3A_485 = tpu.memref_slice %arg8[%dma_wait3A_475, %dma_wait3A_484] : memref<2x640xi32, #tpu.memory_space<vmem>> -> memref<1x640xi32, #tpu.memory_space<vmem>>
    %dma_wait3A_486 = tpu.memref_squeeze %dma_wait3A_485 : memref<1x640xi32, #tpu.memory_space<vmem>> -> memref<640xi32, #tpu.memory_space<vmem>>
    %dma_wait3A_487 = arith.constant 128 : i32
    %dma_wait3A_488 = tpu.memref_slice %dma_wait3A_486[%dma_wait3A_487] : memref<640xi32, #tpu.memory_space<vmem>> -> memref<128xi32, #tpu.memory_space<vmem>>
    %dma_wait3A_489 = arith.constant 0 : i32
    %dma_wait3A_490 = arith.constant 0 : i32
    %dma_wait3A_491 = tpu.memref_slice %arg5[%dma_wait3A_489, %dma_wait3A_490] : memref<1000000x64xf32, #tpu.memory_space<hbm>> -> memref<1000000x64xf32, #tpu.memory_space<hbm>>
    tpu.wait_indirect_dma semaphore(%arg12 : memref<!tpu.dma_semaphore, #tpu.memory_space<semaphore_mem>>) src(%dma_wait3A_491 : memref<1000000x64xf32, #tpu.memory_space<hbm>>) dst(%dma_wait3A_483 : memref<128x64xf32, #tpu.memory_space<vmem>>)
    %dma_wait3A_492 = arith.constant 0 : i32
    %dma_wait3A_493 = arith.constant 0 : i32
    %dma_wait3A_494 = arith.constant 0 : i32
    %dma_wait3A_495 = arith.constant 0 : i32
    %dma_wait3A_496 = tpu.memref_slice %arg10[%dma_wait3A_493, %dma_wait3A_494, %dma_wait3A_495] : memref<2x640x64xf32, #tpu.memory_space<vmem>> -> memref<1x640x64xf32, #tpu.memory_space<vmem>>
    %dma_wait3A_497 = tpu.memref_squeeze %dma_wait3A_496 : memref<1x640x64xf32, #tpu.memory_space<vmem>> -> memref<640x64xf32, #tpu.memory_space<vmem>>
    %dma_wait3A_498 = arith.constant 256 : i32
    %dma_wait3A_499 = arith.constant 0 : i32
    %dma_wait3A_500 = tpu.memref_slice %dma_wait3A_497[%dma_wait3A_498, %dma_wait3A_499] : memref<640x64xf32, #tpu.memory_space<vmem>> -> memref<128x64xf32, #tpu.memory_space<vmem>>
    %dma_wait3A_501 = arith.constant 0 : i32
    %dma_wait3A_502 = tpu.memref_slice %arg8[%dma_wait3A_492, %dma_wait3A_501] : memref<2x640xi32, #tpu.memory_space<vmem>> -> memref<1x640xi32, #tpu.memory_space<vmem>>
    %dma_wait3A_503 = tpu.memref_squeeze %dma_wait3A_502 : memref<1x640xi32, #tpu.memory_space<vmem>> -> memref<640xi32, #tpu.memory_space<vmem>>
    %dma_wait3A_504 = arith.constant 256 : i32
    %dma_wait3A_505 = tpu.memref_slice %dma_wait3A_503[%dma_wait3A_504] : memref<640xi32, #tpu.memory_space<vmem>> -> memref<128xi32, #tpu.memory_space<vmem>>
    %dma_wait3A_506 = arith.constant 0 : i32
    %dma_wait3A_507 = arith.constant 0 : i32
    %dma_wait3A_508 = tpu.memref_slice %arg5[%dma_wait3A_506, %dma_wait3A_507] : memref<1000000x64xf32, #tpu.memory_space<hbm>> -> memref<1000000x64xf32, #tpu.memory_space<hbm>>
    tpu.wait_indirect_dma semaphore(%arg12 : memref<!tpu.dma_semaphore, #tpu.memory_space<semaphore_mem>>) src(%dma_wait3A_508 : memref<1000000x64xf32, #tpu.memory_space<hbm>>) dst(%dma_wait3A_500 : memref<128x64xf32, #tpu.memory_space<vmem>>)
    %dma_wait3A_509 = arith.constant 0 : i32
    %dma_wait3A_510 = arith.constant 0 : i32
    %dma_wait3A_511 = arith.constant 0 : i32
    %dma_wait3A_512 = arith.constant 0 : i32
    %dma_wait3A_513 = tpu.memref_slice %arg10[%dma_wait3A_510, %dma_wait3A_511, %dma_wait3A_512] : memref<2x640x64xf32, #tpu.memory_space<vmem>> -> memref<1x640x64xf32, #tpu.memory_space<vmem>>
    %dma_wait3A_514 = tpu.memref_squeeze %dma_wait3A_513 : memref<1x640x64xf32, #tpu.memory_space<vmem>> -> memref<640x64xf32, #tpu.memory_space<vmem>>
    %dma_wait3A_515 = arith.constant 384 : i32
    %dma_wait3A_516 = arith.constant 0 : i32
    %dma_wait3A_517 = tpu.memref_slice %dma_wait3A_514[%dma_wait3A_515, %dma_wait3A_516] : memref<640x64xf32, #tpu.memory_space<vmem>> -> memref<128x64xf32, #tpu.memory_space<vmem>>
    %dma_wait3A_518 = arith.constant 0 : i32
    %dma_wait3A_519 = tpu.memref_slice %arg8[%dma_wait3A_509, %dma_wait3A_518] : memref<2x640xi32, #tpu.memory_space<vmem>> -> memref<1x640xi32, #tpu.memory_space<vmem>>
    %dma_wait3A_520 = tpu.memref_squeeze %dma_wait3A_519 : memref<1x640xi32, #tpu.memory_space<vmem>> -> memref<640xi32, #tpu.memory_space<vmem>>
    %dma_wait3A_521 = arith.constant 384 : i32
    %dma_wait3A_522 = tpu.memref_slice %dma_wait3A_520[%dma_wait3A_521] : memref<640xi32, #tpu.memory_space<vmem>> -> memref<128xi32, #tpu.memory_space<vmem>>
    %dma_wait3A_523 = arith.constant 0 : i32
    %dma_wait3A_524 = arith.constant 0 : i32
    %dma_wait3A_525 = tpu.memref_slice %arg5[%dma_wait3A_523, %dma_wait3A_524] : memref<1000000x64xf32, #tpu.memory_space<hbm>> -> memref<1000000x64xf32, #tpu.memory_space<hbm>>
    tpu.wait_indirect_dma semaphore(%arg12 : memref<!tpu.dma_semaphore, #tpu.memory_space<semaphore_mem>>) src(%dma_wait3A_525 : memref<1000000x64xf32, #tpu.memory_space<hbm>>) dst(%dma_wait3A_517 : memref<128x64xf32, #tpu.memory_space<vmem>>)
    %dma_wait3A_526 = arith.constant 0 : i32
    %dma_wait3A_527 = arith.constant 0 : i32
    %dma_wait3A_528 = arith.constant 0 : i32
    %dma_wait3A_529 = arith.constant 0 : i32
    %dma_wait3A_530 = tpu.memref_slice %arg10[%dma_wait3A_527, %dma_wait3A_528, %dma_wait3A_529] : memref<2x640x64xf32, #tpu.memory_space<vmem>> -> memref<1x640x64xf32, #tpu.memory_space<vmem>>
    %dma_wait3A_531 = tpu.memref_squeeze %dma_wait3A_530 : memref<1x640x64xf32, #tpu.memory_space<vmem>> -> memref<640x64xf32, #tpu.memory_space<vmem>>
    %dma_wait3A_532 = arith.constant 512 : i32
    %dma_wait3A_533 = arith.constant 0 : i32
    %dma_wait3A_534 = tpu.memref_slice %dma_wait3A_531[%dma_wait3A_532, %dma_wait3A_533] : memref<640x64xf32, #tpu.memory_space<vmem>> -> memref<128x64xf32, #tpu.memory_space<vmem>>
    %dma_wait3A_535 = arith.constant 0 : i32
    %dma_wait3A_536 = tpu.memref_slice %arg8[%dma_wait3A_526, %dma_wait3A_535] : memref<2x640xi32, #tpu.memory_space<vmem>> -> memref<1x640xi32, #tpu.memory_space<vmem>>
    %dma_wait3A_537 = tpu.memref_squeeze %dma_wait3A_536 : memref<1x640xi32, #tpu.memory_space<vmem>> -> memref<640xi32, #tpu.memory_space<vmem>>
    %dma_wait3A_538 = arith.constant 512 : i32
    %dma_wait3A_539 = tpu.memref_slice %dma_wait3A_537[%dma_wait3A_538] : memref<640xi32, #tpu.memory_space<vmem>> -> memref<128xi32, #tpu.memory_space<vmem>>
    %dma_wait3A_540 = arith.constant 0 : i32
    %dma_wait3A_541 = arith.constant 0 : i32
    %dma_wait3A_542 = tpu.memref_slice %arg5[%dma_wait3A_540, %dma_wait3A_541] : memref<1000000x64xf32, #tpu.memory_space<hbm>> -> memref<1000000x64xf32, #tpu.memory_space<hbm>>
    tpu.wait_indirect_dma semaphore(%arg12 : memref<!tpu.dma_semaphore, #tpu.memory_space<semaphore_mem>>) src(%dma_wait3A_542 : memref<1000000x64xf32, #tpu.memory_space<hbm>>) dst(%dma_wait3A_534 : memref<128x64xf32, #tpu.memory_space<vmem>>)
    %parallel_loop3A = arith.constant 0 : i32
    %parallel_loop3A_543 = arith.constant 128 : i32
    %parallel_loop3A_544 = arith.constant 1 : i32
    %parallel_loop3A_545 = arith.constant 0 : i32
    %parallel_loop3A_546 = arith.constant 0 : i32
    %parallel_loop3A_547 = arith.constant 0 : i32
    scf.for %parallel_loop3A_1871 = %parallel_loop3A to %parallel_loop3A_543 step %parallel_loop3A_544  : i32 {
      %parallel_loop3A_1872 = arith.constant 0 : i32
      %parallel_loop3A_1873 = arith.constant 0 : i32
      %parallel_loop3A_1874 = tpu.memref_slice %arg9[%parallel_loop3A_545, %parallel_loop3A_1872, %parallel_loop3A_1873] : memref<2x128x64xf32, #tpu.memory_space<vmem>> -> memref<1x128x64xf32, #tpu.memory_space<vmem>>
      %parallel_loop3A_1875 = tpu.memref_squeeze %parallel_loop3A_1874 : memref<1x128x64xf32, #tpu.memory_space<vmem>> -> memref<128x64xf32, #tpu.memory_space<vmem>>
      %parallel_loop3A_1876 = arith.index_cast %parallel_loop3A_1871 : i32 to index
      %parallel_loop3A_1877 = arith.constant 0 : index
      %parallel_loop3A_1878 = tpu.vector_load %parallel_loop3A_1875[%parallel_loop3A_1876, %parallel_loop3A_1877] {strides = array<i32>} : memref<128x64xf32, #tpu.memory_space<vmem>>, vector<16xf32>,
      %parallel_loop3A_1879 = arith.constant 0 : i32
      %parallel_loop3A_1880 = arith.constant 0 : i32
      %parallel_loop3A_1881 = tpu.memref_slice %arg9[%parallel_loop3A_545, %parallel_loop3A_1879, %parallel_loop3A_1880] : memref<2x128x64xf32, #tpu.memory_space<vmem>> -> memref<1x128x64xf32, #tpu.memory_space<vmem>>
      %parallel_loop3A_1882 = tpu.memref_squeeze %parallel_loop3A_1881 : memref<1x128x64xf32, #tpu.memory_space<vmem>> -> memref<128x64xf32, #tpu.memory_space<vmem>>
      %parallel_loop3A_1883 = arith.index_cast %parallel_loop3A_1871 : i32 to index
      %parallel_loop3A_1884 = arith.constant 16 : index
      %parallel_loop3A_1885 = tpu.vector_load %parallel_loop3A_1882[%parallel_loop3A_1883, %parallel_loop3A_1884] {strides = array<i32>} : memref<128x64xf32, #tpu.memory_space<vmem>>, vector<16xf32>,
      %parallel_loop3A_1886 = arith.constant 0 : i32
      %parallel_loop3A_1887 = arith.constant 0 : i32
      %parallel_loop3A_1888 = tpu.memref_slice %arg9[%parallel_loop3A_545, %parallel_loop3A_1886, %parallel_loop3A_1887] : memref<2x128x64xf32, #tpu.memory_space<vmem>> -> memref<1x128x64xf32, #tpu.memory_space<vmem>>
      %parallel_loop3A_1889 = tpu.memref_squeeze %parallel_loop3A_1888 : memref<1x128x64xf32, #tpu.memory_space<vmem>> -> memref<128x64xf32, #tpu.memory_space<vmem>>
      %parallel_loop3A_1890 = arith.index_cast %parallel_loop3A_1871 : i32 to index
      %parallel_loop3A_1891 = arith.constant 32 : index
      %parallel_loop3A_1892 = tpu.vector_load %parallel_loop3A_1889[%parallel_loop3A_1890, %parallel_loop3A_1891] {strides = array<i32>} : memref<128x64xf32, #tpu.memory_space<vmem>>, vector<16xf32>,
      %parallel_loop3A_1893 = arith.constant 0 : i32
      %parallel_loop3A_1894 = arith.constant 0 : i32
      %parallel_loop3A_1895 = tpu.memref_slice %arg9[%parallel_loop3A_545, %parallel_loop3A_1893, %parallel_loop3A_1894] : memref<2x128x64xf32, #tpu.memory_space<vmem>> -> memref<1x128x64xf32, #tpu.memory_space<vmem>>
      %parallel_loop3A_1896 = tpu.memref_squeeze %parallel_loop3A_1895 : memref<1x128x64xf32, #tpu.memory_space<vmem>> -> memref<128x64xf32, #tpu.memory_space<vmem>>
      %parallel_loop3A_1897 = arith.index_cast %parallel_loop3A_1871 : i32 to index
      %parallel_loop3A_1898 = arith.constant 48 : index
      %parallel_loop3A_1899 = tpu.vector_load %parallel_loop3A_1896[%parallel_loop3A_1897, %parallel_loop3A_1898] {strides = array<i32>} : memref<128x64xf32, #tpu.memory_space<vmem>>, vector<16xf32>,
      %parallel_loop3A_1900 = arith.constant 5 : i32
      %parallel_loop3A_1901 = arith.muli %parallel_loop3A_1871, %parallel_loop3A_1900 : i32
      %parallel_loop3A_1902 = arith.constant 0 : i32
      %parallel_loop3A_1903 = arith.addi %parallel_loop3A_1901, %parallel_loop3A_1902 : i32
      %parallel_loop3A_1904 = arith.constant 0 : i32
      %parallel_loop3A_1905 = arith.constant 0 : i32
      %parallel_loop3A_1906 = tpu.memref_slice %arg10[%parallel_loop3A_546, %parallel_loop3A_1904, %parallel_loop3A_1905] : memref<2x640x64xf32, #tpu.memory_space<vmem>> -> memref<1x640x64xf32, #tpu.memory_space<vmem>>
      %parallel_loop3A_1907 = tpu.memref_squeeze %parallel_loop3A_1906 : memref<1x640x64xf32, #tpu.memory_space<vmem>> -> memref<640x64xf32, #tpu.memory_space<vmem>>
      %parallel_loop3A_1908 = arith.index_cast %parallel_loop3A_1903 : i32 to index
      %parallel_loop3A_1909 = arith.constant 0 : index
      %parallel_loop3A_1910 = tpu.vector_load %parallel_loop3A_1907[%parallel_loop3A_1908, %parallel_loop3A_1909] {strides = array<i32>} : memref<640x64xf32, #tpu.memory_space<vmem>>, vector<16xf32>,
      %parallel_loop3A_1911 = arith.mulf %parallel_loop3A_1878, %parallel_loop3A_1910 : vector<16xf32>
      %parallel_loop3A_1912 = arith.constant 0 : i32
      %parallel_loop3A_1913 = arith.constant 0 : i32
      %parallel_loop3A_1914 = tpu.memref_slice %arg10[%parallel_loop3A_546, %parallel_loop3A_1912, %parallel_loop3A_1913] : memref<2x640x64xf32, #tpu.memory_space<vmem>> -> memref<1x640x64xf32, #tpu.memory_space<vmem>>
      %parallel_loop3A_1915 = tpu.memref_squeeze %parallel_loop3A_1914 : memref<1x640x64xf32, #tpu.memory_space<vmem>> -> memref<640x64xf32, #tpu.memory_space<vmem>>
      %parallel_loop3A_1916 = arith.index_cast %parallel_loop3A_1903 : i32 to index
      %parallel_loop3A_1917 = arith.constant 16 : index
      %parallel_loop3A_1918 = tpu.vector_load %parallel_loop3A_1915[%parallel_loop3A_1916, %parallel_loop3A_1917] {strides = array<i32>} : memref<640x64xf32, #tpu.memory_space<vmem>>, vector<16xf32>,
      %parallel_loop3A_1919 = arith.mulf %parallel_loop3A_1885, %parallel_loop3A_1918 : vector<16xf32>
      %parallel_loop3A_1920 = arith.addf %parallel_loop3A_1911, %parallel_loop3A_1919 : vector<16xf32>
      %parallel_loop3A_1921 = arith.constant 0 : i32
      %parallel_loop3A_1922 = arith.constant 0 : i32
      %parallel_loop3A_1923 = tpu.memref_slice %arg10[%parallel_loop3A_546, %parallel_loop3A_1921, %parallel_loop3A_1922] : memref<2x640x64xf32, #tpu.memory_space<vmem>> -> memref<1x640x64xf32, #tpu.memory_space<vmem>>
      %parallel_loop3A_1924 = tpu.memref_squeeze %parallel_loop3A_1923 : memref<1x640x64xf32, #tpu.memory_space<vmem>> -> memref<640x64xf32, #tpu.memory_space<vmem>>
      %parallel_loop3A_1925 = arith.index_cast %parallel_loop3A_1903 : i32 to index
      %parallel_loop3A_1926 = arith.constant 32 : index
      %parallel_loop3A_1927 = tpu.vector_load %parallel_loop3A_1924[%parallel_loop3A_1925, %parallel_loop3A_1926] {strides = array<i32>} : memref<640x64xf32, #tpu.memory_space<vmem>>, vector<16xf32>,
      %parallel_loop3A_1928 = arith.mulf %parallel_loop3A_1892, %parallel_loop3A_1927 : vector<16xf32>
      %parallel_loop3A_1929 = arith.addf %parallel_loop3A_1920, %parallel_loop3A_1928 : vector<16xf32>
      %parallel_loop3A_1930 = arith.constant 0 : i32
      %parallel_loop3A_1931 = arith.constant 0 : i32
      %parallel_loop3A_1932 = tpu.memref_slice %arg10[%parallel_loop3A_546, %parallel_loop3A_1930, %parallel_loop3A_1931] : memref<2x640x64xf32, #tpu.memory_space<vmem>> -> memref<1x640x64xf32, #tpu.memory_space<vmem>>
      %parallel_loop3A_1933 = tpu.memref_squeeze %parallel_loop3A_1932 : memref<1x640x64xf32, #tpu.memory_space<vmem>> -> memref<640x64xf32, #tpu.memory_space<vmem>>
      %parallel_loop3A_1934 = arith.index_cast %parallel_loop3A_1903 : i32 to index
      %parallel_loop3A_1935 = arith.constant 48 : index
      %parallel_loop3A_1936 = tpu.vector_load %parallel_loop3A_1933[%parallel_loop3A_1934, %parallel_loop3A_1935] {strides = array<i32>} : memref<640x64xf32, #tpu.memory_space<vmem>>, vector<16xf32>,
      %parallel_loop3A_1937 = arith.mulf %parallel_loop3A_1899, %parallel_loop3A_1936 : vector<16xf32>
      %parallel_loop3A_1938 = arith.addf %parallel_loop3A_1929, %parallel_loop3A_1937 : vector<16xf32>
      %parallel_loop3A_1939 = vector.broadcast %parallel_loop3A_1903 : i32 to vector<16xi32>
      %parallel_loop3A_1940 = arith.constant 0 : i32
      %parallel_loop3A_1941 = tpu.memref_slice %arg11[%parallel_loop3A_547, %parallel_loop3A_1940] : memref<2x640xf32, #tpu.memory_space<vmem>> -> memref<1x640xf32, #tpu.memory_space<vmem>>
      %parallel_loop3A_1942 = tpu.memref_squeeze %parallel_loop3A_1941 : memref<1x640xf32, #tpu.memory_space<vmem>> -> memref<640xf32, #tpu.memory_space<vmem>>
      tpu.vector_store_idx %parallel_loop3A_1942[%parallel_loop3A_1939], %parallel_loop3A_1938 {add = true} : memref<640xf32, #tpu.memory_space<vmem>>[vector<16xi32>], vector<16xf32>,
      %parallel_loop3A_1943 = arith.constant 5 : i32
      %parallel_loop3A_1944 = arith.muli %parallel_loop3A_1871, %parallel_loop3A_1943 : i32
      %parallel_loop3A_1945 = arith.constant 1 : i32
      %parallel_loop3A_1946 = arith.addi %parallel_loop3A_1944, %parallel_loop3A_1945 : i32
      %parallel_loop3A_1947 = arith.constant 0 : i32
      %parallel_loop3A_1948 = arith.constant 0 : i32
      %parallel_loop3A_1949 = tpu.memref_slice %arg10[%parallel_loop3A_546, %parallel_loop3A_1947, %parallel_loop3A_1948] : memref<2x640x64xf32, #tpu.memory_space<vmem>> -> memref<1x640x64xf32, #tpu.memory_space<vmem>>
      %parallel_loop3A_1950 = tpu.memref_squeeze %parallel_loop3A_1949 : memref<1x640x64xf32, #tpu.memory_space<vmem>> -> memref<640x64xf32, #tpu.memory_space<vmem>>
      %parallel_loop3A_1951 = arith.index_cast %parallel_loop3A_1946 : i32 to index
      %parallel_loop3A_1952 = arith.constant 0 : index
      %parallel_loop3A_1953 = tpu.vector_load %parallel_loop3A_1950[%parallel_loop3A_1951, %parallel_loop3A_1952] {strides = array<i32>} : memref<640x64xf32, #tpu.memory_space<vmem>>, vector<16xf32>,
      %parallel_loop3A_1954 = arith.mulf %parallel_loop3A_1878, %parallel_loop3A_1953 : vector<16xf32>
      %parallel_loop3A_1955 = arith.constant 0 : i32
      %parallel_loop3A_1956 = arith.constant 0 : i32
      %parallel_loop3A_1957 = tpu.memref_slice %arg10[%parallel_loop3A_546, %parallel_loop3A_1955, %parallel_loop3A_1956] : memref<2x640x64xf32, #tpu.memory_space<vmem>> -> memref<1x640x64xf32, #tpu.memory_space<vmem>>
      %parallel_loop3A_1958 = tpu.memref_squeeze %parallel_loop3A_1957 : memref<1x640x64xf32, #tpu.memory_space<vmem>> -> memref<640x64xf32, #tpu.memory_space<vmem>>
      %parallel_loop3A_1959 = arith.index_cast %parallel_loop3A_1946 : i32 to index
      %parallel_loop3A_1960 = arith.constant 16 : index
      %parallel_loop3A_1961 = tpu.vector_load %parallel_loop3A_1958[%parallel_loop3A_1959, %parallel_loop3A_1960] {strides = array<i32>} : memref<640x64xf32, #tpu.memory_space<vmem>>, vector<16xf32>,
      %parallel_loop3A_1962 = arith.mulf %parallel_loop3A_1885, %parallel_loop3A_1961 : vector<16xf32>
      %parallel_loop3A_1963 = arith.addf %parallel_loop3A_1954, %parallel_loop3A_1962 : vector<16xf32>
      %parallel_loop3A_1964 = arith.constant 0 : i32
      %parallel_loop3A_1965 = arith.constant 0 : i32
      %parallel_loop3A_1966 = tpu.memref_slice %arg10[%parallel_loop3A_546, %parallel_loop3A_1964, %parallel_loop3A_1965] : memref<2x640x64xf32, #tpu.memory_space<vmem>> -> memref<1x640x64xf32, #tpu.memory_space<vmem>>
      %parallel_loop3A_1967 = tpu.memref_squeeze %parallel_loop3A_1966 : memref<1x640x64xf32, #tpu.memory_space<vmem>> -> memref<640x64xf32, #tpu.memory_space<vmem>>
      %parallel_loop3A_1968 = arith.index_cast %parallel_loop3A_1946 : i32 to index
      %parallel_loop3A_1969 = arith.constant 32 : index
      %parallel_loop3A_1970 = tpu.vector_load %parallel_loop3A_1967[%parallel_loop3A_1968, %parallel_loop3A_1969] {strides = array<i32>} : memref<640x64xf32, #tpu.memory_space<vmem>>, vector<16xf32>,
      %parallel_loop3A_1971 = arith.mulf %parallel_loop3A_1892, %parallel_loop3A_1970 : vector<16xf32>
      %parallel_loop3A_1972 = arith.addf %parallel_loop3A_1963, %parallel_loop3A_1971 : vector<16xf32>
      %parallel_loop3A_1973 = arith.constant 0 : i32
      %parallel_loop3A_1974 = arith.constant 0 : i32
      %parallel_loop3A_1975 = tpu.memref_slice %arg10[%parallel_loop3A_546, %parallel_loop3A_1973, %parallel_loop3A_1974] : memref<2x640x64xf32, #tpu.memory_space<vmem>> -> memref<1x640x64xf32, #tpu.memory_space<vmem>>
      %parallel_loop3A_1976 = tpu.memref_squeeze %parallel_loop3A_1975 : memref<1x640x64xf32, #tpu.memory_space<vmem>> -> memref<640x64xf32, #tpu.memory_space<vmem>>
      %parallel_loop3A_1977 = arith.index_cast %parallel_loop3A_1946 : i32 to index
      %parallel_loop3A_1978 = arith.constant 48 : index
      %parallel_loop3A_1979 = tpu.vector_load %parallel_loop3A_1976[%parallel_loop3A_1977, %parallel_loop3A_1978] {strides = array<i32>} : memref<640x64xf32, #tpu.memory_space<vmem>>, vector<16xf32>,
      %parallel_loop3A_1980 = arith.mulf %parallel_loop3A_1899, %parallel_loop3A_1979 : vector<16xf32>
      %parallel_loop3A_1981 = arith.addf %parallel_loop3A_1972, %parallel_loop3A_1980 : vector<16xf32>
      %parallel_loop3A_1982 = vector.broadcast %parallel_loop3A_1946 : i32 to vector<16xi32>
      %parallel_loop3A_1983 = arith.constant 0 : i32
      %parallel_loop3A_1984 = tpu.memref_slice %arg11[%parallel_loop3A_547, %parallel_loop3A_1983] : memref<2x640xf32, #tpu.memory_space<vmem>> -> memref<1x640xf32, #tpu.memory_space<vmem>>
      %parallel_loop3A_1985 = tpu.memref_squeeze %parallel_loop3A_1984 : memref<1x640xf32, #tpu.memory_space<vmem>> -> memref<640xf32, #tpu.memory_space<vmem>>
      tpu.vector_store_idx %parallel_loop3A_1985[%parallel_loop3A_1982], %parallel_loop3A_1981 {add = true} : memref<640xf32, #tpu.memory_space<vmem>>[vector<16xi32>], vector<16xf32>,
      %parallel_loop3A_1986 = arith.constant 5 : i32
      %parallel_loop3A_1987 = arith.muli %parallel_loop3A_1871, %parallel_loop3A_1986 : i32
      %parallel_loop3A_1988 = arith.constant 2 : i32
      %parallel_loop3A_1989 = arith.addi %parallel_loop3A_1987, %parallel_loop3A_1988 : i32
      %parallel_loop3A_1990 = arith.constant 0 : i32
      %parallel_loop3A_1991 = arith.constant 0 : i32
      %parallel_loop3A_1992 = tpu.memref_slice %arg10[%parallel_loop3A_546, %parallel_loop3A_1990, %parallel_loop3A_1991] : memref<2x640x64xf32, #tpu.memory_space<vmem>> -> memref<1x640x64xf32, #tpu.memory_space<vmem>>
      %parallel_loop3A_1993 = tpu.memref_squeeze %parallel_loop3A_1992 : memref<1x640x64xf32, #tpu.memory_space<vmem>> -> memref<640x64xf32, #tpu.memory_space<vmem>>
      %parallel_loop3A_1994 = arith.index_cast %parallel_loop3A_1989 : i32 to index
      %parallel_loop3A_1995 = arith.constant 0 : index
      %parallel_loop3A_1996 = tpu.vector_load %parallel_loop3A_1993[%parallel_loop3A_1994, %parallel_loop3A_1995] {strides = array<i32>} : memref<640x64xf32, #tpu.memory_space<vmem>>, vector<16xf32>,
      %parallel_loop3A_1997 = arith.mulf %parallel_loop3A_1878, %parallel_loop3A_1996 : vector<16xf32>
      %parallel_loop3A_1998 = arith.constant 0 : i32
      %parallel_loop3A_1999 = arith.constant 0 : i32
      %parallel_loop3A_2000 = tpu.memref_slice %arg10[%parallel_loop3A_546, %parallel_loop3A_1998, %parallel_loop3A_1999] : memref<2x640x64xf32, #tpu.memory_space<vmem>> -> memref<1x640x64xf32, #tpu.memory_space<vmem>>
      %parallel_loop3A_2001 = tpu.memref_squeeze %parallel_loop3A_2000 : memref<1x640x64xf32, #tpu.memory_space<vmem>> -> memref<640x64xf32, #tpu.memory_space<vmem>>
      %parallel_loop3A_2002 = arith.index_cast %parallel_loop3A_1989 : i32 to index
      %parallel_loop3A_2003 = arith.constant 16 : index
      %parallel_loop3A_2004 = tpu.vector_load %parallel_loop3A_2001[%parallel_loop3A_2002, %parallel_loop3A_2003] {strides = array<i32>} : memref<640x64xf32, #tpu.memory_space<vmem>>, vector<16xf32>,
      %parallel_loop3A_2005 = arith.mulf %parallel_loop3A_1885, %parallel_loop3A_2004 : vector<16xf32>
      %parallel_loop3A_2006 = arith.addf %parallel_loop3A_1997, %parallel_loop3A_2005 : vector<16xf32>
      %parallel_loop3A_2007 = arith.constant 0 : i32
      %parallel_loop3A_2008 = arith.constant 0 : i32
      %parallel_loop3A_2009 = tpu.memref_slice %arg10[%parallel_loop3A_546, %parallel_loop3A_2007, %parallel_loop3A_2008] : memref<2x640x64xf32, #tpu.memory_space<vmem>> -> memref<1x640x64xf32, #tpu.memory_space<vmem>>
      %parallel_loop3A_2010 = tpu.memref_squeeze %parallel_loop3A_2009 : memref<1x640x64xf32, #tpu.memory_space<vmem>> -> memref<640x64xf32, #tpu.memory_space<vmem>>
      %parallel_loop3A_2011 = arith.index_cast %parallel_loop3A_1989 : i32 to index
      %parallel_loop3A_2012 = arith.constant 32 : index
      %parallel_loop3A_2013 = tpu.vector_load %parallel_loop3A_2010[%parallel_loop3A_2011, %parallel_loop3A_2012] {strides = array<i32>} : memref<640x64xf32, #tpu.memory_space<vmem>>, vector<16xf32>,
      %parallel_loop3A_2014 = arith.mulf %parallel_loop3A_1892, %parallel_loop3A_2013 : vector<16xf32>
      %parallel_loop3A_2015 = arith.addf %parallel_loop3A_2006, %parallel_loop3A_2014 : vector<16xf32>
      %parallel_loop3A_2016 = arith.constant 0 : i32
      %parallel_loop3A_2017 = arith.constant 0 : i32
      %parallel_loop3A_2018 = tpu.memref_slice %arg10[%parallel_loop3A_546, %parallel_loop3A_2016, %parallel_loop3A_2017] : memref<2x640x64xf32, #tpu.memory_space<vmem>> -> memref<1x640x64xf32, #tpu.memory_space<vmem>>
      %parallel_loop3A_2019 = tpu.memref_squeeze %parallel_loop3A_2018 : memref<1x640x64xf32, #tpu.memory_space<vmem>> -> memref<640x64xf32, #tpu.memory_space<vmem>>
      %parallel_loop3A_2020 = arith.index_cast %parallel_loop3A_1989 : i32 to index
      %parallel_loop3A_2021 = arith.constant 48 : index
      %parallel_loop3A_2022 = tpu.vector_load %parallel_loop3A_2019[%parallel_loop3A_2020, %parallel_loop3A_2021] {strides = array<i32>} : memref<640x64xf32, #tpu.memory_space<vmem>>, vector<16xf32>,
      %parallel_loop3A_2023 = arith.mulf %parallel_loop3A_1899, %parallel_loop3A_2022 : vector<16xf32>
      %parallel_loop3A_2024 = arith.addf %parallel_loop3A_2015, %parallel_loop3A_2023 : vector<16xf32>
      %parallel_loop3A_2025 = vector.broadcast %parallel_loop3A_1989 : i32 to vector<16xi32>
      %parallel_loop3A_2026 = arith.constant 0 : i32
      %parallel_loop3A_2027 = tpu.memref_slice %arg11[%parallel_loop3A_547, %parallel_loop3A_2026] : memref<2x640xf32, #tpu.memory_space<vmem>> -> memref<1x640xf32, #tpu.memory_space<vmem>>
      %parallel_loop3A_2028 = tpu.memref_squeeze %parallel_loop3A_2027 : memref<1x640xf32, #tpu.memory_space<vmem>> -> memref<640xf32, #tpu.memory_space<vmem>>
      tpu.vector_store_idx %parallel_loop3A_2028[%parallel_loop3A_2025], %parallel_loop3A_2024 {add = true} : memref<640xf32, #tpu.memory_space<vmem>>[vector<16xi32>], vector<16xf32>,
      %parallel_loop3A_2029 = arith.constant 5 : i32
      %parallel_loop3A_2030 = arith.muli %parallel_loop3A_1871, %parallel_loop3A_2029 : i32
      %parallel_loop3A_2031 = arith.constant 3 : i32
      %parallel_loop3A_2032 = arith.addi %parallel_loop3A_2030, %parallel_loop3A_2031 : i32
      %parallel_loop3A_2033 = arith.constant 0 : i32
      %parallel_loop3A_2034 = arith.constant 0 : i32
      %parallel_loop3A_2035 = tpu.memref_slice %arg10[%parallel_loop3A_546, %parallel_loop3A_2033, %parallel_loop3A_2034] : memref<2x640x64xf32, #tpu.memory_space<vmem>> -> memref<1x640x64xf32, #tpu.memory_space<vmem>>
      %parallel_loop3A_2036 = tpu.memref_squeeze %parallel_loop3A_2035 : memref<1x640x64xf32, #tpu.memory_space<vmem>> -> memref<640x64xf32, #tpu.memory_space<vmem>>
      %parallel_loop3A_2037 = arith.index_cast %parallel_loop3A_2032 : i32 to index
      %parallel_loop3A_2038 = arith.constant 0 : index
      %parallel_loop3A_2039 = tpu.vector_load %parallel_loop3A_2036[%parallel_loop3A_2037, %parallel_loop3A_2038] {strides = array<i32>} : memref<640x64xf32, #tpu.memory_space<vmem>>, vector<16xf32>,
      %parallel_loop3A_2040 = arith.mulf %parallel_loop3A_1878, %parallel_loop3A_2039 : vector<16xf32>
      %parallel_loop3A_2041 = arith.constant 0 : i32
      %parallel_loop3A_2042 = arith.constant 0 : i32
      %parallel_loop3A_2043 = tpu.memref_slice %arg10[%parallel_loop3A_546, %parallel_loop3A_2041, %parallel_loop3A_2042] : memref<2x640x64xf32, #tpu.memory_space<vmem>> -> memref<1x640x64xf32, #tpu.memory_space<vmem>>
      %parallel_loop3A_2044 = tpu.memref_squeeze %parallel_loop3A_2043 : memref<1x640x64xf32, #tpu.memory_space<vmem>> -> memref<640x64xf32, #tpu.memory_space<vmem>>
      %parallel_loop3A_2045 = arith.index_cast %parallel_loop3A_2032 : i32 to index
      %parallel_loop3A_2046 = arith.constant 16 : index
      %parallel_loop3A_2047 = tpu.vector_load %parallel_loop3A_2044[%parallel_loop3A_2045, %parallel_loop3A_2046] {strides = array<i32>} : memref<640x64xf32, #tpu.memory_space<vmem>>, vector<16xf32>,
      %parallel_loop3A_2048 = arith.mulf %parallel_loop3A_1885, %parallel_loop3A_2047 : vector<16xf32>
      %parallel_loop3A_2049 = arith.addf %parallel_loop3A_2040, %parallel_loop3A_2048 : vector<16xf32>
      %parallel_loop3A_2050 = arith.constant 0 : i32
      %parallel_loop3A_2051 = arith.constant 0 : i32
      %parallel_loop3A_2052 = tpu.memref_slice %arg10[%parallel_loop3A_546, %parallel_loop3A_2050, %parallel_loop3A_2051] : memref<2x640x64xf32, #tpu.memory_space<vmem>> -> memref<1x640x64xf32, #tpu.memory_space<vmem>>
      %parallel_loop3A_2053 = tpu.memref_squeeze %parallel_loop3A_2052 : memref<1x640x64xf32, #tpu.memory_space<vmem>> -> memref<640x64xf32, #tpu.memory_space<vmem>>
      %parallel_loop3A_2054 = arith.index_cast %parallel_loop3A_2032 : i32 to index
      %parallel_loop3A_2055 = arith.constant 32 : index
      %parallel_loop3A_2056 = tpu.vector_load %parallel_loop3A_2053[%parallel_loop3A_2054, %parallel_loop3A_2055] {strides = array<i32>} : memref<640x64xf32, #tpu.memory_space<vmem>>, vector<16xf32>,
      %parallel_loop3A_2057 = arith.mulf %parallel_loop3A_1892, %parallel_loop3A_2056 : vector<16xf32>
      %parallel_loop3A_2058 = arith.addf %parallel_loop3A_2049, %parallel_loop3A_2057 : vector<16xf32>
      %parallel_loop3A_2059 = arith.constant 0 : i32
      %parallel_loop3A_2060 = arith.constant 0 : i32
      %parallel_loop3A_2061 = tpu.memref_slice %arg10[%parallel_loop3A_546, %parallel_loop3A_2059, %parallel_loop3A_2060] : memref<2x640x64xf32, #tpu.memory_space<vmem>> -> memref<1x640x64xf32, #tpu.memory_space<vmem>>
      %parallel_loop3A_2062 = tpu.memref_squeeze %parallel_loop3A_2061 : memref<1x640x64xf32, #tpu.memory_space<vmem>> -> memref<640x64xf32, #tpu.memory_space<vmem>>
      %parallel_loop3A_2063 = arith.index_cast %parallel_loop3A_2032 : i32 to index
      %parallel_loop3A_2064 = arith.constant 48 : index
      %parallel_loop3A_2065 = tpu.vector_load %parallel_loop3A_2062[%parallel_loop3A_2063, %parallel_loop3A_2064] {strides = array<i32>} : memref<640x64xf32, #tpu.memory_space<vmem>>, vector<16xf32>,
      %parallel_loop3A_2066 = arith.mulf %parallel_loop3A_1899, %parallel_loop3A_2065 : vector<16xf32>
      %parallel_loop3A_2067 = arith.addf %parallel_loop3A_2058, %parallel_loop3A_2066 : vector<16xf32>
      %parallel_loop3A_2068 = vector.broadcast %parallel_loop3A_2032 : i32 to vector<16xi32>
      %parallel_loop3A_2069 = arith.constant 0 : i32
      %parallel_loop3A_2070 = tpu.memref_slice %arg11[%parallel_loop3A_547, %parallel_loop3A_2069] : memref<2x640xf32, #tpu.memory_space<vmem>> -> memref<1x640xf32, #tpu.memory_space<vmem>>
      %parallel_loop3A_2071 = tpu.memref_squeeze %parallel_loop3A_2070 : memref<1x640xf32, #tpu.memory_space<vmem>> -> memref<640xf32, #tpu.memory_space<vmem>>
      tpu.vector_store_idx %parallel_loop3A_2071[%parallel_loop3A_2068], %parallel_loop3A_2067 {add = true} : memref<640xf32, #tpu.memory_space<vmem>>[vector<16xi32>], vector<16xf32>,
      %parallel_loop3A_2072 = arith.constant 5 : i32
      %parallel_loop3A_2073 = arith.muli %parallel_loop3A_1871, %parallel_loop3A_2072 : i32
      %parallel_loop3A_2074 = arith.constant 4 : i32
      %parallel_loop3A_2075 = arith.addi %parallel_loop3A_2073, %parallel_loop3A_2074 : i32
      %parallel_loop3A_2076 = arith.constant 0 : i32
      %parallel_loop3A_2077 = arith.constant 0 : i32
      %parallel_loop3A_2078 = tpu.memref_slice %arg10[%parallel_loop3A_546, %parallel_loop3A_2076, %parallel_loop3A_2077] : memref<2x640x64xf32, #tpu.memory_space<vmem>> -> memref<1x640x64xf32, #tpu.memory_space<vmem>>
      %parallel_loop3A_2079 = tpu.memref_squeeze %parallel_loop3A_2078 : memref<1x640x64xf32, #tpu.memory_space<vmem>> -> memref<640x64xf32, #tpu.memory_space<vmem>>
      %parallel_loop3A_2080 = arith.index_cast %parallel_loop3A_2075 : i32 to index
      %parallel_loop3A_2081 = arith.constant 0 : index
      %parallel_loop3A_2082 = tpu.vector_load %parallel_loop3A_2079[%parallel_loop3A_2080, %parallel_loop3A_2081] {strides = array<i32>} : memref<640x64xf32, #tpu.memory_space<vmem>>, vector<16xf32>,
      %parallel_loop3A_2083 = arith.mulf %parallel_loop3A_1878, %parallel_loop3A_2082 : vector<16xf32>
      %parallel_loop3A_2084 = arith.constant 0 : i32
      %parallel_loop3A_2085 = arith.constant 0 : i32
      %parallel_loop3A_2086 = tpu.memref_slice %arg10[%parallel_loop3A_546, %parallel_loop3A_2084, %parallel_loop3A_2085] : memref<2x640x64xf32, #tpu.memory_space<vmem>> -> memref<1x640x64xf32, #tpu.memory_space<vmem>>
      %parallel_loop3A_2087 = tpu.memref_squeeze %parallel_loop3A_2086 : memref<1x640x64xf32, #tpu.memory_space<vmem>> -> memref<640x64xf32, #tpu.memory_space<vmem>>
      %parallel_loop3A_2088 = arith.index_cast %parallel_loop3A_2075 : i32 to index
      %parallel_loop3A_2089 = arith.constant 16 : index
      %parallel_loop3A_2090 = tpu.vector_load %parallel_loop3A_2087[%parallel_loop3A_2088, %parallel_loop3A_2089] {strides = array<i32>} : memref<640x64xf32, #tpu.memory_space<vmem>>, vector<16xf32>,
      %parallel_loop3A_2091 = arith.mulf %parallel_loop3A_1885, %parallel_loop3A_2090 : vector<16xf32>
      %parallel_loop3A_2092 = arith.addf %parallel_loop3A_2083, %parallel_loop3A_2091 : vector<16xf32>
      %parallel_loop3A_2093 = arith.constant 0 : i32
      %parallel_loop3A_2094 = arith.constant 0 : i32
      %parallel_loop3A_2095 = tpu.memref_slice %arg10[%parallel_loop3A_546, %parallel_loop3A_2093, %parallel_loop3A_2094] : memref<2x640x64xf32, #tpu.memory_space<vmem>> -> memref<1x640x64xf32, #tpu.memory_space<vmem>>
      %parallel_loop3A_2096 = tpu.memref_squeeze %parallel_loop3A_2095 : memref<1x640x64xf32, #tpu.memory_space<vmem>> -> memref<640x64xf32, #tpu.memory_space<vmem>>
      %parallel_loop3A_2097 = arith.index_cast %parallel_loop3A_2075 : i32 to index
      %parallel_loop3A_2098 = arith.constant 32 : index
      %parallel_loop3A_2099 = tpu.vector_load %parallel_loop3A_2096[%parallel_loop3A_2097, %parallel_loop3A_2098] {strides = array<i32>} : memref<640x64xf32, #tpu.memory_space<vmem>>, vector<16xf32>,
      %parallel_loop3A_2100 = arith.mulf %parallel_loop3A_1892, %parallel_loop3A_2099 : vector<16xf32>
      %parallel_loop3A_2101 = arith.addf %parallel_loop3A_2092, %parallel_loop3A_2100 : vector<16xf32>
      %parallel_loop3A_2102 = arith.constant 0 : i32
      %parallel_loop3A_2103 = arith.constant 0 : i32
      %parallel_loop3A_2104 = tpu.memref_slice %arg10[%parallel_loop3A_546, %parallel_loop3A_2102, %parallel_loop3A_2103] : memref<2x640x64xf32, #tpu.memory_space<vmem>> -> memref<1x640x64xf32, #tpu.memory_space<vmem>>
      %parallel_loop3A_2105 = tpu.memref_squeeze %parallel_loop3A_2104 : memref<1x640x64xf32, #tpu.memory_space<vmem>> -> memref<640x64xf32, #tpu.memory_space<vmem>>
      %parallel_loop3A_2106 = arith.index_cast %parallel_loop3A_2075 : i32 to index
      %parallel_loop3A_2107 = arith.constant 48 : index
      %parallel_loop3A_2108 = tpu.vector_load %parallel_loop3A_2105[%parallel_loop3A_2106, %parallel_loop3A_2107] {strides = array<i32>} : memref<640x64xf32, #tpu.memory_space<vmem>>, vector<16xf32>,
      %parallel_loop3A_2109 = arith.mulf %parallel_loop3A_1899, %parallel_loop3A_2108 : vector<16xf32>
      %parallel_loop3A_2110 = arith.addf %parallel_loop3A_2101, %parallel_loop3A_2109 : vector<16xf32>
      %parallel_loop3A_2111 = vector.broadcast %parallel_loop3A_2075 : i32 to vector<16xi32>
      %parallel_loop3A_2112 = arith.constant 0 : i32
      %parallel_loop3A_2113 = tpu.memref_slice %arg11[%parallel_loop3A_547, %parallel_loop3A_2112] : memref<2x640xf32, #tpu.memory_space<vmem>> -> memref<1x640xf32, #tpu.memory_space<vmem>>
      %parallel_loop3A_2114 = tpu.memref_squeeze %parallel_loop3A_2113 : memref<1x640xf32, #tpu.memory_space<vmem>> -> memref<640xf32, #tpu.memory_space<vmem>>
      tpu.vector_store_idx %parallel_loop3A_2114[%parallel_loop3A_2111], %parallel_loop3A_2110 {add = true} : memref<640xf32, #tpu.memory_space<vmem>>[vector<16xi32>], vector<16xf32>,
    } {sc.loop_unroll_factor = 1 : i64, sc.parallel_access}
    %add3A_548 = arith.constant 0 : i32
    %add3A_549 = arith.addi %mul3A_2, %add3A_548 : i32
    %mul3A_550 = arith.constant 5 : i32
    %mul3A_551 = arith.muli %add3A_549, %mul3A_550 : i32
    %dma_start3A_552 = arith.constant 0 : i32
    %dma_start3A_553 = arith.constant 0 : i32
    %dma_start3A_554 = tpu.memref_slice %arg11[%dma_start3A_552, %dma_start3A_553] : memref<2x640xf32, #tpu.memory_space<vmem>> -> memref<1x640xf32, #tpu.memory_space<vmem>>
    %dma_start3A_555 = tpu.memref_squeeze %dma_start3A_554 : memref<1x640xf32, #tpu.memory_space<vmem>> -> memref<640xf32, #tpu.memory_space<vmem>>
    %dma_start3A_556 = tpu.memref_slice %arg6[%mul3A_551] : memref<81920xf32, #tpu.memory_space<hbm>> -> memref<640xf32, #tpu.memory_space<hbm>>
    %dma_start3A_557 = tpu.memref_slice %arg6[%mul3A_551] : memref<81920xf32, #tpu.memory_space<hbm>> -> memref<640xf32, #tpu.memory_space<hbm>>
    %dma_start3A_558 = arith.constant 0 : i32
    %dma_start3A_559 = tpu.memref_slice %arg11[%dma_start3A_552, %dma_start3A_558] : memref<2x640xf32, #tpu.memory_space<vmem>> -> memref<1x640xf32, #tpu.memory_space<vmem>>
    %dma_start3A_560 = tpu.memref_squeeze %dma_start3A_559 : memref<1x640xf32, #tpu.memory_space<vmem>> -> memref<640xf32, #tpu.memory_space<vmem>>
    tpu.enqueue_dma source(%dma_start3A_560 : memref<640xf32, #tpu.memory_space<vmem>>) target(%dma_start3A_557 : memref<640xf32, #tpu.memory_space<hbm>>) target_semaphore(%arg14 : memref<!tpu.dma_semaphore, #tpu.memory_space<semaphore_mem>>)
    %add3A_561 = arith.constant 256 : i32
    %add3A_562 = arith.addi %mul3A_2, %add3A_561 : i32
    %run_scoped3A_563 = arith.constant 0 : i32
    "tpu.region"() ({
      %run_scoped3A_1871 = tpu.sem_alloc : memref<!tpu.dma_semaphore, #tpu.memory_space<semaphore_mem>>
      %dma_start3A_1872 = arith.constant 0 : i32
      %dma_start3A_1873 = tpu.memref_slice %arg7[%run_scoped3A_563, %dma_start3A_1872] : memref<2x128xi32, #tpu.memory_space<vmem>> -> memref<1x128xi32, #tpu.memory_space<vmem>>
      %dma_start3A_1874 = tpu.memref_squeeze %dma_start3A_1873 : memref<1x128xi32, #tpu.memory_space<vmem>> -> memref<128xi32, #tpu.memory_space<vmem>>
      %dma_start3A_1875 = tpu.memref_slice %arg2[%add3A_562] : memref<16384xi32, #tpu.memory_space<hbm>> -> memref<128xi32, #tpu.memory_space<hbm>>
      %dma_start3A_1876 = arith.constant 0 : i32
      %dma_start3A_1877 = tpu.memref_slice %arg7[%run_scoped3A_563, %dma_start3A_1876] : memref<2x128xi32, #tpu.memory_space<vmem>> -> memref<1x128xi32, #tpu.memory_space<vmem>>
      %dma_start3A_1878 = tpu.memref_squeeze %dma_start3A_1877 : memref<1x128xi32, #tpu.memory_space<vmem>> -> memref<128xi32, #tpu.memory_space<vmem>>
      %dma_start3A_1879 = tpu.memref_slice %arg2[%add3A_562] : memref<16384xi32, #tpu.memory_space<hbm>> -> memref<128xi32, #tpu.memory_space<hbm>>
      tpu.enqueue_dma source(%dma_start3A_1879 : memref<128xi32, #tpu.memory_space<hbm>>) target(%dma_start3A_1878 : memref<128xi32, #tpu.memory_space<vmem>>) target_semaphore(%run_scoped3A_1871 : memref<!tpu.dma_semaphore, #tpu.memory_space<semaphore_mem>>)
      %dma_wait3A_1880 = arith.constant 0 : i32
      %dma_wait3A_1881 = tpu.memref_slice %arg7[%run_scoped3A_563, %dma_wait3A_1880] : memref<2x128xi32, #tpu.memory_space<vmem>> -> memref<1x128xi32, #tpu.memory_space<vmem>>
      %dma_wait3A_1882 = tpu.memref_squeeze %dma_wait3A_1881 : memref<1x128xi32, #tpu.memory_space<vmem>> -> memref<128xi32, #tpu.memory_space<vmem>>
      %dma_wait3A_1883 = tpu.memref_slice %arg2[%add3A_562] : memref<16384xi32, #tpu.memory_space<hbm>> -> memref<128xi32, #tpu.memory_space<hbm>>
      %dma_wait3A_1884 = arith.constant 0 : i32
      %dma_wait3A_1885 = tpu.memref_slice %arg7[%run_scoped3A_563, %dma_wait3A_1884] : memref<2x128xi32, #tpu.memory_space<vmem>> -> memref<1x128xi32, #tpu.memory_space<vmem>>
      %dma_wait3A_1886 = tpu.memref_squeeze %dma_wait3A_1885 : memref<1x128xi32, #tpu.memory_space<vmem>> -> memref<128xi32, #tpu.memory_space<vmem>>
      %dma_wait3A_1887 = tpu.memref_slice %arg2[%add3A_562] : memref<16384xi32, #tpu.memory_space<hbm>> -> memref<128xi32, #tpu.memory_space<hbm>>
      tpu.wait_dma2 semaphore(%run_scoped3A_1871 : memref<!tpu.dma_semaphore, #tpu.memory_space<semaphore_mem>>) src(%dma_wait3A_1887 : memref<128xi32, #tpu.memory_space<hbm>>) dst(%dma_wait3A_1886 : memref<128xi32, #tpu.memory_space<vmem>>)
      tpu.yield
    }) : () -> ()
    %mul3A_564 = arith.constant 5 : i32
    %mul3A_565 = arith.muli %add3A_562, %mul3A_564 : i32
    %run_scoped3A_566 = arith.constant 0 : i32
    "tpu.region"() ({
      %run_scoped3A_1871 = tpu.sem_alloc : memref<!tpu.dma_semaphore, #tpu.memory_space<semaphore_mem>>
      %dma_start3A_1872 = arith.constant 0 : i32
      %dma_start3A_1873 = tpu.memref_slice %arg8[%run_scoped3A_566, %dma_start3A_1872] : memref<2x640xi32, #tpu.memory_space<vmem>> -> memref<1x640xi32, #tpu.memory_space<vmem>>
      %dma_start3A_1874 = tpu.memref_squeeze %dma_start3A_1873 : memref<1x640xi32, #tpu.memory_space<vmem>> -> memref<640xi32, #tpu.memory_space<vmem>>
      %dma_start3A_1875 = tpu.memref_slice %arg3[%mul3A_565] : memref<81920xi32, #tpu.memory_space<hbm>> -> memref<640xi32, #tpu.memory_space<hbm>>
      %dma_start3A_1876 = arith.constant 0 : i32
      %dma_start3A_1877 = tpu.memref_slice %arg8[%run_scoped3A_566, %dma_start3A_1876] : memref<2x640xi32, #tpu.memory_space<vmem>> -> memref<1x640xi32, #tpu.memory_space<vmem>>
      %dma_start3A_1878 = tpu.memref_squeeze %dma_start3A_1877 : memref<1x640xi32, #tpu.memory_space<vmem>> -> memref<640xi32, #tpu.memory_space<vmem>>
      %dma_start3A_1879 = tpu.memref_slice %arg3[%mul3A_565] : memref<81920xi32, #tpu.memory_space<hbm>> -> memref<640xi32, #tpu.memory_space<hbm>>
      tpu.enqueue_dma source(%dma_start3A_1879 : memref<640xi32, #tpu.memory_space<hbm>>) target(%dma_start3A_1878 : memref<640xi32, #tpu.memory_space<vmem>>) target_semaphore(%run_scoped3A_1871 : memref<!tpu.dma_semaphore, #tpu.memory_space<semaphore_mem>>)
      %dma_wait3A_1880 = arith.constant 0 : i32
      %dma_wait3A_1881 = tpu.memref_slice %arg8[%run_scoped3A_566, %dma_wait3A_1880] : memref<2x640xi32, #tpu.memory_space<vmem>> -> memref<1x640xi32, #tpu.memory_space<vmem>>
      %dma_wait3A_1882 = tpu.memref_squeeze %dma_wait3A_1881 : memref<1x640xi32, #tpu.memory_space<vmem>> -> memref<640xi32, #tpu.memory_space<vmem>>
      %dma_wait3A_1883 = tpu.memref_slice %arg3[%mul3A_565] : memref<81920xi32, #tpu.memory_space<hbm>> -> memref<640xi32, #tpu.memory_space<hbm>>
      %dma_wait3A_1884 = arith.constant 0 : i32
      %dma_wait3A_1885 = tpu.memref_slice %arg8[%run_scoped3A_566, %dma_wait3A_1884] : memref<2x640xi32, #tpu.memory_space<vmem>> -> memref<1x640xi32, #tpu.memory_space<vmem>>
      %dma_wait3A_1886 = tpu.memref_squeeze %dma_wait3A_1885 : memref<1x640xi32, #tpu.memory_space<vmem>> -> memref<640xi32, #tpu.memory_space<vmem>>
      %dma_wait3A_1887 = tpu.memref_slice %arg3[%mul3A_565] : memref<81920xi32, #tpu.memory_space<hbm>> -> memref<640xi32, #tpu.memory_space<hbm>>
      tpu.wait_dma2 semaphore(%run_scoped3A_1871 : memref<!tpu.dma_semaphore, #tpu.memory_space<semaphore_mem>>) src(%dma_wait3A_1887 : memref<640xi32, #tpu.memory_space<hbm>>) dst(%dma_wait3A_1886 : memref<640xi32, #tpu.memory_space<vmem>>)
      tpu.yield
    }) : () -> ()
    %dma_start3A_567 = arith.constant 0 : i32
    %dma_start3A_568 = arith.constant 0 : i32
    %dma_start3A_569 = arith.constant 0 : i32
    %dma_start3A_570 = arith.constant 0 : i32
    %dma_start3A_571 = tpu.memref_slice %arg9[%dma_start3A_568, %dma_start3A_569, %dma_start3A_570] : memref<2x128x64xf32, #tpu.memory_space<vmem>> -> memref<1x128x64xf32, #tpu.memory_space<vmem>>
    %dma_start3A_572 = tpu.memref_squeeze %dma_start3A_571 : memref<1x128x64xf32, #tpu.memory_space<vmem>> -> memref<128x64xf32, #tpu.memory_space<vmem>>
    %dma_start3A_573 = arith.constant 0 : i32
    %dma_start3A_574 = tpu.memref_slice %arg7[%dma_start3A_567, %dma_start3A_573] : memref<2x128xi32, #tpu.memory_space<vmem>> -> memref<1x128xi32, #tpu.memory_space<vmem>>
    %dma_start3A_575 = tpu.memref_squeeze %dma_start3A_574 : memref<1x128xi32, #tpu.memory_space<vmem>> -> memref<128xi32, #tpu.memory_space<vmem>>
    %dma_start3A_576 = arith.constant 0 : i32
    %dma_start3A_577 = arith.constant 0 : i32
    %dma_start3A_578 = tpu.memref_slice %arg4[%dma_start3A_576, %dma_start3A_577] : memref<1000000x64xf32, #tpu.memory_space<hbm>> -> memref<1000000x64xf32, #tpu.memory_space<hbm>>
    tpu.enqueue_indirect_dma source(%dma_start3A_578 : memref<1000000x64xf32, #tpu.memory_space<hbm>>) target(%dma_start3A_572 : memref<128x64xf32, #tpu.memory_space<vmem>>) offsets(%dma_start3A_575 : memref<128xi32, #tpu.memory_space<vmem>>) semaphore(%arg12 : memref<!tpu.dma_semaphore, #tpu.memory_space<semaphore_mem>>)
    %dma_start3A_579 = arith.constant 0 : i32
    %dma_start3A_580 = arith.constant 0 : i32
    %dma_start3A_581 = arith.constant 0 : i32
    %dma_start3A_582 = arith.constant 0 : i32
    %dma_start3A_583 = tpu.memref_slice %arg10[%dma_start3A_580, %dma_start3A_581, %dma_start3A_582] : memref<2x640x64xf32, #tpu.memory_space<vmem>> -> memref<1x640x64xf32, #tpu.memory_space<vmem>>
    %dma_start3A_584 = tpu.memref_squeeze %dma_start3A_583 : memref<1x640x64xf32, #tpu.memory_space<vmem>> -> memref<640x64xf32, #tpu.memory_space<vmem>>
    %dma_start3A_585 = arith.constant 0 : i32
    %dma_start3A_586 = arith.constant 0 : i32
    %dma_start3A_587 = tpu.memref_slice %dma_start3A_584[%dma_start3A_585, %dma_start3A_586] : memref<640x64xf32, #tpu.memory_space<vmem>> -> memref<128x64xf32, #tpu.memory_space<vmem>>
    %dma_start3A_588 = arith.constant 0 : i32
    %dma_start3A_589 = tpu.memref_slice %arg8[%dma_start3A_579, %dma_start3A_588] : memref<2x640xi32, #tpu.memory_space<vmem>> -> memref<1x640xi32, #tpu.memory_space<vmem>>
    %dma_start3A_590 = tpu.memref_squeeze %dma_start3A_589 : memref<1x640xi32, #tpu.memory_space<vmem>> -> memref<640xi32, #tpu.memory_space<vmem>>
    %dma_start3A_591 = arith.constant 0 : i32
    %dma_start3A_592 = tpu.memref_slice %dma_start3A_590[%dma_start3A_591] : memref<640xi32, #tpu.memory_space<vmem>> -> memref<128xi32, #tpu.memory_space<vmem>>
    %dma_start3A_593 = arith.constant 0 : i32
    %dma_start3A_594 = arith.constant 0 : i32
    %dma_start3A_595 = tpu.memref_slice %arg5[%dma_start3A_593, %dma_start3A_594] : memref<1000000x64xf32, #tpu.memory_space<hbm>> -> memref<1000000x64xf32, #tpu.memory_space<hbm>>
    tpu.enqueue_indirect_dma source(%dma_start3A_595 : memref<1000000x64xf32, #tpu.memory_space<hbm>>) target(%dma_start3A_587 : memref<128x64xf32, #tpu.memory_space<vmem>>) offsets(%dma_start3A_592 : memref<128xi32, #tpu.memory_space<vmem>>) semaphore(%arg12 : memref<!tpu.dma_semaphore, #tpu.memory_space<semaphore_mem>>)
    %dma_start3A_596 = arith.constant 0 : i32
    %dma_start3A_597 = arith.constant 0 : i32
    %dma_start3A_598 = arith.constant 0 : i32
    %dma_start3A_599 = arith.constant 0 : i32
    %dma_start3A_600 = tpu.memref_slice %arg10[%dma_start3A_597, %dma_start3A_598, %dma_start3A_599] : memref<2x640x64xf32, #tpu.memory_space<vmem>> -> memref<1x640x64xf32, #tpu.memory_space<vmem>>
    %dma_start3A_601 = tpu.memref_squeeze %dma_start3A_600 : memref<1x640x64xf32, #tpu.memory_space<vmem>> -> memref<640x64xf32, #tpu.memory_space<vmem>>
    %dma_start3A_602 = arith.constant 128 : i32
    %dma_start3A_603 = arith.constant 0 : i32
    %dma_start3A_604 = tpu.memref_slice %dma_start3A_601[%dma_start3A_602, %dma_start3A_603] : memref<640x64xf32, #tpu.memory_space<vmem>> -> memref<128x64xf32, #tpu.memory_space<vmem>>
    %dma_start3A_605 = arith.constant 0 : i32
    %dma_start3A_606 = tpu.memref_slice %arg8[%dma_start3A_596, %dma_start3A_605] : memref<2x640xi32, #tpu.memory_space<vmem>> -> memref<1x640xi32, #tpu.memory_space<vmem>>
    %dma_start3A_607 = tpu.memref_squeeze %dma_start3A_606 : memref<1x640xi32, #tpu.memory_space<vmem>> -> memref<640xi32, #tpu.memory_space<vmem>>
    %dma_start3A_608 = arith.constant 128 : i32
    %dma_start3A_609 = tpu.memref_slice %dma_start3A_607[%dma_start3A_608] : memref<640xi32, #tpu.memory_space<vmem>> -> memref<128xi32, #tpu.memory_space<vmem>>
    %dma_start3A_610 = arith.constant 0 : i32
    %dma_start3A_611 = arith.constant 0 : i32
    %dma_start3A_612 = tpu.memref_slice %arg5[%dma_start3A_610, %dma_start3A_611] : memref<1000000x64xf32, #tpu.memory_space<hbm>> -> memref<1000000x64xf32, #tpu.memory_space<hbm>>
    tpu.enqueue_indirect_dma source(%dma_start3A_612 : memref<1000000x64xf32, #tpu.memory_space<hbm>>) target(%dma_start3A_604 : memref<128x64xf32, #tpu.memory_space<vmem>>) offsets(%dma_start3A_609 : memref<128xi32, #tpu.memory_space<vmem>>) semaphore(%arg12 : memref<!tpu.dma_semaphore, #tpu.memory_space<semaphore_mem>>)
    %dma_start3A_613 = arith.constant 0 : i32
    %dma_start3A_614 = arith.constant 0 : i32
    %dma_start3A_615 = arith.constant 0 : i32
    %dma_start3A_616 = arith.constant 0 : i32
    %dma_start3A_617 = tpu.memref_slice %arg10[%dma_start3A_614, %dma_start3A_615, %dma_start3A_616] : memref<2x640x64xf32, #tpu.memory_space<vmem>> -> memref<1x640x64xf32, #tpu.memory_space<vmem>>
    %dma_start3A_618 = tpu.memref_squeeze %dma_start3A_617 : memref<1x640x64xf32, #tpu.memory_space<vmem>> -> memref<640x64xf32, #tpu.memory_space<vmem>>
    %dma_start3A_619 = arith.constant 256 : i32
    %dma_start3A_620 = arith.constant 0 : i32
    %dma_start3A_621 = tpu.memref_slice %dma_start3A_618[%dma_start3A_619, %dma_start3A_620] : memref<640x64xf32, #tpu.memory_space<vmem>> -> memref<128x64xf32, #tpu.memory_space<vmem>>
    %dma_start3A_622 = arith.constant 0 : i32
    %dma_start3A_623 = tpu.memref_slice %arg8[%dma_start3A_613, %dma_start3A_622] : memref<2x640xi32, #tpu.memory_space<vmem>> -> memref<1x640xi32, #tpu.memory_space<vmem>>
    %dma_start3A_624 = tpu.memref_squeeze %dma_start3A_623 : memref<1x640xi32, #tpu.memory_space<vmem>> -> memref<640xi32, #tpu.memory_space<vmem>>
    %dma_start3A_625 = arith.constant 256 : i32
    %dma_start3A_626 = tpu.memref_slice %dma_start3A_624[%dma_start3A_625] : memref<640xi32, #tpu.memory_space<vmem>> -> memref<128xi32, #tpu.memory_space<vmem>>
    %dma_start3A_627 = arith.constant 0 : i32
    %dma_start3A_628 = arith.constant 0 : i32
    %dma_start3A_629 = tpu.memref_slice %arg5[%dma_start3A_627, %dma_start3A_628] : memref<1000000x64xf32, #tpu.memory_space<hbm>> -> memref<1000000x64xf32, #tpu.memory_space<hbm>>
    tpu.enqueue_indirect_dma source(%dma_start3A_629 : memref<1000000x64xf32, #tpu.memory_space<hbm>>) target(%dma_start3A_621 : memref<128x64xf32, #tpu.memory_space<vmem>>) offsets(%dma_start3A_626 : memref<128xi32, #tpu.memory_space<vmem>>) semaphore(%arg12 : memref<!tpu.dma_semaphore, #tpu.memory_space<semaphore_mem>>)
    %dma_start3A_630 = arith.constant 0 : i32
    %dma_start3A_631 = arith.constant 0 : i32
    %dma_start3A_632 = arith.constant 0 : i32
    %dma_start3A_633 = arith.constant 0 : i32
    %dma_start3A_634 = tpu.memref_slice %arg10[%dma_start3A_631, %dma_start3A_632, %dma_start3A_633] : memref<2x640x64xf32, #tpu.memory_space<vmem>> -> memref<1x640x64xf32, #tpu.memory_space<vmem>>
    %dma_start3A_635 = tpu.memref_squeeze %dma_start3A_634 : memref<1x640x64xf32, #tpu.memory_space<vmem>> -> memref<640x64xf32, #tpu.memory_space<vmem>>
    %dma_start3A_636 = arith.constant 384 : i32
    %dma_start3A_637 = arith.constant 0 : i32
    %dma_start3A_638 = tpu.memref_slice %dma_start3A_635[%dma_start3A_636, %dma_start3A_637] : memref<640x64xf32, #tpu.memory_space<vmem>> -> memref<128x64xf32, #tpu.memory_space<vmem>>
    %dma_start3A_639 = arith.constant 0 : i32
    %dma_start3A_640 = tpu.memref_slice %arg8[%dma_start3A_630, %dma_start3A_639] : memref<2x640xi32, #tpu.memory_space<vmem>> -> memref<1x640xi32, #tpu.memory_space<vmem>>
    %dma_start3A_641 = tpu.memref_squeeze %dma_start3A_640 : memref<1x640xi32, #tpu.memory_space<vmem>> -> memref<640xi32, #tpu.memory_space<vmem>>
    %dma_start3A_642 = arith.constant 384 : i32
    %dma_start3A_643 = tpu.memref_slice %dma_start3A_641[%dma_start3A_642] : memref<640xi32, #tpu.memory_space<vmem>> -> memref<128xi32, #tpu.memory_space<vmem>>
    %dma_start3A_644 = arith.constant 0 : i32
    %dma_start3A_645 = arith.constant 0 : i32
    %dma_start3A_646 = tpu.memref_slice %arg5[%dma_start3A_644, %dma_start3A_645] : memref<1000000x64xf32, #tpu.memory_space<hbm>> -> memref<1000000x64xf32, #tpu.memory_space<hbm>>
    tpu.enqueue_indirect_dma source(%dma_start3A_646 : memref<1000000x64xf32, #tpu.memory_space<hbm>>) target(%dma_start3A_638 : memref<128x64xf32, #tpu.memory_space<vmem>>) offsets(%dma_start3A_643 : memref<128xi32, #tpu.memory_space<vmem>>) semaphore(%arg12 : memref<!tpu.dma_semaphore, #tpu.memory_space<semaphore_mem>>)
    %dma_start3A_647 = arith.constant 0 : i32
    %dma_start3A_648 = arith.constant 0 : i32
    %dma_start3A_649 = arith.constant 0 : i32
    %dma_start3A_650 = arith.constant 0 : i32
    %dma_start3A_651 = tpu.memref_slice %arg10[%dma_start3A_648, %dma_start3A_649, %dma_start3A_650] : memref<2x640x64xf32, #tpu.memory_space<vmem>> -> memref<1x640x64xf32, #tpu.memory_space<vmem>>
    %dma_start3A_652 = tpu.memref_squeeze %dma_start3A_651 : memref<1x640x64xf32, #tpu.memory_space<vmem>> -> memref<640x64xf32, #tpu.memory_space<vmem>>
    %dma_start3A_653 = arith.constant 512 : i32
    %dma_start3A_654 = arith.constant 0 : i32
    %dma_start3A_655 = tpu.memref_slice %dma_start3A_652[%dma_start3A_653, %dma_start3A_654] : memref<640x64xf32, #tpu.memory_space<vmem>> -> memref<128x64xf32, #tpu.memory_space<vmem>>
    %dma_start3A_656 = arith.constant 0 : i32
    %dma_start3A_657 = tpu.memref_slice %arg8[%dma_start3A_647, %dma_start3A_656] : memref<2x640xi32, #tpu.memory_space<vmem>> -> memref<1x640xi32, #tpu.memory_space<vmem>>
    %dma_start3A_658 = tpu.memref_squeeze %dma_start3A_657 : memref<1x640xi32, #tpu.memory_space<vmem>> -> memref<640xi32, #tpu.memory_space<vmem>>
    %dma_start3A_659 = arith.constant 512 : i32
    %dma_start3A_660 = tpu.memref_slice %dma_start3A_658[%dma_start3A_659] : memref<640xi32, #tpu.memory_space<vmem>> -> memref<128xi32, #tpu.memory_space<vmem>>
    %dma_start3A_661 = arith.constant 0 : i32
    %dma_start3A_662 = arith.constant 0 : i32
    %dma_start3A_663 = tpu.memref_slice %arg5[%dma_start3A_661, %dma_start3A_662] : memref<1000000x64xf32, #tpu.memory_space<hbm>> -> memref<1000000x64xf32, #tpu.memory_space<hbm>>
    tpu.enqueue_indirect_dma source(%dma_start3A_663 : memref<1000000x64xf32, #tpu.memory_space<hbm>>) target(%dma_start3A_655 : memref<128x64xf32, #tpu.memory_space<vmem>>) offsets(%dma_start3A_660 : memref<128xi32, #tpu.memory_space<vmem>>) semaphore(%arg12 : memref<!tpu.dma_semaphore, #tpu.memory_space<semaphore_mem>>)
    %swap3A_664 = arith.constant 1 : i32
    %swap3A_665 = arith.constant 0 : i32
    %swap3A_666 = tpu.memref_slice %arg11[%swap3A_664, %swap3A_665] : memref<2x640xf32, #tpu.memory_space<vmem>> -> memref<1x640xf32, #tpu.memory_space<vmem>>
    %swap3A_667 = tpu.memref_squeeze %swap3A_666 : memref<1x640xf32, #tpu.memory_space<vmem>> -> memref<640xf32, #tpu.memory_space<vmem>>
    %swap3A_668 = arith.constant 0 : index
    %swap3A_669 = tpu.vector_load %swap3A_667[%swap3A_668] {strides = array<i32>} : memref<640xf32, #tpu.memory_space<vmem>>, vector<16xf32>,
    tpu.vector_store %swap3A_667[%swap3A_668], %broadcast_in_dim3A_3 {strides = array<i32>} : memref<640xf32, #tpu.memory_space<vmem>>, vector<16xf32>,
    %swap3A_670 = arith.constant 1 : i32
    %swap3A_671 = arith.constant 0 : i32
    %swap3A_672 = tpu.memref_slice %arg11[%swap3A_670, %swap3A_671] : memref<2x640xf32, #tpu.memory_space<vmem>> -> memref<1x640xf32, #tpu.memory_space<vmem>>
    %swap3A_673 = tpu.memref_squeeze %swap3A_672 : memref<1x640xf32, #tpu.memory_space<vmem>> -> memref<640xf32, #tpu.memory_space<vmem>>
    %swap3A_674 = arith.constant 16 : index
    %swap3A_675 = tpu.vector_load %swap3A_673[%swap3A_674] {strides = array<i32>} : memref<640xf32, #tpu.memory_space<vmem>>, vector<16xf32>,
    tpu.vector_store %swap3A_673[%swap3A_674], %broadcast_in_dim3A_3 {strides = array<i32>} : memref<640xf32, #tpu.memory_space<vmem>>, vector<16xf32>,
    %swap3A_676 = arith.constant 1 : i32
    %swap3A_677 = arith.constant 0 : i32
    %swap3A_678 = tpu.memref_slice %arg11[%swap3A_676, %swap3A_677] : memref<2x640xf32, #tpu.memory_space<vmem>> -> memref<1x640xf32, #tpu.memory_space<vmem>>
    %swap3A_679 = tpu.memref_squeeze %swap3A_678 : memref<1x640xf32, #tpu.memory_space<vmem>> -> memref<640xf32, #tpu.memory_space<vmem>>
    %swap3A_680 = arith.constant 32 : index
    %swap3A_681 = tpu.vector_load %swap3A_679[%swap3A_680] {strides = array<i32>} : memref<640xf32, #tpu.memory_space<vmem>>, vector<16xf32>,
    tpu.vector_store %swap3A_679[%swap3A_680], %broadcast_in_dim3A_3 {strides = array<i32>} : memref<640xf32, #tpu.memory_space<vmem>>, vector<16xf32>,
    %swap3A_682 = arith.constant 1 : i32
    %swap3A_683 = arith.constant 0 : i32
    %swap3A_684 = tpu.memref_slice %arg11[%swap3A_682, %swap3A_683] : memref<2x640xf32, #tpu.memory_space<vmem>> -> memref<1x640xf32, #tpu.memory_space<vmem>>
    %swap3A_685 = tpu.memref_squeeze %swap3A_684 : memref<1x640xf32, #tpu.memory_space<vmem>> -> memref<640xf32, #tpu.memory_space<vmem>>
    %swap3A_686 = arith.constant 48 : index
    %swap3A_687 = tpu.vector_load %swap3A_685[%swap3A_686] {strides = array<i32>} : memref<640xf32, #tpu.memory_space<vmem>>, vector<16xf32>,
    tpu.vector_store %swap3A_685[%swap3A_686], %broadcast_in_dim3A_3 {strides = array<i32>} : memref<640xf32, #tpu.memory_space<vmem>>, vector<16xf32>,
    %swap3A_688 = arith.constant 1 : i32
    %swap3A_689 = arith.constant 0 : i32
    %swap3A_690 = tpu.memref_slice %arg11[%swap3A_688, %swap3A_689] : memref<2x640xf32, #tpu.memory_space<vmem>> -> memref<1x640xf32, #tpu.memory_space<vmem>>
    %swap3A_691 = tpu.memref_squeeze %swap3A_690 : memref<1x640xf32, #tpu.memory_space<vmem>> -> memref<640xf32, #tpu.memory_space<vmem>>
    %swap3A_692 = arith.constant 64 : index
    %swap3A_693 = tpu.vector_load %swap3A_691[%swap3A_692] {strides = array<i32>} : memref<640xf32, #tpu.memory_space<vmem>>, vector<16xf32>,
    tpu.vector_store %swap3A_691[%swap3A_692], %broadcast_in_dim3A_3 {strides = array<i32>} : memref<640xf32, #tpu.memory_space<vmem>>, vector<16xf32>,
    %swap3A_694 = arith.constant 1 : i32
    %swap3A_695 = arith.constant 0 : i32
    %swap3A_696 = tpu.memref_slice %arg11[%swap3A_694, %swap3A_695] : memref<2x640xf32, #tpu.memory_space<vmem>> -> memref<1x640xf32, #tpu.memory_space<vmem>>
    %swap3A_697 = tpu.memref_squeeze %swap3A_696 : memref<1x640xf32, #tpu.memory_space<vmem>> -> memref<640xf32, #tpu.memory_space<vmem>>
    %swap3A_698 = arith.constant 80 : index
    %swap3A_699 = tpu.vector_load %swap3A_697[%swap3A_698] {strides = array<i32>} : memref<640xf32, #tpu.memory_space<vmem>>, vector<16xf32>,
    tpu.vector_store %swap3A_697[%swap3A_698], %broadcast_in_dim3A_3 {strides = array<i32>} : memref<640xf32, #tpu.memory_space<vmem>>, vector<16xf32>,
    %swap3A_700 = arith.constant 1 : i32
    %swap3A_701 = arith.constant 0 : i32
    %swap3A_702 = tpu.memref_slice %arg11[%swap3A_700, %swap3A_701] : memref<2x640xf32, #tpu.memory_space<vmem>> -> memref<1x640xf32, #tpu.memory_space<vmem>>
    %swap3A_703 = tpu.memref_squeeze %swap3A_702 : memref<1x640xf32, #tpu.memory_space<vmem>> -> memref<640xf32, #tpu.memory_space<vmem>>
    %swap3A_704 = arith.constant 96 : index
    %swap3A_705 = tpu.vector_load %swap3A_703[%swap3A_704] {strides = array<i32>} : memref<640xf32, #tpu.memory_space<vmem>>, vector<16xf32>,
    tpu.vector_store %swap3A_703[%swap3A_704], %broadcast_in_dim3A_3 {strides = array<i32>} : memref<640xf32, #tpu.memory_space<vmem>>, vector<16xf32>,
    %swap3A_706 = arith.constant 1 : i32
    %swap3A_707 = arith.constant 0 : i32
    %swap3A_708 = tpu.memref_slice %arg11[%swap3A_706, %swap3A_707] : memref<2x640xf32, #tpu.memory_space<vmem>> -> memref<1x640xf32, #tpu.memory_space<vmem>>
    %swap3A_709 = tpu.memref_squeeze %swap3A_708 : memref<1x640xf32, #tpu.memory_space<vmem>> -> memref<640xf32, #tpu.memory_space<vmem>>
    %swap3A_710 = arith.constant 112 : index
    %swap3A_711 = tpu.vector_load %swap3A_709[%swap3A_710] {strides = array<i32>} : memref<640xf32, #tpu.memory_space<vmem>>, vector<16xf32>,
    tpu.vector_store %swap3A_709[%swap3A_710], %broadcast_in_dim3A_3 {strides = array<i32>} : memref<640xf32, #tpu.memory_space<vmem>>, vector<16xf32>,
    %swap3A_712 = arith.constant 1 : i32
    %swap3A_713 = arith.constant 0 : i32
    %swap3A_714 = tpu.memref_slice %arg11[%swap3A_712, %swap3A_713] : memref<2x640xf32, #tpu.memory_space<vmem>> -> memref<1x640xf32, #tpu.memory_space<vmem>>
    %swap3A_715 = tpu.memref_squeeze %swap3A_714 : memref<1x640xf32, #tpu.memory_space<vmem>> -> memref<640xf32, #tpu.memory_space<vmem>>
    %swap3A_716 = arith.constant 128 : index
    %swap3A_717 = tpu.vector_load %swap3A_715[%swap3A_716] {strides = array<i32>} : memref<640xf32, #tpu.memory_space<vmem>>, vector<16xf32>,
    tpu.vector_store %swap3A_715[%swap3A_716], %broadcast_in_dim3A_3 {strides = array<i32>} : memref<640xf32, #tpu.memory_space<vmem>>, vector<16xf32>,
    %swap3A_718 = arith.constant 1 : i32
    %swap3A_719 = arith.constant 0 : i32
    %swap3A_720 = tpu.memref_slice %arg11[%swap3A_718, %swap3A_719] : memref<2x640xf32, #tpu.memory_space<vmem>> -> memref<1x640xf32, #tpu.memory_space<vmem>>
    %swap3A_721 = tpu.memref_squeeze %swap3A_720 : memref<1x640xf32, #tpu.memory_space<vmem>> -> memref<640xf32, #tpu.memory_space<vmem>>
    %swap3A_722 = arith.constant 144 : index
    %swap3A_723 = tpu.vector_load %swap3A_721[%swap3A_722] {strides = array<i32>} : memref<640xf32, #tpu.memory_space<vmem>>, vector<16xf32>,
    tpu.vector_store %swap3A_721[%swap3A_722], %broadcast_in_dim3A_3 {strides = array<i32>} : memref<640xf32, #tpu.memory_space<vmem>>, vector<16xf32>,
    %swap3A_724 = arith.constant 1 : i32
    %swap3A_725 = arith.constant 0 : i32
    %swap3A_726 = tpu.memref_slice %arg11[%swap3A_724, %swap3A_725] : memref<2x640xf32, #tpu.memory_space<vmem>> -> memref<1x640xf32, #tpu.memory_space<vmem>>
    %swap3A_727 = tpu.memref_squeeze %swap3A_726 : memref<1x640xf32, #tpu.memory_space<vmem>> -> memref<640xf32, #tpu.memory_space<vmem>>
    %swap3A_728 = arith.constant 160 : index
    %swap3A_729 = tpu.vector_load %swap3A_727[%swap3A_728] {strides = array<i32>} : memref<640xf32, #tpu.memory_space<vmem>>, vector<16xf32>,
    tpu.vector_store %swap3A_727[%swap3A_728], %broadcast_in_dim3A_3 {strides = array<i32>} : memref<640xf32, #tpu.memory_space<vmem>>, vector<16xf32>,
    %swap3A_730 = arith.constant 1 : i32
    %swap3A_731 = arith.constant 0 : i32
    %swap3A_732 = tpu.memref_slice %arg11[%swap3A_730, %swap3A_731] : memref<2x640xf32, #tpu.memory_space<vmem>> -> memref<1x640xf32, #tpu.memory_space<vmem>>
    %swap3A_733 = tpu.memref_squeeze %swap3A_732 : memref<1x640xf32, #tpu.memory_space<vmem>> -> memref<640xf32, #tpu.memory_space<vmem>>
    %swap3A_734 = arith.constant 176 : index
    %swap3A_735 = tpu.vector_load %swap3A_733[%swap3A_734] {strides = array<i32>} : memref<640xf32, #tpu.memory_space<vmem>>, vector<16xf32>,
    tpu.vector_store %swap3A_733[%swap3A_734], %broadcast_in_dim3A_3 {strides = array<i32>} : memref<640xf32, #tpu.memory_space<vmem>>, vector<16xf32>,
    %swap3A_736 = arith.constant 1 : i32
    %swap3A_737 = arith.constant 0 : i32
    %swap3A_738 = tpu.memref_slice %arg11[%swap3A_736, %swap3A_737] : memref<2x640xf32, #tpu.memory_space<vmem>> -> memref<1x640xf32, #tpu.memory_space<vmem>>
    %swap3A_739 = tpu.memref_squeeze %swap3A_738 : memref<1x640xf32, #tpu.memory_space<vmem>> -> memref<640xf32, #tpu.memory_space<vmem>>
    %swap3A_740 = arith.constant 192 : index
    %swap3A_741 = tpu.vector_load %swap3A_739[%swap3A_740] {strides = array<i32>} : memref<640xf32, #tpu.memory_space<vmem>>, vector<16xf32>,
    tpu.vector_store %swap3A_739[%swap3A_740], %broadcast_in_dim3A_3 {strides = array<i32>} : memref<640xf32, #tpu.memory_space<vmem>>, vector<16xf32>,
    %swap3A_742 = arith.constant 1 : i32
    %swap3A_743 = arith.constant 0 : i32
    %swap3A_744 = tpu.memref_slice %arg11[%swap3A_742, %swap3A_743] : memref<2x640xf32, #tpu.memory_space<vmem>> -> memref<1x640xf32, #tpu.memory_space<vmem>>
    %swap3A_745 = tpu.memref_squeeze %swap3A_744 : memref<1x640xf32, #tpu.memory_space<vmem>> -> memref<640xf32, #tpu.memory_space<vmem>>
    %swap3A_746 = arith.constant 208 : index
    %swap3A_747 = tpu.vector_load %swap3A_745[%swap3A_746] {strides = array<i32>} : memref<640xf32, #tpu.memory_space<vmem>>, vector<16xf32>,
    tpu.vector_store %swap3A_745[%swap3A_746], %broadcast_in_dim3A_3 {strides = array<i32>} : memref<640xf32, #tpu.memory_space<vmem>>, vector<16xf32>,
    %swap3A_748 = arith.constant 1 : i32
    %swap3A_749 = arith.constant 0 : i32
    %swap3A_750 = tpu.memref_slice %arg11[%swap3A_748, %swap3A_749] : memref<2x640xf32, #tpu.memory_space<vmem>> -> memref<1x640xf32, #tpu.memory_space<vmem>>
    %swap3A_751 = tpu.memref_squeeze %swap3A_750 : memref<1x640xf32, #tpu.memory_space<vmem>> -> memref<640xf32, #tpu.memory_space<vmem>>
    %swap3A_752 = arith.constant 224 : index
    %swap3A_753 = tpu.vector_load %swap3A_751[%swap3A_752] {strides = array<i32>} : memref<640xf32, #tpu.memory_space<vmem>>, vector<16xf32>,
    tpu.vector_store %swap3A_751[%swap3A_752], %broadcast_in_dim3A_3 {strides = array<i32>} : memref<640xf32, #tpu.memory_space<vmem>>, vector<16xf32>,
    %swap3A_754 = arith.constant 1 : i32
    %swap3A_755 = arith.constant 0 : i32
    %swap3A_756 = tpu.memref_slice %arg11[%swap3A_754, %swap3A_755] : memref<2x640xf32, #tpu.memory_space<vmem>> -> memref<1x640xf32, #tpu.memory_space<vmem>>
    %swap3A_757 = tpu.memref_squeeze %swap3A_756 : memref<1x640xf32, #tpu.memory_space<vmem>> -> memref<640xf32, #tpu.memory_space<vmem>>
    %swap3A_758 = arith.constant 240 : index
    %swap3A_759 = tpu.vector_load %swap3A_757[%swap3A_758] {strides = array<i32>} : memref<640xf32, #tpu.memory_space<vmem>>, vector<16xf32>,
    tpu.vector_store %swap3A_757[%swap3A_758], %broadcast_in_dim3A_3 {strides = array<i32>} : memref<640xf32, #tpu.memory_space<vmem>>, vector<16xf32>,
    %swap3A_760 = arith.constant 1 : i32
    %swap3A_761 = arith.constant 0 : i32
    %swap3A_762 = tpu.memref_slice %arg11[%swap3A_760, %swap3A_761] : memref<2x640xf32, #tpu.memory_space<vmem>> -> memref<1x640xf32, #tpu.memory_space<vmem>>
    %swap3A_763 = tpu.memref_squeeze %swap3A_762 : memref<1x640xf32, #tpu.memory_space<vmem>> -> memref<640xf32, #tpu.memory_space<vmem>>
    %swap3A_764 = arith.constant 256 : index
    %swap3A_765 = tpu.vector_load %swap3A_763[%swap3A_764] {strides = array<i32>} : memref<640xf32, #tpu.memory_space<vmem>>, vector<16xf32>,
    tpu.vector_store %swap3A_763[%swap3A_764], %broadcast_in_dim3A_3 {strides = array<i32>} : memref<640xf32, #tpu.memory_space<vmem>>, vector<16xf32>,
    %swap3A_766 = arith.constant 1 : i32
    %swap3A_767 = arith.constant 0 : i32
    %swap3A_768 = tpu.memref_slice %arg11[%swap3A_766, %swap3A_767] : memref<2x640xf32, #tpu.memory_space<vmem>> -> memref<1x640xf32, #tpu.memory_space<vmem>>
    %swap3A_769 = tpu.memref_squeeze %swap3A_768 : memref<1x640xf32, #tpu.memory_space<vmem>> -> memref<640xf32, #tpu.memory_space<vmem>>
    %swap3A_770 = arith.constant 272 : index
    %swap3A_771 = tpu.vector_load %swap3A_769[%swap3A_770] {strides = array<i32>} : memref<640xf32, #tpu.memory_space<vmem>>, vector<16xf32>,
    tpu.vector_store %swap3A_769[%swap3A_770], %broadcast_in_dim3A_3 {strides = array<i32>} : memref<640xf32, #tpu.memory_space<vmem>>, vector<16xf32>,
    %swap3A_772 = arith.constant 1 : i32
    %swap3A_773 = arith.constant 0 : i32
    %swap3A_774 = tpu.memref_slice %arg11[%swap3A_772, %swap3A_773] : memref<2x640xf32, #tpu.memory_space<vmem>> -> memref<1x640xf32, #tpu.memory_space<vmem>>
    %swap3A_775 = tpu.memref_squeeze %swap3A_774 : memref<1x640xf32, #tpu.memory_space<vmem>> -> memref<640xf32, #tpu.memory_space<vmem>>
    %swap3A_776 = arith.constant 288 : index
    %swap3A_777 = tpu.vector_load %swap3A_775[%swap3A_776] {strides = array<i32>} : memref<640xf32, #tpu.memory_space<vmem>>, vector<16xf32>,
    tpu.vector_store %swap3A_775[%swap3A_776], %broadcast_in_dim3A_3 {strides = array<i32>} : memref<640xf32, #tpu.memory_space<vmem>>, vector<16xf32>,
    %swap3A_778 = arith.constant 1 : i32
    %swap3A_779 = arith.constant 0 : i32
    %swap3A_780 = tpu.memref_slice %arg11[%swap3A_778, %swap3A_779] : memref<2x640xf32, #tpu.memory_space<vmem>> -> memref<1x640xf32, #tpu.memory_space<vmem>>
    %swap3A_781 = tpu.memref_squeeze %swap3A_780 : memref<1x640xf32, #tpu.memory_space<vmem>> -> memref<640xf32, #tpu.memory_space<vmem>>
    %swap3A_782 = arith.constant 304 : index
    %swap3A_783 = tpu.vector_load %swap3A_781[%swap3A_782] {strides = array<i32>} : memref<640xf32, #tpu.memory_space<vmem>>, vector<16xf32>,
    tpu.vector_store %swap3A_781[%swap3A_782], %broadcast_in_dim3A_3 {strides = array<i32>} : memref<640xf32, #tpu.memory_space<vmem>>, vector<16xf32>,
    %swap3A_784 = arith.constant 1 : i32
    %swap3A_785 = arith.constant 0 : i32
    %swap3A_786 = tpu.memref_slice %arg11[%swap3A_784, %swap3A_785] : memref<2x640xf32, #tpu.memory_space<vmem>> -> memref<1x640xf32, #tpu.memory_space<vmem>>
    %swap3A_787 = tpu.memref_squeeze %swap3A_786 : memref<1x640xf32, #tpu.memory_space<vmem>> -> memref<640xf32, #tpu.memory_space<vmem>>
    %swap3A_788 = arith.constant 320 : index
    %swap3A_789 = tpu.vector_load %swap3A_787[%swap3A_788] {strides = array<i32>} : memref<640xf32, #tpu.memory_space<vmem>>, vector<16xf32>,
    tpu.vector_store %swap3A_787[%swap3A_788], %broadcast_in_dim3A_3 {strides = array<i32>} : memref<640xf32, #tpu.memory_space<vmem>>, vector<16xf32>,
    %swap3A_790 = arith.constant 1 : i32
    %swap3A_791 = arith.constant 0 : i32
    %swap3A_792 = tpu.memref_slice %arg11[%swap3A_790, %swap3A_791] : memref<2x640xf32, #tpu.memory_space<vmem>> -> memref<1x640xf32, #tpu.memory_space<vmem>>
    %swap3A_793 = tpu.memref_squeeze %swap3A_792 : memref<1x640xf32, #tpu.memory_space<vmem>> -> memref<640xf32, #tpu.memory_space<vmem>>
    %swap3A_794 = arith.constant 336 : index
    %swap3A_795 = tpu.vector_load %swap3A_793[%swap3A_794] {strides = array<i32>} : memref<640xf32, #tpu.memory_space<vmem>>, vector<16xf32>,
    tpu.vector_store %swap3A_793[%swap3A_794], %broadcast_in_dim3A_3 {strides = array<i32>} : memref<640xf32, #tpu.memory_space<vmem>>, vector<16xf32>,
    %swap3A_796 = arith.constant 1 : i32
    %swap3A_797 = arith.constant 0 : i32
    %swap3A_798 = tpu.memref_slice %arg11[%swap3A_796, %swap3A_797] : memref<2x640xf32, #tpu.memory_space<vmem>> -> memref<1x640xf32, #tpu.memory_space<vmem>>
    %swap3A_799 = tpu.memref_squeeze %swap3A_798 : memref<1x640xf32, #tpu.memory_space<vmem>> -> memref<640xf32, #tpu.memory_space<vmem>>
    %swap3A_800 = arith.constant 352 : index
    %swap3A_801 = tpu.vector_load %swap3A_799[%swap3A_800] {strides = array<i32>} : memref<640xf32, #tpu.memory_space<vmem>>, vector<16xf32>,
    tpu.vector_store %swap3A_799[%swap3A_800], %broadcast_in_dim3A_3 {strides = array<i32>} : memref<640xf32, #tpu.memory_space<vmem>>, vector<16xf32>,
    %swap3A_802 = arith.constant 1 : i32
    %swap3A_803 = arith.constant 0 : i32
    %swap3A_804 = tpu.memref_slice %arg11[%swap3A_802, %swap3A_803] : memref<2x640xf32, #tpu.memory_space<vmem>> -> memref<1x640xf32, #tpu.memory_space<vmem>>
    %swap3A_805 = tpu.memref_squeeze %swap3A_804 : memref<1x640xf32, #tpu.memory_space<vmem>> -> memref<640xf32, #tpu.memory_space<vmem>>
    %swap3A_806 = arith.constant 368 : index
    %swap3A_807 = tpu.vector_load %swap3A_805[%swap3A_806] {strides = array<i32>} : memref<640xf32, #tpu.memory_space<vmem>>, vector<16xf32>,
    tpu.vector_store %swap3A_805[%swap3A_806], %broadcast_in_dim3A_3 {strides = array<i32>} : memref<640xf32, #tpu.memory_space<vmem>>, vector<16xf32>,
    %swap3A_808 = arith.constant 1 : i32
    %swap3A_809 = arith.constant 0 : i32
    %swap3A_810 = tpu.memref_slice %arg11[%swap3A_808, %swap3A_809] : memref<2x640xf32, #tpu.memory_space<vmem>> -> memref<1x640xf32, #tpu.memory_space<vmem>>
    %swap3A_811 = tpu.memref_squeeze %swap3A_810 : memref<1x640xf32, #tpu.memory_space<vmem>> -> memref<640xf32, #tpu.memory_space<vmem>>
    %swap3A_812 = arith.constant 384 : index
    %swap3A_813 = tpu.vector_load %swap3A_811[%swap3A_812] {strides = array<i32>} : memref<640xf32, #tpu.memory_space<vmem>>, vector<16xf32>,
    tpu.vector_store %swap3A_811[%swap3A_812], %broadcast_in_dim3A_3 {strides = array<i32>} : memref<640xf32, #tpu.memory_space<vmem>>, vector<16xf32>,
    %swap3A_814 = arith.constant 1 : i32
    %swap3A_815 = arith.constant 0 : i32
    %swap3A_816 = tpu.memref_slice %arg11[%swap3A_814, %swap3A_815] : memref<2x640xf32, #tpu.memory_space<vmem>> -> memref<1x640xf32, #tpu.memory_space<vmem>>
    %swap3A_817 = tpu.memref_squeeze %swap3A_816 : memref<1x640xf32, #tpu.memory_space<vmem>> -> memref<640xf32, #tpu.memory_space<vmem>>
    %swap3A_818 = arith.constant 400 : index
    %swap3A_819 = tpu.vector_load %swap3A_817[%swap3A_818] {strides = array<i32>} : memref<640xf32, #tpu.memory_space<vmem>>, vector<16xf32>,
    tpu.vector_store %swap3A_817[%swap3A_818], %broadcast_in_dim3A_3 {strides = array<i32>} : memref<640xf32, #tpu.memory_space<vmem>>, vector<16xf32>,
    %swap3A_820 = arith.constant 1 : i32
    %swap3A_821 = arith.constant 0 : i32
    %swap3A_822 = tpu.memref_slice %arg11[%swap3A_820, %swap3A_821] : memref<2x640xf32, #tpu.memory_space<vmem>> -> memref<1x640xf32, #tpu.memory_space<vmem>>
    %swap3A_823 = tpu.memref_squeeze %swap3A_822 : memref<1x640xf32, #tpu.memory_space<vmem>> -> memref<640xf32, #tpu.memory_space<vmem>>
    %swap3A_824 = arith.constant 416 : index
    %swap3A_825 = tpu.vector_load %swap3A_823[%swap3A_824] {strides = array<i32>} : memref<640xf32, #tpu.memory_space<vmem>>, vector<16xf32>,
    tpu.vector_store %swap3A_823[%swap3A_824], %broadcast_in_dim3A_3 {strides = array<i32>} : memref<640xf32, #tpu.memory_space<vmem>>, vector<16xf32>,
    %swap3A_826 = arith.constant 1 : i32
    %swap3A_827 = arith.constant 0 : i32
    %swap3A_828 = tpu.memref_slice %arg11[%swap3A_826, %swap3A_827] : memref<2x640xf32, #tpu.memory_space<vmem>> -> memref<1x640xf32, #tpu.memory_space<vmem>>
    %swap3A_829 = tpu.memref_squeeze %swap3A_828 : memref<1x640xf32, #tpu.memory_space<vmem>> -> memref<640xf32, #tpu.memory_space<vmem>>
    %swap3A_830 = arith.constant 432 : index
    %swap3A_831 = tpu.vector_load %swap3A_829[%swap3A_830] {strides = array<i32>} : memref<640xf32, #tpu.memory_space<vmem>>, vector<16xf32>,
    tpu.vector_store %swap3A_829[%swap3A_830], %broadcast_in_dim3A_3 {strides = array<i32>} : memref<640xf32, #tpu.memory_space<vmem>>, vector<16xf32>,
    %swap3A_832 = arith.constant 1 : i32
    %swap3A_833 = arith.constant 0 : i32
    %swap3A_834 = tpu.memref_slice %arg11[%swap3A_832, %swap3A_833] : memref<2x640xf32, #tpu.memory_space<vmem>> -> memref<1x640xf32, #tpu.memory_space<vmem>>
    %swap3A_835 = tpu.memref_squeeze %swap3A_834 : memref<1x640xf32, #tpu.memory_space<vmem>> -> memref<640xf32, #tpu.memory_space<vmem>>
    %swap3A_836 = arith.constant 448 : index
    %swap3A_837 = tpu.vector_load %swap3A_835[%swap3A_836] {strides = array<i32>} : memref<640xf32, #tpu.memory_space<vmem>>, vector<16xf32>,
    tpu.vector_store %swap3A_835[%swap3A_836], %broadcast_in_dim3A_3 {strides = array<i32>} : memref<640xf32, #tpu.memory_space<vmem>>, vector<16xf32>,
    %swap3A_838 = arith.constant 1 : i32
    %swap3A_839 = arith.constant 0 : i32
    %swap3A_840 = tpu.memref_slice %arg11[%swap3A_838, %swap3A_839] : memref<2x640xf32, #tpu.memory_space<vmem>> -> memref<1x640xf32, #tpu.memory_space<vmem>>
    %swap3A_841 = tpu.memref_squeeze %swap3A_840 : memref<1x640xf32, #tpu.memory_space<vmem>> -> memref<640xf32, #tpu.memory_space<vmem>>
    %swap3A_842 = arith.constant 464 : index
    %swap3A_843 = tpu.vector_load %swap3A_841[%swap3A_842] {strides = array<i32>} : memref<640xf32, #tpu.memory_space<vmem>>, vector<16xf32>,
    tpu.vector_store %swap3A_841[%swap3A_842], %broadcast_in_dim3A_3 {strides = array<i32>} : memref<640xf32, #tpu.memory_space<vmem>>, vector<16xf32>,
    %swap3A_844 = arith.constant 1 : i32
    %swap3A_845 = arith.constant 0 : i32
    %swap3A_846 = tpu.memref_slice %arg11[%swap3A_844, %swap3A_845] : memref<2x640xf32, #tpu.memory_space<vmem>> -> memref<1x640xf32, #tpu.memory_space<vmem>>
    %swap3A_847 = tpu.memref_squeeze %swap3A_846 : memref<1x640xf32, #tpu.memory_space<vmem>> -> memref<640xf32, #tpu.memory_space<vmem>>
    %swap3A_848 = arith.constant 480 : index
    %swap3A_849 = tpu.vector_load %swap3A_847[%swap3A_848] {strides = array<i32>} : memref<640xf32, #tpu.memory_space<vmem>>, vector<16xf32>,
    tpu.vector_store %swap3A_847[%swap3A_848], %broadcast_in_dim3A_3 {strides = array<i32>} : memref<640xf32, #tpu.memory_space<vmem>>, vector<16xf32>,
    %swap3A_850 = arith.constant 1 : i32
    %swap3A_851 = arith.constant 0 : i32
    %swap3A_852 = tpu.memref_slice %arg11[%swap3A_850, %swap3A_851] : memref<2x640xf32, #tpu.memory_space<vmem>> -> memref<1x640xf32, #tpu.memory_space<vmem>>
    %swap3A_853 = tpu.memref_squeeze %swap3A_852 : memref<1x640xf32, #tpu.memory_space<vmem>> -> memref<640xf32, #tpu.memory_space<vmem>>
    %swap3A_854 = arith.constant 496 : index
    %swap3A_855 = tpu.vector_load %swap3A_853[%swap3A_854] {strides = array<i32>} : memref<640xf32, #tpu.memory_space<vmem>>, vector<16xf32>,
    tpu.vector_store %swap3A_853[%swap3A_854], %broadcast_in_dim3A_3 {strides = array<i32>} : memref<640xf32, #tpu.memory_space<vmem>>, vector<16xf32>,
    %swap3A_856 = arith.constant 1 : i32
    %swap3A_857 = arith.constant 0 : i32
    %swap3A_858 = tpu.memref_slice %arg11[%swap3A_856, %swap3A_857] : memref<2x640xf32, #tpu.memory_space<vmem>> -> memref<1x640xf32, #tpu.memory_space<vmem>>
    %swap3A_859 = tpu.memref_squeeze %swap3A_858 : memref<1x640xf32, #tpu.memory_space<vmem>> -> memref<640xf32, #tpu.memory_space<vmem>>
    %swap3A_860 = arith.constant 512 : index
    %swap3A_861 = tpu.vector_load %swap3A_859[%swap3A_860] {strides = array<i32>} : memref<640xf32, #tpu.memory_space<vmem>>, vector<16xf32>,
    tpu.vector_store %swap3A_859[%swap3A_860], %broadcast_in_dim3A_3 {strides = array<i32>} : memref<640xf32, #tpu.memory_space<vmem>>, vector<16xf32>,
    %swap3A_862 = arith.constant 1 : i32
    %swap3A_863 = arith.constant 0 : i32
    %swap3A_864 = tpu.memref_slice %arg11[%swap3A_862, %swap3A_863] : memref<2x640xf32, #tpu.memory_space<vmem>> -> memref<1x640xf32, #tpu.memory_space<vmem>>
    %swap3A_865 = tpu.memref_squeeze %swap3A_864 : memref<1x640xf32, #tpu.memory_space<vmem>> -> memref<640xf32, #tpu.memory_space<vmem>>
    %swap3A_866 = arith.constant 528 : index
    %swap3A_867 = tpu.vector_load %swap3A_865[%swap3A_866] {strides = array<i32>} : memref<640xf32, #tpu.memory_space<vmem>>, vector<16xf32>,
    tpu.vector_store %swap3A_865[%swap3A_866], %broadcast_in_dim3A_3 {strides = array<i32>} : memref<640xf32, #tpu.memory_space<vmem>>, vector<16xf32>,
    %swap3A_868 = arith.constant 1 : i32
    %swap3A_869 = arith.constant 0 : i32
    %swap3A_870 = tpu.memref_slice %arg11[%swap3A_868, %swap3A_869] : memref<2x640xf32, #tpu.memory_space<vmem>> -> memref<1x640xf32, #tpu.memory_space<vmem>>
    %swap3A_871 = tpu.memref_squeeze %swap3A_870 : memref<1x640xf32, #tpu.memory_space<vmem>> -> memref<640xf32, #tpu.memory_space<vmem>>
    %swap3A_872 = arith.constant 544 : index
    %swap3A_873 = tpu.vector_load %swap3A_871[%swap3A_872] {strides = array<i32>} : memref<640xf32, #tpu.memory_space<vmem>>, vector<16xf32>,
    tpu.vector_store %swap3A_871[%swap3A_872], %broadcast_in_dim3A_3 {strides = array<i32>} : memref<640xf32, #tpu.memory_space<vmem>>, vector<16xf32>,
    %swap3A_874 = arith.constant 1 : i32
    %swap3A_875 = arith.constant 0 : i32
    %swap3A_876 = tpu.memref_slice %arg11[%swap3A_874, %swap3A_875] : memref<2x640xf32, #tpu.memory_space<vmem>> -> memref<1x640xf32, #tpu.memory_space<vmem>>
    %swap3A_877 = tpu.memref_squeeze %swap3A_876 : memref<1x640xf32, #tpu.memory_space<vmem>> -> memref<640xf32, #tpu.memory_space<vmem>>
    %swap3A_878 = arith.constant 560 : index
    %swap3A_879 = tpu.vector_load %swap3A_877[%swap3A_878] {strides = array<i32>} : memref<640xf32, #tpu.memory_space<vmem>>, vector<16xf32>,
    tpu.vector_store %swap3A_877[%swap3A_878], %broadcast_in_dim3A_3 {strides = array<i32>} : memref<640xf32, #tpu.memory_space<vmem>>, vector<16xf32>,
    %swap3A_880 = arith.constant 1 : i32
    %swap3A_881 = arith.constant 0 : i32
    %swap3A_882 = tpu.memref_slice %arg11[%swap3A_880, %swap3A_881] : memref<2x640xf32, #tpu.memory_space<vmem>> -> memref<1x640xf32, #tpu.memory_space<vmem>>
    %swap3A_883 = tpu.memref_squeeze %swap3A_882 : memref<1x640xf32, #tpu.memory_space<vmem>> -> memref<640xf32, #tpu.memory_space<vmem>>
    %swap3A_884 = arith.constant 576 : index
    %swap3A_885 = tpu.vector_load %swap3A_883[%swap3A_884] {strides = array<i32>} : memref<640xf32, #tpu.memory_space<vmem>>, vector<16xf32>,
    tpu.vector_store %swap3A_883[%swap3A_884], %broadcast_in_dim3A_3 {strides = array<i32>} : memref<640xf32, #tpu.memory_space<vmem>>, vector<16xf32>,
    %swap3A_886 = arith.constant 1 : i32
    %swap3A_887 = arith.constant 0 : i32
    %swap3A_888 = tpu.memref_slice %arg11[%swap3A_886, %swap3A_887] : memref<2x640xf32, #tpu.memory_space<vmem>> -> memref<1x640xf32, #tpu.memory_space<vmem>>
    %swap3A_889 = tpu.memref_squeeze %swap3A_888 : memref<1x640xf32, #tpu.memory_space<vmem>> -> memref<640xf32, #tpu.memory_space<vmem>>
    %swap3A_890 = arith.constant 592 : index
    %swap3A_891 = tpu.vector_load %swap3A_889[%swap3A_890] {strides = array<i32>} : memref<640xf32, #tpu.memory_space<vmem>>, vector<16xf32>,
    tpu.vector_store %swap3A_889[%swap3A_890], %broadcast_in_dim3A_3 {strides = array<i32>} : memref<640xf32, #tpu.memory_space<vmem>>, vector<16xf32>,
    %swap3A_892 = arith.constant 1 : i32
    %swap3A_893 = arith.constant 0 : i32
    %swap3A_894 = tpu.memref_slice %arg11[%swap3A_892, %swap3A_893] : memref<2x640xf32, #tpu.memory_space<vmem>> -> memref<1x640xf32, #tpu.memory_space<vmem>>
    %swap3A_895 = tpu.memref_squeeze %swap3A_894 : memref<1x640xf32, #tpu.memory_space<vmem>> -> memref<640xf32, #tpu.memory_space<vmem>>
    %swap3A_896 = arith.constant 608 : index
    %swap3A_897 = tpu.vector_load %swap3A_895[%swap3A_896] {strides = array<i32>} : memref<640xf32, #tpu.memory_space<vmem>>, vector<16xf32>,
    tpu.vector_store %swap3A_895[%swap3A_896], %broadcast_in_dim3A_3 {strides = array<i32>} : memref<640xf32, #tpu.memory_space<vmem>>, vector<16xf32>,
    %swap3A_898 = arith.constant 1 : i32
    %swap3A_899 = arith.constant 0 : i32
    %swap3A_900 = tpu.memref_slice %arg11[%swap3A_898, %swap3A_899] : memref<2x640xf32, #tpu.memory_space<vmem>> -> memref<1x640xf32, #tpu.memory_space<vmem>>
    %swap3A_901 = tpu.memref_squeeze %swap3A_900 : memref<1x640xf32, #tpu.memory_space<vmem>> -> memref<640xf32, #tpu.memory_space<vmem>>
    %swap3A_902 = arith.constant 624 : index
    %swap3A_903 = tpu.vector_load %swap3A_901[%swap3A_902] {strides = array<i32>} : memref<640xf32, #tpu.memory_space<vmem>>, vector<16xf32>,
    tpu.vector_store %swap3A_901[%swap3A_902], %broadcast_in_dim3A_3 {strides = array<i32>} : memref<640xf32, #tpu.memory_space<vmem>>, vector<16xf32>,
    %dma_wait3A_904 = arith.constant 1 : i32
    %dma_wait3A_905 = arith.constant 1 : i32
    %dma_wait3A_906 = arith.constant 0 : i32
    %dma_wait3A_907 = arith.constant 0 : i32
    %dma_wait3A_908 = tpu.memref_slice %arg9[%dma_wait3A_905, %dma_wait3A_906, %dma_wait3A_907] : memref<2x128x64xf32, #tpu.memory_space<vmem>> -> memref<1x128x64xf32, #tpu.memory_space<vmem>>
    %dma_wait3A_909 = tpu.memref_squeeze %dma_wait3A_908 : memref<1x128x64xf32, #tpu.memory_space<vmem>> -> memref<128x64xf32, #tpu.memory_space<vmem>>
    %dma_wait3A_910 = arith.constant 0 : i32
    %dma_wait3A_911 = tpu.memref_slice %arg7[%dma_wait3A_904, %dma_wait3A_910] : memref<2x128xi32, #tpu.memory_space<vmem>> -> memref<1x128xi32, #tpu.memory_space<vmem>>
    %dma_wait3A_912 = tpu.memref_squeeze %dma_wait3A_911 : memref<1x128xi32, #tpu.memory_space<vmem>> -> memref<128xi32, #tpu.memory_space<vmem>>
    %dma_wait3A_913 = arith.constant 0 : i32
    %dma_wait3A_914 = arith.constant 0 : i32
    %dma_wait3A_915 = tpu.memref_slice %arg4[%dma_wait3A_913, %dma_wait3A_914] : memref<1000000x64xf32, #tpu.memory_space<hbm>> -> memref<1000000x64xf32, #tpu.memory_space<hbm>>
    tpu.wait_indirect_dma semaphore(%arg13 : memref<!tpu.dma_semaphore, #tpu.memory_space<semaphore_mem>>) src(%dma_wait3A_915 : memref<1000000x64xf32, #tpu.memory_space<hbm>>) dst(%dma_wait3A_909 : memref<128x64xf32, #tpu.memory_space<vmem>>)
    %dma_wait3A_916 = arith.constant 1 : i32
    %dma_wait3A_917 = arith.constant 1 : i32
    %dma_wait3A_918 = arith.constant 0 : i32
    %dma_wait3A_919 = arith.constant 0 : i32
    %dma_wait3A_920 = tpu.memref_slice %arg10[%dma_wait3A_917, %dma_wait3A_918, %dma_wait3A_919] : memref<2x640x64xf32, #tpu.memory_space<vmem>> -> memref<1x640x64xf32, #tpu.memory_space<vmem>>
    %dma_wait3A_921 = tpu.memref_squeeze %dma_wait3A_920 : memref<1x640x64xf32, #tpu.memory_space<vmem>> -> memref<640x64xf32, #tpu.memory_space<vmem>>
    %dma_wait3A_922 = arith.constant 0 : i32
    %dma_wait3A_923 = arith.constant 0 : i32
    %dma_wait3A_924 = tpu.memref_slice %dma_wait3A_921[%dma_wait3A_922, %dma_wait3A_923] : memref<640x64xf32, #tpu.memory_space<vmem>> -> memref<128x64xf32, #tpu.memory_space<vmem>>
    %dma_wait3A_925 = arith.constant 0 : i32
    %dma_wait3A_926 = tpu.memref_slice %arg8[%dma_wait3A_916, %dma_wait3A_925] : memref<2x640xi32, #tpu.memory_space<vmem>> -> memref<1x640xi32, #tpu.memory_space<vmem>>
    %dma_wait3A_927 = tpu.memref_squeeze %dma_wait3A_926 : memref<1x640xi32, #tpu.memory_space<vmem>> -> memref<640xi32, #tpu.memory_space<vmem>>
    %dma_wait3A_928 = arith.constant 0 : i32
    %dma_wait3A_929 = tpu.memref_slice %dma_wait3A_927[%dma_wait3A_928] : memref<640xi32, #tpu.memory_space<vmem>> -> memref<128xi32, #tpu.memory_space<vmem>>
    %dma_wait3A_930 = arith.constant 0 : i32
    %dma_wait3A_931 = arith.constant 0 : i32
    %dma_wait3A_932 = tpu.memref_slice %arg5[%dma_wait3A_930, %dma_wait3A_931] : memref<1000000x64xf32, #tpu.memory_space<hbm>> -> memref<1000000x64xf32, #tpu.memory_space<hbm>>
    tpu.wait_indirect_dma semaphore(%arg13 : memref<!tpu.dma_semaphore, #tpu.memory_space<semaphore_mem>>) src(%dma_wait3A_932 : memref<1000000x64xf32, #tpu.memory_space<hbm>>) dst(%dma_wait3A_924 : memref<128x64xf32, #tpu.memory_space<vmem>>)
    %dma_wait3A_933 = arith.constant 1 : i32
    %dma_wait3A_934 = arith.constant 1 : i32
    %dma_wait3A_935 = arith.constant 0 : i32
    %dma_wait3A_936 = arith.constant 0 : i32
    %dma_wait3A_937 = tpu.memref_slice %arg10[%dma_wait3A_934, %dma_wait3A_935, %dma_wait3A_936] : memref<2x640x64xf32, #tpu.memory_space<vmem>> -> memref<1x640x64xf32, #tpu.memory_space<vmem>>
    %dma_wait3A_938 = tpu.memref_squeeze %dma_wait3A_937 : memref<1x640x64xf32, #tpu.memory_space<vmem>> -> memref<640x64xf32, #tpu.memory_space<vmem>>
    %dma_wait3A_939 = arith.constant 128 : i32
    %dma_wait3A_940 = arith.constant 0 : i32
    %dma_wait3A_941 = tpu.memref_slice %dma_wait3A_938[%dma_wait3A_939, %dma_wait3A_940] : memref<640x64xf32, #tpu.memory_space<vmem>> -> memref<128x64xf32, #tpu.memory_space<vmem>>
    %dma_wait3A_942 = arith.constant 0 : i32
    %dma_wait3A_943 = tpu.memref_slice %arg8[%dma_wait3A_933, %dma_wait3A_942] : memref<2x640xi32, #tpu.memory_space<vmem>> -> memref<1x640xi32, #tpu.memory_space<vmem>>
    %dma_wait3A_944 = tpu.memref_squeeze %dma_wait3A_943 : memref<1x640xi32, #tpu.memory_space<vmem>> -> memref<640xi32, #tpu.memory_space<vmem>>
    %dma_wait3A_945 = arith.constant 128 : i32
    %dma_wait3A_946 = tpu.memref_slice %dma_wait3A_944[%dma_wait3A_945] : memref<640xi32, #tpu.memory_space<vmem>> -> memref<128xi32, #tpu.memory_space<vmem>>
    %dma_wait3A_947 = arith.constant 0 : i32
    %dma_wait3A_948 = arith.constant 0 : i32
    %dma_wait3A_949 = tpu.memref_slice %arg5[%dma_wait3A_947, %dma_wait3A_948] : memref<1000000x64xf32, #tpu.memory_space<hbm>> -> memref<1000000x64xf32, #tpu.memory_space<hbm>>
    tpu.wait_indirect_dma semaphore(%arg13 : memref<!tpu.dma_semaphore, #tpu.memory_space<semaphore_mem>>) src(%dma_wait3A_949 : memref<1000000x64xf32, #tpu.memory_space<hbm>>) dst(%dma_wait3A_941 : memref<128x64xf32, #tpu.memory_space<vmem>>)
    %dma_wait3A_950 = arith.constant 1 : i32
    %dma_wait3A_951 = arith.constant 1 : i32
    %dma_wait3A_952 = arith.constant 0 : i32
    %dma_wait3A_953 = arith.constant 0 : i32
    %dma_wait3A_954 = tpu.memref_slice %arg10[%dma_wait3A_951, %dma_wait3A_952, %dma_wait3A_953] : memref<2x640x64xf32, #tpu.memory_space<vmem>> -> memref<1x640x64xf32, #tpu.memory_space<vmem>>
    %dma_wait3A_955 = tpu.memref_squeeze %dma_wait3A_954 : memref<1x640x64xf32, #tpu.memory_space<vmem>> -> memref<640x64xf32, #tpu.memory_space<vmem>>
    %dma_wait3A_956 = arith.constant 256 : i32
    %dma_wait3A_957 = arith.constant 0 : i32
    %dma_wait3A_958 = tpu.memref_slice %dma_wait3A_955[%dma_wait3A_956, %dma_wait3A_957] : memref<640x64xf32, #tpu.memory_space<vmem>> -> memref<128x64xf32, #tpu.memory_space<vmem>>
    %dma_wait3A_959 = arith.constant 0 : i32
    %dma_wait3A_960 = tpu.memref_slice %arg8[%dma_wait3A_950, %dma_wait3A_959] : memref<2x640xi32, #tpu.memory_space<vmem>> -> memref<1x640xi32, #tpu.memory_space<vmem>>
    %dma_wait3A_961 = tpu.memref_squeeze %dma_wait3A_960 : memref<1x640xi32, #tpu.memory_space<vmem>> -> memref<640xi32, #tpu.memory_space<vmem>>
    %dma_wait3A_962 = arith.constant 256 : i32
    %dma_wait3A_963 = tpu.memref_slice %dma_wait3A_961[%dma_wait3A_962] : memref<640xi32, #tpu.memory_space<vmem>> -> memref<128xi32, #tpu.memory_space<vmem>>
    %dma_wait3A_964 = arith.constant 0 : i32
    %dma_wait3A_965 = arith.constant 0 : i32
    %dma_wait3A_966 = tpu.memref_slice %arg5[%dma_wait3A_964, %dma_wait3A_965] : memref<1000000x64xf32, #tpu.memory_space<hbm>> -> memref<1000000x64xf32, #tpu.memory_space<hbm>>
    tpu.wait_indirect_dma semaphore(%arg13 : memref<!tpu.dma_semaphore, #tpu.memory_space<semaphore_mem>>) src(%dma_wait3A_966 : memref<1000000x64xf32, #tpu.memory_space<hbm>>) dst(%dma_wait3A_958 : memref<128x64xf32, #tpu.memory_space<vmem>>)
    %dma_wait3A_967 = arith.constant 1 : i32
    %dma_wait3A_968 = arith.constant 1 : i32
    %dma_wait3A_969 = arith.constant 0 : i32
    %dma_wait3A_970 = arith.constant 0 : i32
    %dma_wait3A_971 = tpu.memref_slice %arg10[%dma_wait3A_968, %dma_wait3A_969, %dma_wait3A_970] : memref<2x640x64xf32, #tpu.memory_space<vmem>> -> memref<1x640x64xf32, #tpu.memory_space<vmem>>
    %dma_wait3A_972 = tpu.memref_squeeze %dma_wait3A_971 : memref<1x640x64xf32, #tpu.memory_space<vmem>> -> memref<640x64xf32, #tpu.memory_space<vmem>>
    %dma_wait3A_973 = arith.constant 384 : i32
    %dma_wait3A_974 = arith.constant 0 : i32
    %dma_wait3A_975 = tpu.memref_slice %dma_wait3A_972[%dma_wait3A_973, %dma_wait3A_974] : memref<640x64xf32, #tpu.memory_space<vmem>> -> memref<128x64xf32, #tpu.memory_space<vmem>>
    %dma_wait3A_976 = arith.constant 0 : i32
    %dma_wait3A_977 = tpu.memref_slice %arg8[%dma_wait3A_967, %dma_wait3A_976] : memref<2x640xi32, #tpu.memory_space<vmem>> -> memref<1x640xi32, #tpu.memory_space<vmem>>
    %dma_wait3A_978 = tpu.memref_squeeze %dma_wait3A_977 : memref<1x640xi32, #tpu.memory_space<vmem>> -> memref<640xi32, #tpu.memory_space<vmem>>
    %dma_wait3A_979 = arith.constant 384 : i32
    %dma_wait3A_980 = tpu.memref_slice %dma_wait3A_978[%dma_wait3A_979] : memref<640xi32, #tpu.memory_space<vmem>> -> memref<128xi32, #tpu.memory_space<vmem>>
    %dma_wait3A_981 = arith.constant 0 : i32
    %dma_wait3A_982 = arith.constant 0 : i32
    %dma_wait3A_983 = tpu.memref_slice %arg5[%dma_wait3A_981, %dma_wait3A_982] : memref<1000000x64xf32, #tpu.memory_space<hbm>> -> memref<1000000x64xf32, #tpu.memory_space<hbm>>
    tpu.wait_indirect_dma semaphore(%arg13 : memref<!tpu.dma_semaphore, #tpu.memory_space<semaphore_mem>>) src(%dma_wait3A_983 : memref<1000000x64xf32, #tpu.memory_space<hbm>>) dst(%dma_wait3A_975 : memref<128x64xf32, #tpu.memory_space<vmem>>)
    %dma_wait3A_984 = arith.constant 1 : i32
    %dma_wait3A_985 = arith.constant 1 : i32
    %dma_wait3A_986 = arith.constant 0 : i32
    %dma_wait3A_987 = arith.constant 0 : i32
    %dma_wait3A_988 = tpu.memref_slice %arg10[%dma_wait3A_985, %dma_wait3A_986, %dma_wait3A_987] : memref<2x640x64xf32, #tpu.memory_space<vmem>> -> memref<1x640x64xf32, #tpu.memory_space<vmem>>
    %dma_wait3A_989 = tpu.memref_squeeze %dma_wait3A_988 : memref<1x640x64xf32, #tpu.memory_space<vmem>> -> memref<640x64xf32, #tpu.memory_space<vmem>>
    %dma_wait3A_990 = arith.constant 512 : i32
    %dma_wait3A_991 = arith.constant 0 : i32
    %dma_wait3A_992 = tpu.memref_slice %dma_wait3A_989[%dma_wait3A_990, %dma_wait3A_991] : memref<640x64xf32, #tpu.memory_space<vmem>> -> memref<128x64xf32, #tpu.memory_space<vmem>>
    %dma_wait3A_993 = arith.constant 0 : i32
    %dma_wait3A_994 = tpu.memref_slice %arg8[%dma_wait3A_984, %dma_wait3A_993] : memref<2x640xi32, #tpu.memory_space<vmem>> -> memref<1x640xi32, #tpu.memory_space<vmem>>
    %dma_wait3A_995 = tpu.memref_squeeze %dma_wait3A_994 : memref<1x640xi32, #tpu.memory_space<vmem>> -> memref<640xi32, #tpu.memory_space<vmem>>
    %dma_wait3A_996 = arith.constant 512 : i32
    %dma_wait3A_997 = tpu.memref_slice %dma_wait3A_995[%dma_wait3A_996] : memref<640xi32, #tpu.memory_space<vmem>> -> memref<128xi32, #tpu.memory_space<vmem>>
    %dma_wait3A_998 = arith.constant 0 : i32
    %dma_wait3A_999 = arith.constant 0 : i32
    %dma_wait3A_1000 = tpu.memref_slice %arg5[%dma_wait3A_998, %dma_wait3A_999] : memref<1000000x64xf32, #tpu.memory_space<hbm>> -> memref<1000000x64xf32, #tpu.memory_space<hbm>>
    tpu.wait_indirect_dma semaphore(%arg13 : memref<!tpu.dma_semaphore, #tpu.memory_space<semaphore_mem>>) src(%dma_wait3A_1000 : memref<1000000x64xf32, #tpu.memory_space<hbm>>) dst(%dma_wait3A_992 : memref<128x64xf32, #tpu.memory_space<vmem>>)
    %parallel_loop3A_1001 = arith.constant 0 : i32
    %parallel_loop3A_1002 = arith.constant 128 : i32
    %parallel_loop3A_1003 = arith.constant 1 : i32
    %parallel_loop3A_1004 = arith.constant 1 : i32
    %parallel_loop3A_1005 = arith.constant 1 : i32
    %parallel_loop3A_1006 = arith.constant 1 : i32
    scf.for %parallel_loop3A_1871 = %parallel_loop3A_1001 to %parallel_loop3A_1002 step %parallel_loop3A_1003  : i32 {
      %parallel_loop3A_1872 = arith.constant 0 : i32
      %parallel_loop3A_1873 = arith.constant 0 : i32
      %parallel_loop3A_1874 = tpu.memref_slice %arg9[%parallel_loop3A_1004, %parallel_loop3A_1872, %parallel_loop3A_1873] : memref<2x128x64xf32, #tpu.memory_space<vmem>> -> memref<1x128x64xf32, #tpu.memory_space<vmem>>
      %parallel_loop3A_1875 = tpu.memref_squeeze %parallel_loop3A_1874 : memref<1x128x64xf32, #tpu.memory_space<vmem>> -> memref<128x64xf32, #tpu.memory_space<vmem>>
      %parallel_loop3A_1876 = arith.index_cast %parallel_loop3A_1871 : i32 to index
      %parallel_loop3A_1877 = arith.constant 0 : index
      %parallel_loop3A_1878 = tpu.vector_load %parallel_loop3A_1875[%parallel_loop3A_1876, %parallel_loop3A_1877] {strides = array<i32>} : memref<128x64xf32, #tpu.memory_space<vmem>>, vector<16xf32>,
      %parallel_loop3A_1879 = arith.constant 0 : i32
      %parallel_loop3A_1880 = arith.constant 0 : i32
      %parallel_loop3A_1881 = tpu.memref_slice %arg9[%parallel_loop3A_1004, %parallel_loop3A_1879, %parallel_loop3A_1880] : memref<2x128x64xf32, #tpu.memory_space<vmem>> -> memref<1x128x64xf32, #tpu.memory_space<vmem>>
      %parallel_loop3A_1882 = tpu.memref_squeeze %parallel_loop3A_1881 : memref<1x128x64xf32, #tpu.memory_space<vmem>> -> memref<128x64xf32, #tpu.memory_space<vmem>>
      %parallel_loop3A_1883 = arith.index_cast %parallel_loop3A_1871 : i32 to index
      %parallel_loop3A_1884 = arith.constant 16 : index
      %parallel_loop3A_1885 = tpu.vector_load %parallel_loop3A_1882[%parallel_loop3A_1883, %parallel_loop3A_1884] {strides = array<i32>} : memref<128x64xf32, #tpu.memory_space<vmem>>, vector<16xf32>,
      %parallel_loop3A_1886 = arith.constant 0 : i32
      %parallel_loop3A_1887 = arith.constant 0 : i32
      %parallel_loop3A_1888 = tpu.memref_slice %arg9[%parallel_loop3A_1004, %parallel_loop3A_1886, %parallel_loop3A_1887] : memref<2x128x64xf32, #tpu.memory_space<vmem>> -> memref<1x128x64xf32, #tpu.memory_space<vmem>>
      %parallel_loop3A_1889 = tpu.memref_squeeze %parallel_loop3A_1888 : memref<1x128x64xf32, #tpu.memory_space<vmem>> -> memref<128x64xf32, #tpu.memory_space<vmem>>
      %parallel_loop3A_1890 = arith.index_cast %parallel_loop3A_1871 : i32 to index
      %parallel_loop3A_1891 = arith.constant 32 : index
      %parallel_loop3A_1892 = tpu.vector_load %parallel_loop3A_1889[%parallel_loop3A_1890, %parallel_loop3A_1891] {strides = array<i32>} : memref<128x64xf32, #tpu.memory_space<vmem>>, vector<16xf32>,
      %parallel_loop3A_1893 = arith.constant 0 : i32
      %parallel_loop3A_1894 = arith.constant 0 : i32
      %parallel_loop3A_1895 = tpu.memref_slice %arg9[%parallel_loop3A_1004, %parallel_loop3A_1893, %parallel_loop3A_1894] : memref<2x128x64xf32, #tpu.memory_space<vmem>> -> memref<1x128x64xf32, #tpu.memory_space<vmem>>
      %parallel_loop3A_1896 = tpu.memref_squeeze %parallel_loop3A_1895 : memref<1x128x64xf32, #tpu.memory_space<vmem>> -> memref<128x64xf32, #tpu.memory_space<vmem>>
      %parallel_loop3A_1897 = arith.index_cast %parallel_loop3A_1871 : i32 to index
      %parallel_loop3A_1898 = arith.constant 48 : index
      %parallel_loop3A_1899 = tpu.vector_load %parallel_loop3A_1896[%parallel_loop3A_1897, %parallel_loop3A_1898] {strides = array<i32>} : memref<128x64xf32, #tpu.memory_space<vmem>>, vector<16xf32>,
      %parallel_loop3A_1900 = arith.constant 5 : i32
      %parallel_loop3A_1901 = arith.muli %parallel_loop3A_1871, %parallel_loop3A_1900 : i32
      %parallel_loop3A_1902 = arith.constant 0 : i32
      %parallel_loop3A_1903 = arith.addi %parallel_loop3A_1901, %parallel_loop3A_1902 : i32
      %parallel_loop3A_1904 = arith.constant 0 : i32
      %parallel_loop3A_1905 = arith.constant 0 : i32
      %parallel_loop3A_1906 = tpu.memref_slice %arg10[%parallel_loop3A_1005, %parallel_loop3A_1904, %parallel_loop3A_1905] : memref<2x640x64xf32, #tpu.memory_space<vmem>> -> memref<1x640x64xf32, #tpu.memory_space<vmem>>
      %parallel_loop3A_1907 = tpu.memref_squeeze %parallel_loop3A_1906 : memref<1x640x64xf32, #tpu.memory_space<vmem>> -> memref<640x64xf32, #tpu.memory_space<vmem>>
      %parallel_loop3A_1908 = arith.index_cast %parallel_loop3A_1903 : i32 to index
      %parallel_loop3A_1909 = arith.constant 0 : index
      %parallel_loop3A_1910 = tpu.vector_load %parallel_loop3A_1907[%parallel_loop3A_1908, %parallel_loop3A_1909] {strides = array<i32>} : memref<640x64xf32, #tpu.memory_space<vmem>>, vector<16xf32>,
      %parallel_loop3A_1911 = arith.mulf %parallel_loop3A_1878, %parallel_loop3A_1910 : vector<16xf32>
      %parallel_loop3A_1912 = arith.constant 0 : i32
      %parallel_loop3A_1913 = arith.constant 0 : i32
      %parallel_loop3A_1914 = tpu.memref_slice %arg10[%parallel_loop3A_1005, %parallel_loop3A_1912, %parallel_loop3A_1913] : memref<2x640x64xf32, #tpu.memory_space<vmem>> -> memref<1x640x64xf32, #tpu.memory_space<vmem>>
      %parallel_loop3A_1915 = tpu.memref_squeeze %parallel_loop3A_1914 : memref<1x640x64xf32, #tpu.memory_space<vmem>> -> memref<640x64xf32, #tpu.memory_space<vmem>>
      %parallel_loop3A_1916 = arith.index_cast %parallel_loop3A_1903 : i32 to index
      %parallel_loop3A_1917 = arith.constant 16 : index
      %parallel_loop3A_1918 = tpu.vector_load %parallel_loop3A_1915[%parallel_loop3A_1916, %parallel_loop3A_1917] {strides = array<i32>} : memref<640x64xf32, #tpu.memory_space<vmem>>, vector<16xf32>,
      %parallel_loop3A_1919 = arith.mulf %parallel_loop3A_1885, %parallel_loop3A_1918 : vector<16xf32>
      %parallel_loop3A_1920 = arith.addf %parallel_loop3A_1911, %parallel_loop3A_1919 : vector<16xf32>
      %parallel_loop3A_1921 = arith.constant 0 : i32
      %parallel_loop3A_1922 = arith.constant 0 : i32
      %parallel_loop3A_1923 = tpu.memref_slice %arg10[%parallel_loop3A_1005, %parallel_loop3A_1921, %parallel_loop3A_1922] : memref<2x640x64xf32, #tpu.memory_space<vmem>> -> memref<1x640x64xf32, #tpu.memory_space<vmem>>
      %parallel_loop3A_1924 = tpu.memref_squeeze %parallel_loop3A_1923 : memref<1x640x64xf32, #tpu.memory_space<vmem>> -> memref<640x64xf32, #tpu.memory_space<vmem>>
      %parallel_loop3A_1925 = arith.index_cast %parallel_loop3A_1903 : i32 to index
      %parallel_loop3A_1926 = arith.constant 32 : index
      %parallel_loop3A_1927 = tpu.vector_load %parallel_loop3A_1924[%parallel_loop3A_1925, %parallel_loop3A_1926] {strides = array<i32>} : memref<640x64xf32, #tpu.memory_space<vmem>>, vector<16xf32>,
      %parallel_loop3A_1928 = arith.mulf %parallel_loop3A_1892, %parallel_loop3A_1927 : vector<16xf32>
      %parallel_loop3A_1929 = arith.addf %parallel_loop3A_1920, %parallel_loop3A_1928 : vector<16xf32>
      %parallel_loop3A_1930 = arith.constant 0 : i32
      %parallel_loop3A_1931 = arith.constant 0 : i32
      %parallel_loop3A_1932 = tpu.memref_slice %arg10[%parallel_loop3A_1005, %parallel_loop3A_1930, %parallel_loop3A_1931] : memref<2x640x64xf32, #tpu.memory_space<vmem>> -> memref<1x640x64xf32, #tpu.memory_space<vmem>>
      %parallel_loop3A_1933 = tpu.memref_squeeze %parallel_loop3A_1932 : memref<1x640x64xf32, #tpu.memory_space<vmem>> -> memref<640x64xf32, #tpu.memory_space<vmem>>
      %parallel_loop3A_1934 = arith.index_cast %parallel_loop3A_1903 : i32 to index
      %parallel_loop3A_1935 = arith.constant 48 : index
      %parallel_loop3A_1936 = tpu.vector_load %parallel_loop3A_1933[%parallel_loop3A_1934, %parallel_loop3A_1935] {strides = array<i32>} : memref<640x64xf32, #tpu.memory_space<vmem>>, vector<16xf32>,
      %parallel_loop3A_1937 = arith.mulf %parallel_loop3A_1899, %parallel_loop3A_1936 : vector<16xf32>
      %parallel_loop3A_1938 = arith.addf %parallel_loop3A_1929, %parallel_loop3A_1937 : vector<16xf32>
      %parallel_loop3A_1939 = vector.broadcast %parallel_loop3A_1903 : i32 to vector<16xi32>
      %parallel_loop3A_1940 = arith.constant 0 : i32
      %parallel_loop3A_1941 = tpu.memref_slice %arg11[%parallel_loop3A_1006, %parallel_loop3A_1940] : memref<2x640xf32, #tpu.memory_space<vmem>> -> memref<1x640xf32, #tpu.memory_space<vmem>>
      %parallel_loop3A_1942 = tpu.memref_squeeze %parallel_loop3A_1941 : memref<1x640xf32, #tpu.memory_space<vmem>> -> memref<640xf32, #tpu.memory_space<vmem>>
      tpu.vector_store_idx %parallel_loop3A_1942[%parallel_loop3A_1939], %parallel_loop3A_1938 {add = true} : memref<640xf32, #tpu.memory_space<vmem>>[vector<16xi32>], vector<16xf32>,
      %parallel_loop3A_1943 = arith.constant 5 : i32
      %parallel_loop3A_1944 = arith.muli %parallel_loop3A_1871, %parallel_loop3A_1943 : i32
      %parallel_loop3A_1945 = arith.constant 1 : i32
      %parallel_loop3A_1946 = arith.addi %parallel_loop3A_1944, %parallel_loop3A_1945 : i32
      %parallel_loop3A_1947 = arith.constant 0 : i32
      %parallel_loop3A_1948 = arith.constant 0 : i32
      %parallel_loop3A_1949 = tpu.memref_slice %arg10[%parallel_loop3A_1005, %parallel_loop3A_1947, %parallel_loop3A_1948] : memref<2x640x64xf32, #tpu.memory_space<vmem>> -> memref<1x640x64xf32, #tpu.memory_space<vmem>>
      %parallel_loop3A_1950 = tpu.memref_squeeze %parallel_loop3A_1949 : memref<1x640x64xf32, #tpu.memory_space<vmem>> -> memref<640x64xf32, #tpu.memory_space<vmem>>
      %parallel_loop3A_1951 = arith.index_cast %parallel_loop3A_1946 : i32 to index
      %parallel_loop3A_1952 = arith.constant 0 : index
      %parallel_loop3A_1953 = tpu.vector_load %parallel_loop3A_1950[%parallel_loop3A_1951, %parallel_loop3A_1952] {strides = array<i32>} : memref<640x64xf32, #tpu.memory_space<vmem>>, vector<16xf32>,
      %parallel_loop3A_1954 = arith.mulf %parallel_loop3A_1878, %parallel_loop3A_1953 : vector<16xf32>
      %parallel_loop3A_1955 = arith.constant 0 : i32
      %parallel_loop3A_1956 = arith.constant 0 : i32
      %parallel_loop3A_1957 = tpu.memref_slice %arg10[%parallel_loop3A_1005, %parallel_loop3A_1955, %parallel_loop3A_1956] : memref<2x640x64xf32, #tpu.memory_space<vmem>> -> memref<1x640x64xf32, #tpu.memory_space<vmem>>
      %parallel_loop3A_1958 = tpu.memref_squeeze %parallel_loop3A_1957 : memref<1x640x64xf32, #tpu.memory_space<vmem>> -> memref<640x64xf32, #tpu.memory_space<vmem>>
      %parallel_loop3A_1959 = arith.index_cast %parallel_loop3A_1946 : i32 to index
      %parallel_loop3A_1960 = arith.constant 16 : index
      %parallel_loop3A_1961 = tpu.vector_load %parallel_loop3A_1958[%parallel_loop3A_1959, %parallel_loop3A_1960] {strides = array<i32>} : memref<640x64xf32, #tpu.memory_space<vmem>>, vector<16xf32>,
      %parallel_loop3A_1962 = arith.mulf %parallel_loop3A_1885, %parallel_loop3A_1961 : vector<16xf32>
      %parallel_loop3A_1963 = arith.addf %parallel_loop3A_1954, %parallel_loop3A_1962 : vector<16xf32>
      %parallel_loop3A_1964 = arith.constant 0 : i32
      %parallel_loop3A_1965 = arith.constant 0 : i32
      %parallel_loop3A_1966 = tpu.memref_slice %arg10[%parallel_loop3A_1005, %parallel_loop3A_1964, %parallel_loop3A_1965] : memref<2x640x64xf32, #tpu.memory_space<vmem>> -> memref<1x640x64xf32, #tpu.memory_space<vmem>>
      %parallel_loop3A_1967 = tpu.memref_squeeze %parallel_loop3A_1966 : memref<1x640x64xf32, #tpu.memory_space<vmem>> -> memref<640x64xf32, #tpu.memory_space<vmem>>
      %parallel_loop3A_1968 = arith.index_cast %parallel_loop3A_1946 : i32 to index
      %parallel_loop3A_1969 = arith.constant 32 : index
      %parallel_loop3A_1970 = tpu.vector_load %parallel_loop3A_1967[%parallel_loop3A_1968, %parallel_loop3A_1969] {strides = array<i32>} : memref<640x64xf32, #tpu.memory_space<vmem>>, vector<16xf32>,
      %parallel_loop3A_1971 = arith.mulf %parallel_loop3A_1892, %parallel_loop3A_1970 : vector<16xf32>
      %parallel_loop3A_1972 = arith.addf %parallel_loop3A_1963, %parallel_loop3A_1971 : vector<16xf32>
      %parallel_loop3A_1973 = arith.constant 0 : i32
      %parallel_loop3A_1974 = arith.constant 0 : i32
      %parallel_loop3A_1975 = tpu.memref_slice %arg10[%parallel_loop3A_1005, %parallel_loop3A_1973, %parallel_loop3A_1974] : memref<2x640x64xf32, #tpu.memory_space<vmem>> -> memref<1x640x64xf32, #tpu.memory_space<vmem>>
      %parallel_loop3A_1976 = tpu.memref_squeeze %parallel_loop3A_1975 : memref<1x640x64xf32, #tpu.memory_space<vmem>> -> memref<640x64xf32, #tpu.memory_space<vmem>>
      %parallel_loop3A_1977 = arith.index_cast %parallel_loop3A_1946 : i32 to index
      %parallel_loop3A_1978 = arith.constant 48 : index
      %parallel_loop3A_1979 = tpu.vector_load %parallel_loop3A_1976[%parallel_loop3A_1977, %parallel_loop3A_1978] {strides = array<i32>} : memref<640x64xf32, #tpu.memory_space<vmem>>, vector<16xf32>,
      %parallel_loop3A_1980 = arith.mulf %parallel_loop3A_1899, %parallel_loop3A_1979 : vector<16xf32>
      %parallel_loop3A_1981 = arith.addf %parallel_loop3A_1972, %parallel_loop3A_1980 : vector<16xf32>
      %parallel_loop3A_1982 = vector.broadcast %parallel_loop3A_1946 : i32 to vector<16xi32>
      %parallel_loop3A_1983 = arith.constant 0 : i32
      %parallel_loop3A_1984 = tpu.memref_slice %arg11[%parallel_loop3A_1006, %parallel_loop3A_1983] : memref<2x640xf32, #tpu.memory_space<vmem>> -> memref<1x640xf32, #tpu.memory_space<vmem>>
      %parallel_loop3A_1985 = tpu.memref_squeeze %parallel_loop3A_1984 : memref<1x640xf32, #tpu.memory_space<vmem>> -> memref<640xf32, #tpu.memory_space<vmem>>
      tpu.vector_store_idx %parallel_loop3A_1985[%parallel_loop3A_1982], %parallel_loop3A_1981 {add = true} : memref<640xf32, #tpu.memory_space<vmem>>[vector<16xi32>], vector<16xf32>,
      %parallel_loop3A_1986 = arith.constant 5 : i32
      %parallel_loop3A_1987 = arith.muli %parallel_loop3A_1871, %parallel_loop3A_1986 : i32
      %parallel_loop3A_1988 = arith.constant 2 : i32
      %parallel_loop3A_1989 = arith.addi %parallel_loop3A_1987, %parallel_loop3A_1988 : i32
      %parallel_loop3A_1990 = arith.constant 0 : i32
      %parallel_loop3A_1991 = arith.constant 0 : i32
      %parallel_loop3A_1992 = tpu.memref_slice %arg10[%parallel_loop3A_1005, %parallel_loop3A_1990, %parallel_loop3A_1991] : memref<2x640x64xf32, #tpu.memory_space<vmem>> -> memref<1x640x64xf32, #tpu.memory_space<vmem>>
      %parallel_loop3A_1993 = tpu.memref_squeeze %parallel_loop3A_1992 : memref<1x640x64xf32, #tpu.memory_space<vmem>> -> memref<640x64xf32, #tpu.memory_space<vmem>>
      %parallel_loop3A_1994 = arith.index_cast %parallel_loop3A_1989 : i32 to index
      %parallel_loop3A_1995 = arith.constant 0 : index
      %parallel_loop3A_1996 = tpu.vector_load %parallel_loop3A_1993[%parallel_loop3A_1994, %parallel_loop3A_1995] {strides = array<i32>} : memref<640x64xf32, #tpu.memory_space<vmem>>, vector<16xf32>,
      %parallel_loop3A_1997 = arith.mulf %parallel_loop3A_1878, %parallel_loop3A_1996 : vector<16xf32>
      %parallel_loop3A_1998 = arith.constant 0 : i32
      %parallel_loop3A_1999 = arith.constant 0 : i32
      %parallel_loop3A_2000 = tpu.memref_slice %arg10[%parallel_loop3A_1005, %parallel_loop3A_1998, %parallel_loop3A_1999] : memref<2x640x64xf32, #tpu.memory_space<vmem>> -> memref<1x640x64xf32, #tpu.memory_space<vmem>>
      %parallel_loop3A_2001 = tpu.memref_squeeze %parallel_loop3A_2000 : memref<1x640x64xf32, #tpu.memory_space<vmem>> -> memref<640x64xf32, #tpu.memory_space<vmem>>
      %parallel_loop3A_2002 = arith.index_cast %parallel_loop3A_1989 : i32 to index
      %parallel_loop3A_2003 = arith.constant 16 : index
      %parallel_loop3A_2004 = tpu.vector_load %parallel_loop3A_2001[%parallel_loop3A_2002, %parallel_loop3A_2003] {strides = array<i32>} : memref<640x64xf32, #tpu.memory_space<vmem>>, vector<16xf32>,
      %parallel_loop3A_2005 = arith.mulf %parallel_loop3A_1885, %parallel_loop3A_2004 : vector<16xf32>
      %parallel_loop3A_2006 = arith.addf %parallel_loop3A_1997, %parallel_loop3A_2005 : vector<16xf32>
      %parallel_loop3A_2007 = arith.constant 0 : i32
      %parallel_loop3A_2008 = arith.constant 0 : i32
      %parallel_loop3A_2009 = tpu.memref_slice %arg10[%parallel_loop3A_1005, %parallel_loop3A_2007, %parallel_loop3A_2008] : memref<2x640x64xf32, #tpu.memory_space<vmem>> -> memref<1x640x64xf32, #tpu.memory_space<vmem>>
      %parallel_loop3A_2010 = tpu.memref_squeeze %parallel_loop3A_2009 : memref<1x640x64xf32, #tpu.memory_space<vmem>> -> memref<640x64xf32, #tpu.memory_space<vmem>>
      %parallel_loop3A_2011 = arith.index_cast %parallel_loop3A_1989 : i32 to index
      %parallel_loop3A_2012 = arith.constant 32 : index
      %parallel_loop3A_2013 = tpu.vector_load %parallel_loop3A_2010[%parallel_loop3A_2011, %parallel_loop3A_2012] {strides = array<i32>} : memref<640x64xf32, #tpu.memory_space<vmem>>, vector<16xf32>,
      %parallel_loop3A_2014 = arith.mulf %parallel_loop3A_1892, %parallel_loop3A_2013 : vector<16xf32>
      %parallel_loop3A_2015 = arith.addf %parallel_loop3A_2006, %parallel_loop3A_2014 : vector<16xf32>
      %parallel_loop3A_2016 = arith.constant 0 : i32
      %parallel_loop3A_2017 = arith.constant 0 : i32
      %parallel_loop3A_2018 = tpu.memref_slice %arg10[%parallel_loop3A_1005, %parallel_loop3A_2016, %parallel_loop3A_2017] : memref<2x640x64xf32, #tpu.memory_space<vmem>> -> memref<1x640x64xf32, #tpu.memory_space<vmem>>
      %parallel_loop3A_2019 = tpu.memref_squeeze %parallel_loop3A_2018 : memref<1x640x64xf32, #tpu.memory_space<vmem>> -> memref<640x64xf32, #tpu.memory_space<vmem>>
      %parallel_loop3A_2020 = arith.index_cast %parallel_loop3A_1989 : i32 to index
      %parallel_loop3A_2021 = arith.constant 48 : index
      %parallel_loop3A_2022 = tpu.vector_load %parallel_loop3A_2019[%parallel_loop3A_2020, %parallel_loop3A_2021] {strides = array<i32>} : memref<640x64xf32, #tpu.memory_space<vmem>>, vector<16xf32>,
      %parallel_loop3A_2023 = arith.mulf %parallel_loop3A_1899, %parallel_loop3A_2022 : vector<16xf32>
      %parallel_loop3A_2024 = arith.addf %parallel_loop3A_2015, %parallel_loop3A_2023 : vector<16xf32>
      %parallel_loop3A_2025 = vector.broadcast %parallel_loop3A_1989 : i32 to vector<16xi32>
      %parallel_loop3A_2026 = arith.constant 0 : i32
      %parallel_loop3A_2027 = tpu.memref_slice %arg11[%parallel_loop3A_1006, %parallel_loop3A_2026] : memref<2x640xf32, #tpu.memory_space<vmem>> -> memref<1x640xf32, #tpu.memory_space<vmem>>
      %parallel_loop3A_2028 = tpu.memref_squeeze %parallel_loop3A_2027 : memref<1x640xf32, #tpu.memory_space<vmem>> -> memref<640xf32, #tpu.memory_space<vmem>>
      tpu.vector_store_idx %parallel_loop3A_2028[%parallel_loop3A_2025], %parallel_loop3A_2024 {add = true} : memref<640xf32, #tpu.memory_space<vmem>>[vector<16xi32>], vector<16xf32>,
      %parallel_loop3A_2029 = arith.constant 5 : i32
      %parallel_loop3A_2030 = arith.muli %parallel_loop3A_1871, %parallel_loop3A_2029 : i32
      %parallel_loop3A_2031 = arith.constant 3 : i32
      %parallel_loop3A_2032 = arith.addi %parallel_loop3A_2030, %parallel_loop3A_2031 : i32
      %parallel_loop3A_2033 = arith.constant 0 : i32
      %parallel_loop3A_2034 = arith.constant 0 : i32
      %parallel_loop3A_2035 = tpu.memref_slice %arg10[%parallel_loop3A_1005, %parallel_loop3A_2033, %parallel_loop3A_2034] : memref<2x640x64xf32, #tpu.memory_space<vmem>> -> memref<1x640x64xf32, #tpu.memory_space<vmem>>
      %parallel_loop3A_2036 = tpu.memref_squeeze %parallel_loop3A_2035 : memref<1x640x64xf32, #tpu.memory_space<vmem>> -> memref<640x64xf32, #tpu.memory_space<vmem>>
      %parallel_loop3A_2037 = arith.index_cast %parallel_loop3A_2032 : i32 to index
      %parallel_loop3A_2038 = arith.constant 0 : index
      %parallel_loop3A_2039 = tpu.vector_load %parallel_loop3A_2036[%parallel_loop3A_2037, %parallel_loop3A_2038] {strides = array<i32>} : memref<640x64xf32, #tpu.memory_space<vmem>>, vector<16xf32>,
      %parallel_loop3A_2040 = arith.mulf %parallel_loop3A_1878, %parallel_loop3A_2039 : vector<16xf32>
      %parallel_loop3A_2041 = arith.constant 0 : i32
      %parallel_loop3A_2042 = arith.constant 0 : i32
      %parallel_loop3A_2043 = tpu.memref_slice %arg10[%parallel_loop3A_1005, %parallel_loop3A_2041, %parallel_loop3A_2042] : memref<2x640x64xf32, #tpu.memory_space<vmem>> -> memref<1x640x64xf32, #tpu.memory_space<vmem>>
      %parallel_loop3A_2044 = tpu.memref_squeeze %parallel_loop3A_2043 : memref<1x640x64xf32, #tpu.memory_space<vmem>> -> memref<640x64xf32, #tpu.memory_space<vmem>>
      %parallel_loop3A_2045 = arith.index_cast %parallel_loop3A_2032 : i32 to index
      %parallel_loop3A_2046 = arith.constant 16 : index
      %parallel_loop3A_2047 = tpu.vector_load %parallel_loop3A_2044[%parallel_loop3A_2045, %parallel_loop3A_2046] {strides = array<i32>} : memref<640x64xf32, #tpu.memory_space<vmem>>, vector<16xf32>,
      %parallel_loop3A_2048 = arith.mulf %parallel_loop3A_1885, %parallel_loop3A_2047 : vector<16xf32>
      %parallel_loop3A_2049 = arith.addf %parallel_loop3A_2040, %parallel_loop3A_2048 : vector<16xf32>
      %parallel_loop3A_2050 = arith.constant 0 : i32
      %parallel_loop3A_2051 = arith.constant 0 : i32
      %parallel_loop3A_2052 = tpu.memref_slice %arg10[%parallel_loop3A_1005, %parallel_loop3A_2050, %parallel_loop3A_2051] : memref<2x640x64xf32, #tpu.memory_space<vmem>> -> memref<1x640x64xf32, #tpu.memory_space<vmem>>
      %parallel_loop3A_2053 = tpu.memref_squeeze %parallel_loop3A_2052 : memref<1x640x64xf32, #tpu.memory_space<vmem>> -> memref<640x64xf32, #tpu.memory_space<vmem>>
      %parallel_loop3A_2054 = arith.index_cast %parallel_loop3A_2032 : i32 to index
      %parallel_loop3A_2055 = arith.constant 32 : index
      %parallel_loop3A_2056 = tpu.vector_load %parallel_loop3A_2053[%parallel_loop3A_2054, %parallel_loop3A_2055] {strides = array<i32>} : memref<640x64xf32, #tpu.memory_space<vmem>>, vector<16xf32>,
      %parallel_loop3A_2057 = arith.mulf %parallel_loop3A_1892, %parallel_loop3A_2056 : vector<16xf32>
      %parallel_loop3A_2058 = arith.addf %parallel_loop3A_2049, %parallel_loop3A_2057 : vector<16xf32>
      %parallel_loop3A_2059 = arith.constant 0 : i32
      %parallel_loop3A_2060 = arith.constant 0 : i32
      %parallel_loop3A_2061 = tpu.memref_slice %arg10[%parallel_loop3A_1005, %parallel_loop3A_2059, %parallel_loop3A_2060] : memref<2x640x64xf32, #tpu.memory_space<vmem>> -> memref<1x640x64xf32, #tpu.memory_space<vmem>>
      %parallel_loop3A_2062 = tpu.memref_squeeze %parallel_loop3A_2061 : memref<1x640x64xf32, #tpu.memory_space<vmem>> -> memref<640x64xf32, #tpu.memory_space<vmem>>
      %parallel_loop3A_2063 = arith.index_cast %parallel_loop3A_2032 : i32 to index
      %parallel_loop3A_2064 = arith.constant 48 : index
      %parallel_loop3A_2065 = tpu.vector_load %parallel_loop3A_2062[%parallel_loop3A_2063, %parallel_loop3A_2064] {strides = array<i32>} : memref<640x64xf32, #tpu.memory_space<vmem>>, vector<16xf32>,
      %parallel_loop3A_2066 = arith.mulf %parallel_loop3A_1899, %parallel_loop3A_2065 : vector<16xf32>
      %parallel_loop3A_2067 = arith.addf %parallel_loop3A_2058, %parallel_loop3A_2066 : vector<16xf32>
      %parallel_loop3A_2068 = vector.broadcast %parallel_loop3A_2032 : i32 to vector<16xi32>
      %parallel_loop3A_2069 = arith.constant 0 : i32
      %parallel_loop3A_2070 = tpu.memref_slice %arg11[%parallel_loop3A_1006, %parallel_loop3A_2069] : memref<2x640xf32, #tpu.memory_space<vmem>> -> memref<1x640xf32, #tpu.memory_space<vmem>>
      %parallel_loop3A_2071 = tpu.memref_squeeze %parallel_loop3A_2070 : memref<1x640xf32, #tpu.memory_space<vmem>> -> memref<640xf32, #tpu.memory_space<vmem>>
      tpu.vector_store_idx %parallel_loop3A_2071[%parallel_loop3A_2068], %parallel_loop3A_2067 {add = true} : memref<640xf32, #tpu.memory_space<vmem>>[vector<16xi32>], vector<16xf32>,
      %parallel_loop3A_2072 = arith.constant 5 : i32
      %parallel_loop3A_2073 = arith.muli %parallel_loop3A_1871, %parallel_loop3A_2072 : i32
      %parallel_loop3A_2074 = arith.constant 4 : i32
      %parallel_loop3A_2075 = arith.addi %parallel_loop3A_2073, %parallel_loop3A_2074 : i32
      %parallel_loop3A_2076 = arith.constant 0 : i32
      %parallel_loop3A_2077 = arith.constant 0 : i32
      %parallel_loop3A_2078 = tpu.memref_slice %arg10[%parallel_loop3A_1005, %parallel_loop3A_2076, %parallel_loop3A_2077] : memref<2x640x64xf32, #tpu.memory_space<vmem>> -> memref<1x640x64xf32, #tpu.memory_space<vmem>>
      %parallel_loop3A_2079 = tpu.memref_squeeze %parallel_loop3A_2078 : memref<1x640x64xf32, #tpu.memory_space<vmem>> -> memref<640x64xf32, #tpu.memory_space<vmem>>
      %parallel_loop3A_2080 = arith.index_cast %parallel_loop3A_2075 : i32 to index
      %parallel_loop3A_2081 = arith.constant 0 : index
      %parallel_loop3A_2082 = tpu.vector_load %parallel_loop3A_2079[%parallel_loop3A_2080, %parallel_loop3A_2081] {strides = array<i32>} : memref<640x64xf32, #tpu.memory_space<vmem>>, vector<16xf32>,
      %parallel_loop3A_2083 = arith.mulf %parallel_loop3A_1878, %parallel_loop3A_2082 : vector<16xf32>
      %parallel_loop3A_2084 = arith.constant 0 : i32
      %parallel_loop3A_2085 = arith.constant 0 : i32
      %parallel_loop3A_2086 = tpu.memref_slice %arg10[%parallel_loop3A_1005, %parallel_loop3A_2084, %parallel_loop3A_2085] : memref<2x640x64xf32, #tpu.memory_space<vmem>> -> memref<1x640x64xf32, #tpu.memory_space<vmem>>
      %parallel_loop3A_2087 = tpu.memref_squeeze %parallel_loop3A_2086 : memref<1x640x64xf32, #tpu.memory_space<vmem>> -> memref<640x64xf32, #tpu.memory_space<vmem>>
      %parallel_loop3A_2088 = arith.index_cast %parallel_loop3A_2075 : i32 to index
      %parallel_loop3A_2089 = arith.constant 16 : index
      %parallel_loop3A_2090 = tpu.vector_load %parallel_loop3A_2087[%parallel_loop3A_2088, %parallel_loop3A_2089] {strides = array<i32>} : memref<640x64xf32, #tpu.memory_space<vmem>>, vector<16xf32>,
      %parallel_loop3A_2091 = arith.mulf %parallel_loop3A_1885, %parallel_loop3A_2090 : vector<16xf32>
      %parallel_loop3A_2092 = arith.addf %parallel_loop3A_2083, %parallel_loop3A_2091 : vector<16xf32>
      %parallel_loop3A_2093 = arith.constant 0 : i32
      %parallel_loop3A_2094 = arith.constant 0 : i32
      %parallel_loop3A_2095 = tpu.memref_slice %arg10[%parallel_loop3A_1005, %parallel_loop3A_2093, %parallel_loop3A_2094] : memref<2x640x64xf32, #tpu.memory_space<vmem>> -> memref<1x640x64xf32, #tpu.memory_space<vmem>>
      %parallel_loop3A_2096 = tpu.memref_squeeze %parallel_loop3A_2095 : memref<1x640x64xf32, #tpu.memory_space<vmem>> -> memref<640x64xf32, #tpu.memory_space<vmem>>
      %parallel_loop3A_2097 = arith.index_cast %parallel_loop3A_2075 : i32 to index
      %parallel_loop3A_2098 = arith.constant 32 : index
      %parallel_loop3A_2099 = tpu.vector_load %parallel_loop3A_2096[%parallel_loop3A_2097, %parallel_loop3A_2098] {strides = array<i32>} : memref<640x64xf32, #tpu.memory_space<vmem>>, vector<16xf32>,
      %parallel_loop3A_2100 = arith.mulf %parallel_loop3A_1892, %parallel_loop3A_2099 : vector<16xf32>
      %parallel_loop3A_2101 = arith.addf %parallel_loop3A_2092, %parallel_loop3A_2100 : vector<16xf32>
      %parallel_loop3A_2102 = arith.constant 0 : i32
      %parallel_loop3A_2103 = arith.constant 0 : i32
      %parallel_loop3A_2104 = tpu.memref_slice %arg10[%parallel_loop3A_1005, %parallel_loop3A_2102, %parallel_loop3A_2103] : memref<2x640x64xf32, #tpu.memory_space<vmem>> -> memref<1x640x64xf32, #tpu.memory_space<vmem>>
      %parallel_loop3A_2105 = tpu.memref_squeeze %parallel_loop3A_2104 : memref<1x640x64xf32, #tpu.memory_space<vmem>> -> memref<640x64xf32, #tpu.memory_space<vmem>>
      %parallel_loop3A_2106 = arith.index_cast %parallel_loop3A_2075 : i32 to index
      %parallel_loop3A_2107 = arith.constant 48 : index
      %parallel_loop3A_2108 = tpu.vector_load %parallel_loop3A_2105[%parallel_loop3A_2106, %parallel_loop3A_2107] {strides = array<i32>} : memref<640x64xf32, #tpu.memory_space<vmem>>, vector<16xf32>,
      %parallel_loop3A_2109 = arith.mulf %parallel_loop3A_1899, %parallel_loop3A_2108 : vector<16xf32>
      %parallel_loop3A_2110 = arith.addf %parallel_loop3A_2101, %parallel_loop3A_2109 : vector<16xf32>
      %parallel_loop3A_2111 = vector.broadcast %parallel_loop3A_2075 : i32 to vector<16xi32>
      %parallel_loop3A_2112 = arith.constant 0 : i32
      %parallel_loop3A_2113 = tpu.memref_slice %arg11[%parallel_loop3A_1006, %parallel_loop3A_2112] : memref<2x640xf32, #tpu.memory_space<vmem>> -> memref<1x640xf32, #tpu.memory_space<vmem>>
      %parallel_loop3A_2114 = tpu.memref_squeeze %parallel_loop3A_2113 : memref<1x640xf32, #tpu.memory_space<vmem>> -> memref<640xf32, #tpu.memory_space<vmem>>
      tpu.vector_store_idx %parallel_loop3A_2114[%parallel_loop3A_2111], %parallel_loop3A_2110 {add = true} : memref<640xf32, #tpu.memory_space<vmem>>[vector<16xi32>], vector<16xf32>,
    } {sc.loop_unroll_factor = 1 : i64, sc.parallel_access}
    %add3A_1007 = arith.constant 128 : i32
    %add3A_1008 = arith.addi %mul3A_2, %add3A_1007 : i32
    %mul3A_1009 = arith.constant 5 : i32
    %mul3A_1010 = arith.muli %add3A_1008, %mul3A_1009 : i32
    %dma_start3A_1011 = arith.constant 1 : i32
    %dma_start3A_1012 = arith.constant 0 : i32
    %dma_start3A_1013 = tpu.memref_slice %arg11[%dma_start3A_1011, %dma_start3A_1012] : memref<2x640xf32, #tpu.memory_space<vmem>> -> memref<1x640xf32, #tpu.memory_space<vmem>>
    %dma_start3A_1014 = tpu.memref_squeeze %dma_start3A_1013 : memref<1x640xf32, #tpu.memory_space<vmem>> -> memref<640xf32, #tpu.memory_space<vmem>>
    %dma_start3A_1015 = tpu.memref_slice %arg6[%mul3A_1010] : memref<81920xf32, #tpu.memory_space<hbm>> -> memref<640xf32, #tpu.memory_space<hbm>>
    %dma_start3A_1016 = tpu.memref_slice %arg6[%mul3A_1010] : memref<81920xf32, #tpu.memory_space<hbm>> -> memref<640xf32, #tpu.memory_space<hbm>>
    %dma_start3A_1017 = arith.constant 0 : i32
    %dma_start3A_1018 = tpu.memref_slice %arg11[%dma_start3A_1011, %dma_start3A_1017] : memref<2x640xf32, #tpu.memory_space<vmem>> -> memref<1x640xf32, #tpu.memory_space<vmem>>
    %dma_start3A_1019 = tpu.memref_squeeze %dma_start3A_1018 : memref<1x640xf32, #tpu.memory_space<vmem>> -> memref<640xf32, #tpu.memory_space<vmem>>
    tpu.enqueue_dma source(%dma_start3A_1019 : memref<640xf32, #tpu.memory_space<vmem>>) target(%dma_start3A_1016 : memref<640xf32, #tpu.memory_space<hbm>>) target_semaphore(%arg14 : memref<!tpu.dma_semaphore, #tpu.memory_space<semaphore_mem>>)
    %add3A_1020 = arith.constant 384 : i32
    %add3A_1021 = arith.addi %mul3A_2, %add3A_1020 : i32
    %run_scoped3A_1022 = arith.constant 1 : i32
    "tpu.region"() ({
      %run_scoped3A_1871 = tpu.sem_alloc : memref<!tpu.dma_semaphore, #tpu.memory_space<semaphore_mem>>
      %dma_start3A_1872 = arith.constant 0 : i32
      %dma_start3A_1873 = tpu.memref_slice %arg7[%run_scoped3A_1022, %dma_start3A_1872] : memref<2x128xi32, #tpu.memory_space<vmem>> -> memref<1x128xi32, #tpu.memory_space<vmem>>
      %dma_start3A_1874 = tpu.memref_squeeze %dma_start3A_1873 : memref<1x128xi32, #tpu.memory_space<vmem>> -> memref<128xi32, #tpu.memory_space<vmem>>
      %dma_start3A_1875 = tpu.memref_slice %arg2[%add3A_1021] : memref<16384xi32, #tpu.memory_space<hbm>> -> memref<128xi32, #tpu.memory_space<hbm>>
      %dma_start3A_1876 = arith.constant 0 : i32
      %dma_start3A_1877 = tpu.memref_slice %arg7[%run_scoped3A_1022, %dma_start3A_1876] : memref<2x128xi32, #tpu.memory_space<vmem>> -> memref<1x128xi32, #tpu.memory_space<vmem>>
      %dma_start3A_1878 = tpu.memref_squeeze %dma_start3A_1877 : memref<1x128xi32, #tpu.memory_space<vmem>> -> memref<128xi32, #tpu.memory_space<vmem>>
      %dma_start3A_1879 = tpu.memref_slice %arg2[%add3A_1021] : memref<16384xi32, #tpu.memory_space<hbm>> -> memref<128xi32, #tpu.memory_space<hbm>>
      tpu.enqueue_dma source(%dma_start3A_1879 : memref<128xi32, #tpu.memory_space<hbm>>) target(%dma_start3A_1878 : memref<128xi32, #tpu.memory_space<vmem>>) target_semaphore(%run_scoped3A_1871 : memref<!tpu.dma_semaphore, #tpu.memory_space<semaphore_mem>>)
      %dma_wait3A_1880 = arith.constant 0 : i32
      %dma_wait3A_1881 = tpu.memref_slice %arg7[%run_scoped3A_1022, %dma_wait3A_1880] : memref<2x128xi32, #tpu.memory_space<vmem>> -> memref<1x128xi32, #tpu.memory_space<vmem>>
      %dma_wait3A_1882 = tpu.memref_squeeze %dma_wait3A_1881 : memref<1x128xi32, #tpu.memory_space<vmem>> -> memref<128xi32, #tpu.memory_space<vmem>>
      %dma_wait3A_1883 = tpu.memref_slice %arg2[%add3A_1021] : memref<16384xi32, #tpu.memory_space<hbm>> -> memref<128xi32, #tpu.memory_space<hbm>>
      %dma_wait3A_1884 = arith.constant 0 : i32
      %dma_wait3A_1885 = tpu.memref_slice %arg7[%run_scoped3A_1022, %dma_wait3A_1884] : memref<2x128xi32, #tpu.memory_space<vmem>> -> memref<1x128xi32, #tpu.memory_space<vmem>>
      %dma_wait3A_1886 = tpu.memref_squeeze %dma_wait3A_1885 : memref<1x128xi32, #tpu.memory_space<vmem>> -> memref<128xi32, #tpu.memory_space<vmem>>
      %dma_wait3A_1887 = tpu.memref_slice %arg2[%add3A_1021] : memref<16384xi32, #tpu.memory_space<hbm>> -> memref<128xi32, #tpu.memory_space<hbm>>
      tpu.wait_dma2 semaphore(%run_scoped3A_1871 : memref<!tpu.dma_semaphore, #tpu.memory_space<semaphore_mem>>) src(%dma_wait3A_1887 : memref<128xi32, #tpu.memory_space<hbm>>) dst(%dma_wait3A_1886 : memref<128xi32, #tpu.memory_space<vmem>>)
      tpu.yield
    }) : () -> ()
    %mul3A_1023 = arith.constant 5 : i32
    %mul3A_1024 = arith.muli %add3A_1021, %mul3A_1023 : i32
    %run_scoped3A_1025 = arith.constant 1 : i32
    "tpu.region"() ({
      %run_scoped3A_1871 = tpu.sem_alloc : memref<!tpu.dma_semaphore, #tpu.memory_space<semaphore_mem>>
      %dma_start3A_1872 = arith.constant 0 : i32
      %dma_start3A_1873 = tpu.memref_slice %arg8[%run_scoped3A_1025, %dma_start3A_1872] : memref<2x640xi32, #tpu.memory_space<vmem>> -> memref<1x640xi32, #tpu.memory_space<vmem>>
      %dma_start3A_1874 = tpu.memref_squeeze %dma_start3A_1873 : memref<1x640xi32, #tpu.memory_space<vmem>> -> memref<640xi32, #tpu.memory_space<vmem>>
      %dma_start3A_1875 = tpu.memref_slice %arg3[%mul3A_1024] : memref<81920xi32, #tpu.memory_space<hbm>> -> memref<640xi32, #tpu.memory_space<hbm>>
      %dma_start3A_1876 = arith.constant 0 : i32
      %dma_start3A_1877 = tpu.memref_slice %arg8[%run_scoped3A_1025, %dma_start3A_1876] : memref<2x640xi32, #tpu.memory_space<vmem>> -> memref<1x640xi32, #tpu.memory_space<vmem>>
      %dma_start3A_1878 = tpu.memref_squeeze %dma_start3A_1877 : memref<1x640xi32, #tpu.memory_space<vmem>> -> memref<640xi32, #tpu.memory_space<vmem>>
      %dma_start3A_1879 = tpu.memref_slice %arg3[%mul3A_1024] : memref<81920xi32, #tpu.memory_space<hbm>> -> memref<640xi32, #tpu.memory_space<hbm>>
      tpu.enqueue_dma source(%dma_start3A_1879 : memref<640xi32, #tpu.memory_space<hbm>>) target(%dma_start3A_1878 : memref<640xi32, #tpu.memory_space<vmem>>) target_semaphore(%run_scoped3A_1871 : memref<!tpu.dma_semaphore, #tpu.memory_space<semaphore_mem>>)
      %dma_wait3A_1880 = arith.constant 0 : i32
      %dma_wait3A_1881 = tpu.memref_slice %arg8[%run_scoped3A_1025, %dma_wait3A_1880] : memref<2x640xi32, #tpu.memory_space<vmem>> -> memref<1x640xi32, #tpu.memory_space<vmem>>
      %dma_wait3A_1882 = tpu.memref_squeeze %dma_wait3A_1881 : memref<1x640xi32, #tpu.memory_space<vmem>> -> memref<640xi32, #tpu.memory_space<vmem>>
      %dma_wait3A_1883 = tpu.memref_slice %arg3[%mul3A_1024] : memref<81920xi32, #tpu.memory_space<hbm>> -> memref<640xi32, #tpu.memory_space<hbm>>
      %dma_wait3A_1884 = arith.constant 0 : i32
      %dma_wait3A_1885 = tpu.memref_slice %arg8[%run_scoped3A_1025, %dma_wait3A_1884] : memref<2x640xi32, #tpu.memory_space<vmem>> -> memref<1x640xi32, #tpu.memory_space<vmem>>
      %dma_wait3A_1886 = tpu.memref_squeeze %dma_wait3A_1885 : memref<1x640xi32, #tpu.memory_space<vmem>> -> memref<640xi32, #tpu.memory_space<vmem>>
      %dma_wait3A_1887 = tpu.memref_slice %arg3[%mul3A_1024] : memref<81920xi32, #tpu.memory_space<hbm>> -> memref<640xi32, #tpu.memory_space<hbm>>
      tpu.wait_dma2 semaphore(%run_scoped3A_1871 : memref<!tpu.dma_semaphore, #tpu.memory_space<semaphore_mem>>) src(%dma_wait3A_1887 : memref<640xi32, #tpu.memory_space<hbm>>) dst(%dma_wait3A_1886 : memref<640xi32, #tpu.memory_space<vmem>>)
      tpu.yield
    }) : () -> ()
    %dma_start3A_1026 = arith.constant 1 : i32
    %dma_start3A_1027 = arith.constant 1 : i32
    %dma_start3A_1028 = arith.constant 0 : i32
    %dma_start3A_1029 = arith.constant 0 : i32
    %dma_start3A_1030 = tpu.memref_slice %arg9[%dma_start3A_1027, %dma_start3A_1028, %dma_start3A_1029] : memref<2x128x64xf32, #tpu.memory_space<vmem>> -> memref<1x128x64xf32, #tpu.memory_space<vmem>>
    %dma_start3A_1031 = tpu.memref_squeeze %dma_start3A_1030 : memref<1x128x64xf32, #tpu.memory_space<vmem>> -> memref<128x64xf32, #tpu.memory_space<vmem>>
    %dma_start3A_1032 = arith.constant 0 : i32
    %dma_start3A_1033 = tpu.memref_slice %arg7[%dma_start3A_1026, %dma_start3A_1032] : memref<2x128xi32, #tpu.memory_space<vmem>> -> memref<1x128xi32, #tpu.memory_space<vmem>>
    %dma_start3A_1034 = tpu.memref_squeeze %dma_start3A_1033 : memref<1x128xi32, #tpu.memory_space<vmem>> -> memref<128xi32, #tpu.memory_space<vmem>>
    %dma_start3A_1035 = arith.constant 0 : i32
    %dma_start3A_1036 = arith.constant 0 : i32
    %dma_start3A_1037 = tpu.memref_slice %arg4[%dma_start3A_1035, %dma_start3A_1036] : memref<1000000x64xf32, #tpu.memory_space<hbm>> -> memref<1000000x64xf32, #tpu.memory_space<hbm>>
    tpu.enqueue_indirect_dma source(%dma_start3A_1037 : memref<1000000x64xf32, #tpu.memory_space<hbm>>) target(%dma_start3A_1031 : memref<128x64xf32, #tpu.memory_space<vmem>>) offsets(%dma_start3A_1034 : memref<128xi32, #tpu.memory_space<vmem>>) semaphore(%arg13 : memref<!tpu.dma_semaphore, #tpu.memory_space<semaphore_mem>>)
    %dma_start3A_1038 = arith.constant 1 : i32
    %dma_start3A_1039 = arith.constant 1 : i32
    %dma_start3A_1040 = arith.constant 0 : i32
    %dma_start3A_1041 = arith.constant 0 : i32
    %dma_start3A_1042 = tpu.memref_slice %arg10[%dma_start3A_1039, %dma_start3A_1040, %dma_start3A_1041] : memref<2x640x64xf32, #tpu.memory_space<vmem>> -> memref<1x640x64xf32, #tpu.memory_space<vmem>>
    %dma_start3A_1043 = tpu.memref_squeeze %dma_start3A_1042 : memref<1x640x64xf32, #tpu.memory_space<vmem>> -> memref<640x64xf32, #tpu.memory_space<vmem>>
    %dma_start3A_1044 = arith.constant 0 : i32
    %dma_start3A_1045 = arith.constant 0 : i32
    %dma_start3A_1046 = tpu.memref_slice %dma_start3A_1043[%dma_start3A_1044, %dma_start3A_1045] : memref<640x64xf32, #tpu.memory_space<vmem>> -> memref<128x64xf32, #tpu.memory_space<vmem>>
    %dma_start3A_1047 = arith.constant 0 : i32
    %dma_start3A_1048 = tpu.memref_slice %arg8[%dma_start3A_1038, %dma_start3A_1047] : memref<2x640xi32, #tpu.memory_space<vmem>> -> memref<1x640xi32, #tpu.memory_space<vmem>>
    %dma_start3A_1049 = tpu.memref_squeeze %dma_start3A_1048 : memref<1x640xi32, #tpu.memory_space<vmem>> -> memref<640xi32, #tpu.memory_space<vmem>>
    %dma_start3A_1050 = arith.constant 0 : i32
    %dma_start3A_1051 = tpu.memref_slice %dma_start3A_1049[%dma_start3A_1050] : memref<640xi32, #tpu.memory_space<vmem>> -> memref<128xi32, #tpu.memory_space<vmem>>
    %dma_start3A_1052 = arith.constant 0 : i32
    %dma_start3A_1053 = arith.constant 0 : i32
    %dma_start3A_1054 = tpu.memref_slice %arg5[%dma_start3A_1052, %dma_start3A_1053] : memref<1000000x64xf32, #tpu.memory_space<hbm>> -> memref<1000000x64xf32, #tpu.memory_space<hbm>>
    tpu.enqueue_indirect_dma source(%dma_start3A_1054 : memref<1000000x64xf32, #tpu.memory_space<hbm>>) target(%dma_start3A_1046 : memref<128x64xf32, #tpu.memory_space<vmem>>) offsets(%dma_start3A_1051 : memref<128xi32, #tpu.memory_space<vmem>>) semaphore(%arg13 : memref<!tpu.dma_semaphore, #tpu.memory_space<semaphore_mem>>)
    %dma_start3A_1055 = arith.constant 1 : i32
    %dma_start3A_1056 = arith.constant 1 : i32
    %dma_start3A_1057 = arith.constant 0 : i32
    %dma_start3A_1058 = arith.constant 0 : i32
    %dma_start3A_1059 = tpu.memref_slice %arg10[%dma_start3A_1056, %dma_start3A_1057, %dma_start3A_1058] : memref<2x640x64xf32, #tpu.memory_space<vmem>> -> memref<1x640x64xf32, #tpu.memory_space<vmem>>
    %dma_start3A_1060 = tpu.memref_squeeze %dma_start3A_1059 : memref<1x640x64xf32, #tpu.memory_space<vmem>> -> memref<640x64xf32, #tpu.memory_space<vmem>>
    %dma_start3A_1061 = arith.constant 128 : i32
    %dma_start3A_1062 = arith.constant 0 : i32
    %dma_start3A_1063 = tpu.memref_slice %dma_start3A_1060[%dma_start3A_1061, %dma_start3A_1062] : memref<640x64xf32, #tpu.memory_space<vmem>> -> memref<128x64xf32, #tpu.memory_space<vmem>>
    %dma_start3A_1064 = arith.constant 0 : i32
    %dma_start3A_1065 = tpu.memref_slice %arg8[%dma_start3A_1055, %dma_start3A_1064] : memref<2x640xi32, #tpu.memory_space<vmem>> -> memref<1x640xi32, #tpu.memory_space<vmem>>
    %dma_start3A_1066 = tpu.memref_squeeze %dma_start3A_1065 : memref<1x640xi32, #tpu.memory_space<vmem>> -> memref<640xi32, #tpu.memory_space<vmem>>
    %dma_start3A_1067 = arith.constant 128 : i32
    %dma_start3A_1068 = tpu.memref_slice %dma_start3A_1066[%dma_start3A_1067] : memref<640xi32, #tpu.memory_space<vmem>> -> memref<128xi32, #tpu.memory_space<vmem>>
    %dma_start3A_1069 = arith.constant 0 : i32
    %dma_start3A_1070 = arith.constant 0 : i32
    %dma_start3A_1071 = tpu.memref_slice %arg5[%dma_start3A_1069, %dma_start3A_1070] : memref<1000000x64xf32, #tpu.memory_space<hbm>> -> memref<1000000x64xf32, #tpu.memory_space<hbm>>
    tpu.enqueue_indirect_dma source(%dma_start3A_1071 : memref<1000000x64xf32, #tpu.memory_space<hbm>>) target(%dma_start3A_1063 : memref<128x64xf32, #tpu.memory_space<vmem>>) offsets(%dma_start3A_1068 : memref<128xi32, #tpu.memory_space<vmem>>) semaphore(%arg13 : memref<!tpu.dma_semaphore, #tpu.memory_space<semaphore_mem>>)
    %dma_start3A_1072 = arith.constant 1 : i32
    %dma_start3A_1073 = arith.constant 1 : i32
    %dma_start3A_1074 = arith.constant 0 : i32
    %dma_start3A_1075 = arith.constant 0 : i32
    %dma_start3A_1076 = tpu.memref_slice %arg10[%dma_start3A_1073, %dma_start3A_1074, %dma_start3A_1075] : memref<2x640x64xf32, #tpu.memory_space<vmem>> -> memref<1x640x64xf32, #tpu.memory_space<vmem>>
    %dma_start3A_1077 = tpu.memref_squeeze %dma_start3A_1076 : memref<1x640x64xf32, #tpu.memory_space<vmem>> -> memref<640x64xf32, #tpu.memory_space<vmem>>
    %dma_start3A_1078 = arith.constant 256 : i32
    %dma_start3A_1079 = arith.constant 0 : i32
    %dma_start3A_1080 = tpu.memref_slice %dma_start3A_1077[%dma_start3A_1078, %dma_start3A_1079] : memref<640x64xf32, #tpu.memory_space<vmem>> -> memref<128x64xf32, #tpu.memory_space<vmem>>
    %dma_start3A_1081 = arith.constant 0 : i32
    %dma_start3A_1082 = tpu.memref_slice %arg8[%dma_start3A_1072, %dma_start3A_1081] : memref<2x640xi32, #tpu.memory_space<vmem>> -> memref<1x640xi32, #tpu.memory_space<vmem>>
    %dma_start3A_1083 = tpu.memref_squeeze %dma_start3A_1082 : memref<1x640xi32, #tpu.memory_space<vmem>> -> memref<640xi32, #tpu.memory_space<vmem>>
    %dma_start3A_1084 = arith.constant 256 : i32
    %dma_start3A_1085 = tpu.memref_slice %dma_start3A_1083[%dma_start3A_1084] : memref<640xi32, #tpu.memory_space<vmem>> -> memref<128xi32, #tpu.memory_space<vmem>>
    %dma_start3A_1086 = arith.constant 0 : i32
    %dma_start3A_1087 = arith.constant 0 : i32
    %dma_start3A_1088 = tpu.memref_slice %arg5[%dma_start3A_1086, %dma_start3A_1087] : memref<1000000x64xf32, #tpu.memory_space<hbm>> -> memref<1000000x64xf32, #tpu.memory_space<hbm>>
    tpu.enqueue_indirect_dma source(%dma_start3A_1088 : memref<1000000x64xf32, #tpu.memory_space<hbm>>) target(%dma_start3A_1080 : memref<128x64xf32, #tpu.memory_space<vmem>>) offsets(%dma_start3A_1085 : memref<128xi32, #tpu.memory_space<vmem>>) semaphore(%arg13 : memref<!tpu.dma_semaphore, #tpu.memory_space<semaphore_mem>>)
    %dma_start3A_1089 = arith.constant 1 : i32
    %dma_start3A_1090 = arith.constant 1 : i32
    %dma_start3A_1091 = arith.constant 0 : i32
    %dma_start3A_1092 = arith.constant 0 : i32
    %dma_start3A_1093 = tpu.memref_slice %arg10[%dma_start3A_1090, %dma_start3A_1091, %dma_start3A_1092] : memref<2x640x64xf32, #tpu.memory_space<vmem>> -> memref<1x640x64xf32, #tpu.memory_space<vmem>>
    %dma_start3A_1094 = tpu.memref_squeeze %dma_start3A_1093 : memref<1x640x64xf32, #tpu.memory_space<vmem>> -> memref<640x64xf32, #tpu.memory_space<vmem>>
    %dma_start3A_1095 = arith.constant 384 : i32
    %dma_start3A_1096 = arith.constant 0 : i32
    %dma_start3A_1097 = tpu.memref_slice %dma_start3A_1094[%dma_start3A_1095, %dma_start3A_1096] : memref<640x64xf32, #tpu.memory_space<vmem>> -> memref<128x64xf32, #tpu.memory_space<vmem>>
    %dma_start3A_1098 = arith.constant 0 : i32
    %dma_start3A_1099 = tpu.memref_slice %arg8[%dma_start3A_1089, %dma_start3A_1098] : memref<2x640xi32, #tpu.memory_space<vmem>> -> memref<1x640xi32, #tpu.memory_space<vmem>>
    %dma_start3A_1100 = tpu.memref_squeeze %dma_start3A_1099 : memref<1x640xi32, #tpu.memory_space<vmem>> -> memref<640xi32, #tpu.memory_space<vmem>>
    %dma_start3A_1101 = arith.constant 384 : i32
    %dma_start3A_1102 = tpu.memref_slice %dma_start3A_1100[%dma_start3A_1101] : memref<640xi32, #tpu.memory_space<vmem>> -> memref<128xi32, #tpu.memory_space<vmem>>
    %dma_start3A_1103 = arith.constant 0 : i32
    %dma_start3A_1104 = arith.constant 0 : i32
    %dma_start3A_1105 = tpu.memref_slice %arg5[%dma_start3A_1103, %dma_start3A_1104] : memref<1000000x64xf32, #tpu.memory_space<hbm>> -> memref<1000000x64xf32, #tpu.memory_space<hbm>>
    tpu.enqueue_indirect_dma source(%dma_start3A_1105 : memref<1000000x64xf32, #tpu.memory_space<hbm>>) target(%dma_start3A_1097 : memref<128x64xf32, #tpu.memory_space<vmem>>) offsets(%dma_start3A_1102 : memref<128xi32, #tpu.memory_space<vmem>>) semaphore(%arg13 : memref<!tpu.dma_semaphore, #tpu.memory_space<semaphore_mem>>)
    %dma_start3A_1106 = arith.constant 1 : i32
    %dma_start3A_1107 = arith.constant 1 : i32
    %dma_start3A_1108 = arith.constant 0 : i32
    %dma_start3A_1109 = arith.constant 0 : i32
    %dma_start3A_1110 = tpu.memref_slice %arg10[%dma_start3A_1107, %dma_start3A_1108, %dma_start3A_1109] : memref<2x640x64xf32, #tpu.memory_space<vmem>> -> memref<1x640x64xf32, #tpu.memory_space<vmem>>
    %dma_start3A_1111 = tpu.memref_squeeze %dma_start3A_1110 : memref<1x640x64xf32, #tpu.memory_space<vmem>> -> memref<640x64xf32, #tpu.memory_space<vmem>>
    %dma_start3A_1112 = arith.constant 512 : i32
    %dma_start3A_1113 = arith.constant 0 : i32
    %dma_start3A_1114 = tpu.memref_slice %dma_start3A_1111[%dma_start3A_1112, %dma_start3A_1113] : memref<640x64xf32, #tpu.memory_space<vmem>> -> memref<128x64xf32, #tpu.memory_space<vmem>>
    %dma_start3A_1115 = arith.constant 0 : i32
    %dma_start3A_1116 = tpu.memref_slice %arg8[%dma_start3A_1106, %dma_start3A_1115] : memref<2x640xi32, #tpu.memory_space<vmem>> -> memref<1x640xi32, #tpu.memory_space<vmem>>
    %dma_start3A_1117 = tpu.memref_squeeze %dma_start3A_1116 : memref<1x640xi32, #tpu.memory_space<vmem>> -> memref<640xi32, #tpu.memory_space<vmem>>
    %dma_start3A_1118 = arith.constant 512 : i32
    %dma_start3A_1119 = tpu.memref_slice %dma_start3A_1117[%dma_start3A_1118] : memref<640xi32, #tpu.memory_space<vmem>> -> memref<128xi32, #tpu.memory_space<vmem>>
    %dma_start3A_1120 = arith.constant 0 : i32
    %dma_start3A_1121 = arith.constant 0 : i32
    %dma_start3A_1122 = tpu.memref_slice %arg5[%dma_start3A_1120, %dma_start3A_1121] : memref<1000000x64xf32, #tpu.memory_space<hbm>> -> memref<1000000x64xf32, #tpu.memory_space<hbm>>
    tpu.enqueue_indirect_dma source(%dma_start3A_1122 : memref<1000000x64xf32, #tpu.memory_space<hbm>>) target(%dma_start3A_1114 : memref<128x64xf32, #tpu.memory_space<vmem>>) offsets(%dma_start3A_1119 : memref<128xi32, #tpu.memory_space<vmem>>) semaphore(%arg13 : memref<!tpu.dma_semaphore, #tpu.memory_space<semaphore_mem>>)
    %dma_wait3A_1123 = arith.constant 0 : i32
    %dma_wait3A_1124 = arith.constant 0 : i32
    %dma_wait3A_1125 = tpu.memref_slice %arg11[%dma_wait3A_1123, %dma_wait3A_1124] : memref<2x640xf32, #tpu.memory_space<vmem>> -> memref<1x640xf32, #tpu.memory_space<vmem>>
    %dma_wait3A_1126 = tpu.memref_squeeze %dma_wait3A_1125 : memref<1x640xf32, #tpu.memory_space<vmem>> -> memref<640xf32, #tpu.memory_space<vmem>>
    %dma_wait3A_1127 = tpu.memref_slice %arg6[%mul3A_551] : memref<81920xf32, #tpu.memory_space<hbm>> -> memref<640xf32, #tpu.memory_space<hbm>>
    %dma_wait3A_1128 = tpu.memref_slice %arg6[%mul3A_551] : memref<81920xf32, #tpu.memory_space<hbm>> -> memref<640xf32, #tpu.memory_space<hbm>>
    %dma_wait3A_1129 = arith.constant 0 : i32
    %dma_wait3A_1130 = tpu.memref_slice %arg11[%dma_wait3A_1123, %dma_wait3A_1129] : memref<2x640xf32, #tpu.memory_space<vmem>> -> memref<1x640xf32, #tpu.memory_space<vmem>>
    %dma_wait3A_1131 = tpu.memref_squeeze %dma_wait3A_1130 : memref<1x640xf32, #tpu.memory_space<vmem>> -> memref<640xf32, #tpu.memory_space<vmem>>
    tpu.wait_dma2 semaphore(%arg14 : memref<!tpu.dma_semaphore, #tpu.memory_space<semaphore_mem>>) src(%dma_wait3A_1131 : memref<640xf32, #tpu.memory_space<vmem>>) dst(%dma_wait3A_1128 : memref<640xf32, #tpu.memory_space<hbm>>)
    %swap3A_1132 = arith.constant 0 : i32
    %swap3A_1133 = arith.constant 0 : i32
    %swap3A_1134 = tpu.memref_slice %arg11[%swap3A_1132, %swap3A_1133] : memref<2x640xf32, #tpu.memory_space<vmem>> -> memref<1x640xf32, #tpu.memory_space<vmem>>
    %swap3A_1135 = tpu.memref_squeeze %swap3A_1134 : memref<1x640xf32, #tpu.memory_space<vmem>> -> memref<640xf32, #tpu.memory_space<vmem>>
    %swap3A_1136 = arith.constant 0 : index
    %swap3A_1137 = tpu.vector_load %swap3A_1135[%swap3A_1136] {strides = array<i32>} : memref<640xf32, #tpu.memory_space<vmem>>, vector<16xf32>,
    tpu.vector_store %swap3A_1135[%swap3A_1136], %broadcast_in_dim3A_3 {strides = array<i32>} : memref<640xf32, #tpu.memory_space<vmem>>, vector<16xf32>,
    %swap3A_1138 = arith.constant 0 : i32
    %swap3A_1139 = arith.constant 0 : i32
    %swap3A_1140 = tpu.memref_slice %arg11[%swap3A_1138, %swap3A_1139] : memref<2x640xf32, #tpu.memory_space<vmem>> -> memref<1x640xf32, #tpu.memory_space<vmem>>
    %swap3A_1141 = tpu.memref_squeeze %swap3A_1140 : memref<1x640xf32, #tpu.memory_space<vmem>> -> memref<640xf32, #tpu.memory_space<vmem>>
    %swap3A_1142 = arith.constant 16 : index
    %swap3A_1143 = tpu.vector_load %swap3A_1141[%swap3A_1142] {strides = array<i32>} : memref<640xf32, #tpu.memory_space<vmem>>, vector<16xf32>,
    tpu.vector_store %swap3A_1141[%swap3A_1142], %broadcast_in_dim3A_3 {strides = array<i32>} : memref<640xf32, #tpu.memory_space<vmem>>, vector<16xf32>,
    %swap3A_1144 = arith.constant 0 : i32
    %swap3A_1145 = arith.constant 0 : i32
    %swap3A_1146 = tpu.memref_slice %arg11[%swap3A_1144, %swap3A_1145] : memref<2x640xf32, #tpu.memory_space<vmem>> -> memref<1x640xf32, #tpu.memory_space<vmem>>
    %swap3A_1147 = tpu.memref_squeeze %swap3A_1146 : memref<1x640xf32, #tpu.memory_space<vmem>> -> memref<640xf32, #tpu.memory_space<vmem>>
    %swap3A_1148 = arith.constant 32 : index
    %swap3A_1149 = tpu.vector_load %swap3A_1147[%swap3A_1148] {strides = array<i32>} : memref<640xf32, #tpu.memory_space<vmem>>, vector<16xf32>,
    tpu.vector_store %swap3A_1147[%swap3A_1148], %broadcast_in_dim3A_3 {strides = array<i32>} : memref<640xf32, #tpu.memory_space<vmem>>, vector<16xf32>,
    %swap3A_1150 = arith.constant 0 : i32
    %swap3A_1151 = arith.constant 0 : i32
    %swap3A_1152 = tpu.memref_slice %arg11[%swap3A_1150, %swap3A_1151] : memref<2x640xf32, #tpu.memory_space<vmem>> -> memref<1x640xf32, #tpu.memory_space<vmem>>
    %swap3A_1153 = tpu.memref_squeeze %swap3A_1152 : memref<1x640xf32, #tpu.memory_space<vmem>> -> memref<640xf32, #tpu.memory_space<vmem>>
    %swap3A_1154 = arith.constant 48 : index
    %swap3A_1155 = tpu.vector_load %swap3A_1153[%swap3A_1154] {strides = array<i32>} : memref<640xf32, #tpu.memory_space<vmem>>, vector<16xf32>,
    tpu.vector_store %swap3A_1153[%swap3A_1154], %broadcast_in_dim3A_3 {strides = array<i32>} : memref<640xf32, #tpu.memory_space<vmem>>, vector<16xf32>,
    %swap3A_1156 = arith.constant 0 : i32
    %swap3A_1157 = arith.constant 0 : i32
    %swap3A_1158 = tpu.memref_slice %arg11[%swap3A_1156, %swap3A_1157] : memref<2x640xf32, #tpu.memory_space<vmem>> -> memref<1x640xf32, #tpu.memory_space<vmem>>
    %swap3A_1159 = tpu.memref_squeeze %swap3A_1158 : memref<1x640xf32, #tpu.memory_space<vmem>> -> memref<640xf32, #tpu.memory_space<vmem>>
    %swap3A_1160 = arith.constant 64 : index
    %swap3A_1161 = tpu.vector_load %swap3A_1159[%swap3A_1160] {strides = array<i32>} : memref<640xf32, #tpu.memory_space<vmem>>, vector<16xf32>,
    tpu.vector_store %swap3A_1159[%swap3A_1160], %broadcast_in_dim3A_3 {strides = array<i32>} : memref<640xf32, #tpu.memory_space<vmem>>, vector<16xf32>,
    %swap3A_1162 = arith.constant 0 : i32
    %swap3A_1163 = arith.constant 0 : i32
    %swap3A_1164 = tpu.memref_slice %arg11[%swap3A_1162, %swap3A_1163] : memref<2x640xf32, #tpu.memory_space<vmem>> -> memref<1x640xf32, #tpu.memory_space<vmem>>
    %swap3A_1165 = tpu.memref_squeeze %swap3A_1164 : memref<1x640xf32, #tpu.memory_space<vmem>> -> memref<640xf32, #tpu.memory_space<vmem>>
    %swap3A_1166 = arith.constant 80 : index
    %swap3A_1167 = tpu.vector_load %swap3A_1165[%swap3A_1166] {strides = array<i32>} : memref<640xf32, #tpu.memory_space<vmem>>, vector<16xf32>,
    tpu.vector_store %swap3A_1165[%swap3A_1166], %broadcast_in_dim3A_3 {strides = array<i32>} : memref<640xf32, #tpu.memory_space<vmem>>, vector<16xf32>,
    %swap3A_1168 = arith.constant 0 : i32
    %swap3A_1169 = arith.constant 0 : i32
    %swap3A_1170 = tpu.memref_slice %arg11[%swap3A_1168, %swap3A_1169] : memref<2x640xf32, #tpu.memory_space<vmem>> -> memref<1x640xf32, #tpu.memory_space<vmem>>
    %swap3A_1171 = tpu.memref_squeeze %swap3A_1170 : memref<1x640xf32, #tpu.memory_space<vmem>> -> memref<640xf32, #tpu.memory_space<vmem>>
    %swap3A_1172 = arith.constant 96 : index
    %swap3A_1173 = tpu.vector_load %swap3A_1171[%swap3A_1172] {strides = array<i32>} : memref<640xf32, #tpu.memory_space<vmem>>, vector<16xf32>,
    tpu.vector_store %swap3A_1171[%swap3A_1172], %broadcast_in_dim3A_3 {strides = array<i32>} : memref<640xf32, #tpu.memory_space<vmem>>, vector<16xf32>,
    %swap3A_1174 = arith.constant 0 : i32
    %swap3A_1175 = arith.constant 0 : i32
    %swap3A_1176 = tpu.memref_slice %arg11[%swap3A_1174, %swap3A_1175] : memref<2x640xf32, #tpu.memory_space<vmem>> -> memref<1x640xf32, #tpu.memory_space<vmem>>
    %swap3A_1177 = tpu.memref_squeeze %swap3A_1176 : memref<1x640xf32, #tpu.memory_space<vmem>> -> memref<640xf32, #tpu.memory_space<vmem>>
    %swap3A_1178 = arith.constant 112 : index
    %swap3A_1179 = tpu.vector_load %swap3A_1177[%swap3A_1178] {strides = array<i32>} : memref<640xf32, #tpu.memory_space<vmem>>, vector<16xf32>,
    tpu.vector_store %swap3A_1177[%swap3A_1178], %broadcast_in_dim3A_3 {strides = array<i32>} : memref<640xf32, #tpu.memory_space<vmem>>, vector<16xf32>,
    %swap3A_1180 = arith.constant 0 : i32
    %swap3A_1181 = arith.constant 0 : i32
    %swap3A_1182 = tpu.memref_slice %arg11[%swap3A_1180, %swap3A_1181] : memref<2x640xf32, #tpu.memory_space<vmem>> -> memref<1x640xf32, #tpu.memory_space<vmem>>
    %swap3A_1183 = tpu.memref_squeeze %swap3A_1182 : memref<1x640xf32, #tpu.memory_space<vmem>> -> memref<640xf32, #tpu.memory_space<vmem>>
    %swap3A_1184 = arith.constant 128 : index
    %swap3A_1185 = tpu.vector_load %swap3A_1183[%swap3A_1184] {strides = array<i32>} : memref<640xf32, #tpu.memory_space<vmem>>, vector<16xf32>,
    tpu.vector_store %swap3A_1183[%swap3A_1184], %broadcast_in_dim3A_3 {strides = array<i32>} : memref<640xf32, #tpu.memory_space<vmem>>, vector<16xf32>,
    %swap3A_1186 = arith.constant 0 : i32
    %swap3A_1187 = arith.constant 0 : i32
    %swap3A_1188 = tpu.memref_slice %arg11[%swap3A_1186, %swap3A_1187] : memref<2x640xf32, #tpu.memory_space<vmem>> -> memref<1x640xf32, #tpu.memory_space<vmem>>
    %swap3A_1189 = tpu.memref_squeeze %swap3A_1188 : memref<1x640xf32, #tpu.memory_space<vmem>> -> memref<640xf32, #tpu.memory_space<vmem>>
    %swap3A_1190 = arith.constant 144 : index
    %swap3A_1191 = tpu.vector_load %swap3A_1189[%swap3A_1190] {strides = array<i32>} : memref<640xf32, #tpu.memory_space<vmem>>, vector<16xf32>,
    tpu.vector_store %swap3A_1189[%swap3A_1190], %broadcast_in_dim3A_3 {strides = array<i32>} : memref<640xf32, #tpu.memory_space<vmem>>, vector<16xf32>,
    %swap3A_1192 = arith.constant 0 : i32
    %swap3A_1193 = arith.constant 0 : i32
    %swap3A_1194 = tpu.memref_slice %arg11[%swap3A_1192, %swap3A_1193] : memref<2x640xf32, #tpu.memory_space<vmem>> -> memref<1x640xf32, #tpu.memory_space<vmem>>
    %swap3A_1195 = tpu.memref_squeeze %swap3A_1194 : memref<1x640xf32, #tpu.memory_space<vmem>> -> memref<640xf32, #tpu.memory_space<vmem>>
    %swap3A_1196 = arith.constant 160 : index
    %swap3A_1197 = tpu.vector_load %swap3A_1195[%swap3A_1196] {strides = array<i32>} : memref<640xf32, #tpu.memory_space<vmem>>, vector<16xf32>,
    tpu.vector_store %swap3A_1195[%swap3A_1196], %broadcast_in_dim3A_3 {strides = array<i32>} : memref<640xf32, #tpu.memory_space<vmem>>, vector<16xf32>,
    %swap3A_1198 = arith.constant 0 : i32
    %swap3A_1199 = arith.constant 0 : i32
    %swap3A_1200 = tpu.memref_slice %arg11[%swap3A_1198, %swap3A_1199] : memref<2x640xf32, #tpu.memory_space<vmem>> -> memref<1x640xf32, #tpu.memory_space<vmem>>
    %swap3A_1201 = tpu.memref_squeeze %swap3A_1200 : memref<1x640xf32, #tpu.memory_space<vmem>> -> memref<640xf32, #tpu.memory_space<vmem>>
    %swap3A_1202 = arith.constant 176 : index
    %swap3A_1203 = tpu.vector_load %swap3A_1201[%swap3A_1202] {strides = array<i32>} : memref<640xf32, #tpu.memory_space<vmem>>, vector<16xf32>,
    tpu.vector_store %swap3A_1201[%swap3A_1202], %broadcast_in_dim3A_3 {strides = array<i32>} : memref<640xf32, #tpu.memory_space<vmem>>, vector<16xf32>,
    %swap3A_1204 = arith.constant 0 : i32
    %swap3A_1205 = arith.constant 0 : i32
    %swap3A_1206 = tpu.memref_slice %arg11[%swap3A_1204, %swap3A_1205] : memref<2x640xf32, #tpu.memory_space<vmem>> -> memref<1x640xf32, #tpu.memory_space<vmem>>
    %swap3A_1207 = tpu.memref_squeeze %swap3A_1206 : memref<1x640xf32, #tpu.memory_space<vmem>> -> memref<640xf32, #tpu.memory_space<vmem>>
    %swap3A_1208 = arith.constant 192 : index
    %swap3A_1209 = tpu.vector_load %swap3A_1207[%swap3A_1208] {strides = array<i32>} : memref<640xf32, #tpu.memory_space<vmem>>, vector<16xf32>,
    tpu.vector_store %swap3A_1207[%swap3A_1208], %broadcast_in_dim3A_3 {strides = array<i32>} : memref<640xf32, #tpu.memory_space<vmem>>, vector<16xf32>,
    %swap3A_1210 = arith.constant 0 : i32
    %swap3A_1211 = arith.constant 0 : i32
    %swap3A_1212 = tpu.memref_slice %arg11[%swap3A_1210, %swap3A_1211] : memref<2x640xf32, #tpu.memory_space<vmem>> -> memref<1x640xf32, #tpu.memory_space<vmem>>
    %swap3A_1213 = tpu.memref_squeeze %swap3A_1212 : memref<1x640xf32, #tpu.memory_space<vmem>> -> memref<640xf32, #tpu.memory_space<vmem>>
    %swap3A_1214 = arith.constant 208 : index
    %swap3A_1215 = tpu.vector_load %swap3A_1213[%swap3A_1214] {strides = array<i32>} : memref<640xf32, #tpu.memory_space<vmem>>, vector<16xf32>,
    tpu.vector_store %swap3A_1213[%swap3A_1214], %broadcast_in_dim3A_3 {strides = array<i32>} : memref<640xf32, #tpu.memory_space<vmem>>, vector<16xf32>,
    %swap3A_1216 = arith.constant 0 : i32
    %swap3A_1217 = arith.constant 0 : i32
    %swap3A_1218 = tpu.memref_slice %arg11[%swap3A_1216, %swap3A_1217] : memref<2x640xf32, #tpu.memory_space<vmem>> -> memref<1x640xf32, #tpu.memory_space<vmem>>
    %swap3A_1219 = tpu.memref_squeeze %swap3A_1218 : memref<1x640xf32, #tpu.memory_space<vmem>> -> memref<640xf32, #tpu.memory_space<vmem>>
    %swap3A_1220 = arith.constant 224 : index
    %swap3A_1221 = tpu.vector_load %swap3A_1219[%swap3A_1220] {strides = array<i32>} : memref<640xf32, #tpu.memory_space<vmem>>, vector<16xf32>,
    tpu.vector_store %swap3A_1219[%swap3A_1220], %broadcast_in_dim3A_3 {strides = array<i32>} : memref<640xf32, #tpu.memory_space<vmem>>, vector<16xf32>,
    %swap3A_1222 = arith.constant 0 : i32
    %swap3A_1223 = arith.constant 0 : i32
    %swap3A_1224 = tpu.memref_slice %arg11[%swap3A_1222, %swap3A_1223] : memref<2x640xf32, #tpu.memory_space<vmem>> -> memref<1x640xf32, #tpu.memory_space<vmem>>
    %swap3A_1225 = tpu.memref_squeeze %swap3A_1224 : memref<1x640xf32, #tpu.memory_space<vmem>> -> memref<640xf32, #tpu.memory_space<vmem>>
    %swap3A_1226 = arith.constant 240 : index
    %swap3A_1227 = tpu.vector_load %swap3A_1225[%swap3A_1226] {strides = array<i32>} : memref<640xf32, #tpu.memory_space<vmem>>, vector<16xf32>,
    tpu.vector_store %swap3A_1225[%swap3A_1226], %broadcast_in_dim3A_3 {strides = array<i32>} : memref<640xf32, #tpu.memory_space<vmem>>, vector<16xf32>,
    %swap3A_1228 = arith.constant 0 : i32
    %swap3A_1229 = arith.constant 0 : i32
    %swap3A_1230 = tpu.memref_slice %arg11[%swap3A_1228, %swap3A_1229] : memref<2x640xf32, #tpu.memory_space<vmem>> -> memref<1x640xf32, #tpu.memory_space<vmem>>
    %swap3A_1231 = tpu.memref_squeeze %swap3A_1230 : memref<1x640xf32, #tpu.memory_space<vmem>> -> memref<640xf32, #tpu.memory_space<vmem>>
    %swap3A_1232 = arith.constant 256 : index
    %swap3A_1233 = tpu.vector_load %swap3A_1231[%swap3A_1232] {strides = array<i32>} : memref<640xf32, #tpu.memory_space<vmem>>, vector<16xf32>,
    tpu.vector_store %swap3A_1231[%swap3A_1232], %broadcast_in_dim3A_3 {strides = array<i32>} : memref<640xf32, #tpu.memory_space<vmem>>, vector<16xf32>,
    %swap3A_1234 = arith.constant 0 : i32
    %swap3A_1235 = arith.constant 0 : i32
    %swap3A_1236 = tpu.memref_slice %arg11[%swap3A_1234, %swap3A_1235] : memref<2x640xf32, #tpu.memory_space<vmem>> -> memref<1x640xf32, #tpu.memory_space<vmem>>
    %swap3A_1237 = tpu.memref_squeeze %swap3A_1236 : memref<1x640xf32, #tpu.memory_space<vmem>> -> memref<640xf32, #tpu.memory_space<vmem>>
    %swap3A_1238 = arith.constant 272 : index
    %swap3A_1239 = tpu.vector_load %swap3A_1237[%swap3A_1238] {strides = array<i32>} : memref<640xf32, #tpu.memory_space<vmem>>, vector<16xf32>,
    tpu.vector_store %swap3A_1237[%swap3A_1238], %broadcast_in_dim3A_3 {strides = array<i32>} : memref<640xf32, #tpu.memory_space<vmem>>, vector<16xf32>,
    %swap3A_1240 = arith.constant 0 : i32
    %swap3A_1241 = arith.constant 0 : i32
    %swap3A_1242 = tpu.memref_slice %arg11[%swap3A_1240, %swap3A_1241] : memref<2x640xf32, #tpu.memory_space<vmem>> -> memref<1x640xf32, #tpu.memory_space<vmem>>
    %swap3A_1243 = tpu.memref_squeeze %swap3A_1242 : memref<1x640xf32, #tpu.memory_space<vmem>> -> memref<640xf32, #tpu.memory_space<vmem>>
    %swap3A_1244 = arith.constant 288 : index
    %swap3A_1245 = tpu.vector_load %swap3A_1243[%swap3A_1244] {strides = array<i32>} : memref<640xf32, #tpu.memory_space<vmem>>, vector<16xf32>,
    tpu.vector_store %swap3A_1243[%swap3A_1244], %broadcast_in_dim3A_3 {strides = array<i32>} : memref<640xf32, #tpu.memory_space<vmem>>, vector<16xf32>,
    %swap3A_1246 = arith.constant 0 : i32
    %swap3A_1247 = arith.constant 0 : i32
    %swap3A_1248 = tpu.memref_slice %arg11[%swap3A_1246, %swap3A_1247] : memref<2x640xf32, #tpu.memory_space<vmem>> -> memref<1x640xf32, #tpu.memory_space<vmem>>
    %swap3A_1249 = tpu.memref_squeeze %swap3A_1248 : memref<1x640xf32, #tpu.memory_space<vmem>> -> memref<640xf32, #tpu.memory_space<vmem>>
    %swap3A_1250 = arith.constant 304 : index
    %swap3A_1251 = tpu.vector_load %swap3A_1249[%swap3A_1250] {strides = array<i32>} : memref<640xf32, #tpu.memory_space<vmem>>, vector<16xf32>,
    tpu.vector_store %swap3A_1249[%swap3A_1250], %broadcast_in_dim3A_3 {strides = array<i32>} : memref<640xf32, #tpu.memory_space<vmem>>, vector<16xf32>,
    %swap3A_1252 = arith.constant 0 : i32
    %swap3A_1253 = arith.constant 0 : i32
    %swap3A_1254 = tpu.memref_slice %arg11[%swap3A_1252, %swap3A_1253] : memref<2x640xf32, #tpu.memory_space<vmem>> -> memref<1x640xf32, #tpu.memory_space<vmem>>
    %swap3A_1255 = tpu.memref_squeeze %swap3A_1254 : memref<1x640xf32, #tpu.memory_space<vmem>> -> memref<640xf32, #tpu.memory_space<vmem>>
    %swap3A_1256 = arith.constant 320 : index
    %swap3A_1257 = tpu.vector_load %swap3A_1255[%swap3A_1256] {strides = array<i32>} : memref<640xf32, #tpu.memory_space<vmem>>, vector<16xf32>,
    tpu.vector_store %swap3A_1255[%swap3A_1256], %broadcast_in_dim3A_3 {strides = array<i32>} : memref<640xf32, #tpu.memory_space<vmem>>, vector<16xf32>,
    %swap3A_1258 = arith.constant 0 : i32
    %swap3A_1259 = arith.constant 0 : i32
    %swap3A_1260 = tpu.memref_slice %arg11[%swap3A_1258, %swap3A_1259] : memref<2x640xf32, #tpu.memory_space<vmem>> -> memref<1x640xf32, #tpu.memory_space<vmem>>
    %swap3A_1261 = tpu.memref_squeeze %swap3A_1260 : memref<1x640xf32, #tpu.memory_space<vmem>> -> memref<640xf32, #tpu.memory_space<vmem>>
    %swap3A_1262 = arith.constant 336 : index
    %swap3A_1263 = tpu.vector_load %swap3A_1261[%swap3A_1262] {strides = array<i32>} : memref<640xf32, #tpu.memory_space<vmem>>, vector<16xf32>,
    tpu.vector_store %swap3A_1261[%swap3A_1262], %broadcast_in_dim3A_3 {strides = array<i32>} : memref<640xf32, #tpu.memory_space<vmem>>, vector<16xf32>,
    %swap3A_1264 = arith.constant 0 : i32
    %swap3A_1265 = arith.constant 0 : i32
    %swap3A_1266 = tpu.memref_slice %arg11[%swap3A_1264, %swap3A_1265] : memref<2x640xf32, #tpu.memory_space<vmem>> -> memref<1x640xf32, #tpu.memory_space<vmem>>
    %swap3A_1267 = tpu.memref_squeeze %swap3A_1266 : memref<1x640xf32, #tpu.memory_space<vmem>> -> memref<640xf32, #tpu.memory_space<vmem>>
    %swap3A_1268 = arith.constant 352 : index
    %swap3A_1269 = tpu.vector_load %swap3A_1267[%swap3A_1268] {strides = array<i32>} : memref<640xf32, #tpu.memory_space<vmem>>, vector<16xf32>,
    tpu.vector_store %swap3A_1267[%swap3A_1268], %broadcast_in_dim3A_3 {strides = array<i32>} : memref<640xf32, #tpu.memory_space<vmem>>, vector<16xf32>,
    %swap3A_1270 = arith.constant 0 : i32
    %swap3A_1271 = arith.constant 0 : i32
    %swap3A_1272 = tpu.memref_slice %arg11[%swap3A_1270, %swap3A_1271] : memref<2x640xf32, #tpu.memory_space<vmem>> -> memref<1x640xf32, #tpu.memory_space<vmem>>
    %swap3A_1273 = tpu.memref_squeeze %swap3A_1272 : memref<1x640xf32, #tpu.memory_space<vmem>> -> memref<640xf32, #tpu.memory_space<vmem>>
    %swap3A_1274 = arith.constant 368 : index
    %swap3A_1275 = tpu.vector_load %swap3A_1273[%swap3A_1274] {strides = array<i32>} : memref<640xf32, #tpu.memory_space<vmem>>, vector<16xf32>,
    tpu.vector_store %swap3A_1273[%swap3A_1274], %broadcast_in_dim3A_3 {strides = array<i32>} : memref<640xf32, #tpu.memory_space<vmem>>, vector<16xf32>,
    %swap3A_1276 = arith.constant 0 : i32
    %swap3A_1277 = arith.constant 0 : i32
    %swap3A_1278 = tpu.memref_slice %arg11[%swap3A_1276, %swap3A_1277] : memref<2x640xf32, #tpu.memory_space<vmem>> -> memref<1x640xf32, #tpu.memory_space<vmem>>
    %swap3A_1279 = tpu.memref_squeeze %swap3A_1278 : memref<1x640xf32, #tpu.memory_space<vmem>> -> memref<640xf32, #tpu.memory_space<vmem>>
    %swap3A_1280 = arith.constant 384 : index
    %swap3A_1281 = tpu.vector_load %swap3A_1279[%swap3A_1280] {strides = array<i32>} : memref<640xf32, #tpu.memory_space<vmem>>, vector<16xf32>,
    tpu.vector_store %swap3A_1279[%swap3A_1280], %broadcast_in_dim3A_3 {strides = array<i32>} : memref<640xf32, #tpu.memory_space<vmem>>, vector<16xf32>,
    %swap3A_1282 = arith.constant 0 : i32
    %swap3A_1283 = arith.constant 0 : i32
    %swap3A_1284 = tpu.memref_slice %arg11[%swap3A_1282, %swap3A_1283] : memref<2x640xf32, #tpu.memory_space<vmem>> -> memref<1x640xf32, #tpu.memory_space<vmem>>
    %swap3A_1285 = tpu.memref_squeeze %swap3A_1284 : memref<1x640xf32, #tpu.memory_space<vmem>> -> memref<640xf32, #tpu.memory_space<vmem>>
    %swap3A_1286 = arith.constant 400 : index
    %swap3A_1287 = tpu.vector_load %swap3A_1285[%swap3A_1286] {strides = array<i32>} : memref<640xf32, #tpu.memory_space<vmem>>, vector<16xf32>,
    tpu.vector_store %swap3A_1285[%swap3A_1286], %broadcast_in_dim3A_3 {strides = array<i32>} : memref<640xf32, #tpu.memory_space<vmem>>, vector<16xf32>,
    %swap3A_1288 = arith.constant 0 : i32
    %swap3A_1289 = arith.constant 0 : i32
    %swap3A_1290 = tpu.memref_slice %arg11[%swap3A_1288, %swap3A_1289] : memref<2x640xf32, #tpu.memory_space<vmem>> -> memref<1x640xf32, #tpu.memory_space<vmem>>
    %swap3A_1291 = tpu.memref_squeeze %swap3A_1290 : memref<1x640xf32, #tpu.memory_space<vmem>> -> memref<640xf32, #tpu.memory_space<vmem>>
    %swap3A_1292 = arith.constant 416 : index
    %swap3A_1293 = tpu.vector_load %swap3A_1291[%swap3A_1292] {strides = array<i32>} : memref<640xf32, #tpu.memory_space<vmem>>, vector<16xf32>,
    tpu.vector_store %swap3A_1291[%swap3A_1292], %broadcast_in_dim3A_3 {strides = array<i32>} : memref<640xf32, #tpu.memory_space<vmem>>, vector<16xf32>,
    %swap3A_1294 = arith.constant 0 : i32
    %swap3A_1295 = arith.constant 0 : i32
    %swap3A_1296 = tpu.memref_slice %arg11[%swap3A_1294, %swap3A_1295] : memref<2x640xf32, #tpu.memory_space<vmem>> -> memref<1x640xf32, #tpu.memory_space<vmem>>
    %swap3A_1297 = tpu.memref_squeeze %swap3A_1296 : memref<1x640xf32, #tpu.memory_space<vmem>> -> memref<640xf32, #tpu.memory_space<vmem>>
    %swap3A_1298 = arith.constant 432 : index
    %swap3A_1299 = tpu.vector_load %swap3A_1297[%swap3A_1298] {strides = array<i32>} : memref<640xf32, #tpu.memory_space<vmem>>, vector<16xf32>,
    tpu.vector_store %swap3A_1297[%swap3A_1298], %broadcast_in_dim3A_3 {strides = array<i32>} : memref<640xf32, #tpu.memory_space<vmem>>, vector<16xf32>,
    %swap3A_1300 = arith.constant 0 : i32
    %swap3A_1301 = arith.constant 0 : i32
    %swap3A_1302 = tpu.memref_slice %arg11[%swap3A_1300, %swap3A_1301] : memref<2x640xf32, #tpu.memory_space<vmem>> -> memref<1x640xf32, #tpu.memory_space<vmem>>
    %swap3A_1303 = tpu.memref_squeeze %swap3A_1302 : memref<1x640xf32, #tpu.memory_space<vmem>> -> memref<640xf32, #tpu.memory_space<vmem>>
    %swap3A_1304 = arith.constant 448 : index
    %swap3A_1305 = tpu.vector_load %swap3A_1303[%swap3A_1304] {strides = array<i32>} : memref<640xf32, #tpu.memory_space<vmem>>, vector<16xf32>,
    tpu.vector_store %swap3A_1303[%swap3A_1304], %broadcast_in_dim3A_3 {strides = array<i32>} : memref<640xf32, #tpu.memory_space<vmem>>, vector<16xf32>,
    %swap3A_1306 = arith.constant 0 : i32
    %swap3A_1307 = arith.constant 0 : i32
    %swap3A_1308 = tpu.memref_slice %arg11[%swap3A_1306, %swap3A_1307] : memref<2x640xf32, #tpu.memory_space<vmem>> -> memref<1x640xf32, #tpu.memory_space<vmem>>
    %swap3A_1309 = tpu.memref_squeeze %swap3A_1308 : memref<1x640xf32, #tpu.memory_space<vmem>> -> memref<640xf32, #tpu.memory_space<vmem>>
    %swap3A_1310 = arith.constant 464 : index
    %swap3A_1311 = tpu.vector_load %swap3A_1309[%swap3A_1310] {strides = array<i32>} : memref<640xf32, #tpu.memory_space<vmem>>, vector<16xf32>,
    tpu.vector_store %swap3A_1309[%swap3A_1310], %broadcast_in_dim3A_3 {strides = array<i32>} : memref<640xf32, #tpu.memory_space<vmem>>, vector<16xf32>,
    %swap3A_1312 = arith.constant 0 : i32
    %swap3A_1313 = arith.constant 0 : i32
    %swap3A_1314 = tpu.memref_slice %arg11[%swap3A_1312, %swap3A_1313] : memref<2x640xf32, #tpu.memory_space<vmem>> -> memref<1x640xf32, #tpu.memory_space<vmem>>
    %swap3A_1315 = tpu.memref_squeeze %swap3A_1314 : memref<1x640xf32, #tpu.memory_space<vmem>> -> memref<640xf32, #tpu.memory_space<vmem>>
    %swap3A_1316 = arith.constant 480 : index
    %swap3A_1317 = tpu.vector_load %swap3A_1315[%swap3A_1316] {strides = array<i32>} : memref<640xf32, #tpu.memory_space<vmem>>, vector<16xf32>,
    tpu.vector_store %swap3A_1315[%swap3A_1316], %broadcast_in_dim3A_3 {strides = array<i32>} : memref<640xf32, #tpu.memory_space<vmem>>, vector<16xf32>,
    %swap3A_1318 = arith.constant 0 : i32
    %swap3A_1319 = arith.constant 0 : i32
    %swap3A_1320 = tpu.memref_slice %arg11[%swap3A_1318, %swap3A_1319] : memref<2x640xf32, #tpu.memory_space<vmem>> -> memref<1x640xf32, #tpu.memory_space<vmem>>
    %swap3A_1321 = tpu.memref_squeeze %swap3A_1320 : memref<1x640xf32, #tpu.memory_space<vmem>> -> memref<640xf32, #tpu.memory_space<vmem>>
    %swap3A_1322 = arith.constant 496 : index
    %swap3A_1323 = tpu.vector_load %swap3A_1321[%swap3A_1322] {strides = array<i32>} : memref<640xf32, #tpu.memory_space<vmem>>, vector<16xf32>,
    tpu.vector_store %swap3A_1321[%swap3A_1322], %broadcast_in_dim3A_3 {strides = array<i32>} : memref<640xf32, #tpu.memory_space<vmem>>, vector<16xf32>,
    %swap3A_1324 = arith.constant 0 : i32
    %swap3A_1325 = arith.constant 0 : i32
    %swap3A_1326 = tpu.memref_slice %arg11[%swap3A_1324, %swap3A_1325] : memref<2x640xf32, #tpu.memory_space<vmem>> -> memref<1x640xf32, #tpu.memory_space<vmem>>
    %swap3A_1327 = tpu.memref_squeeze %swap3A_1326 : memref<1x640xf32, #tpu.memory_space<vmem>> -> memref<640xf32, #tpu.memory_space<vmem>>
    %swap3A_1328 = arith.constant 512 : index
    %swap3A_1329 = tpu.vector_load %swap3A_1327[%swap3A_1328] {strides = array<i32>} : memref<640xf32, #tpu.memory_space<vmem>>, vector<16xf32>,
    tpu.vector_store %swap3A_1327[%swap3A_1328], %broadcast_in_dim3A_3 {strides = array<i32>} : memref<640xf32, #tpu.memory_space<vmem>>, vector<16xf32>,
    %swap3A_1330 = arith.constant 0 : i32
    %swap3A_1331 = arith.constant 0 : i32
    %swap3A_1332 = tpu.memref_slice %arg11[%swap3A_1330, %swap3A_1331] : memref<2x640xf32, #tpu.memory_space<vmem>> -> memref<1x640xf32, #tpu.memory_space<vmem>>
    %swap3A_1333 = tpu.memref_squeeze %swap3A_1332 : memref<1x640xf32, #tpu.memory_space<vmem>> -> memref<640xf32, #tpu.memory_space<vmem>>
    %swap3A_1334 = arith.constant 528 : index
    %swap3A_1335 = tpu.vector_load %swap3A_1333[%swap3A_1334] {strides = array<i32>} : memref<640xf32, #tpu.memory_space<vmem>>, vector<16xf32>,
    tpu.vector_store %swap3A_1333[%swap3A_1334], %broadcast_in_dim3A_3 {strides = array<i32>} : memref<640xf32, #tpu.memory_space<vmem>>, vector<16xf32>,
    %swap3A_1336 = arith.constant 0 : i32
    %swap3A_1337 = arith.constant 0 : i32
    %swap3A_1338 = tpu.memref_slice %arg11[%swap3A_1336, %swap3A_1337] : memref<2x640xf32, #tpu.memory_space<vmem>> -> memref<1x640xf32, #tpu.memory_space<vmem>>
    %swap3A_1339 = tpu.memref_squeeze %swap3A_1338 : memref<1x640xf32, #tpu.memory_space<vmem>> -> memref<640xf32, #tpu.memory_space<vmem>>
    %swap3A_1340 = arith.constant 544 : index
    %swap3A_1341 = tpu.vector_load %swap3A_1339[%swap3A_1340] {strides = array<i32>} : memref<640xf32, #tpu.memory_space<vmem>>, vector<16xf32>,
    tpu.vector_store %swap3A_1339[%swap3A_1340], %broadcast_in_dim3A_3 {strides = array<i32>} : memref<640xf32, #tpu.memory_space<vmem>>, vector<16xf32>,
    %swap3A_1342 = arith.constant 0 : i32
    %swap3A_1343 = arith.constant 0 : i32
    %swap3A_1344 = tpu.memref_slice %arg11[%swap3A_1342, %swap3A_1343] : memref<2x640xf32, #tpu.memory_space<vmem>> -> memref<1x640xf32, #tpu.memory_space<vmem>>
    %swap3A_1345 = tpu.memref_squeeze %swap3A_1344 : memref<1x640xf32, #tpu.memory_space<vmem>> -> memref<640xf32, #tpu.memory_space<vmem>>
    %swap3A_1346 = arith.constant 560 : index
    %swap3A_1347 = tpu.vector_load %swap3A_1345[%swap3A_1346] {strides = array<i32>} : memref<640xf32, #tpu.memory_space<vmem>>, vector<16xf32>,
    tpu.vector_store %swap3A_1345[%swap3A_1346], %broadcast_in_dim3A_3 {strides = array<i32>} : memref<640xf32, #tpu.memory_space<vmem>>, vector<16xf32>,
    %swap3A_1348 = arith.constant 0 : i32
    %swap3A_1349 = arith.constant 0 : i32
    %swap3A_1350 = tpu.memref_slice %arg11[%swap3A_1348, %swap3A_1349] : memref<2x640xf32, #tpu.memory_space<vmem>> -> memref<1x640xf32, #tpu.memory_space<vmem>>
    %swap3A_1351 = tpu.memref_squeeze %swap3A_1350 : memref<1x640xf32, #tpu.memory_space<vmem>> -> memref<640xf32, #tpu.memory_space<vmem>>
    %swap3A_1352 = arith.constant 576 : index
    %swap3A_1353 = tpu.vector_load %swap3A_1351[%swap3A_1352] {strides = array<i32>} : memref<640xf32, #tpu.memory_space<vmem>>, vector<16xf32>,
    tpu.vector_store %swap3A_1351[%swap3A_1352], %broadcast_in_dim3A_3 {strides = array<i32>} : memref<640xf32, #tpu.memory_space<vmem>>, vector<16xf32>,
    %swap3A_1354 = arith.constant 0 : i32
    %swap3A_1355 = arith.constant 0 : i32
    %swap3A_1356 = tpu.memref_slice %arg11[%swap3A_1354, %swap3A_1355] : memref<2x640xf32, #tpu.memory_space<vmem>> -> memref<1x640xf32, #tpu.memory_space<vmem>>
    %swap3A_1357 = tpu.memref_squeeze %swap3A_1356 : memref<1x640xf32, #tpu.memory_space<vmem>> -> memref<640xf32, #tpu.memory_space<vmem>>
    %swap3A_1358 = arith.constant 592 : index
    %swap3A_1359 = tpu.vector_load %swap3A_1357[%swap3A_1358] {strides = array<i32>} : memref<640xf32, #tpu.memory_space<vmem>>, vector<16xf32>,
    tpu.vector_store %swap3A_1357[%swap3A_1358], %broadcast_in_dim3A_3 {strides = array<i32>} : memref<640xf32, #tpu.memory_space<vmem>>, vector<16xf32>,
    %swap3A_1360 = arith.constant 0 : i32
    %swap3A_1361 = arith.constant 0 : i32
    %swap3A_1362 = tpu.memref_slice %arg11[%swap3A_1360, %swap3A_1361] : memref<2x640xf32, #tpu.memory_space<vmem>> -> memref<1x640xf32, #tpu.memory_space<vmem>>
    %swap3A_1363 = tpu.memref_squeeze %swap3A_1362 : memref<1x640xf32, #tpu.memory_space<vmem>> -> memref<640xf32, #tpu.memory_space<vmem>>
    %swap3A_1364 = arith.constant 608 : index
    %swap3A_1365 = tpu.vector_load %swap3A_1363[%swap3A_1364] {strides = array<i32>} : memref<640xf32, #tpu.memory_space<vmem>>, vector<16xf32>,
    tpu.vector_store %swap3A_1363[%swap3A_1364], %broadcast_in_dim3A_3 {strides = array<i32>} : memref<640xf32, #tpu.memory_space<vmem>>, vector<16xf32>,
    %swap3A_1366 = arith.constant 0 : i32
    %swap3A_1367 = arith.constant 0 : i32
    %swap3A_1368 = tpu.memref_slice %arg11[%swap3A_1366, %swap3A_1367] : memref<2x640xf32, #tpu.memory_space<vmem>> -> memref<1x640xf32, #tpu.memory_space<vmem>>
    %swap3A_1369 = tpu.memref_squeeze %swap3A_1368 : memref<1x640xf32, #tpu.memory_space<vmem>> -> memref<640xf32, #tpu.memory_space<vmem>>
    %swap3A_1370 = arith.constant 624 : index
    %swap3A_1371 = tpu.vector_load %swap3A_1369[%swap3A_1370] {strides = array<i32>} : memref<640xf32, #tpu.memory_space<vmem>>, vector<16xf32>,
    tpu.vector_store %swap3A_1369[%swap3A_1370], %broadcast_in_dim3A_3 {strides = array<i32>} : memref<640xf32, #tpu.memory_space<vmem>>, vector<16xf32>,
    %dma_wait3A_1372 = arith.constant 0 : i32
    %dma_wait3A_1373 = arith.constant 0 : i32
    %dma_wait3A_1374 = arith.constant 0 : i32
    %dma_wait3A_1375 = arith.constant 0 : i32
    %dma_wait3A_1376 = tpu.memref_slice %arg9[%dma_wait3A_1373, %dma_wait3A_1374, %dma_wait3A_1375] : memref<2x128x64xf32, #tpu.memory_space<vmem>> -> memref<1x128x64xf32, #tpu.memory_space<vmem>>
    %dma_wait3A_1377 = tpu.memref_squeeze %dma_wait3A_1376 : memref<1x128x64xf32, #tpu.memory_space<vmem>> -> memref<128x64xf32, #tpu.memory_space<vmem>>
    %dma_wait3A_1378 = arith.constant 0 : i32
    %dma_wait3A_1379 = tpu.memref_slice %arg7[%dma_wait3A_1372, %dma_wait3A_1378] : memref<2x128xi32, #tpu.memory_space<vmem>> -> memref<1x128xi32, #tpu.memory_space<vmem>>
    %dma_wait3A_1380 = tpu.memref_squeeze %dma_wait3A_1379 : memref<1x128xi32, #tpu.memory_space<vmem>> -> memref<128xi32, #tpu.memory_space<vmem>>
    %dma_wait3A_1381 = arith.constant 0 : i32
    %dma_wait3A_1382 = arith.constant 0 : i32
    %dma_wait3A_1383 = tpu.memref_slice %arg4[%dma_wait3A_1381, %dma_wait3A_1382] : memref<1000000x64xf32, #tpu.memory_space<hbm>> -> memref<1000000x64xf32, #tpu.memory_space<hbm>>
    tpu.wait_indirect_dma semaphore(%arg12 : memref<!tpu.dma_semaphore, #tpu.memory_space<semaphore_mem>>) src(%dma_wait3A_1383 : memref<1000000x64xf32, #tpu.memory_space<hbm>>) dst(%dma_wait3A_1377 : memref<128x64xf32, #tpu.memory_space<vmem>>)
    %dma_wait3A_1384 = arith.constant 0 : i32
    %dma_wait3A_1385 = arith.constant 0 : i32
    %dma_wait3A_1386 = arith.constant 0 : i32
    %dma_wait3A_1387 = arith.constant 0 : i32
    %dma_wait3A_1388 = tpu.memref_slice %arg10[%dma_wait3A_1385, %dma_wait3A_1386, %dma_wait3A_1387] : memref<2x640x64xf32, #tpu.memory_space<vmem>> -> memref<1x640x64xf32, #tpu.memory_space<vmem>>
    %dma_wait3A_1389 = tpu.memref_squeeze %dma_wait3A_1388 : memref<1x640x64xf32, #tpu.memory_space<vmem>> -> memref<640x64xf32, #tpu.memory_space<vmem>>
    %dma_wait3A_1390 = arith.constant 0 : i32
    %dma_wait3A_1391 = arith.constant 0 : i32
    %dma_wait3A_1392 = tpu.memref_slice %dma_wait3A_1389[%dma_wait3A_1390, %dma_wait3A_1391] : memref<640x64xf32, #tpu.memory_space<vmem>> -> memref<128x64xf32, #tpu.memory_space<vmem>>
    %dma_wait3A_1393 = arith.constant 0 : i32
    %dma_wait3A_1394 = tpu.memref_slice %arg8[%dma_wait3A_1384, %dma_wait3A_1393] : memref<2x640xi32, #tpu.memory_space<vmem>> -> memref<1x640xi32, #tpu.memory_space<vmem>>
    %dma_wait3A_1395 = tpu.memref_squeeze %dma_wait3A_1394 : memref<1x640xi32, #tpu.memory_space<vmem>> -> memref<640xi32, #tpu.memory_space<vmem>>
    %dma_wait3A_1396 = arith.constant 0 : i32
    %dma_wait3A_1397 = tpu.memref_slice %dma_wait3A_1395[%dma_wait3A_1396] : memref<640xi32, #tpu.memory_space<vmem>> -> memref<128xi32, #tpu.memory_space<vmem>>
    %dma_wait3A_1398 = arith.constant 0 : i32
    %dma_wait3A_1399 = arith.constant 0 : i32
    %dma_wait3A_1400 = tpu.memref_slice %arg5[%dma_wait3A_1398, %dma_wait3A_1399] : memref<1000000x64xf32, #tpu.memory_space<hbm>> -> memref<1000000x64xf32, #tpu.memory_space<hbm>>
    tpu.wait_indirect_dma semaphore(%arg12 : memref<!tpu.dma_semaphore, #tpu.memory_space<semaphore_mem>>) src(%dma_wait3A_1400 : memref<1000000x64xf32, #tpu.memory_space<hbm>>) dst(%dma_wait3A_1392 : memref<128x64xf32, #tpu.memory_space<vmem>>)
    %dma_wait3A_1401 = arith.constant 0 : i32
    %dma_wait3A_1402 = arith.constant 0 : i32
    %dma_wait3A_1403 = arith.constant 0 : i32
    %dma_wait3A_1404 = arith.constant 0 : i32
    %dma_wait3A_1405 = tpu.memref_slice %arg10[%dma_wait3A_1402, %dma_wait3A_1403, %dma_wait3A_1404] : memref<2x640x64xf32, #tpu.memory_space<vmem>> -> memref<1x640x64xf32, #tpu.memory_space<vmem>>
    %dma_wait3A_1406 = tpu.memref_squeeze %dma_wait3A_1405 : memref<1x640x64xf32, #tpu.memory_space<vmem>> -> memref<640x64xf32, #tpu.memory_space<vmem>>
    %dma_wait3A_1407 = arith.constant 128 : i32
    %dma_wait3A_1408 = arith.constant 0 : i32
    %dma_wait3A_1409 = tpu.memref_slice %dma_wait3A_1406[%dma_wait3A_1407, %dma_wait3A_1408] : memref<640x64xf32, #tpu.memory_space<vmem>> -> memref<128x64xf32, #tpu.memory_space<vmem>>
    %dma_wait3A_1410 = arith.constant 0 : i32
    %dma_wait3A_1411 = tpu.memref_slice %arg8[%dma_wait3A_1401, %dma_wait3A_1410] : memref<2x640xi32, #tpu.memory_space<vmem>> -> memref<1x640xi32, #tpu.memory_space<vmem>>
    %dma_wait3A_1412 = tpu.memref_squeeze %dma_wait3A_1411 : memref<1x640xi32, #tpu.memory_space<vmem>> -> memref<640xi32, #tpu.memory_space<vmem>>
    %dma_wait3A_1413 = arith.constant 128 : i32
    %dma_wait3A_1414 = tpu.memref_slice %dma_wait3A_1412[%dma_wait3A_1413] : memref<640xi32, #tpu.memory_space<vmem>> -> memref<128xi32, #tpu.memory_space<vmem>>
    %dma_wait3A_1415 = arith.constant 0 : i32
    %dma_wait3A_1416 = arith.constant 0 : i32
    %dma_wait3A_1417 = tpu.memref_slice %arg5[%dma_wait3A_1415, %dma_wait3A_1416] : memref<1000000x64xf32, #tpu.memory_space<hbm>> -> memref<1000000x64xf32, #tpu.memory_space<hbm>>
    tpu.wait_indirect_dma semaphore(%arg12 : memref<!tpu.dma_semaphore, #tpu.memory_space<semaphore_mem>>) src(%dma_wait3A_1417 : memref<1000000x64xf32, #tpu.memory_space<hbm>>) dst(%dma_wait3A_1409 : memref<128x64xf32, #tpu.memory_space<vmem>>)
    %dma_wait3A_1418 = arith.constant 0 : i32
    %dma_wait3A_1419 = arith.constant 0 : i32
    %dma_wait3A_1420 = arith.constant 0 : i32
    %dma_wait3A_1421 = arith.constant 0 : i32
    %dma_wait3A_1422 = tpu.memref_slice %arg10[%dma_wait3A_1419, %dma_wait3A_1420, %dma_wait3A_1421] : memref<2x640x64xf32, #tpu.memory_space<vmem>> -> memref<1x640x64xf32, #tpu.memory_space<vmem>>
    %dma_wait3A_1423 = tpu.memref_squeeze %dma_wait3A_1422 : memref<1x640x64xf32, #tpu.memory_space<vmem>> -> memref<640x64xf32, #tpu.memory_space<vmem>>
    %dma_wait3A_1424 = arith.constant 256 : i32
    %dma_wait3A_1425 = arith.constant 0 : i32
    %dma_wait3A_1426 = tpu.memref_slice %dma_wait3A_1423[%dma_wait3A_1424, %dma_wait3A_1425] : memref<640x64xf32, #tpu.memory_space<vmem>> -> memref<128x64xf32, #tpu.memory_space<vmem>>
    %dma_wait3A_1427 = arith.constant 0 : i32
    %dma_wait3A_1428 = tpu.memref_slice %arg8[%dma_wait3A_1418, %dma_wait3A_1427] : memref<2x640xi32, #tpu.memory_space<vmem>> -> memref<1x640xi32, #tpu.memory_space<vmem>>
    %dma_wait3A_1429 = tpu.memref_squeeze %dma_wait3A_1428 : memref<1x640xi32, #tpu.memory_space<vmem>> -> memref<640xi32, #tpu.memory_space<vmem>>
    %dma_wait3A_1430 = arith.constant 256 : i32
    %dma_wait3A_1431 = tpu.memref_slice %dma_wait3A_1429[%dma_wait3A_1430] : memref<640xi32, #tpu.memory_space<vmem>> -> memref<128xi32, #tpu.memory_space<vmem>>
    %dma_wait3A_1432 = arith.constant 0 : i32
    %dma_wait3A_1433 = arith.constant 0 : i32
    %dma_wait3A_1434 = tpu.memref_slice %arg5[%dma_wait3A_1432, %dma_wait3A_1433] : memref<1000000x64xf32, #tpu.memory_space<hbm>> -> memref<1000000x64xf32, #tpu.memory_space<hbm>>
    tpu.wait_indirect_dma semaphore(%arg12 : memref<!tpu.dma_semaphore, #tpu.memory_space<semaphore_mem>>) src(%dma_wait3A_1434 : memref<1000000x64xf32, #tpu.memory_space<hbm>>) dst(%dma_wait3A_1426 : memref<128x64xf32, #tpu.memory_space<vmem>>)
    %dma_wait3A_1435 = arith.constant 0 : i32
    %dma_wait3A_1436 = arith.constant 0 : i32
    %dma_wait3A_1437 = arith.constant 0 : i32
    %dma_wait3A_1438 = arith.constant 0 : i32
    %dma_wait3A_1439 = tpu.memref_slice %arg10[%dma_wait3A_1436, %dma_wait3A_1437, %dma_wait3A_1438] : memref<2x640x64xf32, #tpu.memory_space<vmem>> -> memref<1x640x64xf32, #tpu.memory_space<vmem>>
    %dma_wait3A_1440 = tpu.memref_squeeze %dma_wait3A_1439 : memref<1x640x64xf32, #tpu.memory_space<vmem>> -> memref<640x64xf32, #tpu.memory_space<vmem>>
    %dma_wait3A_1441 = arith.constant 384 : i32
    %dma_wait3A_1442 = arith.constant 0 : i32
    %dma_wait3A_1443 = tpu.memref_slice %dma_wait3A_1440[%dma_wait3A_1441, %dma_wait3A_1442] : memref<640x64xf32, #tpu.memory_space<vmem>> -> memref<128x64xf32, #tpu.memory_space<vmem>>
    %dma_wait3A_1444 = arith.constant 0 : i32
    %dma_wait3A_1445 = tpu.memref_slice %arg8[%dma_wait3A_1435, %dma_wait3A_1444] : memref<2x640xi32, #tpu.memory_space<vmem>> -> memref<1x640xi32, #tpu.memory_space<vmem>>
    %dma_wait3A_1446 = tpu.memref_squeeze %dma_wait3A_1445 : memref<1x640xi32, #tpu.memory_space<vmem>> -> memref<640xi32, #tpu.memory_space<vmem>>
    %dma_wait3A_1447 = arith.constant 384 : i32
    %dma_wait3A_1448 = tpu.memref_slice %dma_wait3A_1446[%dma_wait3A_1447] : memref<640xi32, #tpu.memory_space<vmem>> -> memref<128xi32, #tpu.memory_space<vmem>>
    %dma_wait3A_1449 = arith.constant 0 : i32
    %dma_wait3A_1450 = arith.constant 0 : i32
    %dma_wait3A_1451 = tpu.memref_slice %arg5[%dma_wait3A_1449, %dma_wait3A_1450] : memref<1000000x64xf32, #tpu.memory_space<hbm>> -> memref<1000000x64xf32, #tpu.memory_space<hbm>>
    tpu.wait_indirect_dma semaphore(%arg12 : memref<!tpu.dma_semaphore, #tpu.memory_space<semaphore_mem>>) src(%dma_wait3A_1451 : memref<1000000x64xf32, #tpu.memory_space<hbm>>) dst(%dma_wait3A_1443 : memref<128x64xf32, #tpu.memory_space<vmem>>)
    %dma_wait3A_1452 = arith.constant 0 : i32
    %dma_wait3A_1453 = arith.constant 0 : i32
    %dma_wait3A_1454 = arith.constant 0 : i32
    %dma_wait3A_1455 = arith.constant 0 : i32
    %dma_wait3A_1456 = tpu.memref_slice %arg10[%dma_wait3A_1453, %dma_wait3A_1454, %dma_wait3A_1455] : memref<2x640x64xf32, #tpu.memory_space<vmem>> -> memref<1x640x64xf32, #tpu.memory_space<vmem>>
    %dma_wait3A_1457 = tpu.memref_squeeze %dma_wait3A_1456 : memref<1x640x64xf32, #tpu.memory_space<vmem>> -> memref<640x64xf32, #tpu.memory_space<vmem>>
    %dma_wait3A_1458 = arith.constant 512 : i32
    %dma_wait3A_1459 = arith.constant 0 : i32
    %dma_wait3A_1460 = tpu.memref_slice %dma_wait3A_1457[%dma_wait3A_1458, %dma_wait3A_1459] : memref<640x64xf32, #tpu.memory_space<vmem>> -> memref<128x64xf32, #tpu.memory_space<vmem>>
    %dma_wait3A_1461 = arith.constant 0 : i32
    %dma_wait3A_1462 = tpu.memref_slice %arg8[%dma_wait3A_1452, %dma_wait3A_1461] : memref<2x640xi32, #tpu.memory_space<vmem>> -> memref<1x640xi32, #tpu.memory_space<vmem>>
    %dma_wait3A_1463 = tpu.memref_squeeze %dma_wait3A_1462 : memref<1x640xi32, #tpu.memory_space<vmem>> -> memref<640xi32, #tpu.memory_space<vmem>>
    %dma_wait3A_1464 = arith.constant 512 : i32
    %dma_wait3A_1465 = tpu.memref_slice %dma_wait3A_1463[%dma_wait3A_1464] : memref<640xi32, #tpu.memory_space<vmem>> -> memref<128xi32, #tpu.memory_space<vmem>>
    %dma_wait3A_1466 = arith.constant 0 : i32
    %dma_wait3A_1467 = arith.constant 0 : i32
    %dma_wait3A_1468 = tpu.memref_slice %arg5[%dma_wait3A_1466, %dma_wait3A_1467] : memref<1000000x64xf32, #tpu.memory_space<hbm>> -> memref<1000000x64xf32, #tpu.memory_space<hbm>>
    tpu.wait_indirect_dma semaphore(%arg12 : memref<!tpu.dma_semaphore, #tpu.memory_space<semaphore_mem>>) src(%dma_wait3A_1468 : memref<1000000x64xf32, #tpu.memory_space<hbm>>) dst(%dma_wait3A_1460 : memref<128x64xf32, #tpu.memory_space<vmem>>)
    %parallel_loop3A_1469 = arith.constant 0 : i32
    %parallel_loop3A_1470 = arith.constant 128 : i32
    %parallel_loop3A_1471 = arith.constant 1 : i32
    %parallel_loop3A_1472 = arith.constant 0 : i32
    %parallel_loop3A_1473 = arith.constant 0 : i32
    %parallel_loop3A_1474 = arith.constant 0 : i32
    scf.for %parallel_loop3A_1871 = %parallel_loop3A_1469 to %parallel_loop3A_1470 step %parallel_loop3A_1471  : i32 {
      %parallel_loop3A_1872 = arith.constant 0 : i32
      %parallel_loop3A_1873 = arith.constant 0 : i32
      %parallel_loop3A_1874 = tpu.memref_slice %arg9[%parallel_loop3A_1472, %parallel_loop3A_1872, %parallel_loop3A_1873] : memref<2x128x64xf32, #tpu.memory_space<vmem>> -> memref<1x128x64xf32, #tpu.memory_space<vmem>>
      %parallel_loop3A_1875 = tpu.memref_squeeze %parallel_loop3A_1874 : memref<1x128x64xf32, #tpu.memory_space<vmem>> -> memref<128x64xf32, #tpu.memory_space<vmem>>
      %parallel_loop3A_1876 = arith.index_cast %parallel_loop3A_1871 : i32 to index
      %parallel_loop3A_1877 = arith.constant 0 : index
      %parallel_loop3A_1878 = tpu.vector_load %parallel_loop3A_1875[%parallel_loop3A_1876, %parallel_loop3A_1877] {strides = array<i32>} : memref<128x64xf32, #tpu.memory_space<vmem>>, vector<16xf32>,
      %parallel_loop3A_1879 = arith.constant 0 : i32
      %parallel_loop3A_1880 = arith.constant 0 : i32
      %parallel_loop3A_1881 = tpu.memref_slice %arg9[%parallel_loop3A_1472, %parallel_loop3A_1879, %parallel_loop3A_1880] : memref<2x128x64xf32, #tpu.memory_space<vmem>> -> memref<1x128x64xf32, #tpu.memory_space<vmem>>
      %parallel_loop3A_1882 = tpu.memref_squeeze %parallel_loop3A_1881 : memref<1x128x64xf32, #tpu.memory_space<vmem>> -> memref<128x64xf32, #tpu.memory_space<vmem>>
      %parallel_loop3A_1883 = arith.index_cast %parallel_loop3A_1871 : i32 to index
      %parallel_loop3A_1884 = arith.constant 16 : index
      %parallel_loop3A_1885 = tpu.vector_load %parallel_loop3A_1882[%parallel_loop3A_1883, %parallel_loop3A_1884] {strides = array<i32>} : memref<128x64xf32, #tpu.memory_space<vmem>>, vector<16xf32>,
      %parallel_loop3A_1886 = arith.constant 0 : i32
      %parallel_loop3A_1887 = arith.constant 0 : i32
      %parallel_loop3A_1888 = tpu.memref_slice %arg9[%parallel_loop3A_1472, %parallel_loop3A_1886, %parallel_loop3A_1887] : memref<2x128x64xf32, #tpu.memory_space<vmem>> -> memref<1x128x64xf32, #tpu.memory_space<vmem>>
      %parallel_loop3A_1889 = tpu.memref_squeeze %parallel_loop3A_1888 : memref<1x128x64xf32, #tpu.memory_space<vmem>> -> memref<128x64xf32, #tpu.memory_space<vmem>>
      %parallel_loop3A_1890 = arith.index_cast %parallel_loop3A_1871 : i32 to index
      %parallel_loop3A_1891 = arith.constant 32 : index
      %parallel_loop3A_1892 = tpu.vector_load %parallel_loop3A_1889[%parallel_loop3A_1890, %parallel_loop3A_1891] {strides = array<i32>} : memref<128x64xf32, #tpu.memory_space<vmem>>, vector<16xf32>,
      %parallel_loop3A_1893 = arith.constant 0 : i32
      %parallel_loop3A_1894 = arith.constant 0 : i32
      %parallel_loop3A_1895 = tpu.memref_slice %arg9[%parallel_loop3A_1472, %parallel_loop3A_1893, %parallel_loop3A_1894] : memref<2x128x64xf32, #tpu.memory_space<vmem>> -> memref<1x128x64xf32, #tpu.memory_space<vmem>>
      %parallel_loop3A_1896 = tpu.memref_squeeze %parallel_loop3A_1895 : memref<1x128x64xf32, #tpu.memory_space<vmem>> -> memref<128x64xf32, #tpu.memory_space<vmem>>
      %parallel_loop3A_1897 = arith.index_cast %parallel_loop3A_1871 : i32 to index
      %parallel_loop3A_1898 = arith.constant 48 : index
      %parallel_loop3A_1899 = tpu.vector_load %parallel_loop3A_1896[%parallel_loop3A_1897, %parallel_loop3A_1898] {strides = array<i32>} : memref<128x64xf32, #tpu.memory_space<vmem>>, vector<16xf32>,
      %parallel_loop3A_1900 = arith.constant 5 : i32
      %parallel_loop3A_1901 = arith.muli %parallel_loop3A_1871, %parallel_loop3A_1900 : i32
      %parallel_loop3A_1902 = arith.constant 0 : i32
      %parallel_loop3A_1903 = arith.addi %parallel_loop3A_1901, %parallel_loop3A_1902 : i32
      %parallel_loop3A_1904 = arith.constant 0 : i32
      %parallel_loop3A_1905 = arith.constant 0 : i32
      %parallel_loop3A_1906 = tpu.memref_slice %arg10[%parallel_loop3A_1473, %parallel_loop3A_1904, %parallel_loop3A_1905] : memref<2x640x64xf32, #tpu.memory_space<vmem>> -> memref<1x640x64xf32, #tpu.memory_space<vmem>>
      %parallel_loop3A_1907 = tpu.memref_squeeze %parallel_loop3A_1906 : memref<1x640x64xf32, #tpu.memory_space<vmem>> -> memref<640x64xf32, #tpu.memory_space<vmem>>
      %parallel_loop3A_1908 = arith.index_cast %parallel_loop3A_1903 : i32 to index
      %parallel_loop3A_1909 = arith.constant 0 : index
      %parallel_loop3A_1910 = tpu.vector_load %parallel_loop3A_1907[%parallel_loop3A_1908, %parallel_loop3A_1909] {strides = array<i32>} : memref<640x64xf32, #tpu.memory_space<vmem>>, vector<16xf32>,
      %parallel_loop3A_1911 = arith.mulf %parallel_loop3A_1878, %parallel_loop3A_1910 : vector<16xf32>
      %parallel_loop3A_1912 = arith.constant 0 : i32
      %parallel_loop3A_1913 = arith.constant 0 : i32
      %parallel_loop3A_1914 = tpu.memref_slice %arg10[%parallel_loop3A_1473, %parallel_loop3A_1912, %parallel_loop3A_1913] : memref<2x640x64xf32, #tpu.memory_space<vmem>> -> memref<1x640x64xf32, #tpu.memory_space<vmem>>
      %parallel_loop3A_1915 = tpu.memref_squeeze %parallel_loop3A_1914 : memref<1x640x64xf32, #tpu.memory_space<vmem>> -> memref<640x64xf32, #tpu.memory_space<vmem>>
      %parallel_loop3A_1916 = arith.index_cast %parallel_loop3A_1903 : i32 to index
      %parallel_loop3A_1917 = arith.constant 16 : index
      %parallel_loop3A_1918 = tpu.vector_load %parallel_loop3A_1915[%parallel_loop3A_1916, %parallel_loop3A_1917] {strides = array<i32>} : memref<640x64xf32, #tpu.memory_space<vmem>>, vector<16xf32>,
      %parallel_loop3A_1919 = arith.mulf %parallel_loop3A_1885, %parallel_loop3A_1918 : vector<16xf32>
      %parallel_loop3A_1920 = arith.addf %parallel_loop3A_1911, %parallel_loop3A_1919 : vector<16xf32>
      %parallel_loop3A_1921 = arith.constant 0 : i32
      %parallel_loop3A_1922 = arith.constant 0 : i32
      %parallel_loop3A_1923 = tpu.memref_slice %arg10[%parallel_loop3A_1473, %parallel_loop3A_1921, %parallel_loop3A_1922] : memref<2x640x64xf32, #tpu.memory_space<vmem>> -> memref<1x640x64xf32, #tpu.memory_space<vmem>>
      %parallel_loop3A_1924 = tpu.memref_squeeze %parallel_loop3A_1923 : memref<1x640x64xf32, #tpu.memory_space<vmem>> -> memref<640x64xf32, #tpu.memory_space<vmem>>
      %parallel_loop3A_1925 = arith.index_cast %parallel_loop3A_1903 : i32 to index
      %parallel_loop3A_1926 = arith.constant 32 : index
      %parallel_loop3A_1927 = tpu.vector_load %parallel_loop3A_1924[%parallel_loop3A_1925, %parallel_loop3A_1926] {strides = array<i32>} : memref<640x64xf32, #tpu.memory_space<vmem>>, vector<16xf32>,
      %parallel_loop3A_1928 = arith.mulf %parallel_loop3A_1892, %parallel_loop3A_1927 : vector<16xf32>
      %parallel_loop3A_1929 = arith.addf %parallel_loop3A_1920, %parallel_loop3A_1928 : vector<16xf32>
      %parallel_loop3A_1930 = arith.constant 0 : i32
      %parallel_loop3A_1931 = arith.constant 0 : i32
      %parallel_loop3A_1932 = tpu.memref_slice %arg10[%parallel_loop3A_1473, %parallel_loop3A_1930, %parallel_loop3A_1931] : memref<2x640x64xf32, #tpu.memory_space<vmem>> -> memref<1x640x64xf32, #tpu.memory_space<vmem>>
      %parallel_loop3A_1933 = tpu.memref_squeeze %parallel_loop3A_1932 : memref<1x640x64xf32, #tpu.memory_space<vmem>> -> memref<640x64xf32, #tpu.memory_space<vmem>>
      %parallel_loop3A_1934 = arith.index_cast %parallel_loop3A_1903 : i32 to index
      %parallel_loop3A_1935 = arith.constant 48 : index
      %parallel_loop3A_1936 = tpu.vector_load %parallel_loop3A_1933[%parallel_loop3A_1934, %parallel_loop3A_1935] {strides = array<i32>} : memref<640x64xf32, #tpu.memory_space<vmem>>, vector<16xf32>,
      %parallel_loop3A_1937 = arith.mulf %parallel_loop3A_1899, %parallel_loop3A_1936 : vector<16xf32>
      %parallel_loop3A_1938 = arith.addf %parallel_loop3A_1929, %parallel_loop3A_1937 : vector<16xf32>
      %parallel_loop3A_1939 = vector.broadcast %parallel_loop3A_1903 : i32 to vector<16xi32>
      %parallel_loop3A_1940 = arith.constant 0 : i32
      %parallel_loop3A_1941 = tpu.memref_slice %arg11[%parallel_loop3A_1474, %parallel_loop3A_1940] : memref<2x640xf32, #tpu.memory_space<vmem>> -> memref<1x640xf32, #tpu.memory_space<vmem>>
      %parallel_loop3A_1942 = tpu.memref_squeeze %parallel_loop3A_1941 : memref<1x640xf32, #tpu.memory_space<vmem>> -> memref<640xf32, #tpu.memory_space<vmem>>
      tpu.vector_store_idx %parallel_loop3A_1942[%parallel_loop3A_1939], %parallel_loop3A_1938 {add = true} : memref<640xf32, #tpu.memory_space<vmem>>[vector<16xi32>], vector<16xf32>,
      %parallel_loop3A_1943 = arith.constant 5 : i32
      %parallel_loop3A_1944 = arith.muli %parallel_loop3A_1871, %parallel_loop3A_1943 : i32
      %parallel_loop3A_1945 = arith.constant 1 : i32
      %parallel_loop3A_1946 = arith.addi %parallel_loop3A_1944, %parallel_loop3A_1945 : i32
      %parallel_loop3A_1947 = arith.constant 0 : i32
      %parallel_loop3A_1948 = arith.constant 0 : i32
      %parallel_loop3A_1949 = tpu.memref_slice %arg10[%parallel_loop3A_1473, %parallel_loop3A_1947, %parallel_loop3A_1948] : memref<2x640x64xf32, #tpu.memory_space<vmem>> -> memref<1x640x64xf32, #tpu.memory_space<vmem>>
      %parallel_loop3A_1950 = tpu.memref_squeeze %parallel_loop3A_1949 : memref<1x640x64xf32, #tpu.memory_space<vmem>> -> memref<640x64xf32, #tpu.memory_space<vmem>>
      %parallel_loop3A_1951 = arith.index_cast %parallel_loop3A_1946 : i32 to index
      %parallel_loop3A_1952 = arith.constant 0 : index
      %parallel_loop3A_1953 = tpu.vector_load %parallel_loop3A_1950[%parallel_loop3A_1951, %parallel_loop3A_1952] {strides = array<i32>} : memref<640x64xf32, #tpu.memory_space<vmem>>, vector<16xf32>,
      %parallel_loop3A_1954 = arith.mulf %parallel_loop3A_1878, %parallel_loop3A_1953 : vector<16xf32>
      %parallel_loop3A_1955 = arith.constant 0 : i32
      %parallel_loop3A_1956 = arith.constant 0 : i32
      %parallel_loop3A_1957 = tpu.memref_slice %arg10[%parallel_loop3A_1473, %parallel_loop3A_1955, %parallel_loop3A_1956] : memref<2x640x64xf32, #tpu.memory_space<vmem>> -> memref<1x640x64xf32, #tpu.memory_space<vmem>>
      %parallel_loop3A_1958 = tpu.memref_squeeze %parallel_loop3A_1957 : memref<1x640x64xf32, #tpu.memory_space<vmem>> -> memref<640x64xf32, #tpu.memory_space<vmem>>
      %parallel_loop3A_1959 = arith.index_cast %parallel_loop3A_1946 : i32 to index
      %parallel_loop3A_1960 = arith.constant 16 : index
      %parallel_loop3A_1961 = tpu.vector_load %parallel_loop3A_1958[%parallel_loop3A_1959, %parallel_loop3A_1960] {strides = array<i32>} : memref<640x64xf32, #tpu.memory_space<vmem>>, vector<16xf32>,
      %parallel_loop3A_1962 = arith.mulf %parallel_loop3A_1885, %parallel_loop3A_1961 : vector<16xf32>
      %parallel_loop3A_1963 = arith.addf %parallel_loop3A_1954, %parallel_loop3A_1962 : vector<16xf32>
      %parallel_loop3A_1964 = arith.constant 0 : i32
      %parallel_loop3A_1965 = arith.constant 0 : i32
      %parallel_loop3A_1966 = tpu.memref_slice %arg10[%parallel_loop3A_1473, %parallel_loop3A_1964, %parallel_loop3A_1965] : memref<2x640x64xf32, #tpu.memory_space<vmem>> -> memref<1x640x64xf32, #tpu.memory_space<vmem>>
      %parallel_loop3A_1967 = tpu.memref_squeeze %parallel_loop3A_1966 : memref<1x640x64xf32, #tpu.memory_space<vmem>> -> memref<640x64xf32, #tpu.memory_space<vmem>>
      %parallel_loop3A_1968 = arith.index_cast %parallel_loop3A_1946 : i32 to index
      %parallel_loop3A_1969 = arith.constant 32 : index
      %parallel_loop3A_1970 = tpu.vector_load %parallel_loop3A_1967[%parallel_loop3A_1968, %parallel_loop3A_1969] {strides = array<i32>} : memref<640x64xf32, #tpu.memory_space<vmem>>, vector<16xf32>,
      %parallel_loop3A_1971 = arith.mulf %parallel_loop3A_1892, %parallel_loop3A_1970 : vector<16xf32>
      %parallel_loop3A_1972 = arith.addf %parallel_loop3A_1963, %parallel_loop3A_1971 : vector<16xf32>
      %parallel_loop3A_1973 = arith.constant 0 : i32
      %parallel_loop3A_1974 = arith.constant 0 : i32
      %parallel_loop3A_1975 = tpu.memref_slice %arg10[%parallel_loop3A_1473, %parallel_loop3A_1973, %parallel_loop3A_1974] : memref<2x640x64xf32, #tpu.memory_space<vmem>> -> memref<1x640x64xf32, #tpu.memory_space<vmem>>
      %parallel_loop3A_1976 = tpu.memref_squeeze %parallel_loop3A_1975 : memref<1x640x64xf32, #tpu.memory_space<vmem>> -> memref<640x64xf32, #tpu.memory_space<vmem>>
      %parallel_loop3A_1977 = arith.index_cast %parallel_loop3A_1946 : i32 to index
      %parallel_loop3A_1978 = arith.constant 48 : index
      %parallel_loop3A_1979 = tpu.vector_load %parallel_loop3A_1976[%parallel_loop3A_1977, %parallel_loop3A_1978] {strides = array<i32>} : memref<640x64xf32, #tpu.memory_space<vmem>>, vector<16xf32>,
      %parallel_loop3A_1980 = arith.mulf %parallel_loop3A_1899, %parallel_loop3A_1979 : vector<16xf32>
      %parallel_loop3A_1981 = arith.addf %parallel_loop3A_1972, %parallel_loop3A_1980 : vector<16xf32>
      %parallel_loop3A_1982 = vector.broadcast %parallel_loop3A_1946 : i32 to vector<16xi32>
      %parallel_loop3A_1983 = arith.constant 0 : i32
      %parallel_loop3A_1984 = tpu.memref_slice %arg11[%parallel_loop3A_1474, %parallel_loop3A_1983] : memref<2x640xf32, #tpu.memory_space<vmem>> -> memref<1x640xf32, #tpu.memory_space<vmem>>
      %parallel_loop3A_1985 = tpu.memref_squeeze %parallel_loop3A_1984 : memref<1x640xf32, #tpu.memory_space<vmem>> -> memref<640xf32, #tpu.memory_space<vmem>>
      tpu.vector_store_idx %parallel_loop3A_1985[%parallel_loop3A_1982], %parallel_loop3A_1981 {add = true} : memref<640xf32, #tpu.memory_space<vmem>>[vector<16xi32>], vector<16xf32>,
      %parallel_loop3A_1986 = arith.constant 5 : i32
      %parallel_loop3A_1987 = arith.muli %parallel_loop3A_1871, %parallel_loop3A_1986 : i32
      %parallel_loop3A_1988 = arith.constant 2 : i32
      %parallel_loop3A_1989 = arith.addi %parallel_loop3A_1987, %parallel_loop3A_1988 : i32
      %parallel_loop3A_1990 = arith.constant 0 : i32
      %parallel_loop3A_1991 = arith.constant 0 : i32
      %parallel_loop3A_1992 = tpu.memref_slice %arg10[%parallel_loop3A_1473, %parallel_loop3A_1990, %parallel_loop3A_1991] : memref<2x640x64xf32, #tpu.memory_space<vmem>> -> memref<1x640x64xf32, #tpu.memory_space<vmem>>
      %parallel_loop3A_1993 = tpu.memref_squeeze %parallel_loop3A_1992 : memref<1x640x64xf32, #tpu.memory_space<vmem>> -> memref<640x64xf32, #tpu.memory_space<vmem>>
      %parallel_loop3A_1994 = arith.index_cast %parallel_loop3A_1989 : i32 to index
      %parallel_loop3A_1995 = arith.constant 0 : index
      %parallel_loop3A_1996 = tpu.vector_load %parallel_loop3A_1993[%parallel_loop3A_1994, %parallel_loop3A_1995] {strides = array<i32>} : memref<640x64xf32, #tpu.memory_space<vmem>>, vector<16xf32>,
      %parallel_loop3A_1997 = arith.mulf %parallel_loop3A_1878, %parallel_loop3A_1996 : vector<16xf32>
      %parallel_loop3A_1998 = arith.constant 0 : i32
      %parallel_loop3A_1999 = arith.constant 0 : i32
      %parallel_loop3A_2000 = tpu.memref_slice %arg10[%parallel_loop3A_1473, %parallel_loop3A_1998, %parallel_loop3A_1999] : memref<2x640x64xf32, #tpu.memory_space<vmem>> -> memref<1x640x64xf32, #tpu.memory_space<vmem>>
      %parallel_loop3A_2001 = tpu.memref_squeeze %parallel_loop3A_2000 : memref<1x640x64xf32, #tpu.memory_space<vmem>> -> memref<640x64xf32, #tpu.memory_space<vmem>>
      %parallel_loop3A_2002 = arith.index_cast %parallel_loop3A_1989 : i32 to index
      %parallel_loop3A_2003 = arith.constant 16 : index
      %parallel_loop3A_2004 = tpu.vector_load %parallel_loop3A_2001[%parallel_loop3A_2002, %parallel_loop3A_2003] {strides = array<i32>} : memref<640x64xf32, #tpu.memory_space<vmem>>, vector<16xf32>,
      %parallel_loop3A_2005 = arith.mulf %parallel_loop3A_1885, %parallel_loop3A_2004 : vector<16xf32>
      %parallel_loop3A_2006 = arith.addf %parallel_loop3A_1997, %parallel_loop3A_2005 : vector<16xf32>
      %parallel_loop3A_2007 = arith.constant 0 : i32
      %parallel_loop3A_2008 = arith.constant 0 : i32
      %parallel_loop3A_2009 = tpu.memref_slice %arg10[%parallel_loop3A_1473, %parallel_loop3A_2007, %parallel_loop3A_2008] : memref<2x640x64xf32, #tpu.memory_space<vmem>> -> memref<1x640x64xf32, #tpu.memory_space<vmem>>
      %parallel_loop3A_2010 = tpu.memref_squeeze %parallel_loop3A_2009 : memref<1x640x64xf32, #tpu.memory_space<vmem>> -> memref<640x64xf32, #tpu.memory_space<vmem>>
      %parallel_loop3A_2011 = arith.index_cast %parallel_loop3A_1989 : i32 to index
      %parallel_loop3A_2012 = arith.constant 32 : index
      %parallel_loop3A_2013 = tpu.vector_load %parallel_loop3A_2010[%parallel_loop3A_2011, %parallel_loop3A_2012] {strides = array<i32>} : memref<640x64xf32, #tpu.memory_space<vmem>>, vector<16xf32>,
      %parallel_loop3A_2014 = arith.mulf %parallel_loop3A_1892, %parallel_loop3A_2013 : vector<16xf32>
      %parallel_loop3A_2015 = arith.addf %parallel_loop3A_2006, %parallel_loop3A_2014 : vector<16xf32>
      %parallel_loop3A_2016 = arith.constant 0 : i32
      %parallel_loop3A_2017 = arith.constant 0 : i32
      %parallel_loop3A_2018 = tpu.memref_slice %arg10[%parallel_loop3A_1473, %parallel_loop3A_2016, %parallel_loop3A_2017] : memref<2x640x64xf32, #tpu.memory_space<vmem>> -> memref<1x640x64xf32, #tpu.memory_space<vmem>>
      %parallel_loop3A_2019 = tpu.memref_squeeze %parallel_loop3A_2018 : memref<1x640x64xf32, #tpu.memory_space<vmem>> -> memref<640x64xf32, #tpu.memory_space<vmem>>
      %parallel_loop3A_2020 = arith.index_cast %parallel_loop3A_1989 : i32 to index
      %parallel_loop3A_2021 = arith.constant 48 : index
      %parallel_loop3A_2022 = tpu.vector_load %parallel_loop3A_2019[%parallel_loop3A_2020, %parallel_loop3A_2021] {strides = array<i32>} : memref<640x64xf32, #tpu.memory_space<vmem>>, vector<16xf32>,
      %parallel_loop3A_2023 = arith.mulf %parallel_loop3A_1899, %parallel_loop3A_2022 : vector<16xf32>
      %parallel_loop3A_2024 = arith.addf %parallel_loop3A_2015, %parallel_loop3A_2023 : vector<16xf32>
      %parallel_loop3A_2025 = vector.broadcast %parallel_loop3A_1989 : i32 to vector<16xi32>
      %parallel_loop3A_2026 = arith.constant 0 : i32
      %parallel_loop3A_2027 = tpu.memref_slice %arg11[%parallel_loop3A_1474, %parallel_loop3A_2026] : memref<2x640xf32, #tpu.memory_space<vmem>> -> memref<1x640xf32, #tpu.memory_space<vmem>>
      %parallel_loop3A_2028 = tpu.memref_squeeze %parallel_loop3A_2027 : memref<1x640xf32, #tpu.memory_space<vmem>> -> memref<640xf32, #tpu.memory_space<vmem>>
      tpu.vector_store_idx %parallel_loop3A_2028[%parallel_loop3A_2025], %parallel_loop3A_2024 {add = true} : memref<640xf32, #tpu.memory_space<vmem>>[vector<16xi32>], vector<16xf32>,
      %parallel_loop3A_2029 = arith.constant 5 : i32
      %parallel_loop3A_2030 = arith.muli %parallel_loop3A_1871, %parallel_loop3A_2029 : i32
      %parallel_loop3A_2031 = arith.constant 3 : i32
      %parallel_loop3A_2032 = arith.addi %parallel_loop3A_2030, %parallel_loop3A_2031 : i32
      %parallel_loop3A_2033 = arith.constant 0 : i32
      %parallel_loop3A_2034 = arith.constant 0 : i32
      %parallel_loop3A_2035 = tpu.memref_slice %arg10[%parallel_loop3A_1473, %parallel_loop3A_2033, %parallel_loop3A_2034] : memref<2x640x64xf32, #tpu.memory_space<vmem>> -> memref<1x640x64xf32, #tpu.memory_space<vmem>>
      %parallel_loop3A_2036 = tpu.memref_squeeze %parallel_loop3A_2035 : memref<1x640x64xf32, #tpu.memory_space<vmem>> -> memref<640x64xf32, #tpu.memory_space<vmem>>
      %parallel_loop3A_2037 = arith.index_cast %parallel_loop3A_2032 : i32 to index
      %parallel_loop3A_2038 = arith.constant 0 : index
      %parallel_loop3A_2039 = tpu.vector_load %parallel_loop3A_2036[%parallel_loop3A_2037, %parallel_loop3A_2038] {strides = array<i32>} : memref<640x64xf32, #tpu.memory_space<vmem>>, vector<16xf32>,
      %parallel_loop3A_2040 = arith.mulf %parallel_loop3A_1878, %parallel_loop3A_2039 : vector<16xf32>
      %parallel_loop3A_2041 = arith.constant 0 : i32
      %parallel_loop3A_2042 = arith.constant 0 : i32
      %parallel_loop3A_2043 = tpu.memref_slice %arg10[%parallel_loop3A_1473, %parallel_loop3A_2041, %parallel_loop3A_2042] : memref<2x640x64xf32, #tpu.memory_space<vmem>> -> memref<1x640x64xf32, #tpu.memory_space<vmem>>
      %parallel_loop3A_2044 = tpu.memref_squeeze %parallel_loop3A_2043 : memref<1x640x64xf32, #tpu.memory_space<vmem>> -> memref<640x64xf32, #tpu.memory_space<vmem>>
      %parallel_loop3A_2045 = arith.index_cast %parallel_loop3A_2032 : i32 to index
      %parallel_loop3A_2046 = arith.constant 16 : index
      %parallel_loop3A_2047 = tpu.vector_load %parallel_loop3A_2044[%parallel_loop3A_2045, %parallel_loop3A_2046] {strides = array<i32>} : memref<640x64xf32, #tpu.memory_space<vmem>>, vector<16xf32>,
      %parallel_loop3A_2048 = arith.mulf %parallel_loop3A_1885, %parallel_loop3A_2047 : vector<16xf32>
      %parallel_loop3A_2049 = arith.addf %parallel_loop3A_2040, %parallel_loop3A_2048 : vector<16xf32>
      %parallel_loop3A_2050 = arith.constant 0 : i32
      %parallel_loop3A_2051 = arith.constant 0 : i32
      %parallel_loop3A_2052 = tpu.memref_slice %arg10[%parallel_loop3A_1473, %parallel_loop3A_2050, %parallel_loop3A_2051] : memref<2x640x64xf32, #tpu.memory_space<vmem>> -> memref<1x640x64xf32, #tpu.memory_space<vmem>>
      %parallel_loop3A_2053 = tpu.memref_squeeze %parallel_loop3A_2052 : memref<1x640x64xf32, #tpu.memory_space<vmem>> -> memref<640x64xf32, #tpu.memory_space<vmem>>
      %parallel_loop3A_2054 = arith.index_cast %parallel_loop3A_2032 : i32 to index
      %parallel_loop3A_2055 = arith.constant 32 : index
      %parallel_loop3A_2056 = tpu.vector_load %parallel_loop3A_2053[%parallel_loop3A_2054, %parallel_loop3A_2055] {strides = array<i32>} : memref<640x64xf32, #tpu.memory_space<vmem>>, vector<16xf32>,
      %parallel_loop3A_2057 = arith.mulf %parallel_loop3A_1892, %parallel_loop3A_2056 : vector<16xf32>
      %parallel_loop3A_2058 = arith.addf %parallel_loop3A_2049, %parallel_loop3A_2057 : vector<16xf32>
      %parallel_loop3A_2059 = arith.constant 0 : i32
      %parallel_loop3A_2060 = arith.constant 0 : i32
      %parallel_loop3A_2061 = tpu.memref_slice %arg10[%parallel_loop3A_1473, %parallel_loop3A_2059, %parallel_loop3A_2060] : memref<2x640x64xf32, #tpu.memory_space<vmem>> -> memref<1x640x64xf32, #tpu.memory_space<vmem>>
      %parallel_loop3A_2062 = tpu.memref_squeeze %parallel_loop3A_2061 : memref<1x640x64xf32, #tpu.memory_space<vmem>> -> memref<640x64xf32, #tpu.memory_space<vmem>>
      %parallel_loop3A_2063 = arith.index_cast %parallel_loop3A_2032 : i32 to index
      %parallel_loop3A_2064 = arith.constant 48 : index
      %parallel_loop3A_2065 = tpu.vector_load %parallel_loop3A_2062[%parallel_loop3A_2063, %parallel_loop3A_2064] {strides = array<i32>} : memref<640x64xf32, #tpu.memory_space<vmem>>, vector<16xf32>,
      %parallel_loop3A_2066 = arith.mulf %parallel_loop3A_1899, %parallel_loop3A_2065 : vector<16xf32>
      %parallel_loop3A_2067 = arith.addf %parallel_loop3A_2058, %parallel_loop3A_2066 : vector<16xf32>
      %parallel_loop3A_2068 = vector.broadcast %parallel_loop3A_2032 : i32 to vector<16xi32>
      %parallel_loop3A_2069 = arith.constant 0 : i32
      %parallel_loop3A_2070 = tpu.memref_slice %arg11[%parallel_loop3A_1474, %parallel_loop3A_2069] : memref<2x640xf32, #tpu.memory_space<vmem>> -> memref<1x640xf32, #tpu.memory_space<vmem>>
      %parallel_loop3A_2071 = tpu.memref_squeeze %parallel_loop3A_2070 : memref<1x640xf32, #tpu.memory_space<vmem>> -> memref<640xf32, #tpu.memory_space<vmem>>
      tpu.vector_store_idx %parallel_loop3A_2071[%parallel_loop3A_2068], %parallel_loop3A_2067 {add = true} : memref<640xf32, #tpu.memory_space<vmem>>[vector<16xi32>], vector<16xf32>,
      %parallel_loop3A_2072 = arith.constant 5 : i32
      %parallel_loop3A_2073 = arith.muli %parallel_loop3A_1871, %parallel_loop3A_2072 : i32
      %parallel_loop3A_2074 = arith.constant 4 : i32
      %parallel_loop3A_2075 = arith.addi %parallel_loop3A_2073, %parallel_loop3A_2074 : i32
      %parallel_loop3A_2076 = arith.constant 0 : i32
      %parallel_loop3A_2077 = arith.constant 0 : i32
      %parallel_loop3A_2078 = tpu.memref_slice %arg10[%parallel_loop3A_1473, %parallel_loop3A_2076, %parallel_loop3A_2077] : memref<2x640x64xf32, #tpu.memory_space<vmem>> -> memref<1x640x64xf32, #tpu.memory_space<vmem>>
      %parallel_loop3A_2079 = tpu.memref_squeeze %parallel_loop3A_2078 : memref<1x640x64xf32, #tpu.memory_space<vmem>> -> memref<640x64xf32, #tpu.memory_space<vmem>>
      %parallel_loop3A_2080 = arith.index_cast %parallel_loop3A_2075 : i32 to index
      %parallel_loop3A_2081 = arith.constant 0 : index
      %parallel_loop3A_2082 = tpu.vector_load %parallel_loop3A_2079[%parallel_loop3A_2080, %parallel_loop3A_2081] {strides = array<i32>} : memref<640x64xf32, #tpu.memory_space<vmem>>, vector<16xf32>,
      %parallel_loop3A_2083 = arith.mulf %parallel_loop3A_1878, %parallel_loop3A_2082 : vector<16xf32>
      %parallel_loop3A_2084 = arith.constant 0 : i32
      %parallel_loop3A_2085 = arith.constant 0 : i32
      %parallel_loop3A_2086 = tpu.memref_slice %arg10[%parallel_loop3A_1473, %parallel_loop3A_2084, %parallel_loop3A_2085] : memref<2x640x64xf32, #tpu.memory_space<vmem>> -> memref<1x640x64xf32, #tpu.memory_space<vmem>>
      %parallel_loop3A_2087 = tpu.memref_squeeze %parallel_loop3A_2086 : memref<1x640x64xf32, #tpu.memory_space<vmem>> -> memref<640x64xf32, #tpu.memory_space<vmem>>
      %parallel_loop3A_2088 = arith.index_cast %parallel_loop3A_2075 : i32 to index
      %parallel_loop3A_2089 = arith.constant 16 : index
      %parallel_loop3A_2090 = tpu.vector_load %parallel_loop3A_2087[%parallel_loop3A_2088, %parallel_loop3A_2089] {strides = array<i32>} : memref<640x64xf32, #tpu.memory_space<vmem>>, vector<16xf32>,
      %parallel_loop3A_2091 = arith.mulf %parallel_loop3A_1885, %parallel_loop3A_2090 : vector<16xf32>
      %parallel_loop3A_2092 = arith.addf %parallel_loop3A_2083, %parallel_loop3A_2091 : vector<16xf32>
      %parallel_loop3A_2093 = arith.constant 0 : i32
      %parallel_loop3A_2094 = arith.constant 0 : i32
      %parallel_loop3A_2095 = tpu.memref_slice %arg10[%parallel_loop3A_1473, %parallel_loop3A_2093, %parallel_loop3A_2094] : memref<2x640x64xf32, #tpu.memory_space<vmem>> -> memref<1x640x64xf32, #tpu.memory_space<vmem>>
      %parallel_loop3A_2096 = tpu.memref_squeeze %parallel_loop3A_2095 : memref<1x640x64xf32, #tpu.memory_space<vmem>> -> memref<640x64xf32, #tpu.memory_space<vmem>>
      %parallel_loop3A_2097 = arith.index_cast %parallel_loop3A_2075 : i32 to index
      %parallel_loop3A_2098 = arith.constant 32 : index
      %parallel_loop3A_2099 = tpu.vector_load %parallel_loop3A_2096[%parallel_loop3A_2097, %parallel_loop3A_2098] {strides = array<i32>} : memref<640x64xf32, #tpu.memory_space<vmem>>, vector<16xf32>,
      %parallel_loop3A_2100 = arith.mulf %parallel_loop3A_1892, %parallel_loop3A_2099 : vector<16xf32>
      %parallel_loop3A_2101 = arith.addf %parallel_loop3A_2092, %parallel_loop3A_2100 : vector<16xf32>
      %parallel_loop3A_2102 = arith.constant 0 : i32
      %parallel_loop3A_2103 = arith.constant 0 : i32
      %parallel_loop3A_2104 = tpu.memref_slice %arg10[%parallel_loop3A_1473, %parallel_loop3A_2102, %parallel_loop3A_2103] : memref<2x640x64xf32, #tpu.memory_space<vmem>> -> memref<1x640x64xf32, #tpu.memory_space<vmem>>
      %parallel_loop3A_2105 = tpu.memref_squeeze %parallel_loop3A_2104 : memref<1x640x64xf32, #tpu.memory_space<vmem>> -> memref<640x64xf32, #tpu.memory_space<vmem>>
      %parallel_loop3A_2106 = arith.index_cast %parallel_loop3A_2075 : i32 to index
      %parallel_loop3A_2107 = arith.constant 48 : index
      %parallel_loop3A_2108 = tpu.vector_load %parallel_loop3A_2105[%parallel_loop3A_2106, %parallel_loop3A_2107] {strides = array<i32>} : memref<640x64xf32, #tpu.memory_space<vmem>>, vector<16xf32>,
      %parallel_loop3A_2109 = arith.mulf %parallel_loop3A_1899, %parallel_loop3A_2108 : vector<16xf32>
      %parallel_loop3A_2110 = arith.addf %parallel_loop3A_2101, %parallel_loop3A_2109 : vector<16xf32>
      %parallel_loop3A_2111 = vector.broadcast %parallel_loop3A_2075 : i32 to vector<16xi32>
      %parallel_loop3A_2112 = arith.constant 0 : i32
      %parallel_loop3A_2113 = tpu.memref_slice %arg11[%parallel_loop3A_1474, %parallel_loop3A_2112] : memref<2x640xf32, #tpu.memory_space<vmem>> -> memref<1x640xf32, #tpu.memory_space<vmem>>
      %parallel_loop3A_2114 = tpu.memref_squeeze %parallel_loop3A_2113 : memref<1x640xf32, #tpu.memory_space<vmem>> -> memref<640xf32, #tpu.memory_space<vmem>>
      tpu.vector_store_idx %parallel_loop3A_2114[%parallel_loop3A_2111], %parallel_loop3A_2110 {add = true} : memref<640xf32, #tpu.memory_space<vmem>>[vector<16xi32>], vector<16xf32>,
    } {sc.loop_unroll_factor = 1 : i64, sc.parallel_access}
    %add3A_1475 = arith.constant 256 : i32
    %add3A_1476 = arith.addi %mul3A_2, %add3A_1475 : i32
    %mul3A_1477 = arith.constant 5 : i32
    %mul3A_1478 = arith.muli %add3A_1476, %mul3A_1477 : i32
    %dma_start3A_1479 = arith.constant 0 : i32
    %dma_start3A_1480 = arith.constant 0 : i32
    %dma_start3A_1481 = tpu.memref_slice %arg11[%dma_start3A_1479, %dma_start3A_1480] : memref<2x640xf32, #tpu.memory_space<vmem>> -> memref<1x640xf32, #tpu.memory_space<vmem>>
    %dma_start3A_1482 = tpu.memref_squeeze %dma_start3A_1481 : memref<1x640xf32, #tpu.memory_space<vmem>> -> memref<640xf32, #tpu.memory_space<vmem>>
    %dma_start3A_1483 = tpu.memref_slice %arg6[%mul3A_1478] : memref<81920xf32, #tpu.memory_space<hbm>> -> memref<640xf32, #tpu.memory_space<hbm>>
    %dma_start3A_1484 = tpu.memref_slice %arg6[%mul3A_1478] : memref<81920xf32, #tpu.memory_space<hbm>> -> memref<640xf32, #tpu.memory_space<hbm>>
    %dma_start3A_1485 = arith.constant 0 : i32
    %dma_start3A_1486 = tpu.memref_slice %arg11[%dma_start3A_1479, %dma_start3A_1485] : memref<2x640xf32, #tpu.memory_space<vmem>> -> memref<1x640xf32, #tpu.memory_space<vmem>>
    %dma_start3A_1487 = tpu.memref_squeeze %dma_start3A_1486 : memref<1x640xf32, #tpu.memory_space<vmem>> -> memref<640xf32, #tpu.memory_space<vmem>>
    tpu.enqueue_dma source(%dma_start3A_1487 : memref<640xf32, #tpu.memory_space<vmem>>) target(%dma_start3A_1484 : memref<640xf32, #tpu.memory_space<hbm>>) target_semaphore(%arg14 : memref<!tpu.dma_semaphore, #tpu.memory_space<semaphore_mem>>)
    %dma_wait3A_1488 = arith.constant 1 : i32
    %dma_wait3A_1489 = arith.constant 0 : i32
    %dma_wait3A_1490 = tpu.memref_slice %arg11[%dma_wait3A_1488, %dma_wait3A_1489] : memref<2x640xf32, #tpu.memory_space<vmem>> -> memref<1x640xf32, #tpu.memory_space<vmem>>
    %dma_wait3A_1491 = tpu.memref_squeeze %dma_wait3A_1490 : memref<1x640xf32, #tpu.memory_space<vmem>> -> memref<640xf32, #tpu.memory_space<vmem>>
    %dma_wait3A_1492 = tpu.memref_slice %arg6[%mul3A_1010] : memref<81920xf32, #tpu.memory_space<hbm>> -> memref<640xf32, #tpu.memory_space<hbm>>
    %dma_wait3A_1493 = tpu.memref_slice %arg6[%mul3A_1010] : memref<81920xf32, #tpu.memory_space<hbm>> -> memref<640xf32, #tpu.memory_space<hbm>>
    %dma_wait3A_1494 = arith.constant 0 : i32
    %dma_wait3A_1495 = tpu.memref_slice %arg11[%dma_wait3A_1488, %dma_wait3A_1494] : memref<2x640xf32, #tpu.memory_space<vmem>> -> memref<1x640xf32, #tpu.memory_space<vmem>>
    %dma_wait3A_1496 = tpu.memref_squeeze %dma_wait3A_1495 : memref<1x640xf32, #tpu.memory_space<vmem>> -> memref<640xf32, #tpu.memory_space<vmem>>
    tpu.wait_dma2 semaphore(%arg14 : memref<!tpu.dma_semaphore, #tpu.memory_space<semaphore_mem>>) src(%dma_wait3A_1496 : memref<640xf32, #tpu.memory_space<vmem>>) dst(%dma_wait3A_1493 : memref<640xf32, #tpu.memory_space<hbm>>)
    %swap3A_1497 = arith.constant 1 : i32
    %swap3A_1498 = arith.constant 0 : i32
    %swap3A_1499 = tpu.memref_slice %arg11[%swap3A_1497, %swap3A_1498] : memref<2x640xf32, #tpu.memory_space<vmem>> -> memref<1x640xf32, #tpu.memory_space<vmem>>
    %swap3A_1500 = tpu.memref_squeeze %swap3A_1499 : memref<1x640xf32, #tpu.memory_space<vmem>> -> memref<640xf32, #tpu.memory_space<vmem>>
    %swap3A_1501 = arith.constant 0 : index
    %swap3A_1502 = tpu.vector_load %swap3A_1500[%swap3A_1501] {strides = array<i32>} : memref<640xf32, #tpu.memory_space<vmem>>, vector<16xf32>,
    tpu.vector_store %swap3A_1500[%swap3A_1501], %broadcast_in_dim3A_3 {strides = array<i32>} : memref<640xf32, #tpu.memory_space<vmem>>, vector<16xf32>,
    %swap3A_1503 = arith.constant 1 : i32
    %swap3A_1504 = arith.constant 0 : i32
    %swap3A_1505 = tpu.memref_slice %arg11[%swap3A_1503, %swap3A_1504] : memref<2x640xf32, #tpu.memory_space<vmem>> -> memref<1x640xf32, #tpu.memory_space<vmem>>
    %swap3A_1506 = tpu.memref_squeeze %swap3A_1505 : memref<1x640xf32, #tpu.memory_space<vmem>> -> memref<640xf32, #tpu.memory_space<vmem>>
    %swap3A_1507 = arith.constant 16 : index
    %swap3A_1508 = tpu.vector_load %swap3A_1506[%swap3A_1507] {strides = array<i32>} : memref<640xf32, #tpu.memory_space<vmem>>, vector<16xf32>,
    tpu.vector_store %swap3A_1506[%swap3A_1507], %broadcast_in_dim3A_3 {strides = array<i32>} : memref<640xf32, #tpu.memory_space<vmem>>, vector<16xf32>,
    %swap3A_1509 = arith.constant 1 : i32
    %swap3A_1510 = arith.constant 0 : i32
    %swap3A_1511 = tpu.memref_slice %arg11[%swap3A_1509, %swap3A_1510] : memref<2x640xf32, #tpu.memory_space<vmem>> -> memref<1x640xf32, #tpu.memory_space<vmem>>
    %swap3A_1512 = tpu.memref_squeeze %swap3A_1511 : memref<1x640xf32, #tpu.memory_space<vmem>> -> memref<640xf32, #tpu.memory_space<vmem>>
    %swap3A_1513 = arith.constant 32 : index
    %swap3A_1514 = tpu.vector_load %swap3A_1512[%swap3A_1513] {strides = array<i32>} : memref<640xf32, #tpu.memory_space<vmem>>, vector<16xf32>,
    tpu.vector_store %swap3A_1512[%swap3A_1513], %broadcast_in_dim3A_3 {strides = array<i32>} : memref<640xf32, #tpu.memory_space<vmem>>, vector<16xf32>,
    %swap3A_1515 = arith.constant 1 : i32
    %swap3A_1516 = arith.constant 0 : i32
    %swap3A_1517 = tpu.memref_slice %arg11[%swap3A_1515, %swap3A_1516] : memref<2x640xf32, #tpu.memory_space<vmem>> -> memref<1x640xf32, #tpu.memory_space<vmem>>
    %swap3A_1518 = tpu.memref_squeeze %swap3A_1517 : memref<1x640xf32, #tpu.memory_space<vmem>> -> memref<640xf32, #tpu.memory_space<vmem>>
    %swap3A_1519 = arith.constant 48 : index
    %swap3A_1520 = tpu.vector_load %swap3A_1518[%swap3A_1519] {strides = array<i32>} : memref<640xf32, #tpu.memory_space<vmem>>, vector<16xf32>,
    tpu.vector_store %swap3A_1518[%swap3A_1519], %broadcast_in_dim3A_3 {strides = array<i32>} : memref<640xf32, #tpu.memory_space<vmem>>, vector<16xf32>,
    %swap3A_1521 = arith.constant 1 : i32
    %swap3A_1522 = arith.constant 0 : i32
    %swap3A_1523 = tpu.memref_slice %arg11[%swap3A_1521, %swap3A_1522] : memref<2x640xf32, #tpu.memory_space<vmem>> -> memref<1x640xf32, #tpu.memory_space<vmem>>
    %swap3A_1524 = tpu.memref_squeeze %swap3A_1523 : memref<1x640xf32, #tpu.memory_space<vmem>> -> memref<640xf32, #tpu.memory_space<vmem>>
    %swap3A_1525 = arith.constant 64 : index
    %swap3A_1526 = tpu.vector_load %swap3A_1524[%swap3A_1525] {strides = array<i32>} : memref<640xf32, #tpu.memory_space<vmem>>, vector<16xf32>,
    tpu.vector_store %swap3A_1524[%swap3A_1525], %broadcast_in_dim3A_3 {strides = array<i32>} : memref<640xf32, #tpu.memory_space<vmem>>, vector<16xf32>,
    %swap3A_1527 = arith.constant 1 : i32
    %swap3A_1528 = arith.constant 0 : i32
    %swap3A_1529 = tpu.memref_slice %arg11[%swap3A_1527, %swap3A_1528] : memref<2x640xf32, #tpu.memory_space<vmem>> -> memref<1x640xf32, #tpu.memory_space<vmem>>
    %swap3A_1530 = tpu.memref_squeeze %swap3A_1529 : memref<1x640xf32, #tpu.memory_space<vmem>> -> memref<640xf32, #tpu.memory_space<vmem>>
    %swap3A_1531 = arith.constant 80 : index
    %swap3A_1532 = tpu.vector_load %swap3A_1530[%swap3A_1531] {strides = array<i32>} : memref<640xf32, #tpu.memory_space<vmem>>, vector<16xf32>,
    tpu.vector_store %swap3A_1530[%swap3A_1531], %broadcast_in_dim3A_3 {strides = array<i32>} : memref<640xf32, #tpu.memory_space<vmem>>, vector<16xf32>,
    %swap3A_1533 = arith.constant 1 : i32
    %swap3A_1534 = arith.constant 0 : i32
    %swap3A_1535 = tpu.memref_slice %arg11[%swap3A_1533, %swap3A_1534] : memref<2x640xf32, #tpu.memory_space<vmem>> -> memref<1x640xf32, #tpu.memory_space<vmem>>
    %swap3A_1536 = tpu.memref_squeeze %swap3A_1535 : memref<1x640xf32, #tpu.memory_space<vmem>> -> memref<640xf32, #tpu.memory_space<vmem>>
    %swap3A_1537 = arith.constant 96 : index
    %swap3A_1538 = tpu.vector_load %swap3A_1536[%swap3A_1537] {strides = array<i32>} : memref<640xf32, #tpu.memory_space<vmem>>, vector<16xf32>,
    tpu.vector_store %swap3A_1536[%swap3A_1537], %broadcast_in_dim3A_3 {strides = array<i32>} : memref<640xf32, #tpu.memory_space<vmem>>, vector<16xf32>,
    %swap3A_1539 = arith.constant 1 : i32
    %swap3A_1540 = arith.constant 0 : i32
    %swap3A_1541 = tpu.memref_slice %arg11[%swap3A_1539, %swap3A_1540] : memref<2x640xf32, #tpu.memory_space<vmem>> -> memref<1x640xf32, #tpu.memory_space<vmem>>
    %swap3A_1542 = tpu.memref_squeeze %swap3A_1541 : memref<1x640xf32, #tpu.memory_space<vmem>> -> memref<640xf32, #tpu.memory_space<vmem>>
    %swap3A_1543 = arith.constant 112 : index
    %swap3A_1544 = tpu.vector_load %swap3A_1542[%swap3A_1543] {strides = array<i32>} : memref<640xf32, #tpu.memory_space<vmem>>, vector<16xf32>,
    tpu.vector_store %swap3A_1542[%swap3A_1543], %broadcast_in_dim3A_3 {strides = array<i32>} : memref<640xf32, #tpu.memory_space<vmem>>, vector<16xf32>,
    %swap3A_1545 = arith.constant 1 : i32
    %swap3A_1546 = arith.constant 0 : i32
    %swap3A_1547 = tpu.memref_slice %arg11[%swap3A_1545, %swap3A_1546] : memref<2x640xf32, #tpu.memory_space<vmem>> -> memref<1x640xf32, #tpu.memory_space<vmem>>
    %swap3A_1548 = tpu.memref_squeeze %swap3A_1547 : memref<1x640xf32, #tpu.memory_space<vmem>> -> memref<640xf32, #tpu.memory_space<vmem>>
    %swap3A_1549 = arith.constant 128 : index
    %swap3A_1550 = tpu.vector_load %swap3A_1548[%swap3A_1549] {strides = array<i32>} : memref<640xf32, #tpu.memory_space<vmem>>, vector<16xf32>,
    tpu.vector_store %swap3A_1548[%swap3A_1549], %broadcast_in_dim3A_3 {strides = array<i32>} : memref<640xf32, #tpu.memory_space<vmem>>, vector<16xf32>,
    %swap3A_1551 = arith.constant 1 : i32
    %swap3A_1552 = arith.constant 0 : i32
    %swap3A_1553 = tpu.memref_slice %arg11[%swap3A_1551, %swap3A_1552] : memref<2x640xf32, #tpu.memory_space<vmem>> -> memref<1x640xf32, #tpu.memory_space<vmem>>
    %swap3A_1554 = tpu.memref_squeeze %swap3A_1553 : memref<1x640xf32, #tpu.memory_space<vmem>> -> memref<640xf32, #tpu.memory_space<vmem>>
    %swap3A_1555 = arith.constant 144 : index
    %swap3A_1556 = tpu.vector_load %swap3A_1554[%swap3A_1555] {strides = array<i32>} : memref<640xf32, #tpu.memory_space<vmem>>, vector<16xf32>,
    tpu.vector_store %swap3A_1554[%swap3A_1555], %broadcast_in_dim3A_3 {strides = array<i32>} : memref<640xf32, #tpu.memory_space<vmem>>, vector<16xf32>,
    %swap3A_1557 = arith.constant 1 : i32
    %swap3A_1558 = arith.constant 0 : i32
    %swap3A_1559 = tpu.memref_slice %arg11[%swap3A_1557, %swap3A_1558] : memref<2x640xf32, #tpu.memory_space<vmem>> -> memref<1x640xf32, #tpu.memory_space<vmem>>
    %swap3A_1560 = tpu.memref_squeeze %swap3A_1559 : memref<1x640xf32, #tpu.memory_space<vmem>> -> memref<640xf32, #tpu.memory_space<vmem>>
    %swap3A_1561 = arith.constant 160 : index
    %swap3A_1562 = tpu.vector_load %swap3A_1560[%swap3A_1561] {strides = array<i32>} : memref<640xf32, #tpu.memory_space<vmem>>, vector<16xf32>,
    tpu.vector_store %swap3A_1560[%swap3A_1561], %broadcast_in_dim3A_3 {strides = array<i32>} : memref<640xf32, #tpu.memory_space<vmem>>, vector<16xf32>,
    %swap3A_1563 = arith.constant 1 : i32
    %swap3A_1564 = arith.constant 0 : i32
    %swap3A_1565 = tpu.memref_slice %arg11[%swap3A_1563, %swap3A_1564] : memref<2x640xf32, #tpu.memory_space<vmem>> -> memref<1x640xf32, #tpu.memory_space<vmem>>
    %swap3A_1566 = tpu.memref_squeeze %swap3A_1565 : memref<1x640xf32, #tpu.memory_space<vmem>> -> memref<640xf32, #tpu.memory_space<vmem>>
    %swap3A_1567 = arith.constant 176 : index
    %swap3A_1568 = tpu.vector_load %swap3A_1566[%swap3A_1567] {strides = array<i32>} : memref<640xf32, #tpu.memory_space<vmem>>, vector<16xf32>,
    tpu.vector_store %swap3A_1566[%swap3A_1567], %broadcast_in_dim3A_3 {strides = array<i32>} : memref<640xf32, #tpu.memory_space<vmem>>, vector<16xf32>,
    %swap3A_1569 = arith.constant 1 : i32
    %swap3A_1570 = arith.constant 0 : i32
    %swap3A_1571 = tpu.memref_slice %arg11[%swap3A_1569, %swap3A_1570] : memref<2x640xf32, #tpu.memory_space<vmem>> -> memref<1x640xf32, #tpu.memory_space<vmem>>
    %swap3A_1572 = tpu.memref_squeeze %swap3A_1571 : memref<1x640xf32, #tpu.memory_space<vmem>> -> memref<640xf32, #tpu.memory_space<vmem>>
    %swap3A_1573 = arith.constant 192 : index
    %swap3A_1574 = tpu.vector_load %swap3A_1572[%swap3A_1573] {strides = array<i32>} : memref<640xf32, #tpu.memory_space<vmem>>, vector<16xf32>,
    tpu.vector_store %swap3A_1572[%swap3A_1573], %broadcast_in_dim3A_3 {strides = array<i32>} : memref<640xf32, #tpu.memory_space<vmem>>, vector<16xf32>,
    %swap3A_1575 = arith.constant 1 : i32
    %swap3A_1576 = arith.constant 0 : i32
    %swap3A_1577 = tpu.memref_slice %arg11[%swap3A_1575, %swap3A_1576] : memref<2x640xf32, #tpu.memory_space<vmem>> -> memref<1x640xf32, #tpu.memory_space<vmem>>
    %swap3A_1578 = tpu.memref_squeeze %swap3A_1577 : memref<1x640xf32, #tpu.memory_space<vmem>> -> memref<640xf32, #tpu.memory_space<vmem>>
    %swap3A_1579 = arith.constant 208 : index
    %swap3A_1580 = tpu.vector_load %swap3A_1578[%swap3A_1579] {strides = array<i32>} : memref<640xf32, #tpu.memory_space<vmem>>, vector<16xf32>,
    tpu.vector_store %swap3A_1578[%swap3A_1579], %broadcast_in_dim3A_3 {strides = array<i32>} : memref<640xf32, #tpu.memory_space<vmem>>, vector<16xf32>,
    %swap3A_1581 = arith.constant 1 : i32
    %swap3A_1582 = arith.constant 0 : i32
    %swap3A_1583 = tpu.memref_slice %arg11[%swap3A_1581, %swap3A_1582] : memref<2x640xf32, #tpu.memory_space<vmem>> -> memref<1x640xf32, #tpu.memory_space<vmem>>
    %swap3A_1584 = tpu.memref_squeeze %swap3A_1583 : memref<1x640xf32, #tpu.memory_space<vmem>> -> memref<640xf32, #tpu.memory_space<vmem>>
    %swap3A_1585 = arith.constant 224 : index
    %swap3A_1586 = tpu.vector_load %swap3A_1584[%swap3A_1585] {strides = array<i32>} : memref<640xf32, #tpu.memory_space<vmem>>, vector<16xf32>,
    tpu.vector_store %swap3A_1584[%swap3A_1585], %broadcast_in_dim3A_3 {strides = array<i32>} : memref<640xf32, #tpu.memory_space<vmem>>, vector<16xf32>,
    %swap3A_1587 = arith.constant 1 : i32
    %swap3A_1588 = arith.constant 0 : i32
    %swap3A_1589 = tpu.memref_slice %arg11[%swap3A_1587, %swap3A_1588] : memref<2x640xf32, #tpu.memory_space<vmem>> -> memref<1x640xf32, #tpu.memory_space<vmem>>
    %swap3A_1590 = tpu.memref_squeeze %swap3A_1589 : memref<1x640xf32, #tpu.memory_space<vmem>> -> memref<640xf32, #tpu.memory_space<vmem>>
    %swap3A_1591 = arith.constant 240 : index
    %swap3A_1592 = tpu.vector_load %swap3A_1590[%swap3A_1591] {strides = array<i32>} : memref<640xf32, #tpu.memory_space<vmem>>, vector<16xf32>,
    tpu.vector_store %swap3A_1590[%swap3A_1591], %broadcast_in_dim3A_3 {strides = array<i32>} : memref<640xf32, #tpu.memory_space<vmem>>, vector<16xf32>,
    %swap3A_1593 = arith.constant 1 : i32
    %swap3A_1594 = arith.constant 0 : i32
    %swap3A_1595 = tpu.memref_slice %arg11[%swap3A_1593, %swap3A_1594] : memref<2x640xf32, #tpu.memory_space<vmem>> -> memref<1x640xf32, #tpu.memory_space<vmem>>
    %swap3A_1596 = tpu.memref_squeeze %swap3A_1595 : memref<1x640xf32, #tpu.memory_space<vmem>> -> memref<640xf32, #tpu.memory_space<vmem>>
    %swap3A_1597 = arith.constant 256 : index
    %swap3A_1598 = tpu.vector_load %swap3A_1596[%swap3A_1597] {strides = array<i32>} : memref<640xf32, #tpu.memory_space<vmem>>, vector<16xf32>,
    tpu.vector_store %swap3A_1596[%swap3A_1597], %broadcast_in_dim3A_3 {strides = array<i32>} : memref<640xf32, #tpu.memory_space<vmem>>, vector<16xf32>,
    %swap3A_1599 = arith.constant 1 : i32
    %swap3A_1600 = arith.constant 0 : i32
    %swap3A_1601 = tpu.memref_slice %arg11[%swap3A_1599, %swap3A_1600] : memref<2x640xf32, #tpu.memory_space<vmem>> -> memref<1x640xf32, #tpu.memory_space<vmem>>
    %swap3A_1602 = tpu.memref_squeeze %swap3A_1601 : memref<1x640xf32, #tpu.memory_space<vmem>> -> memref<640xf32, #tpu.memory_space<vmem>>
    %swap3A_1603 = arith.constant 272 : index
    %swap3A_1604 = tpu.vector_load %swap3A_1602[%swap3A_1603] {strides = array<i32>} : memref<640xf32, #tpu.memory_space<vmem>>, vector<16xf32>,
    tpu.vector_store %swap3A_1602[%swap3A_1603], %broadcast_in_dim3A_3 {strides = array<i32>} : memref<640xf32, #tpu.memory_space<vmem>>, vector<16xf32>,
    %swap3A_1605 = arith.constant 1 : i32
    %swap3A_1606 = arith.constant 0 : i32
    %swap3A_1607 = tpu.memref_slice %arg11[%swap3A_1605, %swap3A_1606] : memref<2x640xf32, #tpu.memory_space<vmem>> -> memref<1x640xf32, #tpu.memory_space<vmem>>
    %swap3A_1608 = tpu.memref_squeeze %swap3A_1607 : memref<1x640xf32, #tpu.memory_space<vmem>> -> memref<640xf32, #tpu.memory_space<vmem>>
    %swap3A_1609 = arith.constant 288 : index
    %swap3A_1610 = tpu.vector_load %swap3A_1608[%swap3A_1609] {strides = array<i32>} : memref<640xf32, #tpu.memory_space<vmem>>, vector<16xf32>,
    tpu.vector_store %swap3A_1608[%swap3A_1609], %broadcast_in_dim3A_3 {strides = array<i32>} : memref<640xf32, #tpu.memory_space<vmem>>, vector<16xf32>,
    %swap3A_1611 = arith.constant 1 : i32
    %swap3A_1612 = arith.constant 0 : i32
    %swap3A_1613 = tpu.memref_slice %arg11[%swap3A_1611, %swap3A_1612] : memref<2x640xf32, #tpu.memory_space<vmem>> -> memref<1x640xf32, #tpu.memory_space<vmem>>
    %swap3A_1614 = tpu.memref_squeeze %swap3A_1613 : memref<1x640xf32, #tpu.memory_space<vmem>> -> memref<640xf32, #tpu.memory_space<vmem>>
    %swap3A_1615 = arith.constant 304 : index
    %swap3A_1616 = tpu.vector_load %swap3A_1614[%swap3A_1615] {strides = array<i32>} : memref<640xf32, #tpu.memory_space<vmem>>, vector<16xf32>,
    tpu.vector_store %swap3A_1614[%swap3A_1615], %broadcast_in_dim3A_3 {strides = array<i32>} : memref<640xf32, #tpu.memory_space<vmem>>, vector<16xf32>,
    %swap3A_1617 = arith.constant 1 : i32
    %swap3A_1618 = arith.constant 0 : i32
    %swap3A_1619 = tpu.memref_slice %arg11[%swap3A_1617, %swap3A_1618] : memref<2x640xf32, #tpu.memory_space<vmem>> -> memref<1x640xf32, #tpu.memory_space<vmem>>
    %swap3A_1620 = tpu.memref_squeeze %swap3A_1619 : memref<1x640xf32, #tpu.memory_space<vmem>> -> memref<640xf32, #tpu.memory_space<vmem>>
    %swap3A_1621 = arith.constant 320 : index
    %swap3A_1622 = tpu.vector_load %swap3A_1620[%swap3A_1621] {strides = array<i32>} : memref<640xf32, #tpu.memory_space<vmem>>, vector<16xf32>,
    tpu.vector_store %swap3A_1620[%swap3A_1621], %broadcast_in_dim3A_3 {strides = array<i32>} : memref<640xf32, #tpu.memory_space<vmem>>, vector<16xf32>,
    %swap3A_1623 = arith.constant 1 : i32
    %swap3A_1624 = arith.constant 0 : i32
    %swap3A_1625 = tpu.memref_slice %arg11[%swap3A_1623, %swap3A_1624] : memref<2x640xf32, #tpu.memory_space<vmem>> -> memref<1x640xf32, #tpu.memory_space<vmem>>
    %swap3A_1626 = tpu.memref_squeeze %swap3A_1625 : memref<1x640xf32, #tpu.memory_space<vmem>> -> memref<640xf32, #tpu.memory_space<vmem>>
    %swap3A_1627 = arith.constant 336 : index
    %swap3A_1628 = tpu.vector_load %swap3A_1626[%swap3A_1627] {strides = array<i32>} : memref<640xf32, #tpu.memory_space<vmem>>, vector<16xf32>,
    tpu.vector_store %swap3A_1626[%swap3A_1627], %broadcast_in_dim3A_3 {strides = array<i32>} : memref<640xf32, #tpu.memory_space<vmem>>, vector<16xf32>,
    %swap3A_1629 = arith.constant 1 : i32
    %swap3A_1630 = arith.constant 0 : i32
    %swap3A_1631 = tpu.memref_slice %arg11[%swap3A_1629, %swap3A_1630] : memref<2x640xf32, #tpu.memory_space<vmem>> -> memref<1x640xf32, #tpu.memory_space<vmem>>
    %swap3A_1632 = tpu.memref_squeeze %swap3A_1631 : memref<1x640xf32, #tpu.memory_space<vmem>> -> memref<640xf32, #tpu.memory_space<vmem>>
    %swap3A_1633 = arith.constant 352 : index
    %swap3A_1634 = tpu.vector_load %swap3A_1632[%swap3A_1633] {strides = array<i32>} : memref<640xf32, #tpu.memory_space<vmem>>, vector<16xf32>,
    tpu.vector_store %swap3A_1632[%swap3A_1633], %broadcast_in_dim3A_3 {strides = array<i32>} : memref<640xf32, #tpu.memory_space<vmem>>, vector<16xf32>,
    %swap3A_1635 = arith.constant 1 : i32
    %swap3A_1636 = arith.constant 0 : i32
    %swap3A_1637 = tpu.memref_slice %arg11[%swap3A_1635, %swap3A_1636] : memref<2x640xf32, #tpu.memory_space<vmem>> -> memref<1x640xf32, #tpu.memory_space<vmem>>
    %swap3A_1638 = tpu.memref_squeeze %swap3A_1637 : memref<1x640xf32, #tpu.memory_space<vmem>> -> memref<640xf32, #tpu.memory_space<vmem>>
    %swap3A_1639 = arith.constant 368 : index
    %swap3A_1640 = tpu.vector_load %swap3A_1638[%swap3A_1639] {strides = array<i32>} : memref<640xf32, #tpu.memory_space<vmem>>, vector<16xf32>,
    tpu.vector_store %swap3A_1638[%swap3A_1639], %broadcast_in_dim3A_3 {strides = array<i32>} : memref<640xf32, #tpu.memory_space<vmem>>, vector<16xf32>,
    %swap3A_1641 = arith.constant 1 : i32
    %swap3A_1642 = arith.constant 0 : i32
    %swap3A_1643 = tpu.memref_slice %arg11[%swap3A_1641, %swap3A_1642] : memref<2x640xf32, #tpu.memory_space<vmem>> -> memref<1x640xf32, #tpu.memory_space<vmem>>
    %swap3A_1644 = tpu.memref_squeeze %swap3A_1643 : memref<1x640xf32, #tpu.memory_space<vmem>> -> memref<640xf32, #tpu.memory_space<vmem>>
    %swap3A_1645 = arith.constant 384 : index
    %swap3A_1646 = tpu.vector_load %swap3A_1644[%swap3A_1645] {strides = array<i32>} : memref<640xf32, #tpu.memory_space<vmem>>, vector<16xf32>,
    tpu.vector_store %swap3A_1644[%swap3A_1645], %broadcast_in_dim3A_3 {strides = array<i32>} : memref<640xf32, #tpu.memory_space<vmem>>, vector<16xf32>,
    %swap3A_1647 = arith.constant 1 : i32
    %swap3A_1648 = arith.constant 0 : i32
    %swap3A_1649 = tpu.memref_slice %arg11[%swap3A_1647, %swap3A_1648] : memref<2x640xf32, #tpu.memory_space<vmem>> -> memref<1x640xf32, #tpu.memory_space<vmem>>
    %swap3A_1650 = tpu.memref_squeeze %swap3A_1649 : memref<1x640xf32, #tpu.memory_space<vmem>> -> memref<640xf32, #tpu.memory_space<vmem>>
    %swap3A_1651 = arith.constant 400 : index
    %swap3A_1652 = tpu.vector_load %swap3A_1650[%swap3A_1651] {strides = array<i32>} : memref<640xf32, #tpu.memory_space<vmem>>, vector<16xf32>,
    tpu.vector_store %swap3A_1650[%swap3A_1651], %broadcast_in_dim3A_3 {strides = array<i32>} : memref<640xf32, #tpu.memory_space<vmem>>, vector<16xf32>,
    %swap3A_1653 = arith.constant 1 : i32
    %swap3A_1654 = arith.constant 0 : i32
    %swap3A_1655 = tpu.memref_slice %arg11[%swap3A_1653, %swap3A_1654] : memref<2x640xf32, #tpu.memory_space<vmem>> -> memref<1x640xf32, #tpu.memory_space<vmem>>
    %swap3A_1656 = tpu.memref_squeeze %swap3A_1655 : memref<1x640xf32, #tpu.memory_space<vmem>> -> memref<640xf32, #tpu.memory_space<vmem>>
    %swap3A_1657 = arith.constant 416 : index
    %swap3A_1658 = tpu.vector_load %swap3A_1656[%swap3A_1657] {strides = array<i32>} : memref<640xf32, #tpu.memory_space<vmem>>, vector<16xf32>,
    tpu.vector_store %swap3A_1656[%swap3A_1657], %broadcast_in_dim3A_3 {strides = array<i32>} : memref<640xf32, #tpu.memory_space<vmem>>, vector<16xf32>,
    %swap3A_1659 = arith.constant 1 : i32
    %swap3A_1660 = arith.constant 0 : i32
    %swap3A_1661 = tpu.memref_slice %arg11[%swap3A_1659, %swap3A_1660] : memref<2x640xf32, #tpu.memory_space<vmem>> -> memref<1x640xf32, #tpu.memory_space<vmem>>
    %swap3A_1662 = tpu.memref_squeeze %swap3A_1661 : memref<1x640xf32, #tpu.memory_space<vmem>> -> memref<640xf32, #tpu.memory_space<vmem>>
    %swap3A_1663 = arith.constant 432 : index
    %swap3A_1664 = tpu.vector_load %swap3A_1662[%swap3A_1663] {strides = array<i32>} : memref<640xf32, #tpu.memory_space<vmem>>, vector<16xf32>,
    tpu.vector_store %swap3A_1662[%swap3A_1663], %broadcast_in_dim3A_3 {strides = array<i32>} : memref<640xf32, #tpu.memory_space<vmem>>, vector<16xf32>,
    %swap3A_1665 = arith.constant 1 : i32
    %swap3A_1666 = arith.constant 0 : i32
    %swap3A_1667 = tpu.memref_slice %arg11[%swap3A_1665, %swap3A_1666] : memref<2x640xf32, #tpu.memory_space<vmem>> -> memref<1x640xf32, #tpu.memory_space<vmem>>
    %swap3A_1668 = tpu.memref_squeeze %swap3A_1667 : memref<1x640xf32, #tpu.memory_space<vmem>> -> memref<640xf32, #tpu.memory_space<vmem>>
    %swap3A_1669 = arith.constant 448 : index
    %swap3A_1670 = tpu.vector_load %swap3A_1668[%swap3A_1669] {strides = array<i32>} : memref<640xf32, #tpu.memory_space<vmem>>, vector<16xf32>,
    tpu.vector_store %swap3A_1668[%swap3A_1669], %broadcast_in_dim3A_3 {strides = array<i32>} : memref<640xf32, #tpu.memory_space<vmem>>, vector<16xf32>,
    %swap3A_1671 = arith.constant 1 : i32
    %swap3A_1672 = arith.constant 0 : i32
    %swap3A_1673 = tpu.memref_slice %arg11[%swap3A_1671, %swap3A_1672] : memref<2x640xf32, #tpu.memory_space<vmem>> -> memref<1x640xf32, #tpu.memory_space<vmem>>
    %swap3A_1674 = tpu.memref_squeeze %swap3A_1673 : memref<1x640xf32, #tpu.memory_space<vmem>> -> memref<640xf32, #tpu.memory_space<vmem>>
    %swap3A_1675 = arith.constant 464 : index
    %swap3A_1676 = tpu.vector_load %swap3A_1674[%swap3A_1675] {strides = array<i32>} : memref<640xf32, #tpu.memory_space<vmem>>, vector<16xf32>,
    tpu.vector_store %swap3A_1674[%swap3A_1675], %broadcast_in_dim3A_3 {strides = array<i32>} : memref<640xf32, #tpu.memory_space<vmem>>, vector<16xf32>,
    %swap3A_1677 = arith.constant 1 : i32
    %swap3A_1678 = arith.constant 0 : i32
    %swap3A_1679 = tpu.memref_slice %arg11[%swap3A_1677, %swap3A_1678] : memref<2x640xf32, #tpu.memory_space<vmem>> -> memref<1x640xf32, #tpu.memory_space<vmem>>
    %swap3A_1680 = tpu.memref_squeeze %swap3A_1679 : memref<1x640xf32, #tpu.memory_space<vmem>> -> memref<640xf32, #tpu.memory_space<vmem>>
    %swap3A_1681 = arith.constant 480 : index
    %swap3A_1682 = tpu.vector_load %swap3A_1680[%swap3A_1681] {strides = array<i32>} : memref<640xf32, #tpu.memory_space<vmem>>, vector<16xf32>,
    tpu.vector_store %swap3A_1680[%swap3A_1681], %broadcast_in_dim3A_3 {strides = array<i32>} : memref<640xf32, #tpu.memory_space<vmem>>, vector<16xf32>,
    %swap3A_1683 = arith.constant 1 : i32
    %swap3A_1684 = arith.constant 0 : i32
    %swap3A_1685 = tpu.memref_slice %arg11[%swap3A_1683, %swap3A_1684] : memref<2x640xf32, #tpu.memory_space<vmem>> -> memref<1x640xf32, #tpu.memory_space<vmem>>
    %swap3A_1686 = tpu.memref_squeeze %swap3A_1685 : memref<1x640xf32, #tpu.memory_space<vmem>> -> memref<640xf32, #tpu.memory_space<vmem>>
    %swap3A_1687 = arith.constant 496 : index
    %swap3A_1688 = tpu.vector_load %swap3A_1686[%swap3A_1687] {strides = array<i32>} : memref<640xf32, #tpu.memory_space<vmem>>, vector<16xf32>,
    tpu.vector_store %swap3A_1686[%swap3A_1687], %broadcast_in_dim3A_3 {strides = array<i32>} : memref<640xf32, #tpu.memory_space<vmem>>, vector<16xf32>,
    %swap3A_1689 = arith.constant 1 : i32
    %swap3A_1690 = arith.constant 0 : i32
    %swap3A_1691 = tpu.memref_slice %arg11[%swap3A_1689, %swap3A_1690] : memref<2x640xf32, #tpu.memory_space<vmem>> -> memref<1x640xf32, #tpu.memory_space<vmem>>
    %swap3A_1692 = tpu.memref_squeeze %swap3A_1691 : memref<1x640xf32, #tpu.memory_space<vmem>> -> memref<640xf32, #tpu.memory_space<vmem>>
    %swap3A_1693 = arith.constant 512 : index
    %swap3A_1694 = tpu.vector_load %swap3A_1692[%swap3A_1693] {strides = array<i32>} : memref<640xf32, #tpu.memory_space<vmem>>, vector<16xf32>,
    tpu.vector_store %swap3A_1692[%swap3A_1693], %broadcast_in_dim3A_3 {strides = array<i32>} : memref<640xf32, #tpu.memory_space<vmem>>, vector<16xf32>,
    %swap3A_1695 = arith.constant 1 : i32
    %swap3A_1696 = arith.constant 0 : i32
    %swap3A_1697 = tpu.memref_slice %arg11[%swap3A_1695, %swap3A_1696] : memref<2x640xf32, #tpu.memory_space<vmem>> -> memref<1x640xf32, #tpu.memory_space<vmem>>
    %swap3A_1698 = tpu.memref_squeeze %swap3A_1697 : memref<1x640xf32, #tpu.memory_space<vmem>> -> memref<640xf32, #tpu.memory_space<vmem>>
    %swap3A_1699 = arith.constant 528 : index
    %swap3A_1700 = tpu.vector_load %swap3A_1698[%swap3A_1699] {strides = array<i32>} : memref<640xf32, #tpu.memory_space<vmem>>, vector<16xf32>,
    tpu.vector_store %swap3A_1698[%swap3A_1699], %broadcast_in_dim3A_3 {strides = array<i32>} : memref<640xf32, #tpu.memory_space<vmem>>, vector<16xf32>,
    %swap3A_1701 = arith.constant 1 : i32
    %swap3A_1702 = arith.constant 0 : i32
    %swap3A_1703 = tpu.memref_slice %arg11[%swap3A_1701, %swap3A_1702] : memref<2x640xf32, #tpu.memory_space<vmem>> -> memref<1x640xf32, #tpu.memory_space<vmem>>
    %swap3A_1704 = tpu.memref_squeeze %swap3A_1703 : memref<1x640xf32, #tpu.memory_space<vmem>> -> memref<640xf32, #tpu.memory_space<vmem>>
    %swap3A_1705 = arith.constant 544 : index
    %swap3A_1706 = tpu.vector_load %swap3A_1704[%swap3A_1705] {strides = array<i32>} : memref<640xf32, #tpu.memory_space<vmem>>, vector<16xf32>,
    tpu.vector_store %swap3A_1704[%swap3A_1705], %broadcast_in_dim3A_3 {strides = array<i32>} : memref<640xf32, #tpu.memory_space<vmem>>, vector<16xf32>,
    %swap3A_1707 = arith.constant 1 : i32
    %swap3A_1708 = arith.constant 0 : i32
    %swap3A_1709 = tpu.memref_slice %arg11[%swap3A_1707, %swap3A_1708] : memref<2x640xf32, #tpu.memory_space<vmem>> -> memref<1x640xf32, #tpu.memory_space<vmem>>
    %swap3A_1710 = tpu.memref_squeeze %swap3A_1709 : memref<1x640xf32, #tpu.memory_space<vmem>> -> memref<640xf32, #tpu.memory_space<vmem>>
    %swap3A_1711 = arith.constant 560 : index
    %swap3A_1712 = tpu.vector_load %swap3A_1710[%swap3A_1711] {strides = array<i32>} : memref<640xf32, #tpu.memory_space<vmem>>, vector<16xf32>,
    tpu.vector_store %swap3A_1710[%swap3A_1711], %broadcast_in_dim3A_3 {strides = array<i32>} : memref<640xf32, #tpu.memory_space<vmem>>, vector<16xf32>,
    %swap3A_1713 = arith.constant 1 : i32
    %swap3A_1714 = arith.constant 0 : i32
    %swap3A_1715 = tpu.memref_slice %arg11[%swap3A_1713, %swap3A_1714] : memref<2x640xf32, #tpu.memory_space<vmem>> -> memref<1x640xf32, #tpu.memory_space<vmem>>
    %swap3A_1716 = tpu.memref_squeeze %swap3A_1715 : memref<1x640xf32, #tpu.memory_space<vmem>> -> memref<640xf32, #tpu.memory_space<vmem>>
    %swap3A_1717 = arith.constant 576 : index
    %swap3A_1718 = tpu.vector_load %swap3A_1716[%swap3A_1717] {strides = array<i32>} : memref<640xf32, #tpu.memory_space<vmem>>, vector<16xf32>,
    tpu.vector_store %swap3A_1716[%swap3A_1717], %broadcast_in_dim3A_3 {strides = array<i32>} : memref<640xf32, #tpu.memory_space<vmem>>, vector<16xf32>,
    %swap3A_1719 = arith.constant 1 : i32
    %swap3A_1720 = arith.constant 0 : i32
    %swap3A_1721 = tpu.memref_slice %arg11[%swap3A_1719, %swap3A_1720] : memref<2x640xf32, #tpu.memory_space<vmem>> -> memref<1x640xf32, #tpu.memory_space<vmem>>
    %swap3A_1722 = tpu.memref_squeeze %swap3A_1721 : memref<1x640xf32, #tpu.memory_space<vmem>> -> memref<640xf32, #tpu.memory_space<vmem>>
    %swap3A_1723 = arith.constant 592 : index
    %swap3A_1724 = tpu.vector_load %swap3A_1722[%swap3A_1723] {strides = array<i32>} : memref<640xf32, #tpu.memory_space<vmem>>, vector<16xf32>,
    tpu.vector_store %swap3A_1722[%swap3A_1723], %broadcast_in_dim3A_3 {strides = array<i32>} : memref<640xf32, #tpu.memory_space<vmem>>, vector<16xf32>,
    %swap3A_1725 = arith.constant 1 : i32
    %swap3A_1726 = arith.constant 0 : i32
    %swap3A_1727 = tpu.memref_slice %arg11[%swap3A_1725, %swap3A_1726] : memref<2x640xf32, #tpu.memory_space<vmem>> -> memref<1x640xf32, #tpu.memory_space<vmem>>
    %swap3A_1728 = tpu.memref_squeeze %swap3A_1727 : memref<1x640xf32, #tpu.memory_space<vmem>> -> memref<640xf32, #tpu.memory_space<vmem>>
    %swap3A_1729 = arith.constant 608 : index
    %swap3A_1730 = tpu.vector_load %swap3A_1728[%swap3A_1729] {strides = array<i32>} : memref<640xf32, #tpu.memory_space<vmem>>, vector<16xf32>,
    tpu.vector_store %swap3A_1728[%swap3A_1729], %broadcast_in_dim3A_3 {strides = array<i32>} : memref<640xf32, #tpu.memory_space<vmem>>, vector<16xf32>,
    %swap3A_1731 = arith.constant 1 : i32
    %swap3A_1732 = arith.constant 0 : i32
    %swap3A_1733 = tpu.memref_slice %arg11[%swap3A_1731, %swap3A_1732] : memref<2x640xf32, #tpu.memory_space<vmem>> -> memref<1x640xf32, #tpu.memory_space<vmem>>
    %swap3A_1734 = tpu.memref_squeeze %swap3A_1733 : memref<1x640xf32, #tpu.memory_space<vmem>> -> memref<640xf32, #tpu.memory_space<vmem>>
    %swap3A_1735 = arith.constant 624 : index
    %swap3A_1736 = tpu.vector_load %swap3A_1734[%swap3A_1735] {strides = array<i32>} : memref<640xf32, #tpu.memory_space<vmem>>, vector<16xf32>,
    tpu.vector_store %swap3A_1734[%swap3A_1735], %broadcast_in_dim3A_3 {strides = array<i32>} : memref<640xf32, #tpu.memory_space<vmem>>, vector<16xf32>,
    %dma_wait3A_1737 = arith.constant 1 : i32
    %dma_wait3A_1738 = arith.constant 1 : i32
    %dma_wait3A_1739 = arith.constant 0 : i32
    %dma_wait3A_1740 = arith.constant 0 : i32
    %dma_wait3A_1741 = tpu.memref_slice %arg9[%dma_wait3A_1738, %dma_wait3A_1739, %dma_wait3A_1740] : memref<2x128x64xf32, #tpu.memory_space<vmem>> -> memref<1x128x64xf32, #tpu.memory_space<vmem>>
    %dma_wait3A_1742 = tpu.memref_squeeze %dma_wait3A_1741 : memref<1x128x64xf32, #tpu.memory_space<vmem>> -> memref<128x64xf32, #tpu.memory_space<vmem>>
    %dma_wait3A_1743 = arith.constant 0 : i32
    %dma_wait3A_1744 = tpu.memref_slice %arg7[%dma_wait3A_1737, %dma_wait3A_1743] : memref<2x128xi32, #tpu.memory_space<vmem>> -> memref<1x128xi32, #tpu.memory_space<vmem>>
    %dma_wait3A_1745 = tpu.memref_squeeze %dma_wait3A_1744 : memref<1x128xi32, #tpu.memory_space<vmem>> -> memref<128xi32, #tpu.memory_space<vmem>>
    %dma_wait3A_1746 = arith.constant 0 : i32
    %dma_wait3A_1747 = arith.constant 0 : i32
    %dma_wait3A_1748 = tpu.memref_slice %arg4[%dma_wait3A_1746, %dma_wait3A_1747] : memref<1000000x64xf32, #tpu.memory_space<hbm>> -> memref<1000000x64xf32, #tpu.memory_space<hbm>>
    tpu.wait_indirect_dma semaphore(%arg13 : memref<!tpu.dma_semaphore, #tpu.memory_space<semaphore_mem>>) src(%dma_wait3A_1748 : memref<1000000x64xf32, #tpu.memory_space<hbm>>) dst(%dma_wait3A_1742 : memref<128x64xf32, #tpu.memory_space<vmem>>)
    %dma_wait3A_1749 = arith.constant 1 : i32
    %dma_wait3A_1750 = arith.constant 1 : i32
    %dma_wait3A_1751 = arith.constant 0 : i32
    %dma_wait3A_1752 = arith.constant 0 : i32
    %dma_wait3A_1753 = tpu.memref_slice %arg10[%dma_wait3A_1750, %dma_wait3A_1751, %dma_wait3A_1752] : memref<2x640x64xf32, #tpu.memory_space<vmem>> -> memref<1x640x64xf32, #tpu.memory_space<vmem>>
    %dma_wait3A_1754 = tpu.memref_squeeze %dma_wait3A_1753 : memref<1x640x64xf32, #tpu.memory_space<vmem>> -> memref<640x64xf32, #tpu.memory_space<vmem>>
    %dma_wait3A_1755 = arith.constant 0 : i32
    %dma_wait3A_1756 = arith.constant 0 : i32
    %dma_wait3A_1757 = tpu.memref_slice %dma_wait3A_1754[%dma_wait3A_1755, %dma_wait3A_1756] : memref<640x64xf32, #tpu.memory_space<vmem>> -> memref<128x64xf32, #tpu.memory_space<vmem>>
    %dma_wait3A_1758 = arith.constant 0 : i32
    %dma_wait3A_1759 = tpu.memref_slice %arg8[%dma_wait3A_1749, %dma_wait3A_1758] : memref<2x640xi32, #tpu.memory_space<vmem>> -> memref<1x640xi32, #tpu.memory_space<vmem>>
    %dma_wait3A_1760 = tpu.memref_squeeze %dma_wait3A_1759 : memref<1x640xi32, #tpu.memory_space<vmem>> -> memref<640xi32, #tpu.memory_space<vmem>>
    %dma_wait3A_1761 = arith.constant 0 : i32
    %dma_wait3A_1762 = tpu.memref_slice %dma_wait3A_1760[%dma_wait3A_1761] : memref<640xi32, #tpu.memory_space<vmem>> -> memref<128xi32, #tpu.memory_space<vmem>>
    %dma_wait3A_1763 = arith.constant 0 : i32
    %dma_wait3A_1764 = arith.constant 0 : i32
    %dma_wait3A_1765 = tpu.memref_slice %arg5[%dma_wait3A_1763, %dma_wait3A_1764] : memref<1000000x64xf32, #tpu.memory_space<hbm>> -> memref<1000000x64xf32, #tpu.memory_space<hbm>>
    tpu.wait_indirect_dma semaphore(%arg13 : memref<!tpu.dma_semaphore, #tpu.memory_space<semaphore_mem>>) src(%dma_wait3A_1765 : memref<1000000x64xf32, #tpu.memory_space<hbm>>) dst(%dma_wait3A_1757 : memref<128x64xf32, #tpu.memory_space<vmem>>)
    %dma_wait3A_1766 = arith.constant 1 : i32
    %dma_wait3A_1767 = arith.constant 1 : i32
    %dma_wait3A_1768 = arith.constant 0 : i32
    %dma_wait3A_1769 = arith.constant 0 : i32
    %dma_wait3A_1770 = tpu.memref_slice %arg10[%dma_wait3A_1767, %dma_wait3A_1768, %dma_wait3A_1769] : memref<2x640x64xf32, #tpu.memory_space<vmem>> -> memref<1x640x64xf32, #tpu.memory_space<vmem>>
    %dma_wait3A_1771 = tpu.memref_squeeze %dma_wait3A_1770 : memref<1x640x64xf32, #tpu.memory_space<vmem>> -> memref<640x64xf32, #tpu.memory_space<vmem>>
    %dma_wait3A_1772 = arith.constant 128 : i32
    %dma_wait3A_1773 = arith.constant 0 : i32
    %dma_wait3A_1774 = tpu.memref_slice %dma_wait3A_1771[%dma_wait3A_1772, %dma_wait3A_1773] : memref<640x64xf32, #tpu.memory_space<vmem>> -> memref<128x64xf32, #tpu.memory_space<vmem>>
    %dma_wait3A_1775 = arith.constant 0 : i32
    %dma_wait3A_1776 = tpu.memref_slice %arg8[%dma_wait3A_1766, %dma_wait3A_1775] : memref<2x640xi32, #tpu.memory_space<vmem>> -> memref<1x640xi32, #tpu.memory_space<vmem>>
    %dma_wait3A_1777 = tpu.memref_squeeze %dma_wait3A_1776 : memref<1x640xi32, #tpu.memory_space<vmem>> -> memref<640xi32, #tpu.memory_space<vmem>>
    %dma_wait3A_1778 = arith.constant 128 : i32
    %dma_wait3A_1779 = tpu.memref_slice %dma_wait3A_1777[%dma_wait3A_1778] : memref<640xi32, #tpu.memory_space<vmem>> -> memref<128xi32, #tpu.memory_space<vmem>>
    %dma_wait3A_1780 = arith.constant 0 : i32
    %dma_wait3A_1781 = arith.constant 0 : i32
    %dma_wait3A_1782 = tpu.memref_slice %arg5[%dma_wait3A_1780, %dma_wait3A_1781] : memref<1000000x64xf32, #tpu.memory_space<hbm>> -> memref<1000000x64xf32, #tpu.memory_space<hbm>>
    tpu.wait_indirect_dma semaphore(%arg13 : memref<!tpu.dma_semaphore, #tpu.memory_space<semaphore_mem>>) src(%dma_wait3A_1782 : memref<1000000x64xf32, #tpu.memory_space<hbm>>) dst(%dma_wait3A_1774 : memref<128x64xf32, #tpu.memory_space<vmem>>)
    %dma_wait3A_1783 = arith.constant 1 : i32
    %dma_wait3A_1784 = arith.constant 1 : i32
    %dma_wait3A_1785 = arith.constant 0 : i32
    %dma_wait3A_1786 = arith.constant 0 : i32
    %dma_wait3A_1787 = tpu.memref_slice %arg10[%dma_wait3A_1784, %dma_wait3A_1785, %dma_wait3A_1786] : memref<2x640x64xf32, #tpu.memory_space<vmem>> -> memref<1x640x64xf32, #tpu.memory_space<vmem>>
    %dma_wait3A_1788 = tpu.memref_squeeze %dma_wait3A_1787 : memref<1x640x64xf32, #tpu.memory_space<vmem>> -> memref<640x64xf32, #tpu.memory_space<vmem>>
    %dma_wait3A_1789 = arith.constant 256 : i32
    %dma_wait3A_1790 = arith.constant 0 : i32
    %dma_wait3A_1791 = tpu.memref_slice %dma_wait3A_1788[%dma_wait3A_1789, %dma_wait3A_1790] : memref<640x64xf32, #tpu.memory_space<vmem>> -> memref<128x64xf32, #tpu.memory_space<vmem>>
    %dma_wait3A_1792 = arith.constant 0 : i32
    %dma_wait3A_1793 = tpu.memref_slice %arg8[%dma_wait3A_1783, %dma_wait3A_1792] : memref<2x640xi32, #tpu.memory_space<vmem>> -> memref<1x640xi32, #tpu.memory_space<vmem>>
    %dma_wait3A_1794 = tpu.memref_squeeze %dma_wait3A_1793 : memref<1x640xi32, #tpu.memory_space<vmem>> -> memref<640xi32, #tpu.memory_space<vmem>>
    %dma_wait3A_1795 = arith.constant 256 : i32
    %dma_wait3A_1796 = tpu.memref_slice %dma_wait3A_1794[%dma_wait3A_1795] : memref<640xi32, #tpu.memory_space<vmem>> -> memref<128xi32, #tpu.memory_space<vmem>>
    %dma_wait3A_1797 = arith.constant 0 : i32
    %dma_wait3A_1798 = arith.constant 0 : i32
    %dma_wait3A_1799 = tpu.memref_slice %arg5[%dma_wait3A_1797, %dma_wait3A_1798] : memref<1000000x64xf32, #tpu.memory_space<hbm>> -> memref<1000000x64xf32, #tpu.memory_space<hbm>>
    tpu.wait_indirect_dma semaphore(%arg13 : memref<!tpu.dma_semaphore, #tpu.memory_space<semaphore_mem>>) src(%dma_wait3A_1799 : memref<1000000x64xf32, #tpu.memory_space<hbm>>) dst(%dma_wait3A_1791 : memref<128x64xf32, #tpu.memory_space<vmem>>)
    %dma_wait3A_1800 = arith.constant 1 : i32
    %dma_wait3A_1801 = arith.constant 1 : i32
    %dma_wait3A_1802 = arith.constant 0 : i32
    %dma_wait3A_1803 = arith.constant 0 : i32
    %dma_wait3A_1804 = tpu.memref_slice %arg10[%dma_wait3A_1801, %dma_wait3A_1802, %dma_wait3A_1803] : memref<2x640x64xf32, #tpu.memory_space<vmem>> -> memref<1x640x64xf32, #tpu.memory_space<vmem>>
    %dma_wait3A_1805 = tpu.memref_squeeze %dma_wait3A_1804 : memref<1x640x64xf32, #tpu.memory_space<vmem>> -> memref<640x64xf32, #tpu.memory_space<vmem>>
    %dma_wait3A_1806 = arith.constant 384 : i32
    %dma_wait3A_1807 = arith.constant 0 : i32
    %dma_wait3A_1808 = tpu.memref_slice %dma_wait3A_1805[%dma_wait3A_1806, %dma_wait3A_1807] : memref<640x64xf32, #tpu.memory_space<vmem>> -> memref<128x64xf32, #tpu.memory_space<vmem>>
    %dma_wait3A_1809 = arith.constant 0 : i32
    %dma_wait3A_1810 = tpu.memref_slice %arg8[%dma_wait3A_1800, %dma_wait3A_1809] : memref<2x640xi32, #tpu.memory_space<vmem>> -> memref<1x640xi32, #tpu.memory_space<vmem>>
    %dma_wait3A_1811 = tpu.memref_squeeze %dma_wait3A_1810 : memref<1x640xi32, #tpu.memory_space<vmem>> -> memref<640xi32, #tpu.memory_space<vmem>>
    %dma_wait3A_1812 = arith.constant 384 : i32
    %dma_wait3A_1813 = tpu.memref_slice %dma_wait3A_1811[%dma_wait3A_1812] : memref<640xi32, #tpu.memory_space<vmem>> -> memref<128xi32, #tpu.memory_space<vmem>>
    %dma_wait3A_1814 = arith.constant 0 : i32
    %dma_wait3A_1815 = arith.constant 0 : i32
    %dma_wait3A_1816 = tpu.memref_slice %arg5[%dma_wait3A_1814, %dma_wait3A_1815] : memref<1000000x64xf32, #tpu.memory_space<hbm>> -> memref<1000000x64xf32, #tpu.memory_space<hbm>>
    tpu.wait_indirect_dma semaphore(%arg13 : memref<!tpu.dma_semaphore, #tpu.memory_space<semaphore_mem>>) src(%dma_wait3A_1816 : memref<1000000x64xf32, #tpu.memory_space<hbm>>) dst(%dma_wait3A_1808 : memref<128x64xf32, #tpu.memory_space<vmem>>)
    %dma_wait3A_1817 = arith.constant 1 : i32
    %dma_wait3A_1818 = arith.constant 1 : i32
    %dma_wait3A_1819 = arith.constant 0 : i32
    %dma_wait3A_1820 = arith.constant 0 : i32
    %dma_wait3A_1821 = tpu.memref_slice %arg10[%dma_wait3A_1818, %dma_wait3A_1819, %dma_wait3A_1820] : memref<2x640x64xf32, #tpu.memory_space<vmem>> -> memref<1x640x64xf32, #tpu.memory_space<vmem>>
    %dma_wait3A_1822 = tpu.memref_squeeze %dma_wait3A_1821 : memref<1x640x64xf32, #tpu.memory_space<vmem>> -> memref<640x64xf32, #tpu.memory_space<vmem>>
    %dma_wait3A_1823 = arith.constant 512 : i32
    %dma_wait3A_1824 = arith.constant 0 : i32
    %dma_wait3A_1825 = tpu.memref_slice %dma_wait3A_1822[%dma_wait3A_1823, %dma_wait3A_1824] : memref<640x64xf32, #tpu.memory_space<vmem>> -> memref<128x64xf32, #tpu.memory_space<vmem>>
    %dma_wait3A_1826 = arith.constant 0 : i32
    %dma_wait3A_1827 = tpu.memref_slice %arg8[%dma_wait3A_1817, %dma_wait3A_1826] : memref<2x640xi32, #tpu.memory_space<vmem>> -> memref<1x640xi32, #tpu.memory_space<vmem>>
    %dma_wait3A_1828 = tpu.memref_squeeze %dma_wait3A_1827 : memref<1x640xi32, #tpu.memory_space<vmem>> -> memref<640xi32, #tpu.memory_space<vmem>>
    %dma_wait3A_1829 = arith.constant 512 : i32
    %dma_wait3A_1830 = tpu.memref_slice %dma_wait3A_1828[%dma_wait3A_1829] : memref<640xi32, #tpu.memory_space<vmem>> -> memref<128xi32, #tpu.memory_space<vmem>>
    %dma_wait3A_1831 = arith.constant 0 : i32
    %dma_wait3A_1832 = arith.constant 0 : i32
    %dma_wait3A_1833 = tpu.memref_slice %arg5[%dma_wait3A_1831, %dma_wait3A_1832] : memref<1000000x64xf32, #tpu.memory_space<hbm>> -> memref<1000000x64xf32, #tpu.memory_space<hbm>>
    tpu.wait_indirect_dma semaphore(%arg13 : memref<!tpu.dma_semaphore, #tpu.memory_space<semaphore_mem>>) src(%dma_wait3A_1833 : memref<1000000x64xf32, #tpu.memory_space<hbm>>) dst(%dma_wait3A_1825 : memref<128x64xf32, #tpu.memory_space<vmem>>)
    %parallel_loop3A_1834 = arith.constant 0 : i32
    %parallel_loop3A_1835 = arith.constant 128 : i32
    %parallel_loop3A_1836 = arith.constant 1 : i32
    %parallel_loop3A_1837 = arith.constant 1 : i32
    %parallel_loop3A_1838 = arith.constant 1 : i32
    %parallel_loop3A_1839 = arith.constant 1 : i32
    scf.for %parallel_loop3A_1871 = %parallel_loop3A_1834 to %parallel_loop3A_1835 step %parallel_loop3A_1836  : i32 {
      %parallel_loop3A_1872 = arith.constant 0 : i32
      %parallel_loop3A_1873 = arith.constant 0 : i32
      %parallel_loop3A_1874 = tpu.memref_slice %arg9[%parallel_loop3A_1837, %parallel_loop3A_1872, %parallel_loop3A_1873] : memref<2x128x64xf32, #tpu.memory_space<vmem>> -> memref<1x128x64xf32, #tpu.memory_space<vmem>>
      %parallel_loop3A_1875 = tpu.memref_squeeze %parallel_loop3A_1874 : memref<1x128x64xf32, #tpu.memory_space<vmem>> -> memref<128x64xf32, #tpu.memory_space<vmem>>
      %parallel_loop3A_1876 = arith.index_cast %parallel_loop3A_1871 : i32 to index
      %parallel_loop3A_1877 = arith.constant 0 : index
      %parallel_loop3A_1878 = tpu.vector_load %parallel_loop3A_1875[%parallel_loop3A_1876, %parallel_loop3A_1877] {strides = array<i32>} : memref<128x64xf32, #tpu.memory_space<vmem>>, vector<16xf32>,
      %parallel_loop3A_1879 = arith.constant 0 : i32
      %parallel_loop3A_1880 = arith.constant 0 : i32
      %parallel_loop3A_1881 = tpu.memref_slice %arg9[%parallel_loop3A_1837, %parallel_loop3A_1879, %parallel_loop3A_1880] : memref<2x128x64xf32, #tpu.memory_space<vmem>> -> memref<1x128x64xf32, #tpu.memory_space<vmem>>
      %parallel_loop3A_1882 = tpu.memref_squeeze %parallel_loop3A_1881 : memref<1x128x64xf32, #tpu.memory_space<vmem>> -> memref<128x64xf32, #tpu.memory_space<vmem>>
      %parallel_loop3A_1883 = arith.index_cast %parallel_loop3A_1871 : i32 to index
      %parallel_loop3A_1884 = arith.constant 16 : index
      %parallel_loop3A_1885 = tpu.vector_load %parallel_loop3A_1882[%parallel_loop3A_1883, %parallel_loop3A_1884] {strides = array<i32>} : memref<128x64xf32, #tpu.memory_space<vmem>>, vector<16xf32>,
      %parallel_loop3A_1886 = arith.constant 0 : i32
      %parallel_loop3A_1887 = arith.constant 0 : i32
      %parallel_loop3A_1888 = tpu.memref_slice %arg9[%parallel_loop3A_1837, %parallel_loop3A_1886, %parallel_loop3A_1887] : memref<2x128x64xf32, #tpu.memory_space<vmem>> -> memref<1x128x64xf32, #tpu.memory_space<vmem>>
      %parallel_loop3A_1889 = tpu.memref_squeeze %parallel_loop3A_1888 : memref<1x128x64xf32, #tpu.memory_space<vmem>> -> memref<128x64xf32, #tpu.memory_space<vmem>>
      %parallel_loop3A_1890 = arith.index_cast %parallel_loop3A_1871 : i32 to index
      %parallel_loop3A_1891 = arith.constant 32 : index
      %parallel_loop3A_1892 = tpu.vector_load %parallel_loop3A_1889[%parallel_loop3A_1890, %parallel_loop3A_1891] {strides = array<i32>} : memref<128x64xf32, #tpu.memory_space<vmem>>, vector<16xf32>,
      %parallel_loop3A_1893 = arith.constant 0 : i32
      %parallel_loop3A_1894 = arith.constant 0 : i32
      %parallel_loop3A_1895 = tpu.memref_slice %arg9[%parallel_loop3A_1837, %parallel_loop3A_1893, %parallel_loop3A_1894] : memref<2x128x64xf32, #tpu.memory_space<vmem>> -> memref<1x128x64xf32, #tpu.memory_space<vmem>>
      %parallel_loop3A_1896 = tpu.memref_squeeze %parallel_loop3A_1895 : memref<1x128x64xf32, #tpu.memory_space<vmem>> -> memref<128x64xf32, #tpu.memory_space<vmem>>
      %parallel_loop3A_1897 = arith.index_cast %parallel_loop3A_1871 : i32 to index
      %parallel_loop3A_1898 = arith.constant 48 : index
      %parallel_loop3A_1899 = tpu.vector_load %parallel_loop3A_1896[%parallel_loop3A_1897, %parallel_loop3A_1898] {strides = array<i32>} : memref<128x64xf32, #tpu.memory_space<vmem>>, vector<16xf32>,
      %parallel_loop3A_1900 = arith.constant 5 : i32
      %parallel_loop3A_1901 = arith.muli %parallel_loop3A_1871, %parallel_loop3A_1900 : i32
      %parallel_loop3A_1902 = arith.constant 0 : i32
      %parallel_loop3A_1903 = arith.addi %parallel_loop3A_1901, %parallel_loop3A_1902 : i32
      %parallel_loop3A_1904 = arith.constant 0 : i32
      %parallel_loop3A_1905 = arith.constant 0 : i32
      %parallel_loop3A_1906 = tpu.memref_slice %arg10[%parallel_loop3A_1838, %parallel_loop3A_1904, %parallel_loop3A_1905] : memref<2x640x64xf32, #tpu.memory_space<vmem>> -> memref<1x640x64xf32, #tpu.memory_space<vmem>>
      %parallel_loop3A_1907 = tpu.memref_squeeze %parallel_loop3A_1906 : memref<1x640x64xf32, #tpu.memory_space<vmem>> -> memref<640x64xf32, #tpu.memory_space<vmem>>
      %parallel_loop3A_1908 = arith.index_cast %parallel_loop3A_1903 : i32 to index
      %parallel_loop3A_1909 = arith.constant 0 : index
      %parallel_loop3A_1910 = tpu.vector_load %parallel_loop3A_1907[%parallel_loop3A_1908, %parallel_loop3A_1909] {strides = array<i32>} : memref<640x64xf32, #tpu.memory_space<vmem>>, vector<16xf32>,
      %parallel_loop3A_1911 = arith.mulf %parallel_loop3A_1878, %parallel_loop3A_1910 : vector<16xf32>
      %parallel_loop3A_1912 = arith.constant 0 : i32
      %parallel_loop3A_1913 = arith.constant 0 : i32
      %parallel_loop3A_1914 = tpu.memref_slice %arg10[%parallel_loop3A_1838, %parallel_loop3A_1912, %parallel_loop3A_1913] : memref<2x640x64xf32, #tpu.memory_space<vmem>> -> memref<1x640x64xf32, #tpu.memory_space<vmem>>
      %parallel_loop3A_1915 = tpu.memref_squeeze %parallel_loop3A_1914 : memref<1x640x64xf32, #tpu.memory_space<vmem>> -> memref<640x64xf32, #tpu.memory_space<vmem>>
      %parallel_loop3A_1916 = arith.index_cast %parallel_loop3A_1903 : i32 to index
      %parallel_loop3A_1917 = arith.constant 16 : index
      %parallel_loop3A_1918 = tpu.vector_load %parallel_loop3A_1915[%parallel_loop3A_1916, %parallel_loop3A_1917] {strides = array<i32>} : memref<640x64xf32, #tpu.memory_space<vmem>>, vector<16xf32>,
      %parallel_loop3A_1919 = arith.mulf %parallel_loop3A_1885, %parallel_loop3A_1918 : vector<16xf32>
      %parallel_loop3A_1920 = arith.addf %parallel_loop3A_1911, %parallel_loop3A_1919 : vector<16xf32>
      %parallel_loop3A_1921 = arith.constant 0 : i32
      %parallel_loop3A_1922 = arith.constant 0 : i32
      %parallel_loop3A_1923 = tpu.memref_slice %arg10[%parallel_loop3A_1838, %parallel_loop3A_1921, %parallel_loop3A_1922] : memref<2x640x64xf32, #tpu.memory_space<vmem>> -> memref<1x640x64xf32, #tpu.memory_space<vmem>>
      %parallel_loop3A_1924 = tpu.memref_squeeze %parallel_loop3A_1923 : memref<1x640x64xf32, #tpu.memory_space<vmem>> -> memref<640x64xf32, #tpu.memory_space<vmem>>
      %parallel_loop3A_1925 = arith.index_cast %parallel_loop3A_1903 : i32 to index
      %parallel_loop3A_1926 = arith.constant 32 : index
      %parallel_loop3A_1927 = tpu.vector_load %parallel_loop3A_1924[%parallel_loop3A_1925, %parallel_loop3A_1926] {strides = array<i32>} : memref<640x64xf32, #tpu.memory_space<vmem>>, vector<16xf32>,
      %parallel_loop3A_1928 = arith.mulf %parallel_loop3A_1892, %parallel_loop3A_1927 : vector<16xf32>
      %parallel_loop3A_1929 = arith.addf %parallel_loop3A_1920, %parallel_loop3A_1928 : vector<16xf32>
      %parallel_loop3A_1930 = arith.constant 0 : i32
      %parallel_loop3A_1931 = arith.constant 0 : i32
      %parallel_loop3A_1932 = tpu.memref_slice %arg10[%parallel_loop3A_1838, %parallel_loop3A_1930, %parallel_loop3A_1931] : memref<2x640x64xf32, #tpu.memory_space<vmem>> -> memref<1x640x64xf32, #tpu.memory_space<vmem>>
      %parallel_loop3A_1933 = tpu.memref_squeeze %parallel_loop3A_1932 : memref<1x640x64xf32, #tpu.memory_space<vmem>> -> memref<640x64xf32, #tpu.memory_space<vmem>>
      %parallel_loop3A_1934 = arith.index_cast %parallel_loop3A_1903 : i32 to index
      %parallel_loop3A_1935 = arith.constant 48 : index
      %parallel_loop3A_1936 = tpu.vector_load %parallel_loop3A_1933[%parallel_loop3A_1934, %parallel_loop3A_1935] {strides = array<i32>} : memref<640x64xf32, #tpu.memory_space<vmem>>, vector<16xf32>,
      %parallel_loop3A_1937 = arith.mulf %parallel_loop3A_1899, %parallel_loop3A_1936 : vector<16xf32>
      %parallel_loop3A_1938 = arith.addf %parallel_loop3A_1929, %parallel_loop3A_1937 : vector<16xf32>
      %parallel_loop3A_1939 = vector.broadcast %parallel_loop3A_1903 : i32 to vector<16xi32>
      %parallel_loop3A_1940 = arith.constant 0 : i32
      %parallel_loop3A_1941 = tpu.memref_slice %arg11[%parallel_loop3A_1839, %parallel_loop3A_1940] : memref<2x640xf32, #tpu.memory_space<vmem>> -> memref<1x640xf32, #tpu.memory_space<vmem>>
      %parallel_loop3A_1942 = tpu.memref_squeeze %parallel_loop3A_1941 : memref<1x640xf32, #tpu.memory_space<vmem>> -> memref<640xf32, #tpu.memory_space<vmem>>
      tpu.vector_store_idx %parallel_loop3A_1942[%parallel_loop3A_1939], %parallel_loop3A_1938 {add = true} : memref<640xf32, #tpu.memory_space<vmem>>[vector<16xi32>], vector<16xf32>,
      %parallel_loop3A_1943 = arith.constant 5 : i32
      %parallel_loop3A_1944 = arith.muli %parallel_loop3A_1871, %parallel_loop3A_1943 : i32
      %parallel_loop3A_1945 = arith.constant 1 : i32
      %parallel_loop3A_1946 = arith.addi %parallel_loop3A_1944, %parallel_loop3A_1945 : i32
      %parallel_loop3A_1947 = arith.constant 0 : i32
      %parallel_loop3A_1948 = arith.constant 0 : i32
      %parallel_loop3A_1949 = tpu.memref_slice %arg10[%parallel_loop3A_1838, %parallel_loop3A_1947, %parallel_loop3A_1948] : memref<2x640x64xf32, #tpu.memory_space<vmem>> -> memref<1x640x64xf32, #tpu.memory_space<vmem>>
      %parallel_loop3A_1950 = tpu.memref_squeeze %parallel_loop3A_1949 : memref<1x640x64xf32, #tpu.memory_space<vmem>> -> memref<640x64xf32, #tpu.memory_space<vmem>>
      %parallel_loop3A_1951 = arith.index_cast %parallel_loop3A_1946 : i32 to index
      %parallel_loop3A_1952 = arith.constant 0 : index
      %parallel_loop3A_1953 = tpu.vector_load %parallel_loop3A_1950[%parallel_loop3A_1951, %parallel_loop3A_1952] {strides = array<i32>} : memref<640x64xf32, #tpu.memory_space<vmem>>, vector<16xf32>,
      %parallel_loop3A_1954 = arith.mulf %parallel_loop3A_1878, %parallel_loop3A_1953 : vector<16xf32>
      %parallel_loop3A_1955 = arith.constant 0 : i32
      %parallel_loop3A_1956 = arith.constant 0 : i32
      %parallel_loop3A_1957 = tpu.memref_slice %arg10[%parallel_loop3A_1838, %parallel_loop3A_1955, %parallel_loop3A_1956] : memref<2x640x64xf32, #tpu.memory_space<vmem>> -> memref<1x640x64xf32, #tpu.memory_space<vmem>>
      %parallel_loop3A_1958 = tpu.memref_squeeze %parallel_loop3A_1957 : memref<1x640x64xf32, #tpu.memory_space<vmem>> -> memref<640x64xf32, #tpu.memory_space<vmem>>
      %parallel_loop3A_1959 = arith.index_cast %parallel_loop3A_1946 : i32 to index
      %parallel_loop3A_1960 = arith.constant 16 : index
      %parallel_loop3A_1961 = tpu.vector_load %parallel_loop3A_1958[%parallel_loop3A_1959, %parallel_loop3A_1960] {strides = array<i32>} : memref<640x64xf32, #tpu.memory_space<vmem>>, vector<16xf32>,
      %parallel_loop3A_1962 = arith.mulf %parallel_loop3A_1885, %parallel_loop3A_1961 : vector<16xf32>
      %parallel_loop3A_1963 = arith.addf %parallel_loop3A_1954, %parallel_loop3A_1962 : vector<16xf32>
      %parallel_loop3A_1964 = arith.constant 0 : i32
      %parallel_loop3A_1965 = arith.constant 0 : i32
      %parallel_loop3A_1966 = tpu.memref_slice %arg10[%parallel_loop3A_1838, %parallel_loop3A_1964, %parallel_loop3A_1965] : memref<2x640x64xf32, #tpu.memory_space<vmem>> -> memref<1x640x64xf32, #tpu.memory_space<vmem>>
      %parallel_loop3A_1967 = tpu.memref_squeeze %parallel_loop3A_1966 : memref<1x640x64xf32, #tpu.memory_space<vmem>> -> memref<640x64xf32, #tpu.memory_space<vmem>>
      %parallel_loop3A_1968 = arith.index_cast %parallel_loop3A_1946 : i32 to index
      %parallel_loop3A_1969 = arith.constant 32 : index
      %parallel_loop3A_1970 = tpu.vector_load %parallel_loop3A_1967[%parallel_loop3A_1968, %parallel_loop3A_1969] {strides = array<i32>} : memref<640x64xf32, #tpu.memory_space<vmem>>, vector<16xf32>,
      %parallel_loop3A_1971 = arith.mulf %parallel_loop3A_1892, %parallel_loop3A_1970 : vector<16xf32>
      %parallel_loop3A_1972 = arith.addf %parallel_loop3A_1963, %parallel_loop3A_1971 : vector<16xf32>
      %parallel_loop3A_1973 = arith.constant 0 : i32
      %parallel_loop3A_1974 = arith.constant 0 : i32
      %parallel_loop3A_1975 = tpu.memref_slice %arg10[%parallel_loop3A_1838, %parallel_loop3A_1973, %parallel_loop3A_1974] : memref<2x640x64xf32, #tpu.memory_space<vmem>> -> memref<1x640x64xf32, #tpu.memory_space<vmem>>
      %parallel_loop3A_1976 = tpu.memref_squeeze %parallel_loop3A_1975 : memref<1x640x64xf32, #tpu.memory_space<vmem>> -> memref<640x64xf32, #tpu.memory_space<vmem>>
      %parallel_loop3A_1977 = arith.index_cast %parallel_loop3A_1946 : i32 to index
      %parallel_loop3A_1978 = arith.constant 48 : index
      %parallel_loop3A_1979 = tpu.vector_load %parallel_loop3A_1976[%parallel_loop3A_1977, %parallel_loop3A_1978] {strides = array<i32>} : memref<640x64xf32, #tpu.memory_space<vmem>>, vector<16xf32>,
      %parallel_loop3A_1980 = arith.mulf %parallel_loop3A_1899, %parallel_loop3A_1979 : vector<16xf32>
      %parallel_loop3A_1981 = arith.addf %parallel_loop3A_1972, %parallel_loop3A_1980 : vector<16xf32>
      %parallel_loop3A_1982 = vector.broadcast %parallel_loop3A_1946 : i32 to vector<16xi32>
      %parallel_loop3A_1983 = arith.constant 0 : i32
      %parallel_loop3A_1984 = tpu.memref_slice %arg11[%parallel_loop3A_1839, %parallel_loop3A_1983] : memref<2x640xf32, #tpu.memory_space<vmem>> -> memref<1x640xf32, #tpu.memory_space<vmem>>
      %parallel_loop3A_1985 = tpu.memref_squeeze %parallel_loop3A_1984 : memref<1x640xf32, #tpu.memory_space<vmem>> -> memref<640xf32, #tpu.memory_space<vmem>>
      tpu.vector_store_idx %parallel_loop3A_1985[%parallel_loop3A_1982], %parallel_loop3A_1981 {add = true} : memref<640xf32, #tpu.memory_space<vmem>>[vector<16xi32>], vector<16xf32>,
      %parallel_loop3A_1986 = arith.constant 5 : i32
      %parallel_loop3A_1987 = arith.muli %parallel_loop3A_1871, %parallel_loop3A_1986 : i32
      %parallel_loop3A_1988 = arith.constant 2 : i32
      %parallel_loop3A_1989 = arith.addi %parallel_loop3A_1987, %parallel_loop3A_1988 : i32
      %parallel_loop3A_1990 = arith.constant 0 : i32
      %parallel_loop3A_1991 = arith.constant 0 : i32
      %parallel_loop3A_1992 = tpu.memref_slice %arg10[%parallel_loop3A_1838, %parallel_loop3A_1990, %parallel_loop3A_1991] : memref<2x640x64xf32, #tpu.memory_space<vmem>> -> memref<1x640x64xf32, #tpu.memory_space<vmem>>
      %parallel_loop3A_1993 = tpu.memref_squeeze %parallel_loop3A_1992 : memref<1x640x64xf32, #tpu.memory_space<vmem>> -> memref<640x64xf32, #tpu.memory_space<vmem>>
      %parallel_loop3A_1994 = arith.index_cast %parallel_loop3A_1989 : i32 to index
      %parallel_loop3A_1995 = arith.constant 0 : index
      %parallel_loop3A_1996 = tpu.vector_load %parallel_loop3A_1993[%parallel_loop3A_1994, %parallel_loop3A_1995] {strides = array<i32>} : memref<640x64xf32, #tpu.memory_space<vmem>>, vector<16xf32>,
      %parallel_loop3A_1997 = arith.mulf %parallel_loop3A_1878, %parallel_loop3A_1996 : vector<16xf32>
      %parallel_loop3A_1998 = arith.constant 0 : i32
      %parallel_loop3A_1999 = arith.constant 0 : i32
      %parallel_loop3A_2000 = tpu.memref_slice %arg10[%parallel_loop3A_1838, %parallel_loop3A_1998, %parallel_loop3A_1999] : memref<2x640x64xf32, #tpu.memory_space<vmem>> -> memref<1x640x64xf32, #tpu.memory_space<vmem>>
      %parallel_loop3A_2001 = tpu.memref_squeeze %parallel_loop3A_2000 : memref<1x640x64xf32, #tpu.memory_space<vmem>> -> memref<640x64xf32, #tpu.memory_space<vmem>>
      %parallel_loop3A_2002 = arith.index_cast %parallel_loop3A_1989 : i32 to index
      %parallel_loop3A_2003 = arith.constant 16 : index
      %parallel_loop3A_2004 = tpu.vector_load %parallel_loop3A_2001[%parallel_loop3A_2002, %parallel_loop3A_2003] {strides = array<i32>} : memref<640x64xf32, #tpu.memory_space<vmem>>, vector<16xf32>,
      %parallel_loop3A_2005 = arith.mulf %parallel_loop3A_1885, %parallel_loop3A_2004 : vector<16xf32>
      %parallel_loop3A_2006 = arith.addf %parallel_loop3A_1997, %parallel_loop3A_2005 : vector<16xf32>
      %parallel_loop3A_2007 = arith.constant 0 : i32
      %parallel_loop3A_2008 = arith.constant 0 : i32
      %parallel_loop3A_2009 = tpu.memref_slice %arg10[%parallel_loop3A_1838, %parallel_loop3A_2007, %parallel_loop3A_2008] : memref<2x640x64xf32, #tpu.memory_space<vmem>> -> memref<1x640x64xf32, #tpu.memory_space<vmem>>
      %parallel_loop3A_2010 = tpu.memref_squeeze %parallel_loop3A_2009 : memref<1x640x64xf32, #tpu.memory_space<vmem>> -> memref<640x64xf32, #tpu.memory_space<vmem>>
      %parallel_loop3A_2011 = arith.index_cast %parallel_loop3A_1989 : i32 to index
      %parallel_loop3A_2012 = arith.constant 32 : index
      %parallel_loop3A_2013 = tpu.vector_load %parallel_loop3A_2010[%parallel_loop3A_2011, %parallel_loop3A_2012] {strides = array<i32>} : memref<640x64xf32, #tpu.memory_space<vmem>>, vector<16xf32>,
      %parallel_loop3A_2014 = arith.mulf %parallel_loop3A_1892, %parallel_loop3A_2013 : vector<16xf32>
      %parallel_loop3A_2015 = arith.addf %parallel_loop3A_2006, %parallel_loop3A_2014 : vector<16xf32>
      %parallel_loop3A_2016 = arith.constant 0 : i32
      %parallel_loop3A_2017 = arith.constant 0 : i32
      %parallel_loop3A_2018 = tpu.memref_slice %arg10[%parallel_loop3A_1838, %parallel_loop3A_2016, %parallel_loop3A_2017] : memref<2x640x64xf32, #tpu.memory_space<vmem>> -> memref<1x640x64xf32, #tpu.memory_space<vmem>>
      %parallel_loop3A_2019 = tpu.memref_squeeze %parallel_loop3A_2018 : memref<1x640x64xf32, #tpu.memory_space<vmem>> -> memref<640x64xf32, #tpu.memory_space<vmem>>
      %parallel_loop3A_2020 = arith.index_cast %parallel_loop3A_1989 : i32 to index
      %parallel_loop3A_2021 = arith.constant 48 : index
      %parallel_loop3A_2022 = tpu.vector_load %parallel_loop3A_2019[%parallel_loop3A_2020, %parallel_loop3A_2021] {strides = array<i32>} : memref<640x64xf32, #tpu.memory_space<vmem>>, vector<16xf32>,
      %parallel_loop3A_2023 = arith.mulf %parallel_loop3A_1899, %parallel_loop3A_2022 : vector<16xf32>
      %parallel_loop3A_2024 = arith.addf %parallel_loop3A_2015, %parallel_loop3A_2023 : vector<16xf32>
      %parallel_loop3A_2025 = vector.broadcast %parallel_loop3A_1989 : i32 to vector<16xi32>
      %parallel_loop3A_2026 = arith.constant 0 : i32
      %parallel_loop3A_2027 = tpu.memref_slice %arg11[%parallel_loop3A_1839, %parallel_loop3A_2026] : memref<2x640xf32, #tpu.memory_space<vmem>> -> memref<1x640xf32, #tpu.memory_space<vmem>>
      %parallel_loop3A_2028 = tpu.memref_squeeze %parallel_loop3A_2027 : memref<1x640xf32, #tpu.memory_space<vmem>> -> memref<640xf32, #tpu.memory_space<vmem>>
      tpu.vector_store_idx %parallel_loop3A_2028[%parallel_loop3A_2025], %parallel_loop3A_2024 {add = true} : memref<640xf32, #tpu.memory_space<vmem>>[vector<16xi32>], vector<16xf32>,
      %parallel_loop3A_2029 = arith.constant 5 : i32
      %parallel_loop3A_2030 = arith.muli %parallel_loop3A_1871, %parallel_loop3A_2029 : i32
      %parallel_loop3A_2031 = arith.constant 3 : i32
      %parallel_loop3A_2032 = arith.addi %parallel_loop3A_2030, %parallel_loop3A_2031 : i32
      %parallel_loop3A_2033 = arith.constant 0 : i32
      %parallel_loop3A_2034 = arith.constant 0 : i32
      %parallel_loop3A_2035 = tpu.memref_slice %arg10[%parallel_loop3A_1838, %parallel_loop3A_2033, %parallel_loop3A_2034] : memref<2x640x64xf32, #tpu.memory_space<vmem>> -> memref<1x640x64xf32, #tpu.memory_space<vmem>>
      %parallel_loop3A_2036 = tpu.memref_squeeze %parallel_loop3A_2035 : memref<1x640x64xf32, #tpu.memory_space<vmem>> -> memref<640x64xf32, #tpu.memory_space<vmem>>
      %parallel_loop3A_2037 = arith.index_cast %parallel_loop3A_2032 : i32 to index
      %parallel_loop3A_2038 = arith.constant 0 : index
      %parallel_loop3A_2039 = tpu.vector_load %parallel_loop3A_2036[%parallel_loop3A_2037, %parallel_loop3A_2038] {strides = array<i32>} : memref<640x64xf32, #tpu.memory_space<vmem>>, vector<16xf32>,
      %parallel_loop3A_2040 = arith.mulf %parallel_loop3A_1878, %parallel_loop3A_2039 : vector<16xf32>
      %parallel_loop3A_2041 = arith.constant 0 : i32
      %parallel_loop3A_2042 = arith.constant 0 : i32
      %parallel_loop3A_2043 = tpu.memref_slice %arg10[%parallel_loop3A_1838, %parallel_loop3A_2041, %parallel_loop3A_2042] : memref<2x640x64xf32, #tpu.memory_space<vmem>> -> memref<1x640x64xf32, #tpu.memory_space<vmem>>
      %parallel_loop3A_2044 = tpu.memref_squeeze %parallel_loop3A_2043 : memref<1x640x64xf32, #tpu.memory_space<vmem>> -> memref<640x64xf32, #tpu.memory_space<vmem>>
      %parallel_loop3A_2045 = arith.index_cast %parallel_loop3A_2032 : i32 to index
      %parallel_loop3A_2046 = arith.constant 16 : index
      %parallel_loop3A_2047 = tpu.vector_load %parallel_loop3A_2044[%parallel_loop3A_2045, %parallel_loop3A_2046] {strides = array<i32>} : memref<640x64xf32, #tpu.memory_space<vmem>>, vector<16xf32>,
      %parallel_loop3A_2048 = arith.mulf %parallel_loop3A_1885, %parallel_loop3A_2047 : vector<16xf32>
      %parallel_loop3A_2049 = arith.addf %parallel_loop3A_2040, %parallel_loop3A_2048 : vector<16xf32>
      %parallel_loop3A_2050 = arith.constant 0 : i32
      %parallel_loop3A_2051 = arith.constant 0 : i32
      %parallel_loop3A_2052 = tpu.memref_slice %arg10[%parallel_loop3A_1838, %parallel_loop3A_2050, %parallel_loop3A_2051] : memref<2x640x64xf32, #tpu.memory_space<vmem>> -> memref<1x640x64xf32, #tpu.memory_space<vmem>>
      %parallel_loop3A_2053 = tpu.memref_squeeze %parallel_loop3A_2052 : memref<1x640x64xf32, #tpu.memory_space<vmem>> -> memref<640x64xf32, #tpu.memory_space<vmem>>
      %parallel_loop3A_2054 = arith.index_cast %parallel_loop3A_2032 : i32 to index
      %parallel_loop3A_2055 = arith.constant 32 : index
      %parallel_loop3A_2056 = tpu.vector_load %parallel_loop3A_2053[%parallel_loop3A_2054, %parallel_loop3A_2055] {strides = array<i32>} : memref<640x64xf32, #tpu.memory_space<vmem>>, vector<16xf32>,
      %parallel_loop3A_2057 = arith.mulf %parallel_loop3A_1892, %parallel_loop3A_2056 : vector<16xf32>
      %parallel_loop3A_2058 = arith.addf %parallel_loop3A_2049, %parallel_loop3A_2057 : vector<16xf32>
      %parallel_loop3A_2059 = arith.constant 0 : i32
      %parallel_loop3A_2060 = arith.constant 0 : i32
      %parallel_loop3A_2061 = tpu.memref_slice %arg10[%parallel_loop3A_1838, %parallel_loop3A_2059, %parallel_loop3A_2060] : memref<2x640x64xf32, #tpu.memory_space<vmem>> -> memref<1x640x64xf32, #tpu.memory_space<vmem>>
      %parallel_loop3A_2062 = tpu.memref_squeeze %parallel_loop3A_2061 : memref<1x640x64xf32, #tpu.memory_space<vmem>> -> memref<640x64xf32, #tpu.memory_space<vmem>>
      %parallel_loop3A_2063 = arith.index_cast %parallel_loop3A_2032 : i32 to index
      %parallel_loop3A_2064 = arith.constant 48 : index
      %parallel_loop3A_2065 = tpu.vector_load %parallel_loop3A_2062[%parallel_loop3A_2063, %parallel_loop3A_2064] {strides = array<i32>} : memref<640x64xf32, #tpu.memory_space<vmem>>, vector<16xf32>,
      %parallel_loop3A_2066 = arith.mulf %parallel_loop3A_1899, %parallel_loop3A_2065 : vector<16xf32>
      %parallel_loop3A_2067 = arith.addf %parallel_loop3A_2058, %parallel_loop3A_2066 : vector<16xf32>
      %parallel_loop3A_2068 = vector.broadcast %parallel_loop3A_2032 : i32 to vector<16xi32>
      %parallel_loop3A_2069 = arith.constant 0 : i32
      %parallel_loop3A_2070 = tpu.memref_slice %arg11[%parallel_loop3A_1839, %parallel_loop3A_2069] : memref<2x640xf32, #tpu.memory_space<vmem>> -> memref<1x640xf32, #tpu.memory_space<vmem>>
      %parallel_loop3A_2071 = tpu.memref_squeeze %parallel_loop3A_2070 : memref<1x640xf32, #tpu.memory_space<vmem>> -> memref<640xf32, #tpu.memory_space<vmem>>
      tpu.vector_store_idx %parallel_loop3A_2071[%parallel_loop3A_2068], %parallel_loop3A_2067 {add = true} : memref<640xf32, #tpu.memory_space<vmem>>[vector<16xi32>], vector<16xf32>,
      %parallel_loop3A_2072 = arith.constant 5 : i32
      %parallel_loop3A_2073 = arith.muli %parallel_loop3A_1871, %parallel_loop3A_2072 : i32
      %parallel_loop3A_2074 = arith.constant 4 : i32
      %parallel_loop3A_2075 = arith.addi %parallel_loop3A_2073, %parallel_loop3A_2074 : i32
      %parallel_loop3A_2076 = arith.constant 0 : i32
      %parallel_loop3A_2077 = arith.constant 0 : i32
      %parallel_loop3A_2078 = tpu.memref_slice %arg10[%parallel_loop3A_1838, %parallel_loop3A_2076, %parallel_loop3A_2077] : memref<2x640x64xf32, #tpu.memory_space<vmem>> -> memref<1x640x64xf32, #tpu.memory_space<vmem>>
      %parallel_loop3A_2079 = tpu.memref_squeeze %parallel_loop3A_2078 : memref<1x640x64xf32, #tpu.memory_space<vmem>> -> memref<640x64xf32, #tpu.memory_space<vmem>>
      %parallel_loop3A_2080 = arith.index_cast %parallel_loop3A_2075 : i32 to index
      %parallel_loop3A_2081 = arith.constant 0 : index
      %parallel_loop3A_2082 = tpu.vector_load %parallel_loop3A_2079[%parallel_loop3A_2080, %parallel_loop3A_2081] {strides = array<i32>} : memref<640x64xf32, #tpu.memory_space<vmem>>, vector<16xf32>,
      %parallel_loop3A_2083 = arith.mulf %parallel_loop3A_1878, %parallel_loop3A_2082 : vector<16xf32>
      %parallel_loop3A_2084 = arith.constant 0 : i32
      %parallel_loop3A_2085 = arith.constant 0 : i32
      %parallel_loop3A_2086 = tpu.memref_slice %arg10[%parallel_loop3A_1838, %parallel_loop3A_2084, %parallel_loop3A_2085] : memref<2x640x64xf32, #tpu.memory_space<vmem>> -> memref<1x640x64xf32, #tpu.memory_space<vmem>>
      %parallel_loop3A_2087 = tpu.memref_squeeze %parallel_loop3A_2086 : memref<1x640x64xf32, #tpu.memory_space<vmem>> -> memref<640x64xf32, #tpu.memory_space<vmem>>
      %parallel_loop3A_2088 = arith.index_cast %parallel_loop3A_2075 : i32 to index
      %parallel_loop3A_2089 = arith.constant 16 : index
      %parallel_loop3A_2090 = tpu.vector_load %parallel_loop3A_2087[%parallel_loop3A_2088, %parallel_loop3A_2089] {strides = array<i32>} : memref<640x64xf32, #tpu.memory_space<vmem>>, vector<16xf32>,
      %parallel_loop3A_2091 = arith.mulf %parallel_loop3A_1885, %parallel_loop3A_2090 : vector<16xf32>
      %parallel_loop3A_2092 = arith.addf %parallel_loop3A_2083, %parallel_loop3A_2091 : vector<16xf32>
      %parallel_loop3A_2093 = arith.constant 0 : i32
      %parallel_loop3A_2094 = arith.constant 0 : i32
      %parallel_loop3A_2095 = tpu.memref_slice %arg10[%parallel_loop3A_1838, %parallel_loop3A_2093, %parallel_loop3A_2094] : memref<2x640x64xf32, #tpu.memory_space<vmem>> -> memref<1x640x64xf32, #tpu.memory_space<vmem>>
      %parallel_loop3A_2096 = tpu.memref_squeeze %parallel_loop3A_2095 : memref<1x640x64xf32, #tpu.memory_space<vmem>> -> memref<640x64xf32, #tpu.memory_space<vmem>>
      %parallel_loop3A_2097 = arith.index_cast %parallel_loop3A_2075 : i32 to index
      %parallel_loop3A_2098 = arith.constant 32 : index
      %parallel_loop3A_2099 = tpu.vector_load %parallel_loop3A_2096[%parallel_loop3A_2097, %parallel_loop3A_2098] {strides = array<i32>} : memref<640x64xf32, #tpu.memory_space<vmem>>, vector<16xf32>,
      %parallel_loop3A_2100 = arith.mulf %parallel_loop3A_1892, %parallel_loop3A_2099 : vector<16xf32>
      %parallel_loop3A_2101 = arith.addf %parallel_loop3A_2092, %parallel_loop3A_2100 : vector<16xf32>
      %parallel_loop3A_2102 = arith.constant 0 : i32
      %parallel_loop3A_2103 = arith.constant 0 : i32
      %parallel_loop3A_2104 = tpu.memref_slice %arg10[%parallel_loop3A_1838, %parallel_loop3A_2102, %parallel_loop3A_2103] : memref<2x640x64xf32, #tpu.memory_space<vmem>> -> memref<1x640x64xf32, #tpu.memory_space<vmem>>
      %parallel_loop3A_2105 = tpu.memref_squeeze %parallel_loop3A_2104 : memref<1x640x64xf32, #tpu.memory_space<vmem>> -> memref<640x64xf32, #tpu.memory_space<vmem>>
      %parallel_loop3A_2106 = arith.index_cast %parallel_loop3A_2075 : i32 to index
      %parallel_loop3A_2107 = arith.constant 48 : index
      %parallel_loop3A_2108 = tpu.vector_load %parallel_loop3A_2105[%parallel_loop3A_2106, %parallel_loop3A_2107] {strides = array<i32>} : memref<640x64xf32, #tpu.memory_space<vmem>>, vector<16xf32>,
      %parallel_loop3A_2109 = arith.mulf %parallel_loop3A_1899, %parallel_loop3A_2108 : vector<16xf32>
      %parallel_loop3A_2110 = arith.addf %parallel_loop3A_2101, %parallel_loop3A_2109 : vector<16xf32>
      %parallel_loop3A_2111 = vector.broadcast %parallel_loop3A_2075 : i32 to vector<16xi32>
      %parallel_loop3A_2112 = arith.constant 0 : i32
      %parallel_loop3A_2113 = tpu.memref_slice %arg11[%parallel_loop3A_1839, %parallel_loop3A_2112] : memref<2x640xf32, #tpu.memory_space<vmem>> -> memref<1x640xf32, #tpu.memory_space<vmem>>
      %parallel_loop3A_2114 = tpu.memref_squeeze %parallel_loop3A_2113 : memref<1x640xf32, #tpu.memory_space<vmem>> -> memref<640xf32, #tpu.memory_space<vmem>>
      tpu.vector_store_idx %parallel_loop3A_2114[%parallel_loop3A_2111], %parallel_loop3A_2110 {add = true} : memref<640xf32, #tpu.memory_space<vmem>>[vector<16xi32>], vector<16xf32>,
    } {sc.loop_unroll_factor = 1 : i64, sc.parallel_access}
    %add3A_1840 = arith.constant 384 : i32
    %add3A_1841 = arith.addi %mul3A_2, %add3A_1840 : i32
    %mul3A_1842 = arith.constant 5 : i32
    %mul3A_1843 = arith.muli %add3A_1841, %mul3A_1842 : i32
    %dma_start3A_1844 = arith.constant 1 : i32
    %dma_start3A_1845 = arith.constant 0 : i32
    %dma_start3A_1846 = tpu.memref_slice %arg11[%dma_start3A_1844, %dma_start3A_1845] : memref<2x640xf32, #tpu.memory_space<vmem>> -> memref<1x640xf32, #tpu.memory_space<vmem>>
    %dma_start3A_1847 = tpu.memref_squeeze %dma_start3A_1846 : memref<1x640xf32, #tpu.memory_space<vmem>> -> memref<640xf32, #tpu.memory_space<vmem>>
    %dma_start3A_1848 = tpu.memref_slice %arg6[%mul3A_1843] : memref<81920xf32, #tpu.memory_space<hbm>> -> memref<640xf32, #tpu.memory_space<hbm>>
    %dma_start3A_1849 = tpu.memref_slice %arg6[%mul3A_1843] : memref<81920xf32, #tpu.memory_space<hbm>> -> memref<640xf32, #tpu.memory_space<hbm>>
    %dma_start3A_1850 = arith.constant 0 : i32
    %dma_start3A_1851 = tpu.memref_slice %arg11[%dma_start3A_1844, %dma_start3A_1850] : memref<2x640xf32, #tpu.memory_space<vmem>> -> memref<1x640xf32, #tpu.memory_space<vmem>>
    %dma_start3A_1852 = tpu.memref_squeeze %dma_start3A_1851 : memref<1x640xf32, #tpu.memory_space<vmem>> -> memref<640xf32, #tpu.memory_space<vmem>>
    tpu.enqueue_dma source(%dma_start3A_1852 : memref<640xf32, #tpu.memory_space<vmem>>) target(%dma_start3A_1849 : memref<640xf32, #tpu.memory_space<hbm>>) target_semaphore(%arg14 : memref<!tpu.dma_semaphore, #tpu.memory_space<semaphore_mem>>)
    %dma_wait3A_1853 = arith.constant 0 : i32
    %dma_wait3A_1854 = arith.constant 0 : i32
    %dma_wait3A_1855 = tpu.memref_slice %arg11[%dma_wait3A_1853, %dma_wait3A_1854] : memref<2x640xf32, #tpu.memory_space<vmem>> -> memref<1x640xf32, #tpu.memory_space<vmem>>
    %dma_wait3A_1856 = tpu.memref_squeeze %dma_wait3A_1855 : memref<1x640xf32, #tpu.memory_space<vmem>> -> memref<640xf32, #tpu.memory_space<vmem>>
    %dma_wait3A_1857 = tpu.memref_slice %arg6[%mul3A_1478] : memref<81920xf32, #tpu.memory_space<hbm>> -> memref<640xf32, #tpu.memory_space<hbm>>
    %dma_wait3A_1858 = tpu.memref_slice %arg6[%mul3A_1478] : memref<81920xf32, #tpu.memory_space<hbm>> -> memref<640xf32, #tpu.memory_space<hbm>>
    %dma_wait3A_1859 = arith.constant 0 : i32
    %dma_wait3A_1860 = tpu.memref_slice %arg11[%dma_wait3A_1853, %dma_wait3A_1859] : memref<2x640xf32, #tpu.memory_space<vmem>> -> memref<1x640xf32, #tpu.memory_space<vmem>>
    %dma_wait3A_1861 = tpu.memref_squeeze %dma_wait3A_1860 : memref<1x640xf32, #tpu.memory_space<vmem>> -> memref<640xf32, #tpu.memory_space<vmem>>
    tpu.wait_dma2 semaphore(%arg14 : memref<!tpu.dma_semaphore, #tpu.memory_space<semaphore_mem>>) src(%dma_wait3A_1861 : memref<640xf32, #tpu.memory_space<vmem>>) dst(%dma_wait3A_1858 : memref<640xf32, #tpu.memory_space<hbm>>)
    %dma_wait3A_1862 = arith.constant 1 : i32
    %dma_wait3A_1863 = arith.constant 0 : i32
    %dma_wait3A_1864 = tpu.memref_slice %arg11[%dma_wait3A_1862, %dma_wait3A_1863] : memref<2x640xf32, #tpu.memory_space<vmem>> -> memref<1x640xf32, #tpu.memory_space<vmem>>
    %dma_wait3A_1865 = tpu.memref_squeeze %dma_wait3A_1864 : memref<1x640xf32, #tpu.memory_space<vmem>> -> memref<640xf32, #tpu.memory_space<vmem>>
    %dma_wait3A_1866 = tpu.memref_slice %arg6[%mul3A_1843] : memref<81920xf32, #tpu.memory_space<hbm>> -> memref<640xf32, #tpu.memory_space<hbm>>
    %dma_wait3A_1867 = tpu.memref_slice %arg6[%mul3A_1843] : memref<81920xf32, #tpu.memory_space<hbm>> -> memref<640xf32, #tpu.memory_space<hbm>>
    %dma_wait3A_1868 = arith.constant 0 : i32
    %dma_wait3A_1869 = tpu.memref_slice %arg11[%dma_wait3A_1862, %dma_wait3A_1868] : memref<2x640xf32, #tpu.memory_space<vmem>> -> memref<1x640xf32, #tpu.memory_space<vmem>>
    %dma_wait3A_1870 = tpu.memref_squeeze %dma_wait3A_1869 : memref<1x640xf32, #tpu.memory_space<vmem>> -> memref<640xf32, #tpu.memory_space<vmem>>
    tpu.wait_dma2 semaphore(%arg14 : memref<!tpu.dma_semaphore, #tpu.memory_space<semaphore_mem>>) src(%dma_wait3A_1870 : memref<640xf32, #tpu.memory_space<vmem>>) dst(%dma_wait3A_1867 : memref<640xf32, #tpu.memory_space<hbm>>)
    return
  }
}

module attributes {stable_mosaic.version = 14 : i64} {
  func.func @_transpose_body(%arg0: i32, %arg1: memref<64x8192xf32, #tpu.memory_space<vmem>>, %arg2: memref<8192x64xf32, #tpu.memory_space<vmem>>) attributes {dimension_semantics = [#tpu.dimension_semantics<arbitrary>], iteration_bounds = array<i64: 123>, scalar_prefetch = 0 : i64, scratch_operands = 0 : i64, tpu.core_type = #tpu.core_type<tc>, window_params = [{transform_indices = @transform_0, window_bounds = array<i64: 64, 8192>}, {transform_indices = @transform_1, window_bounds = array<i64: 8192, 64>}]} {
    %get3A = arith.constant 0 : index
    %get3A_0 = arith.constant 0 : index
    %get3A_1 = vector.load %arg1[%get3A, %get3A_0] : memref<64x8192xf32, #tpu.memory_space<vmem>>, vector<64x8192xf32>
    %transpose3A = tpu.transpose %get3A_1, [1, 0] : vector<64x8192xf32> -> vector<8192x64xf32>
    %swap3A = arith.constant 0 : index
    %swap3A_2 = arith.constant 0 : index
    %swap3A_3 = vector.load %arg2[%swap3A, %swap3A_2] : memref<8192x64xf32, #tpu.memory_space<vmem>>, vector<8192x64xf32>
    tpu.vector_store %arg2[%swap3A, %swap3A_2], %transpose3A {strides = array<i32>} : memref<8192x64xf32, #tpu.memory_space<vmem>>, vector<8192x64xf32>,
    return
  }
  func.func @transform_0(%arg0: i32) -> (i32, i32) {
    %c0_i32 = arith.constant 0 : i32
    %c0_i32_0 = arith.constant 0 : i32
    return %c0_i32, %arg0 : i32, i32
  }
  func.func @transform_1(%arg0: i32) -> (i32, i32) {
    %c0_i32 = arith.constant 0 : i32
    %c0_i32_0 = arith.constant 0 : i32
    return %arg0, %c0_i32 : i32, i32
  }
}

</mosaic_0001>

<sc_bundles>
// kernel: kernel.5.cloned.1.call-start
scs
__scs_entry_jumppad:
0x0: {  	(pc) =	sbr.rel $0x88, $3  }
0x1: {  	(tag) =	ssettag $0x0;
	lr =	simm.s32 $0x1  }
0x2: {  	[smem:$0x3F9D] =	sst lr;
	_ =	strace $0xD0000000  }
0x3: {  	_ = 	snop  }
0x4: {  	_ = 	snop  }
0x5: {  	_ = 	snop  }
0x6: {  	_ = 	snop  }
0x7: {  	_ = 	snop  }
__scs_overlays_trampoline_lowered:
0x8: {  	[smem:$0x3FAC] =	sst s0  }
0x9: {  	[smem:$0x3FAD] =	sst s1  }
0xa: {  	[smem:$0x3FAE] =	sst s2  }
0xb: {  	[smem:$0x3FAF] =	sst s3  }
0xc: {  	[smem:$0x3FB0] =	sst s4  }
0xd: {  	[smem:$0x3FB1] =	sst s5  }
0xe: {  	[smem:$0x3FB2] =	sst s6  }
0xf: {  	[smem:$0x3FB3] =	sst s7  }
0x10: {  	[smem:$0x3FB4] =	sst s8  }
0x11: {  	[smem:$0x3FB5] =	sst s9;
	s0 =	simm.s32 @!p0 $0x0  }
0x12: {  	s1 =	sld [smem:$0x3F9B];
	s0 =	simm.s32 @p0 $0x1  }
0x13: {  	[smem:$0x3FB6] =	sst s0;
	s0 =	simm.s32 @!p1 $0x0  }
0x14: {  	s2 =	sld [smem:$0x3F9A];
	s0 =	simm.s32 @p1 $0x1  }
0x15: {  	[smem:$0x3FB7] =	sst s0;
	s0 =	simm.s32 @!p2 $0x0  }
0x16: {  	s3 =	sld [smem:$0x3FDB];
	s0 =	simm.s32 @p2 $0x1  }
0x17: {  	s4 =	simm.s32 $0x1BF5;
	[smem:$0x3FB9] =	sst s0  }
0x18: {  	s0 =	sld [smem:$0x3F9C];
	_ =	swait.ge [sflag:s4], $0x0  }
0x19: {  	s7 =	sld [smem:$0x3F9D]  }
0x1a: {  	s8 =	sadd.s32 $0xFFFFE003, lr  }
0x1b: {  	s9 =	sadd.s32 $0xFFFFFEF7, lr;
	s5 =	simm.s32 $0xFFFFFFFF;
	p2 =	slt.u32 s8, $0xFFFFF086  }
0x1c: {  	p1 =	slt.u32 s9, $0xF7A;
	s5 =	simm.s32 @!p2 $0x0  }
0x1d: {  	s5 =	simm.s32 @p1 $0x1;
	p0 =	seq.s32 s7, s2  }
0x1e: {  	s7 =	smul.u32 @!p0 $0xF7A, s2;
	p2 =	seq.s32 @!p0 s5, $0x0  }
0x1f: {  	s9 =	smul.u32 $0xF7A, s1;
	s8 =	simm.s32 @!p0 $0x1BF5;
	p2 =	por !p2, p0  }
0x20: {  	[sflag:s8] =	ssyncset.s32 @!p0 $0xFFFFF086;
	s6 =	sadd.s32 @!p0 s3, s7;
	s7 =	simm.s32 @!p0 $0x108  }
0x21: {  	s3 =	sadd.s32 s3, s9;
	s6 =	sadd.s32 @!p0 $0x88, s6;
	s7 =	simm.s32 @p2 $0x1082  }
0x22: {  	[simem:s7], [sflag:s8] =	dma.local @!p0 [hbm:s6], $0xF7A  }
0x23: {  	s9 =	sor.u32 $0xD0000000, s2;
	s6 =	simm.s32 $0x108;
	_ =	swait.ge @!p0 [sflag:s8], $0x0  }
0x24: {  	s3 =	sadd.s32 $0x88, s3;
	s6 =	simm.s32 @!p1 $0x1082;
	[sflag:s4] =	ssyncset.s32 $0xFFFFF086  }
0x25: {  	[simem:s6], [sflag:s4] =	dma.local [hbm:s3], $0xF7A  }
0x26: {  	[smem:$0x3F9D] =	sst s1;
	(tag) =	ssettag s2;
	_ =	strace s9  }
0x27: {  	s1 =	sld [smem:$0x3FAD]  }
0x28: {  	s2 =	sld [smem:$0x3FAE]  }
0x29: {  	s4 =	sld [smem:$0x3FB0]  }
0x2a: {  	p0 =	seq.s32 s5, $0x0;
	s5 =	sld [smem:$0x3FB1]  }
0x2b: {  	s6 =	sld [smem:$0x3FB2]  }
0x2c: {  	s7 =	sld [smem:$0x3FB3]  }
0x2d: {  	s3 =	simm.s32 $0x108;
	s8 =	sld [smem:$0x3FB4]  }
0x2e: {  	s3 =	simm.s32 @!p0 $0x1082;
	s9 =	sld [smem:$0x3FB5]  }
0x2f: {  	lr =	sadd.s32 s0, s3;
	s0 =	sld [smem:$0x3FAC]  }
0x30: {  	s3 =	sld [smem:$0x3FAF]  }
0x31: {  	[smem:$0x3FB8] =	sst s10  }
0x32: {  	s10 =	sld [smem:$0x3FB6];
	_ =	sdelay $0x3  }
0x33: {  	p0 =	seq.s32 s10, $0x1;
	s10 =	sld [smem:$0x3FB8];
	_ =	sdelay $0x3  }
0x34: {  	[smem:$0x3FB8] =	sst s10  }
0x35: {  	s10 =	sld [smem:$0x3FB7];
	_ =	sdelay $0x3  }
0x36: {  	p1 =	seq.s32 s10, $0x1;
	s10 =	sld [smem:$0x3FB8];
	_ =	sdelay $0x3  }
0x37: {  	[smem:$0x3FB8] =	sst s10  }
0x38: {  	s10 =	sld [smem:$0x3FB9]  }
0x39: {  	_ = 	snop;
	(pc) =	sbr.ind lr, $3  }
0x3a: {  	_ = 	snop  }
0x3b: {  	_ = 	snop  }
0x3c: {  	p2 =	seq.s32 s10, $0x1;
	s10 =	sld [smem:$0x3FB8]  }
0x3d: {  	_ =	shalt  }
0x3e: {  	_ =	shalt  }
0x3f: {  	_ =	shalt  }
0x40: {  	_ =	shalt  }
0x41: {  	_ =	shalt  }
0x42: {  	_ =	shalt  }
0x43: {  	_ =	shalt  }
0x44: {  	_ =	shalt  }
0x45: {  	_ =	shalt  }
0x46: {  	_ =	shalt  }
0x47: {  	_ =	shalt  }
0x48: {  	_ =	shalt  }
0x49: {  	_ =	shalt  }
0x4a: {  	_ =	shalt  }
0x4b: {  	_ =	shalt  }
0x4c: {  	_ =	shalt  }
0x4d: {  	_ =	shalt  }
0x4e: {  	_ =	shalt  }
0x4f: {  	_ =	shalt  }
0x50: {  	_ =	shalt  }
0x51: {  	_ =	shalt  }
0x52: {  	_ =	shalt  }
0x53: {  	_ =	shalt  }
0x54: {  	_ =	shalt  }
0x55: {  	_ =	shalt  }
0x56: {  	_ =	shalt  }
0x57: {  	_ =	shalt  }
0x58: {  	_ =	shalt  }
0x59: {  	_ =	shalt  }
0x5a: {  	_ =	shalt  }
0x5b: {  	_ =	shalt  }
0x5c: {  	_ =	shalt  }
0x5d: {  	_ =	shalt  }
0x5e: {  	_ =	shalt  }
0x5f: {  	_ =	shalt  }
0x60: {  	_ =	shalt  }
0x61: {  	_ =	shalt  }
0x62: {  	_ =	shalt  }
0x63: {  	_ =	shalt  }
0x64: {  	_ =	shalt  }
0x65: {  	_ =	shalt  }
0x66: {  	_ =	shalt  }
0x67: {  	_ =	shalt  }
0x68: {  	_ =	shalt  }
0x69: {  	_ =	shalt  }
0x6a: {  	_ =	shalt  }
0x6b: {  	_ =	shalt  }
0x6c: {  	_ =	shalt  }
0x6d: {  	_ =	shalt  }
0x6e: {  	_ =	shalt  }
0x6f: {  	_ =	shalt  }
0x70: {  	_ =	shalt  }
0x71: {  	_ =	shalt  }
0x72: {  	_ =	shalt  }
0x73: {  	_ =	shalt  }
0x74: {  	_ =	shalt  }
0x75: {  	_ =	shalt  }
0x76: {  	_ =	shalt  }
0x77: {  	_ =	shalt  }
0x78: {  	_ =	shalt  }
0x79: {  	_ =	shalt  }
0x7a: {  	_ =	shalt  }
0x7b: {  	_ =	shalt  }
0x7c: {  	_ =	shalt  }
0x7d: {  	_ =	shalt  }
0x7e: {  	_ =	shalt  }
0x7f: {  	_ =	shalt  }
0x80: {  	_ =	shalt  }
0x81: {  	_ =	shalt  }
0x82: {  	_ =	shalt  }
0x83: {  	_ =	shalt  }
0x84: {  	_ =	shalt  }
0x85: {  	_ =	shalt  }
0x86: {  	_ =	shalt  }
0x87: {  	_ =	shalt  }
.Lfunc_end0:
.L_simem_size_0:
called_computation_lowered:
.L_overlay_start_0:
0x88: {  	s2 =	sld [smem:$0x3FD9]  }
0x89: {  	s3 =	sld [smem:$0x3FFE];
	_ =	sdelay $0x1  }
0x8a: {  	s1 =	srdreg.scid  }
0x8b: {  	s0 =	sand.u32 $0x1, s1  }
0x8c: {  	s17 =	sshll.u32 s0, $0xA;
	s2 =	sadd.s32 s3, s2  }
0x8d: {  	s2 =	sadd.s32 s2, s17  }
0x8e: {  	[smem:$0x3FC4] =	sst s2  }
0x8f: {  	_ = 	snop  }
0x90: {  	s2 =	sld [smem:$0x3FC9]  }
0x91: {  	s18 =	sld [smem:$0x3FD0];
	(tm) =	ssettm $0x1  }
0x92: {  	s4 =	sld [smem:$0x3FFB];
	_ =	sdelay $0x3  }
0x93: {  	_ =	strace s4  }
0x94: {  	s4 =	sld [smem:$0x3FFC];
	_ =	sdelay $0x3  }
0x95: {  	_ =	strace s4  }
0x96: {  	s4 =	sld [smem:$0x3FFD];
	_ =	sdelay $0x3  }
0x97: {  	_ =	strace s4  }
0x98: {  	_ =	strace $0x8FFFFFFF  }
0x99: {  	s19 =	sld [smem:$0x3FDB];
	_ =	sdelay $0x1  }
0x9a: {  	s5 =	simm.s32 $_scs_section_size  }
0x9b: {  	s6 =	simm.s32 $_size__tile_overlayer_lowered;
	s7 =	simm.s32 $_tile_overlayer_lowered  }
0x9c: {  	s22 =	simm.s32 $0x1BFF;
	s21 =	sshll.u32 s7, $0x1;
	s4 =	sadd.s32 s5, s19  }
0x9d: {  	s8 =	simm.s32 $0x0;
	s20 =	sshll.u32 s6, $0x1;
	s6 =	sadd.s32 s21, s4  }
0x9e: {  	[timem:s8], [sflag:s22] =	dma.local [hbm:s6], s20  }
0x9f: {  	_ =	swait.ge [sflag:s22], s20  }
0xa0: {  	s5 =	ssub.s32 $0x0, s20;
	[sflag:s22] =	ssyncset.done $0x0  }
0xa1: {  	[sflag:s22] =	ssyncadd.s32 s5;
	_ =	sdelay $0x1  }
0xa2: {  	s23 =	simm.s32 $0x1B8B  }
0xa3: {  	_ =	swait.ge [sflag:s23], $0x1  }
0xa4: {  	[sflag:s23] =	ssyncset.done $0x0  }
0xa5: {  	s25 =	simm.s32 $0x1B8E;
	s24 =	sld [smem:$0x3FFE];
	[sflag:s23] =	ssyncadd.s32 $0xFFFFFFFF  }
0xa6: {  	s26 =	simm.s32 $execute0_lowered;
	[smem:$0x3FD2] =	sst s25  }
0xa7: {  	s6 =	sshll.u32 s26, $0x1;
	_ =	strace $0x80000046;
	[dreg:$0x1] =	wrdreg $0xFFFFFFFF  }
0xa8: {  	s28 =	simm.s32 $_size_execute0_lowered;
	s4 =	sadd.s32 s4, s6;
	[dreg:$0x0] =	wrdreg $0x0  }
0xa9: {  	s6 =	sshll.u32 s28, $0x1;
	[dreg:$0x2] =	wrdreg s4  }
0xaa: {  	[dreg:$0x3] =	wrdreg s6  }
0xab: {  	[dreg:$0x4] =	wrdreg $0xC0  }
0xac: {  	_ =	task [dreg:s8], $0x5FFFF  }
0xad: {  	[dreg:$0x1] =	wrdreg $0xFFFFFFFF  }
0xae: {  	[dreg:$0x0] =	wrdreg $0x60  }
0xaf: {  	[dreg:$0x2] =	wrdreg s2  }
0xb0: {  	[dreg:$0x3] =	wrdreg s18  }
0xb1: {  	[dreg:$0x4] =	wrdreg s24  }
0xb2: {  	[dreg:$0x5] =	wrdreg $0x9  }
0xb3: {  	_ =	task.clear_ibuf [dreg:s8], $0x6FFFF;
	_ =	strace $0x90000046  }
0xb4: {  	s29 =	simm.s32 $0x9;
	_ =	strace $0x80000048  }
0xb5: {  	_ =	swait.ge [sflag:s29], $0x1  }
0xb6: {  	[sflag:s29] =	ssyncadd.s32 $0xFFFFFFFF  }
0xb7: {  	_ =	strace $0x90000048  }
0xb8: {  	_ =	sfence  }
0xb9: {  	s30 =	sld [smem:$0x0];
	_ =	sdelay $0x2  }
0xba: {  	s31 =	sshll.u32 s1, $0xD;
	s1 =	sshrl.u32 s1, $0x2  }
0xbb: {  	s3 =	sand.u32 $0x4000, s31;
	s1 =	sadd.s32 s1, s30  }
0xbc: {  	s0 =	sor.u32 s3, s0;
	s1 =	sshll.u32 s1, $0x11  }
0xbd: {  	s0 =	sor.u32 s1, s0  }
0xbe: {  	s0 =	sadd.s32 $0x8F2B, s0  }
0xbf: {  	[sflag:s0] =	ssyncadd.remote.s32 $0x1  }
0xc0: {  	_ =	sfence.sel $0xFFFF  }
0xc1: {  	[dreg:$0x0] =	wrdreg $0xFFFFFFFF;
	(pc) =	sbr.abs _section_cstart, $3  }
0xc2: {  	[dreg:$0x1] =	wrdreg $0xFFFFFFFF  }
0xc3: {  	_ =	task.clear_ibuf [dreg:s8], $0x2FFFF;
	_ =	strace $0x9FFFFFFF  }
0xc4: {  	(tm) =	ssettm $0x7FFFFFFF  }
0xc5: {  	_ =	shalt  }
tec
execute0_lowered:
.L_overlay_start_1:
0x0: {  	(tag) =	ssettag $0x1  }
0x1: {  	s0 =	rddreg [dreg:$0x0]  }
0x2: {  	s1 =	rddreg [dreg:$0x1]  }
0x3: {  	s5 =	rddreg [dreg:$0x2];
	s2 =	simm.s32 $0x0;
	s3 =	srdreg.scid  }
0x4: {  	s4 =	stileid.u32;
	s28 =	simm.s32 $0x1;
	s29 =	simm.s32 $0x18600  }
0x5: {  	s30 =	simm.s32 $0x2;
	s31 =	simm.s32 $0x18880;
	[smem:$0x7FF] =	sst s2  }
0x6: {  	s6 =	sand.u32 $0x1, s3;
	s3 =	sadd.s32 $0x16E3C00, s5;
	s8 =	sshll.u32 s4, $0x1  }
0x7: {  	s4 =	sadd.s32 $0xF42A00, s5;
	s5 =	sadd.s32 $0x600, s5;
	s7 =	ssub.s32 $0x2, s6  }
0x8: {  	_ =	strace $0x80000047;
	s6 =	sor.u32 s6, s8;
	s9 =	sshrl.u32 s7, $0x1  }
0x9: {  	s8 =	sshll.u32 s6, $0x9;
	s18 =	sshll.u32 s6, $0x6;
	s6 =	smul.u32 $0x140, s6  }
0xa: {  	s7 =	ssub.s32 s7, s9;
	s10 =	sor.u32 $0x80, s8;
	s9 =	sadd.s32 s0, s18  }
0xb: {  	s20 =	sor.u32 $0x100, s8;
	s19 =	sshrl.u32 s10, $0x3;
	s10 =	smul.u32 $0x5, s10  }
0xc: {  	s8 =	sor.u32 $0x180, s8;
	s18 =	simm.s32 $0x4;
	s21 =	smul.u32 $0x5, s20  }
0xd: {  	[dreg:$0x4] =	wrdreg s9;
	s11 =	sadd.s32 s1, s6;
	s22 =	smul.u32 $0x5, s8  }
0xe: {  	s6 =	sadd.s32 s5, s6;
	s8 =	sshrl.u32 s8, $0x3;
	s17 =	smax.u32 s7, $0x1  }
0xf: {  	s7 =	simm.s32 $0x580;
	[dreg:$0x5] =	wrdreg s11;
	s9 =	sadd.s32 s0, s19  }
0x10: {  	[dreg:$0x8] =	wrdreg s6;
	s13 =	sadd.s32 s0, s8;
	s19 =	simm.s32 $0x100  }
0x11: {  	s8 =	simm.s32 $0x3;
	[dreg:$0x6] =	wrdreg s9;
	s10 =	sshrl.u32 s10, $0x3  }
0x12: {  	s9 =	sshrl.u32 s20, $0x3;
	s24 =	sshrl.u32 s21, $0x3;
	s26 =	sshrl.u32 s22, $0x3  }
0x13: {  	s20 =	simm.s32 $0x80;
	s12 =	sadd.s32 s1, s10;
	s23 =	sadd.s32 s0, s9  }
0x14: {  	s25 =	sadd.s32 s1, s24;
	s14 =	sadd.s32 s1, s26;
	s15 =	sadd.s32 s5, s24  }
0x15: {  	s16 =	sadd.s32 s5, s26;
	s0 =	simm.s32 $0x380;
	[dreg:$0x7] =	wrdreg s12  }
0x16: {  	s26 =	simm.s32 $0x16600;
	s1 =	simm.s32 $0x0;
	[dreg:$0x9] =	wrdreg s23  }
0x17: {  	v0 =	vimm.f32 $0.0e+00;
	[dreg:$0xa] =	wrdreg s25;
	s12 =	sadd.s32 s5, s10;
	s25 =	simm.s32 $0x14600  }
.LBB2_1:
0x18: {  	s5 =	rddreg [dreg:$0x4]  }
0x19: {  	[tilespmem:s2], [sflag:$0x4] =	stream.linear.gather [hbm4b:s5+s2], $0x80, $0x38;
	[tilespmem:$0x18B00] =	vst v63  }
0x1a: {  	_ =	swait.ge [sflag:s18], $0x80  }
0x1b: {  	[sflag:s18] =	ssyncset.done $0x0  }
0x1c: {  	s6 =	rddreg [dreg:$0x5];
	[sflag:s18] =	ssyncadd.s32 $0xFFFFFF80  }
0x1d: {  	[tilespmem:s19], [sflag:$0x4] =	stream.linear.gather [hbm4b:s6+s2], $0x280, $0x38;
	[tilespmem:$0x18B00] =	vst v63  }
0x1e: {  	_ =	swait.ge [sflag:s18], $0x280  }
0x1f: {  	[sflag:s18] =	ssyncset.done $0x0  }
0x20: {  	s9 =	simm.s32 $0x600;
	[sflag:s18] =	ssyncadd.s32 $0xFFFFFD80  }
0x21: {  	[tilespmem:s9], [sflag:$0x1] =	stream.indirect.gather [hbm4b:s3+s20], $0x40, s2, s20, $0xb8;
	[tilespmem:$0x18B00] =	vst v63  }
0x22: {  	s10 =	simm.s32 $0x4600  }
0x23: {  	[tilespmem:s10], [sflag:$0x1] =	stream.indirect.gather [hbm4b:s4+s20], $0x40, s19, s20, $0xb8;
	[tilespmem:$0x18B00] =	vst v63  }
0x24: {  	s11 =	simm.s32 $0x180;
	s6 =	simm.s32 $0x6600  }
0x25: {  	[tilespmem:s6], [sflag:$0x1] =	stream.indirect.gather [hbm4b:s4+s20], $0x40, s11, s20, $0xb8;
	[tilespmem:$0x18B00] =	vst v63  }
0x26: {  	s21 =	simm.s32 $0x200;
	s22 =	simm.s32 $0x8600  }
0x27: {  	[tilespmem:s22], [sflag:$0x1] =	stream.indirect.gather [hbm4b:s4+s20], $0x40, s21, s20, $0xb8;
	[tilespmem:$0x18B00] =	vst v63  }
0x28: {  	s23 =	simm.s32 $0x280;
	s24 =	simm.s32 $0xA600  }
0x29: {  	[tilespmem:s24], [sflag:$0x1] =	stream.indirect.gather [hbm4b:s4+s20], $0x40, s23, s20, $0xb8;
	[tilespmem:$0x18B00] =	vst v63  }
0x2a: {  	s9 =	simm.s32 $0xC600;
	s6 =	simm.s32 $0x300  }
0x2b: {  	[tilespmem:s9], [sflag:$0x1] =	stream.indirect.gather [hbm4b:s4+s20], $0x40, s6, s20, $0xb8;
	[tilespmem:$0x18B00] =	vst v63  }
0x2c: {  	s10 =	rddreg [dreg:$0x6]  }
0x2d: {  	[tilespmem:s20], [sflag:$0x4] =	stream.linear.gather [hbm4b:s10+s2], $0x80, $0x38;
	[tilespmem:$0x18B00] =	vst v63  }
0x2e: {  	_ =	swait.ge [sflag:s18], $0x80  }
0x2f: {  	[sflag:s18] =	ssyncset.done $0x0  }
0x30: {  	s11 =	rddreg [dreg:$0x7];
	[sflag:s18] =	ssyncadd.s32 $0xFFFFFF80  }
0x31: {  	[tilespmem:s0], [sflag:$0x4] =	stream.linear.gather [hbm4b:s11+s2], $0x280, $0x38;
	[tilespmem:$0x18B00] =	vst v63  }
0x32: {  	_ =	swait.ge [sflag:s18], $0x280  }
0x33: {  	[sflag:s18] =	ssyncset.done $0x0  }
0x34: {  	s21 =	simm.s32 $0x2600;
	[sflag:s18] =	ssyncadd.s32 $0xFFFFFD80  }
0x35: {  	[tilespmem:s21], [sflag:$0x2] =	stream.indirect.gather [hbm4b:s3+s20], $0x40, s20, s20, $0xb8;
	[tilespmem:$0x18B00] =	vst v63  }
0x36: {  	s22 =	simm.s32 $0xE600  }
0x37: {  	[tilespmem:s22], [sflag:$0x2] =	stream.indirect.gather [hbm4b:s4+s20], $0x40, s0, s20, $0xb8;
	[tilespmem:$0x18B00] =	vst v63  }
0x38: {  	s23 =	simm.s32 $0x400;
	s24 =	simm.s32 $0x10600  }
0x39: {  	[tilespmem:s24], [sflag:$0x2] =	stream.indirect.gather [hbm4b:s4+s20], $0x40, s23, s20, $0xb8;
	[tilespmem:$0x18B00] =	vst v63  }
0x3a: {  	s9 =	simm.s32 $0x480;
	s10 =	simm.s32 $0x12600  }
0x3b: {  	[tilespmem:s10], [sflag:$0x2] =	stream.indirect.gather [hbm4b:s4+s20], $0x40, s9, s20, $0xb8;
	[tilespmem:$0x18B00] =	vst v63  }
0x3c: {  	s11 =	simm.s32 $0x500  }
0x3d: {  	[tilespmem:s25], [sflag:$0x2] =	stream.indirect.gather [hbm4b:s4+s20], $0x40, s11, s20, $0xb8;
	[tilespmem:$0x18B00] =	vst v63  }
0x3e: {  	_ = 	snop  }
0x3f: {  	[tilespmem:s26], [sflag:$0x2] =	stream.indirect.gather [hbm4b:s4+s20], $0x40, s7, s20, $0xb8;
	[tilespmem:$0x18B00] =	vst v63  }
0x40: {  	[tilespmem:$0x18600] =	vst v0  }
0x41: {  	[tilespmem:$0x18610] =	vst v0  }
0x42: {  	[tilespmem:$0x18620] =	vst v0  }
0x43: {  	[tilespmem:$0x18630] =	vst v0  }
0x44: {  	[tilespmem:$0x18640] =	vst v0  }
0x45: {  	[tilespmem:$0x18650] =	vst v0  }
0x46: {  	[tilespmem:$0x18660] =	vst v0  }
0x47: {  	[tilespmem:$0x18670] =	vst v0  }
0x48: {  	[tilespmem:$0x18680] =	vst v0  }
0x49: {  	[tilespmem:$0x18690] =	vst v0  }
0x4a: {  	[tilespmem:$0x186A0] =	vst v0  }
0x4b: {  	[tilespmem:$0x186B0] =	vst v0  }
0x4c: {  	[tilespmem:$0x186C0] =	vst v0  }
0x4d: {  	[tilespmem:$0x186D0] =	vst v0  }
0x4e: {  	[tilespmem:$0x186E0] =	vst v0  }
0x4f: {  	[tilespmem:$0x186F0] =	vst v0  }
0x50: {  	[tilespmem:$0x18700] =	vst v0  }
0x51: {  	[tilespmem:$0x18710] =	vst v0  }
0x52: {  	[tilespmem:$0x18720] =	vst v0  }
0x53: {  	[tilespmem:$0x18730] =	vst v0  }
0x54: {  	[tilespmem:$0x18740] =	vst v0  }
0x55: {  	[tilespmem:$0x18750] =	vst v0  }
0x56: {  	[tilespmem:$0x18760] =	vst v0  }
0x57: {  	[tilespmem:$0x18770] =	vst v0  }
0x58: {  	[tilespmem:$0x18780] =	vst v0  }
0x59: {  	[tilespmem:$0x18790] =	vst v0  }
0x5a: {  	[tilespmem:$0x187A0] =	vst v0  }
0x5b: {  	[tilespmem:$0x187B0] =	vst v0  }
0x5c: {  	[tilespmem:$0x187C0] =	vst v0  }
0x5d: {  	[tilespmem:$0x187D0] =	vst v0  }
0x5e: {  	[tilespmem:$0x187E0] =	vst v0  }
0x5f: {  	[tilespmem:$0x187F0] =	vst v0  }
0x60: {  	[tilespmem:$0x18800] =	vst v0  }
0x61: {  	[tilespmem:$0x18810] =	vst v0  }
0x62: {  	[tilespmem:$0x18820] =	vst v0  }
0x63: {  	[tilespmem:$0x18830] =	vst v0  }
0x64: {  	[tilespmem:$0x18840] =	vst v0  }
0x65: {  	[tilespmem:$0x18850] =	vst v0  }
0x66: {  	[tilespmem:$0x18860] =	vst v0  }
0x67: {  	[tilespmem:$0x18870] =	vst v0  }
0x68: {  	_ =	swait.ge [sflag:s28], $0x2000  }
0x69: {  	[sflag:s28] =	ssyncset.done $0x0  }
0x6a: {  	[sflag:s28] =	ssyncadd.s32 $0xFFFFE000  }
0x6b: {  	_ =	swait.ge [sflag:s28], $0x2000  }
0x6c: {  	[sflag:s28] =	ssyncset.done $0x0  }
0x6d: {  	[sflag:s28] =	ssyncadd.s32 $0xFFFFE000  }
0x6e: {  	_ =	swait.ge [sflag:s28], $0x2000  }
0x6f: {  	[sflag:s28] =	ssyncset.done $0x0  }
0x70: {  	[sflag:s28] =	ssyncadd.s32 $0xFFFFE000  }
0x71: {  	_ =	swait.ge [sflag:s28], $0x2000  }
0x72: {  	[sflag:s28] =	ssyncset.done $0x0  }
0x73: {  	[sflag:s28] =	ssyncadd.s32 $0xFFFFE000  }
0x74: {  	_ =	swait.ge [sflag:s28], $0x2000  }
0x75: {  	[sflag:s28] =	ssyncset.done $0x0  }
0x76: {  	[sflag:s28] =	ssyncadd.s32 $0xFFFFE000  }
0x77: {  	_ =	swait.ge [sflag:s28], $0x2000  }
0x78: {  	[sflag:s28] =	ssyncset.done $0x0  }
0x79: {  	s21 =	simm.s32 $0x620;
	[sflag:s28] =	ssyncadd.s32 $0xFFFFE000  }
0x7a: {  	v3 =	vld [tilespmem:s21+$0xFFFFFFE0]  }
0x7b: {  	s9 =	simm.s32 $0x46A0;
	v5 =	vld [tilespmem:s21+$0xFFFFFFF0]  }
0x7c: {  	v4 =	vld [tilespmem:s9+$0xFFFFFF60]  }
0x7d: {  	v6 =	vld [tilespmem:s9+$0xFFFFFF70]  }
0x7e: {  	v2 =	vld [tilespmem:s21+$0x0]  }
0x7f: {  	v7 =	vld [tilespmem:s9+$0xFFFFFF80]  }
0x80: {  	v1 =	vld [tilespmem:s21+$0x10]  }
0x81: {  	v8 =	vld [tilespmem:s9+$0xFFFFFF90]  }
0x82: {  	v4 =	vmul.f32 v4, v3;
	v6 =	vmul.f32 v6, v5;
	_ =	sdelay $0x1  }
0x83: {  	v4 =	vadd.f32 v6, v4;
	v6 =	vmul.f32 v7, v2  }
0x84: {  	v7 =	vmov s2  }
0x85: {  	v4 =	vadd.f32 v6, v4;
	v6 =	vmul.f32 v8, v1;
	_ =	sdelay $0x1  }
0x86: {  	v4 =	vadd.f32 v6, v4;
	_ =	sdelay $0x1  }
0x87: {  	[tilespmem:v7+s29+$0x0] =	vst.idx.add.f32.msk $0xffff, v4  }
0x88: {  	v6 =	vld [tilespmem:s9+$0xFFFFFFA0]  }
0x89: {  	v7 =	vld [tilespmem:s9+$0xFFFFFFB0];
	_ =	sdelay $0x1  }
0x8a: {  	v8 =	vld [tilespmem:s9+$0xFFFFFFC0];
	_ =	sdelay $0x1  }
0x8b: {  	s21 =	simm.s32 $0x47E0;
	v9 =	vld [tilespmem:s9+$0xFFFFFFD0]  }
0x8c: {  	v10 =	vld [tilespmem:s21+$0xFFFFFF90];
	v6 =	vmul.f32 v6, v3;
	v7 =	vmul.f32 v7, v5  }
0x8d: {  	v13 =	vld [tilespmem:s21+$0xFFFFFF60]  }
0x8e: {  	s22 =	simm.s32 $0x660;
	s10 =	simm.s32 $0x1;
	v14 =	vld [tilespmem:s21+$0xFFFFFF70];
	v11 =	vmul.f32 v8, v2;
	v7 =	vadd.f32 v7, v6  }
0x8f: {  	v12 =	vmov s10;
	v4 =	vld [tilespmem:s22+$0x10]  }
0x90: {  	v8 =	vld [tilespmem:s22+$0xFFFFFFE0];
	v9 =	vmul.f32 v9, v1;
	v11 =	vadd.f32 v11, v7  }
0x91: {  	v6 =	vld [tilespmem:s22+$0xFFFFFFF0]  }
0x92: {  	v7 =	vld [tilespmem:s22+$0x0];
	v9 =	vadd.f32 v9, v11  }
0x93: {  	v11 =	vld [tilespmem:s21+$0xFFFFFF80]  }
0x94: {  	[tilespmem:v12+s29+$0x0] =	vst.idx.add.f32.msk $0xffff, v9  }
0x95: {  	v9 =	vld [tilespmem:s9+$0xFFFFFFE0]  }
0x96: {  	v13 =	vmul.f32 v13, v8;
	v14 =	vmul.f32 v14, v6;
	v12 =	vld [tilespmem:s9+$0xFFFFFFF0];
	_ =	sdelay $0x1  }
0x97: {  	s5 =	simm.s32 $0x5;
	v15 =	vld [tilespmem:s9+$0x0];
	v13 =	vadd.f32 v14, v13;
	v11 =	vmul.f32 v11, v7  }
0x98: {  	v14 =	vmov s5  }
0x99: {  	v10 =	vmul.f32 v10, v4;
	v16 =	vld [tilespmem:s9+$0x10];
	v11 =	vadd.f32 v11, v13  }
0x9a: {  	s10 =	simm.s32 $0x4920;
	v13 =	vmul.f32 v9, v3;
	v12 =	vmul.f32 v12, v5  }
0x9b: {  	v22 =	vld [tilespmem:s10+$0xFFFFFF90];
	v10 =	vadd.f32 v10, v11  }
0x9c: {  	v19 =	vld [tilespmem:s10+$0xFFFFFF80];
	s22 =	simm.s32 $0x2;
	v11 =	vmul.f32 v15, v2;
	v12 =	vadd.f32 v12, v13  }
0x9d: {  	[tilespmem:v14+s29+$0x0] =	vst.idx.add.f32.msk $0xffff, v10;
	v10 =	vmov s22  }
0x9e: {  	v13 =	vmul.f32 v16, v1;
	v14 =	vld [tilespmem:s21+$0xFFFFFFD0];
	v11 =	vadd.f32 v11, v12  }
0x9f: {  	v12 =	vld [tilespmem:s21+$0xFFFFFFA0]  }
0xa0: {  	v11 =	vadd.f32 v13, v11;
	v13 =	vld [tilespmem:s21+$0xFFFFFFB0]  }
0xa1: {  	v15 =	vld [tilespmem:s21+$0xFFFFFFC0]  }
0xa2: {  	[tilespmem:v10+s29+$0x0] =	vst.idx.add.f32.msk $0xffff, v11  }
0xa3: {  	v16 =	vld [tilespmem:s9+$0x20]  }
0xa4: {  	v17 =	vld [tilespmem:s9+$0x30]  }
0xa5: {  	v21 =	vld [tilespmem:s10+$0xFFFFFF60];
	v11 =	vmul.f32 v12, v8;
	v12 =	vmul.f32 v13, v6  }
0xa6: {  	v13 =	vld [tilespmem:s9+$0x40]  }
0xa7: {  	s23 =	simm.s32 $0x6;
	v23 =	vld [tilespmem:s10+$0xFFFFFF70];
	v15 =	vmul.f32 v15, v7;
	v12 =	vadd.f32 v12, v11  }
0xa8: {  	v18 =	vmov s23;
	s11 =	simm.s32 $0x6A0;
	v14 =	vmul.f32 v14, v4;
	v20 =	vld [tilespmem:s9+$0x50]  }
0xa9: {  	v9 =	vld [tilespmem:s11+$0x10];
	v16 =	vmul.f32 v16, v3;
	v17 =	vmul.f32 v17, v5;
	v15 =	vadd.f32 v15, v12  }
0xaa: {  	v10 =	vld [tilespmem:s11+$0x0]  }
0xab: {  	s24 =	simm.s32 $0x3;
	v11 =	vld [tilespmem:s11+$0xFFFFFFE0];
	v13 =	vmul.f32 v13, v2;
	v14 =	vadd.f32 v14, v15;
	v15 =	vadd.f32 v17, v16  }
0xac: {  	v24 =	vmov s24;
	v12 =	vld [tilespmem:s11+$0xFFFFFFF0]  }
0xad: {  	[tilespmem:v18+s29+$0x0] =	vst.idx.add.f32.msk $0xffff, v14;
	v13 =	vadd.f32 v13, v15;
	v14 =	vmul.f32 v20, v1  }
0xae: {  	v16 =	vld [tilespmem:s21+$0x0]  }
0xaf: {  	v17 =	vld [tilespmem:s21+$0xFFFFFFE0];
	v13 =	vadd.f32 v14, v13  }
0xb0: {  	v18 =	vld [tilespmem:s21+$0xFFFFFFF0]  }
0xb1: {  	v15 =	vmul.f32 v23, v12;
	v14 =	vmul.f32 v21, v11;
	[tilespmem:v24+s29+$0x0] =	vst.idx.add.f32.msk $0xffff, v13  }
0xb2: {  	v13 =	vld [tilespmem:s9+$0x60]  }
0xb3: {  	s22 =	simm.s32 $0xA;
	v21 =	vmul.f32 v19, v10;
	v14 =	vadd.f32 v15, v14;
	v15 =	vld [tilespmem:s9+$0x70]  }
0xb4: {  	v20 =	vmov s22;
	v19 =	vld [tilespmem:s21+$0x10]  }
0xb5: {  	s24 =	simm.s32 $0xF;
	s23 =	simm.s32 $0x0;
	v22 =	vmul.f32 v22, v9;
	s11 =	simm.s32 $0x6E0;
	v21 =	vadd.f32 v21, v14;
	v14 =	vld [tilespmem:s9+$0x80]  }
.LBB2_2:
0xb6: {  	v23 =	vld [tilespmem:s11+$0x10];
	p0 =	sne.s32 s24, $0x27B;
	v17 =	vmul.f32 v17, v8;
	v18 =	vmul.f32 v18, v6  }
0xb7: {  	v16 =	vmul.f32 v16, v7;
	v21 =	vadd.f32 v22, v21;
	v22 =	vld [tilespmem:s9+$0x90];
	s9 =	smov.u32 s21;
	s21 =	smov.u32 s10;
	s10 =	sadd.s32 $0x140, s10  }
0xb8: {  	s6 =	sadd.s32 $0x2, s5;
	v13 =	vmul.f32 v13, v3;
	v3 =	vmovc v8;
	v24 =	vld [tilespmem:s10+$0xFFFFFF90];
	v17 =	vadd.f32 v18, v17;
	v15 =	vmul.f32 v15, v5  }
0xb9: {  	v8 =	vmovc v11;
	v5 =	vmovc v6;
	v6 =	vmov v12;
	[tilespmem:v20+s29+$0x0] =	vst.idx.add.f32.msk $0xffff, v21;
	v18 =	vmul.f32 v19, v4;
	v19 =	vmov s6  }
0xba: {  	s6 =	sadd.s32 $0x4, s23;
	s23 =	smov.u32 s5;
	s5 =	smov.u32 s22;
	v11 =	vld [tilespmem:s21+$0xFFFFFFD0];
	v12 =	vadd.f32 v16, v17;
	v13 =	vadd.f32 v15, v13;
	v14 =	vmul.f32 v14, v2;
	v2 =	vmovc v7  }
0xbb: {  	s22 =	smov.u32 s24;
	v16 =	vmov s6;
	v7 =	vmov v10;
	v15 =	vld [tilespmem:s21+$0xFFFFFFC0]  }
0xbc: {  	v17 =	vld [tilespmem:s21+$0xFFFFFFA0];
	v10 =	vadd.f32 v18, v12;
	v12 =	vadd.f32 v14, v13;
	v13 =	vmul.f32 v22, v1;
	v1 =	vmovc v4  }
0xbd: {  	v4 =	vmov v9;
	v9 =	vmov v23;
	v14 =	vld [tilespmem:s21+$0xFFFFFFB0]  }
0xbe: {  	[tilespmem:v19+s29+$0x0] =	vst.idx.add.f32.msk $0xffff, v10;
	v10 =	vadd.f32 v13, v12  }
0xbf: {  	v12 =	vld [tilespmem:s9+$0x20]  }
0xc0: {  	[tilespmem:v16+s29+$0x0] =	vst.idx.add.f32.msk $0xffff, v10  }
0xc1: {  	v13 =	vld [tilespmem:s9+$0x30]  }
0xc2: {  	v16 =	vmul.f32 v17, v8;
	v10 =	vld [tilespmem:s11+$0x0];
	v14 =	vmul.f32 v14, v6  }
0xc3: {  	v17 =	vld [tilespmem:s9+$0x40]  }
0xc4: {  	s6 =	sadd.s32 $0x1, s5;
	v15 =	vmul.f32 v15, v7;
	v19 =	vld [tilespmem:s10+$0xFFFFFF80];
	v14 =	vadd.f32 v14, v16  }
0xc5: {  	v18 =	vmov s6;
	v16 =	vmul.f32 v11, v4;
	v20 =	vld [tilespmem:s9+$0x50]  }
0xc6: {  	v11 =	vld [tilespmem:s11+$0xFFFFFFE0];
	v14 =	vadd.f32 v15, v14;
	v15 =	vmul.f32 v12, v3;
	v13 =	vmul.f32 v13, v5  }
0xc7: {  	v12 =	vld [tilespmem:s11+$0xFFFFFFF0]  }
0xc8: {  	s6 =	sadd.s32 $0x3, s23;
	v21 =	vld [tilespmem:s10+$0xFFFFFF60];
	v14 =	vadd.f32 v16, v14;
	v13 =	vadd.f32 v13, v15;
	v15 =	vmul.f32 v17, v2  }
0xc9: {  	v23 =	vmov s6;
	v22 =	vld [tilespmem:s10+$0xFFFFFF70]  }
0xca: {  	[tilespmem:v18+s29+$0x0] =	vst.idx.add.f32.msk $0xffff, v14;
	v13 =	vadd.f32 v15, v13;
	v14 =	vmul.f32 v20, v1  }
0xcb: {  	v16 =	vld [tilespmem:s21+$0x0]  }
0xcc: {  	v17 =	vld [tilespmem:s21+$0xFFFFFFE0];
	v13 =	vadd.f32 v14, v13  }
0xcd: {  	v18 =	vld [tilespmem:s21+$0xFFFFFFF0]  }
.Ltmp0:
0xce: {  	v14 =	vmul.f32 v21, v11;
	v15 =	vmul.f32 v22, v12;
	[tilespmem:v23+s29+$0x0] =	vst.idx.add.f32.msk $0xffff, v13;
	(pc) =	sbr.rel @p0 .LBB2_2-.Ltmp0, $4  }
0xcf: {  	v13 =	vld [tilespmem:s9+$0x60]  }
0xd0: {  	v21 =	vmul.f32 v19, v10;
	v14 =	vadd.f32 v15, v14;
	v15 =	vld [tilespmem:s9+$0x70]  }
0xd1: {  	v20 =	vmov s24;
	v19 =	vld [tilespmem:s21+$0x10]  }
0xd2: {  	s11 =	sadd.s32 $0x40, s11;
	s24 =	sadd.s32 $0x5, s24;
	v22 =	vmul.f32 v24, v9;
	v21 =	vadd.f32 v21, v14;
	v14 =	vld [tilespmem:s9+$0x80]  }
0xd3: {  	_ =	sdelay $0x1  }
0xd4: {  	v21 =	vadd.f32 v22, v21;
	_ =	sdelay $0x1  }
0xd5: {  	[tilespmem:v20+s29+$0x0] =	vst.idx.add.f32.msk $0xffff, v21  }
0xd6: {  	v20 =	vld [tilespmem:s10+$0xFFFFFFA0]  }
0xd7: {  	v21 =	vld [tilespmem:s10+$0xFFFFFFB0];
	_ =	sdelay $0x1  }
0xd8: {  	v22 =	vld [tilespmem:s10+$0xFFFFFFC0];
	_ =	sdelay $0x1  }
0xd9: {  	v23 =	vld [tilespmem:s10+$0xFFFFFFD0]  }
0xda: {  	v20 =	vmul.f32 v20, v11;
	v21 =	vmul.f32 v21, v12;
	_ =	sdelay $0x1  }
0xdb: {  	s6 =	sadd.s32 $0x1, s22;
	v20 =	vadd.f32 v21, v20;
	v21 =	vmul.f32 v22, v10  }
0xdc: {  	v22 =	vmov s6  }
0xdd: {  	v23 =	vmul.f32 v23, v9;
	v20 =	vadd.f32 v21, v20;
	_ =	sdelay $0x1  }
0xde: {  	v20 =	vadd.f32 v23, v20;
	_ =	sdelay $0x1  }
0xdf: {  	[tilespmem:v22+s29+$0x0] =	vst.idx.add.f32.msk $0xffff, v20  }
0xe0: {  	v20 =	vld [tilespmem:s10+$0xFFFFFFE0]  }
0xe1: {  	v21 =	vld [tilespmem:s10+$0xFFFFFFF0]  }
0xe2: {  	v17 =	vmul.f32 v17, v8;
	v18 =	vmul.f32 v18, v6  }
0xe3: {  	v22 =	vld [tilespmem:s10+$0x0]  }
0xe4: {  	v16 =	vmul.f32 v16, v7;
	s11 =	sadd.s32 $0x2, s5;
	v17 =	vadd.f32 v18, v17  }
0xe5: {  	v18 =	vmul.f32 v19, v4;
	v19 =	vmov s11;
	v23 =	vld [tilespmem:s10+$0x10]  }
0xe6: {  	v16 =	vadd.f32 v16, v17;
	v17 =	vmul.f32 v20, v11;
	v20 =	vmul.f32 v21, v12;
	_ =	sdelay $0x1  }
0xe7: {  	s24 =	sadd.s32 $0x2, s22;
	v16 =	vadd.f32 v18, v16;
	v18 =	vmul.f32 v22, v10;
	v17 =	vadd.f32 v20, v17  }
0xe8: {  	v20 =	vmov s24  }
0xe9: {  	[tilespmem:v19+s29+$0x0] =	vst.idx.add.f32.msk $0xffff, v16;
	v16 =	vmul.f32 v23, v9;
	v17 =	vadd.f32 v18, v17  }
0xea: {  	v19 =	vld [tilespmem:s21+$0x30]  }
0xeb: {  	v18 =	vld [tilespmem:s21+$0x20];
	v16 =	vadd.f32 v16, v17  }
0xec: {  	v17 =	vld [tilespmem:s21+$0x40]  }
0xed: {  	[tilespmem:v20+s29+$0x0] =	vst.idx.add.f32.msk $0xffff, v16  }
0xee: {  	v16 =	vld [tilespmem:s10+$0x20]  }
0xef: {  	v20 =	vld [tilespmem:s10+$0x30]  }
0xf0: {  	v21 =	vld [tilespmem:s21+$0x50]  }
0xf1: {  	v19 =	vmul.f32 v19, v6;
	v18 =	vmul.f32 v18, v8;
	v22 =	vld [tilespmem:s10+$0x40];
	_ =	sdelay $0x1  }
0xf2: {  	s11 =	sadd.s32 $0x3, s5;
	v18 =	vadd.f32 v19, v18;
	v17 =	vmul.f32 v17, v7;
	v19 =	vld [tilespmem:s10+$0x50]  }
0xf3: {  	v23 =	vmov s11;
	v16 =	vmul.f32 v16, v11;
	v20 =	vmul.f32 v20, v12  }
0xf4: {  	v17 =	vadd.f32 v17, v18;
	v18 =	vmul.f32 v21, v4  }
0xf5: {  	s24 =	sadd.s32 $0x3, s22;
	v16 =	vadd.f32 v20, v16;
	v20 =	vmul.f32 v22, v10  }
0xf6: {  	v17 =	vadd.f32 v18, v17;
	v18 =	vmov s24  }
0xf7: {  	v21 =	vld [tilespmem:s9+$0x90];
	v19 =	vmul.f32 v19, v9;
	v16 =	vadd.f32 v20, v16  }
0xf8: {  	[tilespmem:v23+s29+$0x0] =	vst.idx.add.f32.msk $0xffff, v17  }
0xf9: {  	v17 =	vld [tilespmem:s21+$0x60];
	v16 =	vadd.f32 v19, v16  }
0xfa: {  	v19 =	vld [tilespmem:s21+$0x70]  }
0xfb: {  	[tilespmem:v18+s29+$0x0] =	vst.idx.add.f32.msk $0xffff, v16  }
0xfc: {  	v16 =	vld [tilespmem:s10+$0x60]  }
0xfd: {  	v3 =	vmul.f32 v13, v3;
	v5 =	vmul.f32 v15, v5;
	v18 =	vld [tilespmem:s10+$0x70]  }
0xfe: {  	v13 =	vld [tilespmem:s21+$0x80]  }
0xff: {  	v3 =	vadd.f32 v5, v3;
	v2 =	vmul.f32 v14, v2;
	v15 =	vld [tilespmem:s10+$0x80]  }
0x100: {  	v5 =	vld [tilespmem:s21+$0x90]  }
0x101: {  	v2 =	vadd.f32 v2, v3;
	s11 =	sadd.s32 $0x4, s23;
	v8 =	vmul.f32 v17, v8;
	v17 =	vld [tilespmem:s10+$0x90];
	v6 =	vmul.f32 v19, v6  }
0x102: {  	v14 =	vmov s11;
	v3 =	vmul.f32 v16, v11;
	v11 =	vmul.f32 v18, v12  }
0x103: {  	v1 =	vmul.f32 v21, v1;
	s21 =	sadd.s32 $0x4, s5;
	v7 =	vmul.f32 v13, v7;
	v6 =	vadd.f32 v6, v8  }
0x104: {  	s22 =	sadd.s32 $0x4, s22;
	v8 =	vmov s21;
	v10 =	vmul.f32 v15, v10;
	v3 =	vadd.f32 v11, v3  }
0x105: {  	v4 =	vmul.f32 v5, v4;
	v5 =	vmov s22;
	v6 =	vadd.f32 v7, v6  }
0x106: {  	v1 =	vadd.f32 v1, v2;
	v2 =	vadd.f32 v10, v3;
	v3 =	vmul.f32 v17, v9  }
0x107: {  	v4 =	vadd.f32 v4, v6  }
0x108: {  	[tilespmem:v14+s29+$0x0] =	vst.idx.add.f32.msk $0xffff, v1;
	v1 =	vadd.f32 v3, v2  }
0x109: {  	[tilespmem:v8+s29+$0x0] =	vst.idx.add.f32.msk $0xffff, v4  }
0x10a: {  	[tilespmem:v5+s29+$0x0] =	vst.idx.add.f32.msk $0xffff, v1  }
0x10b: {  	s23 =	simm.s32 $0x0;
	s24 =	rddreg [dreg:$0x8]  }
0x10c: {  	[hbm4b:s24+s23] =	stream.linear.scatter [tilespmem:s29], [sflag:$0x3], $0x280, $0x38;
	[tilespmem:$0x18B00] =	vst v63  }
0x10d: {  	s21 =	simm.s32 $0x4;
	s9 =	rddreg [dreg:$0x9]  }
0x10e: {  	[tilespmem:s23], [sflag:$0x4] =	stream.linear.gather [hbm4b:s9+s23], $0x80, $0x38;
	[tilespmem:$0x18B00] =	vst v63  }
0x10f: {  	_ =	swait.ge [sflag:s21], $0x80  }
0x110: {  	[sflag:s21] =	ssyncset.done $0x0  }
0x111: {  	s10 =	rddreg [dreg:$0xa];
	[sflag:s21] =	ssyncadd.s32 $0xFFFFFF80  }
0x112: {  	[tilespmem:s19], [sflag:$0x4] =	stream.linear.gather [hbm4b:s10+s23], $0x280, $0x38;
	[tilespmem:$0x18B00] =	vst v63  }
0x113: {  	_ =	swait.ge [sflag:s21], $0x280  }
0x114: {  	[sflag:s21] =	ssyncset.done $0x0  }
0x115: {  	s11 =	simm.s32 $0x600;
	[sflag:s21] =	ssyncadd.s32 $0xFFFFFD80  }
0x116: {  	[tilespmem:s11], [sflag:$0x1] =	stream.indirect.gather [hbm4b:s3+s20], $0x40, s23, s20, $0xb8;
	[tilespmem:$0x18B00] =	vst v63  }
0x117: {  	s22 =	simm.s32 $0x4600  }
0x118: {  	[tilespmem:s22], [sflag:$0x1] =	stream.indirect.gather [hbm4b:s4+s20], $0x40, s19, s20, $0xb8;
	[tilespmem:$0x18B00] =	vst v63  }
0x119: {  	s24 =	simm.s32 $0x6600;
	s23 =	simm.s32 $0x180  }
0x11a: {  	[tilespmem:s24], [sflag:$0x1] =	stream.indirect.gather [hbm4b:s4+s20], $0x40, s23, s20, $0xb8;
	[tilespmem:$0x18B00] =	vst v63  }
0x11b: {  	s9 =	simm.s32 $0x200;
	s10 =	simm.s32 $0x8600  }
0x11c: {  	[tilespmem:s10], [sflag:$0x1] =	stream.indirect.gather [hbm4b:s4+s20], $0x40, s9, s20, $0xb8;
	[tilespmem:$0x18B00] =	vst v63  }
0x11d: {  	s11 =	simm.s32 $0x280;
	s22 =	simm.s32 $0xA600  }
0x11e: {  	[tilespmem:s22], [sflag:$0x1] =	stream.indirect.gather [hbm4b:s4+s20], $0x40, s11, s20, $0xb8;
	[tilespmem:$0x18B00] =	vst v63  }
0x11f: {  	s23 =	simm.s32 $0x300;
	s24 =	simm.s32 $0xC600  }
0x120: {  	[tilespmem:s24], [sflag:$0x1] =	stream.indirect.gather [hbm4b:s4+s20], $0x40, s23, s20, $0xb8;
	[tilespmem:$0x18B00] =	vst v63  }
0x121: {  	[tilespmem:$0x18880] =	vst v0  }
0x122: {  	[tilespmem:$0x18890] =	vst v0  }
0x123: {  	[tilespmem:$0x188A0] =	vst v0  }
0x124: {  	[tilespmem:$0x188B0] =	vst v0  }
0x125: {  	[tilespmem:$0x188C0] =	vst v0  }
0x126: {  	[tilespmem:$0x188D0] =	vst v0  }
0x127: {  	[tilespmem:$0x188E0] =	vst v0  }
0x128: {  	[tilespmem:$0x188F0] =	vst v0  }
0x129: {  	[tilespmem:$0x18900] =	vst v0  }
0x12a: {  	[tilespmem:$0x18910] =	vst v0  }
0x12b: {  	[tilespmem:$0x18920] =	vst v0  }
0x12c: {  	[tilespmem:$0x18930] =	vst v0  }
0x12d: {  	[tilespmem:$0x18940] =	vst v0  }
0x12e: {  	[tilespmem:$0x18950] =	vst v0  }
0x12f: {  	[tilespmem:$0x18960] =	vst v0  }
0x130: {  	[tilespmem:$0x18970] =	vst v0  }
0x131: {  	[tilespmem:$0x18980] =	vst v0  }
0x132: {  	[tilespmem:$0x18990] =	vst v0  }
0x133: {  	[tilespmem:$0x189A0] =	vst v0  }
0x134: {  	[tilespmem:$0x189B0] =	vst v0  }
0x135: {  	[tilespmem:$0x189C0] =	vst v0  }
0x136: {  	[tilespmem:$0x189D0] =	vst v0  }
0x137: {  	[tilespmem:$0x189E0] =	vst v0  }
0x138: {  	[tilespmem:$0x189F0] =	vst v0  }
0x139: {  	[tilespmem:$0x18A00] =	vst v0  }
0x13a: {  	[tilespmem:$0x18A10] =	vst v0  }
0x13b: {  	[tilespmem:$0x18A20] =	vst v0  }
0x13c: {  	[tilespmem:$0x18A30] =	vst v0  }
0x13d: {  	[tilespmem:$0x18A40] =	vst v0  }
0x13e: {  	[tilespmem:$0x18A50] =	vst v0  }
0x13f: {  	[tilespmem:$0x18A60] =	vst v0  }
0x140: {  	[tilespmem:$0x18A70] =	vst v0  }
0x141: {  	[tilespmem:$0x18A80] =	vst v0  }
0x142: {  	[tilespmem:$0x18A90] =	vst v0  }
0x143: {  	[tilespmem:$0x18AA0] =	vst v0  }
0x144: {  	[tilespmem:$0x18AB0] =	vst v0  }
0x145: {  	[tilespmem:$0x18AC0] =	vst v0  }
0x146: {  	[tilespmem:$0x18AD0] =	vst v0  }
0x147: {  	[tilespmem:$0x18AE0] =	vst v0  }
0x148: {  	[tilespmem:$0x18AF0] =	vst v0  }
0x149: {  	_ =	swait.ge [sflag:s30], $0x2000  }
0x14a: {  	[sflag:s30] =	ssyncset.done $0x0  }
0x14b: {  	[sflag:s30] =	ssyncadd.s32 $0xFFFFE000  }
0x14c: {  	_ =	swait.ge [sflag:s30], $0x2000  }
0x14d: {  	[sflag:s30] =	ssyncset.done $0x0  }
0x14e: {  	[sflag:s30] =	ssyncadd.s32 $0xFFFFE000  }
0x14f: {  	_ =	swait.ge [sflag:s30], $0x2000  }
0x150: {  	[sflag:s30] =	ssyncset.done $0x0  }
0x151: {  	[sflag:s30] =	ssyncadd.s32 $0xFFFFE000  }
0x152: {  	_ =	swait.ge [sflag:s30], $0x2000  }
0x153: {  	[sflag:s30] =	ssyncset.done $0x0  }
0x154: {  	[sflag:s30] =	ssyncadd.s32 $0xFFFFE000  }
0x155: {  	_ =	swait.ge [sflag:s30], $0x2000  }
0x156: {  	[sflag:s30] =	ssyncset.done $0x0  }
0x157: {  	[sflag:s30] =	ssyncadd.s32 $0xFFFFE000  }
0x158: {  	_ =	swait.ge [sflag:s30], $0x2000  }
0x159: {  	[sflag:s30] =	ssyncset.done $0x0  }
0x15a: {  	s6 =	simm.s32 $0x2630;
	[sflag:s30] =	ssyncadd.s32 $0xFFFFE000  }
0x15b: {  	v3 =	vld [tilespmem:s6+$0xFFFFFFD0]  }
0x15c: {  	s9 =	simm.s32 $0x0;
	v5 =	vld [tilespmem:s6+$0xFFFFFFE0]  }
0x15d: {  	v4 =	vld [tilespmem:s9+$0xE600]  }
0x15e: {  	v6 =	vld [tilespmem:s9+$0xE610]  }
0x15f: {  	v2 =	vld [tilespmem:s6+$0xFFFFFFF0]  }
0x160: {  	v7 =	vld [tilespmem:s9+$0xE620]  }
0x161: {  	v1 =	vld [tilespmem:s6+$0x0]  }
0x162: {  	v8 =	vld [tilespmem:s9+$0xE630]  }
0x163: {  	v4 =	vmul.f32 v4, v3;
	v6 =	vmul.f32 v6, v5;
	_ =	sdelay $0x1  }
0x164: {  	s10 =	simm.s32 $0x0;
	v4 =	vadd.f32 v6, v4;
	v6 =	vmul.f32 v7, v2  }
0x165: {  	v7 =	vmov s10  }
0x166: {  	v4 =	vadd.f32 v6, v4;
	v6 =	vmul.f32 v8, v1;
	_ =	sdelay $0x1  }
0x167: {  	v4 =	vadd.f32 v6, v4;
	_ =	sdelay $0x1  }
0x168: {  	[tilespmem:v7+s31+$0x0] =	vst.idx.add.f32.msk $0xffff, v4  }
0x169: {  	v6 =	vld [tilespmem:s9+$0xE640]  }
0x16a: {  	v7 =	vld [tilespmem:s9+$0xE650];
	_ =	sdelay $0x1  }
0x16b: {  	v8 =	vld [tilespmem:s9+$0xE660];
	_ =	sdelay $0x1  }
0x16c: {  	s5 =	simm.s32 $0x140;
	v9 =	vld [tilespmem:s9+$0xE670]  }
0x16d: {  	v10 =	vld [tilespmem:s5+$0xE630];
	v6 =	vmul.f32 v6, v3;
	v7 =	vmul.f32 v7, v5  }
0x16e: {  	v13 =	vld [tilespmem:s5+$0xE600]  }
0x16f: {  	s11 =	simm.s32 $0x2670;
	s22 =	simm.s32 $0x1;
	v14 =	vld [tilespmem:s5+$0xE610];
	v11 =	vmul.f32 v8, v2;
	v7 =	vadd.f32 v7, v6  }
0x170: {  	v12 =	vmov s22;
	v4 =	vld [tilespmem:s11+$0x0]  }
0x171: {  	v8 =	vld [tilespmem:s11+$0xFFFFFFD0];
	v9 =	vmul.f32 v9, v1;
	v11 =	vadd.f32 v11, v7  }
0x172: {  	v6 =	vld [tilespmem:s11+$0xFFFFFFE0]  }
0x173: {  	v7 =	vld [tilespmem:s11+$0xFFFFFFF0];
	v9 =	vadd.f32 v9, v11  }
0x174: {  	v11 =	vld [tilespmem:s5+$0xE620]  }
0x175: {  	[tilespmem:v12+s31+$0x0] =	vst.idx.add.f32.msk $0xffff, v9  }
0x176: {  	v9 =	vld [tilespmem:s9+$0xE680]  }
0x177: {  	v13 =	vmul.f32 v13, v8;
	v14 =	vmul.f32 v14, v6;
	v12 =	vld [tilespmem:s9+$0xE690];
	_ =	sdelay $0x1  }
0x178: {  	s23 =	simm.s32 $0x5;
	v15 =	vld [tilespmem:s9+$0xE6A0];
	v13 =	vadd.f32 v14, v13;
	v11 =	vmul.f32 v11, v7  }
0x179: {  	v14 =	vmov s23  }
0x17a: {  	v10 =	vmul.f32 v10, v4;
	v16 =	vld [tilespmem:s9+$0xE6B0];
	v11 =	vadd.f32 v11, v13  }
0x17b: {  	s10 =	simm.s32 $0x280;
	v17 =	vmul.f32 v9, v3;
	v12 =	vmul.f32 v12, v5  }
0x17c: {  	v19 =	vld [tilespmem:s10+$0xE620];
	v10 =	vadd.f32 v10, v11  }
0x17d: {  	s24 =	simm.s32 $0x2;
	v22 =	vld [tilespmem:s10+$0xE600];
	v11 =	vmul.f32 v15, v2;
	v12 =	vadd.f32 v12, v17  }
0x17e: {  	[tilespmem:v14+s31+$0x0] =	vst.idx.add.f32.msk $0xffff, v10;
	v10 =	vmov s24  }
0x17f: {  	v14 =	vmul.f32 v16, v1;
	v15 =	vld [tilespmem:s5+$0xE670];
	v11 =	vadd.f32 v11, v12  }
0x180: {  	v12 =	vld [tilespmem:s5+$0xE640]  }
0x181: {  	v11 =	vadd.f32 v14, v11;
	v14 =	vld [tilespmem:s5+$0xE650]  }
0x182: {  	v16 =	vld [tilespmem:s5+$0xE660]  }
0x183: {  	[tilespmem:v10+s31+$0x0] =	vst.idx.add.f32.msk $0xffff, v11  }
0x184: {  	v17 =	vld [tilespmem:s9+$0xE6C0]  }
0x185: {  	v18 =	vld [tilespmem:s9+$0xE6D0]  }
0x186: {  	v23 =	vld [tilespmem:s10+$0xE610];
	v11 =	vmul.f32 v12, v8;
	v12 =	vmul.f32 v14, v6  }
0x187: {  	v14 =	vld [tilespmem:s9+$0xE6E0]  }
0x188: {  	s22 =	simm.s32 $0x6;
	v13 =	vld [tilespmem:s10+$0xE630];
	v16 =	vmul.f32 v16, v7;
	v12 =	vadd.f32 v12, v11  }
0x189: {  	v20 =	vmov s22;
	s11 =	simm.s32 $0x26B0;
	v15 =	vmul.f32 v15, v4;
	v21 =	vld [tilespmem:s9+$0xE6F0]  }
0x18a: {  	v9 =	vld [tilespmem:s11+$0x0];
	v17 =	vmul.f32 v17, v3;
	v18 =	vmul.f32 v18, v5;
	v16 =	vadd.f32 v16, v12  }
0x18b: {  	v10 =	vld [tilespmem:s11+$0xFFFFFFF0]  }
0x18c: {  	s23 =	simm.s32 $0x3;
	v11 =	vld [tilespmem:s11+$0xFFFFFFD0];
	v14 =	vmul.f32 v14, v2;
	v15 =	vadd.f32 v15, v16;
	v16 =	vadd.f32 v18, v17  }
0x18d: {  	v24 =	vmov s23;
	v12 =	vld [tilespmem:s11+$0xFFFFFFE0]  }
0x18e: {  	[tilespmem:v20+s31+$0x0] =	vst.idx.add.f32.msk $0xffff, v15;
	v14 =	vadd.f32 v14, v16;
	v15 =	vmul.f32 v21, v1  }
0x18f: {  	v16 =	vld [tilespmem:s5+$0xE6A0]  }
0x190: {  	v17 =	vld [tilespmem:s5+$0xE680];
	v14 =	vadd.f32 v15, v14  }
0x191: {  	v18 =	vld [tilespmem:s5+$0xE690]  }
0x192: {  	v20 =	vmul.f32 v22, v11;
	v21 =	vmul.f32 v23, v12;
	[tilespmem:v24+s31+$0x0] =	vst.idx.add.f32.msk $0xffff, v14  }
0x193: {  	v14 =	vld [tilespmem:s9+$0xE700]  }
0x194: {  	s24 =	simm.s32 $0xA;
	v22 =	vmul.f32 v19, v10;
	v21 =	vadd.f32 v21, v20;
	v15 =	vld [tilespmem:s9+$0xE710]  }
0x195: {  	s22 =	simm.s32 $0xE;
	s23 =	simm.s32 $0x9;
	v19 =	vld [tilespmem:s5+$0xE6B0];
	v20 =	vmov s24;
	s24 =	simm.s32 $0xF00  }
.LBB2_4:
0x196: {  	p0 =	sne.s32 s24, $0x27B00;
	v21 =	vadd.f32 v22, v21;
	v13 =	vmul.f32 v13, v9;
	s11 =	sadd.s32 $0x40, s11;
	v22 =	vld [tilespmem:s9+$0xE720]  }
0x197: {  	v17 =	vmul.f32 v17, v8;
	v18 =	vmul.f32 v18, v6;
	v23 =	vld [tilespmem:s11+$0x0]  }
0x198: {  	v16 =	vmul.f32 v16, v7;
	v21 =	vadd.f32 v13, v21;
	v24 =	vld [tilespmem:s9+$0xE730];
	s9 =	smov.u32 s5;
	s5 =	smov.u32 s10;
	s10 =	sshra.s32 s24, $0x2  }
0x199: {  	s6 =	sadd.s32 $0xFFFFFFFE, s23;
	v17 =	vadd.f32 v18, v17;
	v14 =	vmul.f32 v14, v3;
	v3 =	vmovc v8;
	v13 =	vld [tilespmem:s10+$0xE630];
	v15 =	vmul.f32 v15, v5  }
0x19a: {  	v8 =	vmovc v11;
	v5 =	vmovc v6;
	v6 =	vmov v12;
	[tilespmem:v20+s31+$0x0] =	vst.idx.add.f32.msk $0xffff, v21;
	v18 =	vmul.f32 v19, v4;
	v19 =	vmov s6  }
0x19b: {  	v12 =	vadd.f32 v16, v17;
	v11 =	vld [tilespmem:s5+$0xE670];
	v14 =	vadd.f32 v15, v14;
	v15 =	vmul.f32 v22, v2;
	v2 =	vmovc v7  }
0x19c: {  	v17 =	vmov s21;
	s21 =	smov.u32 s23;
	s23 =	smov.u32 s22;
	v7 =	vmov v10;
	v16 =	vld [tilespmem:s5+$0xE660]  }
0x19d: {  	v10 =	vadd.f32 v18, v12;
	v20 =	vld [tilespmem:s5+$0xE640];
	v12 =	vadd.f32 v15, v14;
	v14 =	vmul.f32 v24, v1;
	v1 =	vmovc v4  }
0x19e: {  	v4 =	vmov v9;
	v9 =	vmov v23;
	v15 =	vld [tilespmem:s5+$0xE650]  }
0x19f: {  	[tilespmem:v19+s31+$0x0] =	vst.idx.add.f32.msk $0xffff, v10;
	v10 =	vadd.f32 v14, v12  }
0x1a0: {  	v12 =	vld [tilespmem:s9+$0xE6C0]  }
0x1a1: {  	[tilespmem:v17+s31+$0x0] =	vst.idx.add.f32.msk $0xffff, v10  }
0x1a2: {  	v14 =	vld [tilespmem:s9+$0xE6D0]  }
0x1a3: {  	v17 =	vmul.f32 v20, v8;
	v10 =	vld [tilespmem:s11+$0xFFFFFFF0];
	v15 =	vmul.f32 v15, v6  }
0x1a4: {  	v18 =	vld [tilespmem:s9+$0xE6E0]  }
0x1a5: {  	s6 =	sadd.s32 $0xFFFFFFFD, s22;
	v16 =	vmul.f32 v16, v7;
	v19 =	vld [tilespmem:s10+$0xE620];
	v15 =	vadd.f32 v15, v17  }
0x1a6: {  	v20 =	vmov s6;
	v17 =	vmul.f32 v11, v4;
	v21 =	vld [tilespmem:s9+$0xE6F0]  }
0x1a7: {  	v11 =	vld [tilespmem:s11+$0xFFFFFFD0];
	v15 =	vadd.f32 v16, v15;
	v16 =	vmul.f32 v12, v3;
	v14 =	vmul.f32 v14, v5  }
0x1a8: {  	v12 =	vld [tilespmem:s11+$0xFFFFFFE0]  }
0x1a9: {  	s6 =	sadd.s32 $0xFFFFFFFF, s21;
	v22 =	vld [tilespmem:s10+$0xE600];
	v15 =	vadd.f32 v17, v15;
	v14 =	vadd.f32 v14, v16;
	v16 =	vmul.f32 v18, v2  }
0x1aa: {  	v24 =	vmov s6;
	v23 =	vld [tilespmem:s10+$0xE610]  }
0x1ab: {  	[tilespmem:v20+s31+$0x0] =	vst.idx.add.f32.msk $0xffff, v15;
	v14 =	vadd.f32 v16, v14;
	v15 =	vmul.f32 v21, v1  }
0x1ac: {  	v16 =	vld [tilespmem:s5+$0xE6A0]  }
0x1ad: {  	v17 =	vld [tilespmem:s5+$0xE680];
	v14 =	vadd.f32 v15, v14  }
.Ltmp1:
0x1ae: {  	v18 =	vld [tilespmem:s5+$0xE690];
	(pc) =	sbr.rel @p0 .LBB2_4-.Ltmp1, $4  }
0x1af: {  	v15 =	vmul.f32 v22, v11;
	v20 =	vmul.f32 v23, v12;
	[tilespmem:v24+s31+$0x0] =	vst.idx.add.f32.msk $0xffff, v14  }
0x1b0: {  	s22 =	sadd.s32 $0x5, s22;
	v14 =	vld [tilespmem:s9+$0xE700]  }
0x1b1: {  	s6 =	sadd.s32 $0xFFFFFFFC, s22;
	v22 =	vmul.f32 v19, v10;
	v21 =	vadd.f32 v20, v15;
	v15 =	vld [tilespmem:s9+$0xE710]  }
0x1b2: {  	s24 =	sadd.s32 $0x500, s24;
	v20 =	vmov s6;
	v19 =	vld [tilespmem:s5+$0xE6B0]  }
0x1b3: {  	v21 =	vadd.f32 v22, v21;
	v13 =	vmul.f32 v13, v9;
	_ =	sdelay $0x1  }
0x1b4: {  	v13 =	vadd.f32 v13, v21;
	_ =	sdelay $0x1  }
0x1b5: {  	[tilespmem:v20+s31+$0x0] =	vst.idx.add.f32.msk $0xffff, v13  }
0x1b6: {  	v13 =	vld [tilespmem:s10+$0xE640]  }
0x1b7: {  	v20 =	vld [tilespmem:s10+$0xE650];
	_ =	sdelay $0x1  }
0x1b8: {  	v21 =	vld [tilespmem:s10+$0xE660];
	_ =	sdelay $0x1  }
0x1b9: {  	v22 =	vld [tilespmem:s10+$0xE670]  }
0x1ba: {  	v13 =	vmul.f32 v13, v11;
	v20 =	vmul.f32 v20, v12;
	_ =	sdelay $0x1  }
0x1bb: {  	s6 =	sadd.s32 $0xFFFFFFFD, s22;
	v13 =	vadd.f32 v20, v13;
	v20 =	vmul.f32 v21, v10  }
0x1bc: {  	v21 =	vmov s6  }
0x1bd: {  	v22 =	vmul.f32 v22, v9;
	v13 =	vadd.f32 v20, v13;
	_ =	sdelay $0x1  }
0x1be: {  	v13 =	vadd.f32 v22, v13;
	_ =	sdelay $0x1  }
0x1bf: {  	[tilespmem:v21+s31+$0x0] =	vst.idx.add.f32.msk $0xffff, v13  }
0x1c0: {  	v13 =	vld [tilespmem:s10+$0xE680]  }
0x1c1: {  	v20 =	vld [tilespmem:s10+$0xE690]  }
0x1c2: {  	v17 =	vmul.f32 v17, v8;
	v18 =	vmul.f32 v18, v6  }
0x1c3: {  	v21 =	vld [tilespmem:s10+$0xE6A0]  }
0x1c4: {  	v16 =	vmul.f32 v16, v7;
	s11 =	sadd.s32 $0xFFFFFFFE, s23;
	v17 =	vadd.f32 v18, v17  }
0x1c5: {  	v18 =	vmul.f32 v19, v4;
	v19 =	vmov s11;
	v22 =	vld [tilespmem:s10+$0xE6B0]  }
0x1c6: {  	v16 =	vadd.f32 v16, v17;
	v13 =	vmul.f32 v13, v11;
	v17 =	vmul.f32 v20, v12;
	_ =	sdelay $0x1  }
0x1c7: {  	s24 =	sadd.s32 $0xFFFFFFFE, s22;
	v16 =	vadd.f32 v18, v16;
	v18 =	vmul.f32 v21, v10;
	v13 =	vadd.f32 v17, v13  }
0x1c8: {  	v17 =	vmov s24  }
0x1c9: {  	[tilespmem:v19+s31+$0x0] =	vst.idx.add.f32.msk $0xffff, v16;
	v16 =	vmul.f32 v22, v9;
	v13 =	vadd.f32 v18, v13  }
0x1ca: {  	v19 =	vld [tilespmem:s5+$0xE6D0]  }
0x1cb: {  	v18 =	vld [tilespmem:s5+$0xE6C0];
	v13 =	vadd.f32 v16, v13  }
0x1cc: {  	v16 =	vld [tilespmem:s5+$0xE6E0]  }
0x1cd: {  	[tilespmem:v17+s31+$0x0] =	vst.idx.add.f32.msk $0xffff, v13  }
0x1ce: {  	v13 =	vld [tilespmem:s10+$0xE6C0]  }
0x1cf: {  	v17 =	vld [tilespmem:s10+$0xE6D0]  }
0x1d0: {  	v20 =	vld [tilespmem:s5+$0xE6F0]  }
0x1d1: {  	v19 =	vmul.f32 v19, v6;
	v18 =	vmul.f32 v18, v8;
	v21 =	vld [tilespmem:s10+$0xE6E0];
	_ =	sdelay $0x1  }
0x1d2: {  	s11 =	sadd.s32 $0xFFFFFFFF, s23;
	v18 =	vadd.f32 v19, v18;
	v16 =	vmul.f32 v16, v7;
	v19 =	vld [tilespmem:s10+$0xE6F0]  }
0x1d3: {  	v22 =	vmov s11;
	v13 =	vmul.f32 v13, v11;
	v17 =	vmul.f32 v17, v12  }
0x1d4: {  	v16 =	vadd.f32 v16, v18;
	v18 =	vmul.f32 v20, v4  }
0x1d5: {  	s24 =	sadd.s32 $0xFFFFFFFF, s22;
	v13 =	vadd.f32 v17, v13;
	v17 =	vmul.f32 v21, v10  }
0x1d6: {  	v20 =	vld [tilespmem:s9+$0xE720];
	v16 =	vadd.f32 v18, v16;
	v18 =	vmov s24  }
0x1d7: {  	v21 =	vld [tilespmem:s9+$0xE730];
	v13 =	vadd.f32 v17, v13;
	v17 =	vmul.f32 v19, v9  }
0x1d8: {  	[tilespmem:v22+s31+$0x0] =	vst.idx.add.f32.msk $0xffff, v16  }
0x1d9: {  	v16 =	vld [tilespmem:s5+$0xE700];
	v13 =	vadd.f32 v17, v13  }
0x1da: {  	v17 =	vld [tilespmem:s5+$0xE710]  }
0x1db: {  	[tilespmem:v18+s31+$0x0] =	vst.idx.add.f32.msk $0xffff, v13  }
0x1dc: {  	v13 =	vld [tilespmem:s10+$0xE700]  }
0x1dd: {  	v18 =	vld [tilespmem:s10+$0xE710]  }
0x1de: {  	v3 =	vmul.f32 v14, v3;
	v5 =	vmul.f32 v15, v5;
	v14 =	vld [tilespmem:s5+$0xE720]  }
0x1df: {  	v15 =	vld [tilespmem:s10+$0xE720]  }
0x1e0: {  	v3 =	vadd.f32 v5, v3;
	v2 =	vmul.f32 v20, v2;
	v5 =	vld [tilespmem:s5+$0xE730]  }
0x1e1: {  	v19 =	vmov s21;
	v8 =	vmul.f32 v16, v8;
	v16 =	vld [tilespmem:s10+$0xE730];
	v6 =	vmul.f32 v17, v6  }
0x1e2: {  	v2 =	vadd.f32 v2, v3;
	v3 =	vmul.f32 v13, v11;
	v11 =	vmul.f32 v18, v12  }
0x1e3: {  	v1 =	vmul.f32 v21, v1;
	v7 =	vmul.f32 v14, v7;
	v6 =	vadd.f32 v6, v8  }
0x1e4: {  	v8 =	vmov s23;
	v10 =	vmul.f32 v15, v10;
	v3 =	vadd.f32 v11, v3  }
0x1e5: {  	v4 =	vmul.f32 v5, v4;
	v5 =	vmov s22;
	v6 =	vadd.f32 v7, v6  }
0x1e6: {  	v1 =	vadd.f32 v1, v2;
	v2 =	vadd.f32 v10, v3;
	v3 =	vmul.f32 v16, v9  }
0x1e7: {  	v4 =	vadd.f32 v4, v6  }
0x1e8: {  	[tilespmem:v19+s31+$0x0] =	vst.idx.add.f32.msk $0xffff, v1;
	v1 =	vadd.f32 v3, v2  }
0x1e9: {  	[tilespmem:v8+s31+$0x0] =	vst.idx.add.f32.msk $0xffff, v4  }
0x1ea: {  	s21 =	simm.s32 $0x0;
	[tilespmem:v5+s31+$0x0] =	vst.idx.add.f32.msk $0xffff, v1  }
0x1eb: {  	[hbm4b:s12+s21] =	stream.linear.scatter [tilespmem:s31], [sflag:$0x3], $0x280, $0x38;
	[tilespmem:$0x18B00] =	vst v63  }
0x1ec: {  	_ = 	snop  }
0x1ed: {  	[tilespmem:s20], [sflag:$0x4] =	stream.linear.gather [hbm4b:s13+s21], $0x80, $0x38;
	[tilespmem:$0x18B00] =	vst v63  }
0x1ee: {  	_ =	swait.ge [sflag:s18], $0x80  }
0x1ef: {  	[sflag:s18] =	ssyncset.done $0x0  }
0x1f0: {  	[sflag:s18] =	ssyncadd.s32 $0xFFFFFF80  }
0x1f1: {  	[tilespmem:s0], [sflag:$0x4] =	stream.linear.gather [hbm4b:s14+s21], $0x280, $0x38;
	[tilespmem:$0x18B00] =	vst v63  }
0x1f2: {  	_ =	swait.ge [sflag:s18], $0x280  }
0x1f3: {  	[sflag:s18] =	ssyncset.done $0x0  }
0x1f4: {  	s11 =	simm.s32 $0x2600;
	[sflag:s18] =	ssyncadd.s32 $0xFFFFFD80  }
0x1f5: {  	[tilespmem:s11], [sflag:$0x2] =	stream.indirect.gather [hbm4b:s3+s20], $0x40, s20, s20, $0xb8;
	[tilespmem:$0x18B00] =	vst v63  }
0x1f6: {  	s22 =	simm.s32 $0xE600  }
0x1f7: {  	[tilespmem:s22], [sflag:$0x2] =	stream.indirect.gather [hbm4b:s4+s20], $0x40, s0, s20, $0xb8;
	[tilespmem:$0x18B00] =	vst v63  }
0x1f8: {  	s24 =	simm.s32 $0x10600;
	s23 =	simm.s32 $0x400  }
0x1f9: {  	[tilespmem:s24], [sflag:$0x2] =	stream.indirect.gather [hbm4b:s4+s20], $0x40, s23, s20, $0xb8;
	[tilespmem:$0x18B00] =	vst v63  }
0x1fa: {  	s6 =	simm.s32 $0x480;
	s9 =	simm.s32 $0x12600  }
0x1fb: {  	[tilespmem:s9], [sflag:$0x2] =	stream.indirect.gather [hbm4b:s4+s20], $0x40, s6, s20, $0xb8;
	[tilespmem:$0x18B00] =	vst v63  }
0x1fc: {  	s10 =	simm.s32 $0x500  }
0x1fd: {  	[tilespmem:s25], [sflag:$0x2] =	stream.indirect.gather [hbm4b:s4+s20], $0x40, s10, s20, $0xb8;
	[tilespmem:$0x18B00] =	vst v63  }
0x1fe: {  	_ = 	snop  }
0x1ff: {  	[tilespmem:s26], [sflag:$0x2] =	stream.indirect.gather [hbm4b:s4+s20], $0x40, s7, s20, $0xb8;
	[tilespmem:$0x18B00] =	vst v63  }
0x200: {  	_ =	swait.ge [sflag:s8], $0x280  }
0x201: {  	[sflag:s8] =	ssyncset.done $0x0  }
0x202: {  	[sflag:s8] =	ssyncadd.s32 $0xFFFFFD80  }
0x203: {  	[tilespmem:$0x18600] =	vst v0  }
0x204: {  	[tilespmem:$0x18610] =	vst v0  }
0x205: {  	[tilespmem:$0x18620] =	vst v0  }
0x206: {  	[tilespmem:$0x18630] =	vst v0  }
0x207: {  	[tilespmem:$0x18640] =	vst v0  }
0x208: {  	[tilespmem:$0x18650] =	vst v0  }
0x209: {  	[tilespmem:$0x18660] =	vst v0  }
0x20a: {  	[tilespmem:$0x18670] =	vst v0  }
0x20b: {  	[tilespmem:$0x18680] =	vst v0  }
0x20c: {  	[tilespmem:$0x18690] =	vst v0  }
0x20d: {  	[tilespmem:$0x186A0] =	vst v0  }
0x20e: {  	[tilespmem:$0x186B0] =	vst v0  }
0x20f: {  	[tilespmem:$0x186C0] =	vst v0  }
0x210: {  	[tilespmem:$0x186D0] =	vst v0  }
0x211: {  	[tilespmem:$0x186E0] =	vst v0  }
0x212: {  	[tilespmem:$0x186F0] =	vst v0  }
0x213: {  	[tilespmem:$0x18700] =	vst v0  }
0x214: {  	[tilespmem:$0x18710] =	vst v0  }
0x215: {  	[tilespmem:$0x18720] =	vst v0  }
0x216: {  	[tilespmem:$0x18730] =	vst v0  }
0x217: {  	[tilespmem:$0x18740] =	vst v0  }
0x218: {  	[tilespmem:$0x18750] =	vst v0  }
0x219: {  	[tilespmem:$0x18760] =	vst v0  }
0x21a: {  	[tilespmem:$0x18770] =	vst v0  }
0x21b: {  	[tilespmem:$0x18780] =	vst v0  }
0x21c: {  	[tilespmem:$0x18790] =	vst v0  }
0x21d: {  	[tilespmem:$0x187A0] =	vst v0  }
0x21e: {  	[tilespmem:$0x187B0] =	vst v0  }
0x21f: {  	[tilespmem:$0x187C0] =	vst v0  }
0x220: {  	[tilespmem:$0x187D0] =	vst v0  }
0x221: {  	[tilespmem:$0x187E0] =	vst v0  }
0x222: {  	[tilespmem:$0x187F0] =	vst v0  }
0x223: {  	[tilespmem:$0x18800] =	vst v0  }
0x224: {  	[tilespmem:$0x18810] =	vst v0  }
0x225: {  	[tilespmem:$0x18820] =	vst v0  }
0x226: {  	[tilespmem:$0x18830] =	vst v0  }
0x227: {  	[tilespmem:$0x18840] =	vst v0  }
0x228: {  	[tilespmem:$0x18850] =	vst v0  }
0x229: {  	[tilespmem:$0x18860] =	vst v0  }
0x22a: {  	[tilespmem:$0x18870] =	vst v0  }
0x22b: {  	_ =	swait.ge [sflag:s28], $0x2000  }
0x22c: {  	[sflag:s28] =	ssyncset.done $0x0  }
0x22d: {  	[sflag:s28] =	ssyncadd.s32 $0xFFFFE000  }
0x22e: {  	_ =	swait.ge [sflag:s28], $0x2000  }
0x22f: {  	[sflag:s28] =	ssyncset.done $0x0  }
0x230: {  	[sflag:s28] =	ssyncadd.s32 $0xFFFFE000  }
0x231: {  	_ =	swait.ge [sflag:s28], $0x2000  }
0x232: {  	[sflag:s28] =	ssyncset.done $0x0  }
0x233: {  	[sflag:s28] =	ssyncadd.s32 $0xFFFFE000  }
0x234: {  	_ =	swait.ge [sflag:s28], $0x2000  }
0x235: {  	[sflag:s28] =	ssyncset.done $0x0  }
0x236: {  	[sflag:s28] =	ssyncadd.s32 $0xFFFFE000  }
0x237: {  	_ =	swait.ge [sflag:s28], $0x2000  }
0x238: {  	[sflag:s28] =	ssyncset.done $0x0  }
0x239: {  	[sflag:s28] =	ssyncadd.s32 $0xFFFFE000  }
0x23a: {  	_ =	swait.ge [sflag:s28], $0x2000  }
0x23b: {  	[sflag:s28] =	ssyncset.done $0x0  }
0x23c: {  	s11 =	simm.s32 $0x620;
	[sflag:s28] =	ssyncadd.s32 $0xFFFFE000  }
0x23d: {  	v3 =	vld [tilespmem:s11+$0xFFFFFFE0]  }
0x23e: {  	s9 =	simm.s32 $0x46A0;
	v5 =	vld [tilespmem:s11+$0xFFFFFFF0]  }
0x23f: {  	v4 =	vld [tilespmem:s9+$0xFFFFFF60]  }
0x240: {  	v6 =	vld [tilespmem:s9+$0xFFFFFF70]  }
0x241: {  	v2 =	vld [tilespmem:s11+$0x0]  }
0x242: {  	v7 =	vld [tilespmem:s9+$0xFFFFFF80]  }
0x243: {  	v1 =	vld [tilespmem:s11+$0x10]  }
0x244: {  	v8 =	vld [tilespmem:s9+$0xFFFFFF90]  }
0x245: {  	v4 =	vmul.f32 v4, v3;
	v6 =	vmul.f32 v6, v5;
	_ =	sdelay $0x1  }
0x246: {  	v4 =	vadd.f32 v6, v4;
	v6 =	vmul.f32 v7, v2  }
0x247: {  	v7 =	vmov s21  }
0x248: {  	v4 =	vadd.f32 v6, v4;
	v6 =	vmul.f32 v8, v1;
	_ =	sdelay $0x1  }
0x249: {  	v4 =	vadd.f32 v6, v4;
	_ =	sdelay $0x1  }
0x24a: {  	[tilespmem:v7+s29+$0x0] =	vst.idx.add.f32.msk $0xffff, v4  }
0x24b: {  	v6 =	vld [tilespmem:s9+$0xFFFFFFA0]  }
0x24c: {  	v7 =	vld [tilespmem:s9+$0xFFFFFFB0];
	_ =	sdelay $0x1  }
0x24d: {  	v8 =	vld [tilespmem:s9+$0xFFFFFFC0];
	_ =	sdelay $0x1  }
0x24e: {  	s5 =	simm.s32 $0x47E0;
	v9 =	vld [tilespmem:s9+$0xFFFFFFD0]  }
0x24f: {  	v10 =	vld [tilespmem:s5+$0xFFFFFF90];
	v6 =	vmul.f32 v6, v3;
	v7 =	vmul.f32 v7, v5  }
0x250: {  	v13 =	vld [tilespmem:s5+$0xFFFFFF60]  }
0x251: {  	s22 =	simm.s32 $0x660;
	s23 =	simm.s32 $0x1;
	v14 =	vld [tilespmem:s5+$0xFFFFFF70];
	v11 =	vmul.f32 v8, v2;
	v7 =	vadd.f32 v7, v6  }
0x252: {  	v12 =	vmov s23;
	v4 =	vld [tilespmem:s22+$0x10]  }
0x253: {  	v8 =	vld [tilespmem:s22+$0xFFFFFFE0];
	v9 =	vmul.f32 v9, v1;
	v11 =	vadd.f32 v11, v7  }
0x254: {  	v6 =	vld [tilespmem:s22+$0xFFFFFFF0]  }
0x255: {  	v7 =	vld [tilespmem:s22+$0x0];
	v9 =	vadd.f32 v9, v11  }
0x256: {  	v11 =	vld [tilespmem:s5+$0xFFFFFF80]  }
0x257: {  	[tilespmem:v12+s29+$0x0] =	vst.idx.add.f32.msk $0xffff, v9  }
0x258: {  	v9 =	vld [tilespmem:s9+$0xFFFFFFE0]  }
0x259: {  	v13 =	vmul.f32 v13, v8;
	v14 =	vmul.f32 v14, v6;
	v12 =	vld [tilespmem:s9+$0xFFFFFFF0];
	_ =	sdelay $0x1  }
0x25a: {  	s10 =	simm.s32 $0x5;
	v15 =	vld [tilespmem:s9+$0x0];
	v13 =	vadd.f32 v14, v13;
	v11 =	vmul.f32 v11, v7  }
0x25b: {  	v14 =	vmov s10  }
0x25c: {  	v10 =	vmul.f32 v10, v4;
	v16 =	vld [tilespmem:s9+$0x10];
	v11 =	vadd.f32 v11, v13  }
0x25d: {  	s22 =	simm.s32 $0x4920;
	v13 =	vmul.f32 v9, v3;
	v12 =	vmul.f32 v12, v5  }
0x25e: {  	v22 =	vld [tilespmem:s22+$0xFFFFFF90];
	v10 =	vadd.f32 v10, v11  }
0x25f: {  	s11 =	simm.s32 $0x2;
	v19 =	vld [tilespmem:s22+$0xFFFFFF80];
	v11 =	vmul.f32 v15, v2;
	v12 =	vadd.f32 v12, v13  }
0x260: {  	[tilespmem:v14+s29+$0x0] =	vst.idx.add.f32.msk $0xffff, v10;
	v10 =	vmov s11  }
0x261: {  	v13 =	vmul.f32 v16, v1;
	v14 =	vld [tilespmem:s5+$0xFFFFFFD0];
	v11 =	vadd.f32 v11, v12  }
0x262: {  	v12 =	vld [tilespmem:s5+$0xFFFFFFA0]  }
0x263: {  	v11 =	vadd.f32 v13, v11;
	v13 =	vld [tilespmem:s5+$0xFFFFFFB0]  }
0x264: {  	v15 =	vld [tilespmem:s5+$0xFFFFFFC0]  }
0x265: {  	[tilespmem:v10+s29+$0x0] =	vst.idx.add.f32.msk $0xffff, v11  }
0x266: {  	v16 =	vld [tilespmem:s9+$0x20]  }
0x267: {  	v17 =	vld [tilespmem:s9+$0x30]  }
0x268: {  	v21 =	vld [tilespmem:s22+$0xFFFFFF60];
	v11 =	vmul.f32 v12, v8;
	v12 =	vmul.f32 v13, v6  }
0x269: {  	s24 =	simm.s32 $0x6A0;
	v13 =	vld [tilespmem:s9+$0x40]  }
0x26a: {  	s23 =	simm.s32 $0x6;
	v9 =	vld [tilespmem:s24+$0x10];
	v15 =	vmul.f32 v15, v7;
	v12 =	vadd.f32 v12, v11  }
0x26b: {  	v18 =	vmov s23;
	v14 =	vmul.f32 v14, v4;
	v20 =	vld [tilespmem:s9+$0x50]  }
0x26c: {  	v10 =	vld [tilespmem:s24+$0x0];
	v16 =	vmul.f32 v16, v3;
	v17 =	vmul.f32 v17, v5;
	v15 =	vadd.f32 v15, v12  }
0x26d: {  	v11 =	vld [tilespmem:s24+$0xFFFFFFE0]  }
0x26e: {  	v12 =	vld [tilespmem:s24+$0xFFFFFFF0];
	s24 =	simm.s32 $0x3;
	v13 =	vmul.f32 v13, v2;
	v14 =	vadd.f32 v14, v15;
	v15 =	vadd.f32 v17, v16  }
0x26f: {  	v23 =	vld [tilespmem:s22+$0xFFFFFF70];
	v24 =	vmov s24  }
0x270: {  	[tilespmem:v18+s29+$0x0] =	vst.idx.add.f32.msk $0xffff, v14;
	v13 =	vadd.f32 v13, v15;
	v14 =	vmul.f32 v20, v1  }
0x271: {  	v16 =	vld [tilespmem:s5+$0x0]  }
0x272: {  	v17 =	vld [tilespmem:s5+$0xFFFFFFE0];
	v13 =	vadd.f32 v14, v13  }
0x273: {  	v18 =	vld [tilespmem:s5+$0xFFFFFFF0]  }
0x274: {  	v15 =	vmul.f32 v23, v12;
	v14 =	vmul.f32 v21, v11;
	[tilespmem:v24+s29+$0x0] =	vst.idx.add.f32.msk $0xffff, v13  }
0x275: {  	v13 =	vld [tilespmem:s9+$0x60]  }
0x276: {  	s23 =	simm.s32 $0xA;
	v21 =	vmul.f32 v19, v10;
	v14 =	vadd.f32 v15, v14;
	v15 =	vld [tilespmem:s9+$0x70]  }
0x277: {  	v20 =	vmov s23;
	v19 =	vld [tilespmem:s5+$0x10]  }
0x278: {  	s11 =	simm.s32 $0x6E0;
	v22 =	vmul.f32 v22, v9;
	s24 =	simm.s32 $0xF;
	v21 =	vadd.f32 v21, v14;
	v14 =	vld [tilespmem:s9+$0x80]  }
.LBB2_6:
0x279: {  	v23 =	vld [tilespmem:s11+$0x10];
	p0 =	sne.s32 s24, $0x27B;
	v17 =	vmul.f32 v17, v8;
	v18 =	vmul.f32 v18, v6  }
0x27a: {  	v16 =	vmul.f32 v16, v7;
	v21 =	vadd.f32 v22, v21;
	v22 =	vld [tilespmem:s9+$0x90];
	s9 =	smov.u32 s5;
	s5 =	smov.u32 s22;
	s22 =	sadd.s32 $0x140, s22  }
0x27b: {  	s6 =	sadd.s32 $0x2, s10;
	v13 =	vmul.f32 v13, v3;
	v3 =	vmovc v8;
	v24 =	vld [tilespmem:s22+$0xFFFFFF90];
	v17 =	vadd.f32 v18, v17;
	v15 =	vmul.f32 v15, v5  }
0x27c: {  	v8 =	vmovc v11;
	v5 =	vmovc v6;
	v6 =	vmov v12;
	[tilespmem:v20+s29+$0x0] =	vst.idx.add.f32.msk $0xffff, v21;
	v18 =	vmul.f32 v19, v4;
	v19 =	vmov s6  }
0x27d: {  	s6 =	sadd.s32 $0x4, s21;
	s21 =	smov.u32 s10;
	s10 =	smov.u32 s23;
	v11 =	vld [tilespmem:s5+$0xFFFFFFD0];
	v12 =	vadd.f32 v16, v17;
	v13 =	vadd.f32 v15, v13;
	v14 =	vmul.f32 v14, v2;
	v2 =	vmovc v7  }
0x27e: {  	s23 =	smov.u32 s24;
	v16 =	vmov s6;
	v7 =	vmov v10;
	v15 =	vld [tilespmem:s5+$0xFFFFFFC0]  }
0x27f: {  	v17 =	vld [tilespmem:s5+$0xFFFFFFA0];
	v10 =	vadd.f32 v18, v12;
	v12 =	vadd.f32 v14, v13;
	v13 =	vmul.f32 v22, v1;
	v1 =	vmovc v4  }
0x280: {  	v4 =	vmov v9;
	v9 =	vmov v23;
	v14 =	vld [tilespmem:s5+$0xFFFFFFB0]  }
0x281: {  	[tilespmem:v19+s29+$0x0] =	vst.idx.add.f32.msk $0xffff, v10;
	v10 =	vadd.f32 v13, v12  }
0x282: {  	v12 =	vld [tilespmem:s9+$0x20]  }
0x283: {  	[tilespmem:v16+s29+$0x0] =	vst.idx.add.f32.msk $0xffff, v10  }
0x284: {  	v13 =	vld [tilespmem:s9+$0x30]  }
0x285: {  	v16 =	vmul.f32 v17, v8;
	v10 =	vld [tilespmem:s11+$0x0];
	v14 =	vmul.f32 v14, v6  }
0x286: {  	v17 =	vld [tilespmem:s9+$0x40]  }
0x287: {  	s6 =	sadd.s32 $0x1, s10;
	v15 =	vmul.f32 v15, v7;
	v19 =	vld [tilespmem:s22+$0xFFFFFF80];
	v14 =	vadd.f32 v14, v16  }
0x288: {  	v18 =	vmov s6;
	v16 =	vmul.f32 v11, v4;
	v20 =	vld [tilespmem:s9+$0x50]  }
0x289: {  	v11 =	vld [tilespmem:s11+$0xFFFFFFE0];
	v14 =	vadd.f32 v15, v14;
	v15 =	vmul.f32 v12, v3;
	v13 =	vmul.f32 v13, v5  }
0x28a: {  	v12 =	vld [tilespmem:s11+$0xFFFFFFF0]  }
0x28b: {  	s6 =	sadd.s32 $0x3, s21;
	v21 =	vld [tilespmem:s22+$0xFFFFFF60];
	v14 =	vadd.f32 v16, v14;
	v13 =	vadd.f32 v13, v15;
	v15 =	vmul.f32 v17, v2  }
0x28c: {  	v23 =	vmov s6;
	v22 =	vld [tilespmem:s22+$0xFFFFFF70]  }
0x28d: {  	[tilespmem:v18+s29+$0x0] =	vst.idx.add.f32.msk $0xffff, v14;
	v13 =	vadd.f32 v15, v13;
	v14 =	vmul.f32 v20, v1  }
0x28e: {  	v16 =	vld [tilespmem:s5+$0x0]  }
0x28f: {  	v17 =	vld [tilespmem:s5+$0xFFFFFFE0];
	v13 =	vadd.f32 v14, v13  }
0x290: {  	v18 =	vld [tilespmem:s5+$0xFFFFFFF0]  }
.Ltmp2:
0x291: {  	v14 =	vmul.f32 v21, v11;
	v15 =	vmul.f32 v22, v12;
	[tilespmem:v23+s29+$0x0] =	vst.idx.add.f32.msk $0xffff, v13;
	(pc) =	sbr.rel @p0 .LBB2_6-.Ltmp2, $4  }
0x292: {  	v13 =	vld [tilespmem:s9+$0x60]  }
0x293: {  	v21 =	vmul.f32 v19, v10;
	v14 =	vadd.f32 v15, v14;
	v15 =	vld [tilespmem:s9+$0x70]  }
0x294: {  	v20 =	vmov s24;
	v19 =	vld [tilespmem:s5+$0x10]  }
0x295: {  	s11 =	sadd.s32 $0x40, s11;
	s24 =	sadd.s32 $0x5, s24;
	v22 =	vmul.f32 v24, v9;
	v21 =	vadd.f32 v21, v14;
	v14 =	vld [tilespmem:s9+$0x80]  }
0x296: {  	_ =	sdelay $0x1  }
0x297: {  	v21 =	vadd.f32 v22, v21;
	_ =	sdelay $0x1  }
0x298: {  	[tilespmem:v20+s29+$0x0] =	vst.idx.add.f32.msk $0xffff, v21  }
0x299: {  	v20 =	vld [tilespmem:s22+$0xFFFFFFA0]  }
0x29a: {  	v21 =	vld [tilespmem:s22+$0xFFFFFFB0];
	_ =	sdelay $0x1  }
0x29b: {  	v22 =	vld [tilespmem:s22+$0xFFFFFFC0];
	_ =	sdelay $0x1  }
0x29c: {  	v23 =	vld [tilespmem:s22+$0xFFFFFFD0]  }
0x29d: {  	v20 =	vmul.f32 v20, v11;
	v21 =	vmul.f32 v21, v12;
	_ =	sdelay $0x1  }
0x29e: {  	s6 =	sadd.s32 $0x1, s23;
	v20 =	vadd.f32 v21, v20;
	v21 =	vmul.f32 v22, v10  }
0x29f: {  	v22 =	vmov s6  }
0x2a0: {  	v23 =	vmul.f32 v23, v9;
	v20 =	vadd.f32 v21, v20;
	_ =	sdelay $0x1  }
0x2a1: {  	v20 =	vadd.f32 v23, v20;
	_ =	sdelay $0x1  }
0x2a2: {  	[tilespmem:v22+s29+$0x0] =	vst.idx.add.f32.msk $0xffff, v20  }
0x2a3: {  	v20 =	vld [tilespmem:s22+$0xFFFFFFE0]  }
0x2a4: {  	v21 =	vld [tilespmem:s22+$0xFFFFFFF0]  }
0x2a5: {  	v17 =	vmul.f32 v17, v8;
	v18 =	vmul.f32 v18, v6  }
0x2a6: {  	v22 =	vld [tilespmem:s22+$0x0]  }
0x2a7: {  	v16 =	vmul.f32 v16, v7;
	s24 =	sadd.s32 $0x2, s10;
	v17 =	vadd.f32 v18, v17  }
0x2a8: {  	v18 =	vmul.f32 v19, v4;
	v19 =	vmov s24;
	v23 =	vld [tilespmem:s22+$0x10]  }
0x2a9: {  	v16 =	vadd.f32 v16, v17;
	v17 =	vmul.f32 v20, v11;
	v20 =	vmul.f32 v21, v12;
	_ =	sdelay $0x1  }
0x2aa: {  	s11 =	sadd.s32 $0x2, s23;
	v16 =	vadd.f32 v18, v16;
	v18 =	vmul.f32 v22, v10;
	v17 =	vadd.f32 v20, v17  }
0x2ab: {  	v20 =	vmov s11  }
0x2ac: {  	[tilespmem:v19+s29+$0x0] =	vst.idx.add.f32.msk $0xffff, v16;
	v16 =	vmul.f32 v23, v9;
	v17 =	vadd.f32 v18, v17  }
0x2ad: {  	v19 =	vld [tilespmem:s5+$0x30]  }
0x2ae: {  	v18 =	vld [tilespmem:s5+$0x20];
	v16 =	vadd.f32 v16, v17  }
0x2af: {  	v17 =	vld [tilespmem:s5+$0x40]  }
0x2b0: {  	[tilespmem:v20+s29+$0x0] =	vst.idx.add.f32.msk $0xffff, v16  }
0x2b1: {  	v16 =	vld [tilespmem:s22+$0x20]  }
0x2b2: {  	v20 =	vld [tilespmem:s22+$0x30]  }
0x2b3: {  	v21 =	vld [tilespmem:s5+$0x50]  }
0x2b4: {  	v19 =	vmul.f32 v19, v6;
	v18 =	vmul.f32 v18, v8;
	v22 =	vld [tilespmem:s22+$0x40];
	_ =	sdelay $0x1  }
0x2b5: {  	s24 =	sadd.s32 $0x3, s10;
	v18 =	vadd.f32 v19, v18;
	v17 =	vmul.f32 v17, v7;
	v19 =	vld [tilespmem:s22+$0x50]  }
0x2b6: {  	v23 =	vmov s24;
	v16 =	vmul.f32 v16, v11;
	v20 =	vmul.f32 v20, v12  }
0x2b7: {  	v17 =	vadd.f32 v17, v18;
	v18 =	vmul.f32 v21, v4  }
0x2b8: {  	s11 =	sadd.s32 $0x3, s23;
	v16 =	vadd.f32 v20, v16;
	v20 =	vmul.f32 v22, v10  }
0x2b9: {  	v17 =	vadd.f32 v18, v17;
	v18 =	vmov s11  }
0x2ba: {  	v21 =	vld [tilespmem:s9+$0x90];
	v19 =	vmul.f32 v19, v9;
	v16 =	vadd.f32 v20, v16  }
0x2bb: {  	[tilespmem:v23+s29+$0x0] =	vst.idx.add.f32.msk $0xffff, v17  }
0x2bc: {  	v17 =	vld [tilespmem:s5+$0x60];
	v16 =	vadd.f32 v19, v16  }
0x2bd: {  	v19 =	vld [tilespmem:s5+$0x70]  }
0x2be: {  	[tilespmem:v18+s29+$0x0] =	vst.idx.add.f32.msk $0xffff, v16  }
0x2bf: {  	v16 =	vld [tilespmem:s22+$0x60]  }
0x2c0: {  	v3 =	vmul.f32 v13, v3;
	v5 =	vmul.f32 v15, v5;
	v18 =	vld [tilespmem:s22+$0x70]  }
0x2c1: {  	v13 =	vld [tilespmem:s5+$0x80]  }
0x2c2: {  	v3 =	vadd.f32 v5, v3;
	v2 =	vmul.f32 v14, v2;
	v15 =	vld [tilespmem:s22+$0x80]  }
0x2c3: {  	v5 =	vld [tilespmem:s5+$0x90]  }
0x2c4: {  	v2 =	vadd.f32 v2, v3;
	s24 =	sadd.s32 $0x4, s21;
	v8 =	vmul.f32 v17, v8;
	v17 =	vld [tilespmem:s22+$0x90];
	v6 =	vmul.f32 v19, v6  }
0x2c5: {  	v14 =	vmov s24;
	v3 =	vmul.f32 v16, v11;
	v11 =	vmul.f32 v18, v12  }
0x2c6: {  	s6 =	sadd.s32 $0x4, s10;
	v1 =	vmul.f32 v21, v1;
	v7 =	vmul.f32 v13, v7;
	v6 =	vadd.f32 v6, v8  }
0x2c7: {  	s9 =	sadd.s32 $0x4, s23;
	v8 =	vmov s6;
	v10 =	vmul.f32 v15, v10;
	v3 =	vadd.f32 v11, v3  }
0x2c8: {  	v4 =	vmul.f32 v5, v4;
	v5 =	vmov s9;
	v6 =	vadd.f32 v7, v6  }
0x2c9: {  	v1 =	vadd.f32 v1, v2;
	v2 =	vadd.f32 v10, v3;
	v3 =	vmul.f32 v17, v9  }
0x2ca: {  	v4 =	vadd.f32 v4, v6  }
0x2cb: {  	[tilespmem:v14+s29+$0x0] =	vst.idx.add.f32.msk $0xffff, v1;
	v1 =	vadd.f32 v3, v2  }
0x2cc: {  	[tilespmem:v8+s29+$0x0] =	vst.idx.add.f32.msk $0xffff, v4  }
0x2cd: {  	s10 =	simm.s32 $0x0;
	[tilespmem:v5+s29+$0x0] =	vst.idx.add.f32.msk $0xffff, v1  }
0x2ce: {  	[hbm4b:s15+s10] =	stream.linear.scatter [tilespmem:s29], [sflag:$0x3], $0x280, $0x38;
	[tilespmem:$0x18B00] =	vst v63  }
0x2cf: {  	_ =	swait.ge [sflag:s8], $0x280  }
0x2d0: {  	[sflag:s8] =	ssyncset.done $0x0  }
0x2d1: {  	[sflag:s8] =	ssyncadd.s32 $0xFFFFFD80  }
0x2d2: {  	[tilespmem:$0x18880] =	vst v0  }
0x2d3: {  	[tilespmem:$0x18890] =	vst v0  }
0x2d4: {  	[tilespmem:$0x188A0] =	vst v0  }
0x2d5: {  	[tilespmem:$0x188B0] =	vst v0  }
0x2d6: {  	[tilespmem:$0x188C0] =	vst v0  }
0x2d7: {  	[tilespmem:$0x188D0] =	vst v0  }
0x2d8: {  	[tilespmem:$0x188E0] =	vst v0  }
0x2d9: {  	[tilespmem:$0x188F0] =	vst v0  }
0x2da: {  	[tilespmem:$0x18900] =	vst v0  }
0x2db: {  	[tilespmem:$0x18910] =	vst v0  }
0x2dc: {  	[tilespmem:$0x18920] =	vst v0  }
0x2dd: {  	[tilespmem:$0x18930] =	vst v0  }
0x2de: {  	[tilespmem:$0x18940] =	vst v0  }
0x2df: {  	[tilespmem:$0x18950] =	vst v0  }
0x2e0: {  	[tilespmem:$0x18960] =	vst v0  }
0x2e1: {  	[tilespmem:$0x18970] =	vst v0  }
0x2e2: {  	[tilespmem:$0x18980] =	vst v0  }
0x2e3: {  	[tilespmem:$0x18990] =	vst v0  }
0x2e4: {  	[tilespmem:$0x189A0] =	vst v0  }
0x2e5: {  	[tilespmem:$0x189B0] =	vst v0  }
0x2e6: {  	[tilespmem:$0x189C0] =	vst v0  }
0x2e7: {  	[tilespmem:$0x189D0] =	vst v0  }
0x2e8: {  	[tilespmem:$0x189E0] =	vst v0  }
0x2e9: {  	[tilespmem:$0x189F0] =	vst v0  }
0x2ea: {  	[tilespmem:$0x18A00] =	vst v0  }
0x2eb: {  	[tilespmem:$0x18A10] =	vst v0  }
0x2ec: {  	[tilespmem:$0x18A20] =	vst v0  }
0x2ed: {  	[tilespmem:$0x18A30] =	vst v0  }
0x2ee: {  	[tilespmem:$0x18A40] =	vst v0  }
0x2ef: {  	[tilespmem:$0x18A50] =	vst v0  }
0x2f0: {  	[tilespmem:$0x18A60] =	vst v0  }
0x2f1: {  	[tilespmem:$0x18A70] =	vst v0  }
0x2f2: {  	[tilespmem:$0x18A80] =	vst v0  }
0x2f3: {  	[tilespmem:$0x18A90] =	vst v0  }
0x2f4: {  	[tilespmem:$0x18AA0] =	vst v0  }
0x2f5: {  	[tilespmem:$0x18AB0] =	vst v0  }
0x2f6: {  	[tilespmem:$0x18AC0] =	vst v0  }
0x2f7: {  	[tilespmem:$0x18AD0] =	vst v0  }
0x2f8: {  	[tilespmem:$0x18AE0] =	vst v0  }
0x2f9: {  	[tilespmem:$0x18AF0] =	vst v0  }
0x2fa: {  	_ =	swait.ge [sflag:s30], $0x2000  }
0x2fb: {  	[sflag:s30] =	ssyncset.done $0x0  }
0x2fc: {  	[sflag:s30] =	ssyncadd.s32 $0xFFFFE000  }
0x2fd: {  	_ =	swait.ge [sflag:s30], $0x2000  }
0x2fe: {  	[sflag:s30] =	ssyncset.done $0x0  }
0x2ff: {  	[sflag:s30] =	ssyncadd.s32 $0xFFFFE000  }
0x300: {  	_ =	swait.ge [sflag:s30], $0x2000  }
0x301: {  	[sflag:s30] =	ssyncset.done $0x0  }
0x302: {  	[sflag:s30] =	ssyncadd.s32 $0xFFFFE000  }
0x303: {  	_ =	swait.ge [sflag:s30], $0x2000  }
0x304: {  	[sflag:s30] =	ssyncset.done $0x0  }
0x305: {  	[sflag:s30] =	ssyncadd.s32 $0xFFFFE000  }
0x306: {  	_ =	swait.ge [sflag:s30], $0x2000  }
0x307: {  	[sflag:s30] =	ssyncset.done $0x0  }
0x308: {  	[sflag:s30] =	ssyncadd.s32 $0xFFFFE000  }
0x309: {  	_ =	swait.ge [sflag:s30], $0x2000  }
0x30a: {  	[sflag:s30] =	ssyncset.done $0x0  }
0x30b: {  	s11 =	simm.s32 $0x2630;
	[sflag:s30] =	ssyncadd.s32 $0xFFFFE000  }
0x30c: {  	v3 =	vld [tilespmem:s11+$0xFFFFFFD0]  }
0x30d: {  	s21 =	simm.s32 $0x0;
	v5 =	vld [tilespmem:s11+$0xFFFFFFE0]  }
0x30e: {  	v4 =	vld [tilespmem:s21+$0xE600]  }
0x30f: {  	v6 =	vld [tilespmem:s21+$0xE610]  }
0x310: {  	v2 =	vld [tilespmem:s11+$0xFFFFFFF0]  }
0x311: {  	v7 =	vld [tilespmem:s21+$0xE620]  }
0x312: {  	v1 =	vld [tilespmem:s11+$0x0]  }
0x313: {  	v8 =	vld [tilespmem:s21+$0xE630]  }
0x314: {  	v4 =	vmul.f32 v4, v3;
	v6 =	vmul.f32 v6, v5;
	_ =	sdelay $0x1  }
0x315: {  	s22 =	simm.s32 $0x0;
	v4 =	vadd.f32 v6, v4;
	v6 =	vmul.f32 v7, v2  }
0x316: {  	v7 =	vmov s22  }
0x317: {  	v4 =	vadd.f32 v6, v4;
	v6 =	vmul.f32 v8, v1;
	_ =	sdelay $0x1  }
0x318: {  	v4 =	vadd.f32 v6, v4;
	_ =	sdelay $0x1  }
0x319: {  	[tilespmem:v7+s31+$0x0] =	vst.idx.add.f32.msk $0xffff, v4  }
0x31a: {  	v6 =	vld [tilespmem:s21+$0xE640]  }
0x31b: {  	v7 =	vld [tilespmem:s21+$0xE650];
	_ =	sdelay $0x1  }
0x31c: {  	v8 =	vld [tilespmem:s21+$0xE660];
	_ =	sdelay $0x1  }
0x31d: {  	s9 =	simm.s32 $0x140;
	v9 =	vld [tilespmem:s21+$0xE670]  }
0x31e: {  	v10 =	vld [tilespmem:s9+$0xE630];
	v6 =	vmul.f32 v6, v3;
	v7 =	vmul.f32 v7, v5  }
0x31f: {  	v13 =	vld [tilespmem:s9+$0xE600]  }
0x320: {  	s24 =	simm.s32 $0x1;
	s23 =	simm.s32 $0x2670;
	v14 =	vld [tilespmem:s9+$0xE610];
	v11 =	vmul.f32 v8, v2;
	v7 =	vadd.f32 v7, v6  }
0x321: {  	v12 =	vmov s24;
	v4 =	vld [tilespmem:s23+$0x0]  }
0x322: {  	v8 =	vld [tilespmem:s23+$0xFFFFFFD0];
	v9 =	vmul.f32 v9, v1;
	v11 =	vadd.f32 v11, v7  }
0x323: {  	v6 =	vld [tilespmem:s23+$0xFFFFFFE0]  }
0x324: {  	v7 =	vld [tilespmem:s23+$0xFFFFFFF0];
	v9 =	vadd.f32 v9, v11  }
0x325: {  	v11 =	vld [tilespmem:s9+$0xE620]  }
0x326: {  	[tilespmem:v12+s31+$0x0] =	vst.idx.add.f32.msk $0xffff, v9  }
0x327: {  	v9 =	vld [tilespmem:s21+$0xE680]  }
0x328: {  	v13 =	vmul.f32 v13, v8;
	v14 =	vmul.f32 v14, v6;
	v12 =	vld [tilespmem:s21+$0xE690];
	_ =	sdelay $0x1  }
0x329: {  	s6 =	simm.s32 $0x5;
	v15 =	vld [tilespmem:s21+$0xE6A0];
	v13 =	vadd.f32 v14, v13;
	v11 =	vmul.f32 v11, v7  }
0x32a: {  	v14 =	vmov s6  }
0x32b: {  	v10 =	vmul.f32 v10, v4;
	v16 =	vld [tilespmem:s21+$0xE6B0];
	v11 =	vadd.f32 v11, v13  }
0x32c: {  	s5 =	simm.s32 $0x280;
	v17 =	vmul.f32 v9, v3;
	v12 =	vmul.f32 v12, v5  }
0x32d: {  	v19 =	vld [tilespmem:s5+$0xE620];
	v10 =	vadd.f32 v10, v11  }
0x32e: {  	s10 =	simm.s32 $0x2;
	v22 =	vld [tilespmem:s5+$0xE600];
	v11 =	vmul.f32 v15, v2;
	v12 =	vadd.f32 v12, v17  }
0x32f: {  	[tilespmem:v14+s31+$0x0] =	vst.idx.add.f32.msk $0xffff, v10;
	v10 =	vmov s10  }
0x330: {  	v14 =	vmul.f32 v16, v1;
	v15 =	vld [tilespmem:s9+$0xE670];
	v11 =	vadd.f32 v11, v12  }
0x331: {  	v12 =	vld [tilespmem:s9+$0xE640]  }
0x332: {  	v11 =	vadd.f32 v14, v11;
	v14 =	vld [tilespmem:s9+$0xE650]  }
0x333: {  	v16 =	vld [tilespmem:s9+$0xE660]  }
0x334: {  	[tilespmem:v10+s31+$0x0] =	vst.idx.add.f32.msk $0xffff, v11  }
0x335: {  	v17 =	vld [tilespmem:s21+$0xE6C0]  }
0x336: {  	v18 =	vld [tilespmem:s21+$0xE6D0]  }
0x337: {  	v23 =	vld [tilespmem:s5+$0xE610];
	v11 =	vmul.f32 v12, v8;
	v12 =	vmul.f32 v14, v6  }
0x338: {  	v14 =	vld [tilespmem:s21+$0xE6E0]  }
0x339: {  	s22 =	simm.s32 $0x6;
	v13 =	vld [tilespmem:s5+$0xE630];
	v16 =	vmul.f32 v16, v7;
	v12 =	vadd.f32 v12, v11  }
0x33a: {  	s11 =	simm.s32 $0x26B0;
	v20 =	vmov s22;
	v15 =	vmul.f32 v15, v4;
	v21 =	vld [tilespmem:s21+$0xE6F0]  }
0x33b: {  	v9 =	vld [tilespmem:s11+$0x0];
	v17 =	vmul.f32 v17, v3;
	v18 =	vmul.f32 v18, v5;
	v16 =	vadd.f32 v16, v12  }
0x33c: {  	v10 =	vld [tilespmem:s11+$0xFFFFFFF0]  }
0x33d: {  	s23 =	simm.s32 $0x3;
	v11 =	vld [tilespmem:s11+$0xFFFFFFD0];
	v14 =	vmul.f32 v14, v2;
	v15 =	vadd.f32 v15, v16;
	v16 =	vadd.f32 v18, v17  }
0x33e: {  	v24 =	vmov s23;
	v12 =	vld [tilespmem:s11+$0xFFFFFFE0]  }
0x33f: {  	[tilespmem:v20+s31+$0x0] =	vst.idx.add.f32.msk $0xffff, v15;
	v14 =	vadd.f32 v14, v16;
	v15 =	vmul.f32 v21, v1  }
0x340: {  	v16 =	vld [tilespmem:s9+$0xE6A0]  }
0x341: {  	v17 =	vld [tilespmem:s9+$0xE680];
	v14 =	vadd.f32 v15, v14  }
0x342: {  	v18 =	vld [tilespmem:s9+$0xE690]  }
0x343: {  	v20 =	vmul.f32 v22, v11;
	v21 =	vmul.f32 v23, v12;
	[tilespmem:v24+s31+$0x0] =	vst.idx.add.f32.msk $0xffff, v14  }
0x344: {  	v14 =	vld [tilespmem:s21+$0xE700]  }
0x345: {  	s24 =	simm.s32 $0xA;
	s22 =	simm.s32 $0x9;
	v22 =	vmul.f32 v19, v10;
	v21 =	vadd.f32 v21, v20;
	v15 =	vld [tilespmem:s21+$0xE710]  }
0x346: {  	s23 =	simm.s32 $0x4;
	s10 =	simm.s32 $0xE;
	v19 =	vld [tilespmem:s9+$0xE6B0];
	v20 =	vmov s24;
	s24 =	simm.s32 $0xF00  }
.LBB2_8:
0x347: {  	p0 =	sne.s32 s24, $0x27B00;
	v21 =	vadd.f32 v22, v21;
	v13 =	vmul.f32 v13, v9;
	s11 =	sadd.s32 $0x40, s11;
	v22 =	vld [tilespmem:s21+$0xE720]  }
0x348: {  	v17 =	vmul.f32 v17, v8;
	v18 =	vmul.f32 v18, v6;
	v23 =	vld [tilespmem:s11+$0x0]  }
0x349: {  	v16 =	vmul.f32 v16, v7;
	v21 =	vadd.f32 v13, v21;
	v24 =	vld [tilespmem:s21+$0xE730];
	s21 =	smov.u32 s9;
	s9 =	smov.u32 s5;
	s5 =	sshra.s32 s24, $0x2  }
0x34a: {  	s6 =	sadd.s32 $0xFFFFFFFE, s22;
	v17 =	vadd.f32 v18, v17;
	v14 =	vmul.f32 v14, v3;
	v3 =	vmovc v8;
	v13 =	vld [tilespmem:s5+$0xE630];
	v15 =	vmul.f32 v15, v5  }
0x34b: {  	v8 =	vmovc v11;
	v5 =	vmovc v6;
	v6 =	vmov v12;
	[tilespmem:v20+s31+$0x0] =	vst.idx.add.f32.msk $0xffff, v21;
	v18 =	vmul.f32 v19, v4;
	v19 =	vmov s6  }
0x34c: {  	v12 =	vadd.f32 v16, v17;
	v11 =	vld [tilespmem:s9+$0xE670];
	v14 =	vadd.f32 v15, v14;
	v15 =	vmul.f32 v22, v2;
	v2 =	vmovc v7  }
0x34d: {  	v17 =	vmov s23;
	s23 =	smov.u32 s22;
	s22 =	smov.u32 s10;
	v7 =	vmov v10;
	v16 =	vld [tilespmem:s9+$0xE660]  }
0x34e: {  	v10 =	vadd.f32 v18, v12;
	v20 =	vld [tilespmem:s9+$0xE640];
	v12 =	vadd.f32 v15, v14;
	v14 =	vmul.f32 v24, v1;
	v1 =	vmovc v4  }
0x34f: {  	v4 =	vmov v9;
	v9 =	vmov v23;
	v15 =	vld [tilespmem:s9+$0xE650]  }
0x350: {  	[tilespmem:v19+s31+$0x0] =	vst.idx.add.f32.msk $0xffff, v10;
	v10 =	vadd.f32 v14, v12  }
0x351: {  	v12 =	vld [tilespmem:s21+$0xE6C0]  }
0x352: {  	[tilespmem:v17+s31+$0x0] =	vst.idx.add.f32.msk $0xffff, v10  }
0x353: {  	v14 =	vld [tilespmem:s21+$0xE6D0]  }
0x354: {  	v17 =	vmul.f32 v20, v8;
	v10 =	vld [tilespmem:s11+$0xFFFFFFF0];
	v15 =	vmul.f32 v15, v6  }
0x355: {  	v18 =	vld [tilespmem:s21+$0xE6E0]  }
0x356: {  	s6 =	sadd.s32 $0xFFFFFFFD, s10;
	v16 =	vmul.f32 v16, v7;
	v19 =	vld [tilespmem:s5+$0xE620];
	v15 =	vadd.f32 v15, v17  }
0x357: {  	v20 =	vmov s6;
	v17 =	vmul.f32 v11, v4;
	v21 =	vld [tilespmem:s21+$0xE6F0]  }
0x358: {  	v11 =	vld [tilespmem:s11+$0xFFFFFFD0];
	v15 =	vadd.f32 v16, v15;
	v16 =	vmul.f32 v12, v3;
	v14 =	vmul.f32 v14, v5  }
0x359: {  	v12 =	vld [tilespmem:s11+$0xFFFFFFE0]  }
0x35a: {  	s6 =	sadd.s32 $0xFFFFFFFF, s23;
	v22 =	vld [tilespmem:s5+$0xE600];
	v15 =	vadd.f32 v17, v15;
	v14 =	vadd.f32 v14, v16;
	v16 =	vmul.f32 v18, v2  }
0x35b: {  	v24 =	vmov s6;
	v23 =	vld [tilespmem:s5+$0xE610]  }
0x35c: {  	[tilespmem:v20+s31+$0x0] =	vst.idx.add.f32.msk $0xffff, v15;
	v14 =	vadd.f32 v16, v14;
	v15 =	vmul.f32 v21, v1  }
0x35d: {  	v16 =	vld [tilespmem:s9+$0xE6A0]  }
0x35e: {  	v17 =	vld [tilespmem:s9+$0xE680];
	v14 =	vadd.f32 v15, v14  }
.Ltmp3:
0x35f: {  	v18 =	vld [tilespmem:s9+$0xE690];
	(pc) =	sbr.rel @p0 .LBB2_8-.Ltmp3, $4  }
0x360: {  	v15 =	vmul.f32 v22, v11;
	v20 =	vmul.f32 v23, v12;
	[tilespmem:v24+s31+$0x0] =	vst.idx.add.f32.msk $0xffff, v14  }
0x361: {  	s10 =	sadd.s32 $0x5, s10;
	v14 =	vld [tilespmem:s21+$0xE700]  }
0x362: {  	s6 =	sadd.s32 $0xFFFFFFFC, s10;
	v22 =	vmul.f32 v19, v10;
	v21 =	vadd.f32 v20, v15;
	v15 =	vld [tilespmem:s21+$0xE710]  }
0x363: {  	s24 =	sadd.s32 $0x500, s24;
	v20 =	vmov s6;
	v19 =	vld [tilespmem:s9+$0xE6B0]  }
0x364: {  	v21 =	vadd.f32 v22, v21;
	v13 =	vmul.f32 v13, v9;
	_ =	sdelay $0x1  }
0x365: {  	v13 =	vadd.f32 v13, v21;
	_ =	sdelay $0x1  }
0x366: {  	[tilespmem:v20+s31+$0x0] =	vst.idx.add.f32.msk $0xffff, v13  }
0x367: {  	v13 =	vld [tilespmem:s5+$0xE640]  }
0x368: {  	v20 =	vld [tilespmem:s5+$0xE650];
	_ =	sdelay $0x1  }
0x369: {  	v25 =	vld [tilespmem:s5+$0xE660];
	_ =	sdelay $0x1  }
0x36a: {  	v26 =	vld [tilespmem:s5+$0xE670]  }
0x36b: {  	v13 =	vmul.f32 v13, v11;
	v20 =	vmul.f32 v20, v12;
	_ =	sdelay $0x1  }
0x36c: {  	s6 =	sadd.s32 $0xFFFFFFFD, s10;
	v27 =	vmul.f32 v25, v10;
	v13 =	vadd.f32 v20, v13  }
0x36d: {  	v28 =	vmov s6  }
0x36e: {  	v22 =	vmul.f32 v26, v9;
	v13 =	vadd.f32 v27, v13;
	_ =	sdelay $0x1  }
0x36f: {  	v13 =	vadd.f32 v22, v13;
	_ =	sdelay $0x1  }
0x370: {  	[tilespmem:v28+s31+$0x0] =	vst.idx.add.f32.msk $0xffff, v13  }
0x371: {  	v13 =	vld [tilespmem:s5+$0xE680]  }
0x372: {  	v29 =	vld [tilespmem:s5+$0xE690]  }
0x373: {  	v17 =	vmul.f32 v17, v8;
	v18 =	vmul.f32 v18, v6  }
0x374: {  	v21 =	vld [tilespmem:s5+$0xE6A0]  }
0x375: {  	v16 =	vmul.f32 v16, v7;
	s11 =	sadd.s32 $0xFFFFFFFE, s22;
	v17 =	vadd.f32 v18, v17  }
0x376: {  	v31 =	vmov s11;
	v30 =	vmul.f32 v19, v4;
	v32 =	vld [tilespmem:s5+$0xE6B0]  }
0x377: {  	v16 =	vadd.f32 v16, v17;
	v13 =	vmul.f32 v13, v11;
	v33 =	vmul.f32 v29, v12;
	_ =	sdelay $0x1  }
0x378: {  	s24 =	sadd.s32 $0xFFFFFFFE, s10;
	v16 =	vadd.f32 v30, v16;
	v34 =	vmul.f32 v21, v10;
	v13 =	vadd.f32 v33, v13  }
0x379: {  	v35 =	vmov s24  }
0x37a: {  	[tilespmem:v31+s31+$0x0] =	vst.idx.add.f32.msk $0xffff, v16;
	v36 =	vmul.f32 v32, v9;
	v13 =	vadd.f32 v34, v13  }
0x37b: {  	v37 =	vld [tilespmem:s9+$0xE6C0]  }
0x37c: {  	v19 =	vld [tilespmem:s9+$0xE6D0];
	v13 =	vadd.f32 v36, v13  }
0x37d: {  	v38 =	vld [tilespmem:s9+$0xE6E0]  }
0x37e: {  	[tilespmem:v35+s31+$0x0] =	vst.idx.add.f32.msk $0xffff, v13  }
0x37f: {  	v13 =	vld [tilespmem:s5+$0xE6C0]  }
0x380: {  	v17 =	vld [tilespmem:s5+$0xE6D0]  }
0x381: {  	v39 =	vld [tilespmem:s9+$0xE6F0]  }
0x382: {  	v18 =	vmul.f32 v37, v8;
	v19 =	vmul.f32 v19, v6;
	v40 =	vld [tilespmem:s5+$0xE6E0];
	_ =	sdelay $0x1  }
0x383: {  	s11 =	sadd.s32 $0xFFFFFFFF, s22;
	v16 =	vmul.f32 v38, v7;
	v18 =	vadd.f32 v19, v18;
	v41 =	vld [tilespmem:s5+$0xE6F0]  }
0x384: {  	v42 =	vmov s11;
	v13 =	vmul.f32 v13, v11;
	v17 =	vmul.f32 v17, v12  }
0x385: {  	v43 =	vmul.f32 v39, v4;
	v16 =	vadd.f32 v16, v18  }
0x386: {  	s24 =	sadd.s32 $0xFFFFFFFF, s10;
	v44 =	vmul.f32 v40, v10;
	v13 =	vadd.f32 v17, v13  }
0x387: {  	v46 =	vld [tilespmem:s21+$0xE720];
	v45 =	vmov s24;
	v16 =	vadd.f32 v43, v16  }
0x388: {  	v47 =	vld [tilespmem:s21+$0xE730];
	v48 =	vmul.f32 v41, v9;
	v13 =	vadd.f32 v44, v13  }
0x389: {  	[tilespmem:v42+s31+$0x0] =	vst.idx.add.f32.msk $0xffff, v16  }
0x38a: {  	v16 =	vld [tilespmem:s9+$0xE700];
	v13 =	vadd.f32 v48, v13  }
0x38b: {  	v49 =	vld [tilespmem:s9+$0xE710]  }
0x38c: {  	[tilespmem:v45+s31+$0x0] =	vst.idx.add.f32.msk $0xffff, v13  }
0x38d: {  	v13 =	vld [tilespmem:s5+$0xE700]  }
0x38e: {  	v50 =	vld [tilespmem:s5+$0xE710]  }
0x38f: {  	v3 =	vmul.f32 v14, v3;
	v5 =	vmul.f32 v15, v5;
	v51 =	vld [tilespmem:s9+$0xE720]  }
0x390: {  	v52 =	vld [tilespmem:s5+$0xE720]  }
0x391: {  	v3 =	vadd.f32 v5, v3;
	v2 =	vmul.f32 v46, v2;
	v53 =	vld [tilespmem:s9+$0xE730]  }
0x392: {  	v54 =	vmov s23;
	v55 =	vmul.f32 v16, v8;
	v56 =	vmul.f32 v49, v6;
	v57 =	vld [tilespmem:s5+$0xE730]  }
0x393: {  	v2 =	vadd.f32 v2, v3;
	v3 =	vmul.f32 v13, v11;
	v58 =	vmul.f32 v50, v12  }
0x394: {  	v60 =	vmov s22;
	v59 =	vmul.f32 v51, v7;
	v6 =	vadd.f32 v56, v55  }
0x395: {  	v1 =	vmul.f32 v47, v1;
	v61 =	vmul.f32 v52, v10;
	v3 =	vadd.f32 v58, v3  }
0x396: {  	v63 =	vmov s10;
	v62 =	vmul.f32 v53, v4;
	v6 =	vadd.f32 v59, v6  }
0x397: {  	v1 =	vadd.f32 v1, v2;
	v2 =	vadd.f32 v61, v3;
	v3 =	vmul.f32 v57, v9  }
0x398: {  	v4 =	vadd.f32 v62, v6  }
0x399: {  	[tilespmem:v54+s31+$0x0] =	vst.idx.add.f32.msk $0xffff, v1;
	v1 =	vadd.f32 v3, v2  }
0x39a: {  	[tilespmem:v60+s31+$0x0] =	vst.idx.add.f32.msk $0xffff, v4  }
0x39b: {  	s1 =	sadd.s32 $0x1, s1;
	[tilespmem:v63+s31+$0x0] =	vst.idx.add.f32.msk $0xffff, v1  }
0x39c: {  	[hbm4b:s16+s2] =	stream.linear.scatter [tilespmem:s31], [sflag:$0x3], $0x280, $0x38;
	[tilespmem:$0x18B00] =	vst v63  }
0x39d: {  	p0 =	sne.s32 s1, s17;
	_ =	swait.ge [sflag:s8], $0x280  }
.Ltmp4:
0x39e: {  	[sflag:s8] =	ssyncset.done $0x0;
	(pc) =	sbr.rel @p0 .LBB2_1-.Ltmp4, $4  }
0x39f: {  	[sflag:s8] =	ssyncadd.s32 $0xFFFFFD80  }
0x3a0: {  	_ =	swait.ge [sflag:s8], $0x280  }
0x3a1: {  	[sflag:s8] =	ssyncset.done $0x0  }
0x3a2: {  	[sflag:s8] =	ssyncadd.s32 $0xFFFFFD80  }
0x3a3: {  	_ =	sfence.sel $0x180000  }
0x3a4: {  	[bflag:$0x0] =	sbarrier.arrive $0xFFFF  }
0x3a5: {  	_ =	strace $0x90000047  }
0x3a6: {  	s0 =	stileid.u32;
	[bflag:$0x2] =	sbarrier.arrive $0xFFFF  }
0x3a7: {  	p0 =	sne.s32 s0, $0x0;
	s0 =	rddreg [dreg:$0x3]  }
0x3a8: {  	s0 =	sadd.s32 @!p0 $0x100000, s0  }
0x3a9: {  	[sflag:s0] =	ssyncadd.tile.s32 @!p0 $0x1;
	_ =	shalt  }
.Lfunc_end2:
_tile_overlayer_lowered:
.L_overlay_start_2:
0x3aa: {  	(tag) =	ssettag $0x2  }
0x3ab: {  	s0 =	rddreg [dreg:$0x0];
	s2 =	stileid.u32  }
0x3ac: {  	s1 =	rddreg [dreg:$0x1];
	p0 =	sne.s32 s2, $0x0  }
0x3ad: {  	s3 =	rddreg [dreg:$0x2];
	[bflag:$0x3] =	sbarrier.arrive $0xFFFF;
	s2 =	simm.s32 @!p0 $0x1C04  }
0x3ae: {  	[timem:s3], [sflag:s2] =	dma.local @!p0 [hbm:s0], s1  }
0x3af: {  	s0 =	simm.s32 @!p0 $0x4  }
0x3b0: {  	_ =	swait.ge @!p0 [sflag:s0], s1  }
0x3b1: {  	s1 =	ssub.s32 @!p0 $0x0, s1;
	[sflag:s0] =	ssyncset.done @!p0 $0x0  }
0x3b2: {  	[sflag:s0] =	ssyncadd.s32 @!p0 s1  }
0x3b3: {  	[bflag:$0x3] =	sbarrier.arrive $0xFFFF  }
0x3b4: {  	_ =	shalt  }

</sc_bundles>
